<compile_context>
chip_gen: v7x
topology: tpu7x:2x2x1
jax: 0.10.2.dev20260603
libtpu: 0.0.44.dev20260713+nightly
codegen_flags: <defaults>
</compile_context>

<pallas_src>
import jax
import jax.numpy as jnp
from jax import lax
from jax.experimental import pallas as pl
from jax.experimental.pallas import tpu as pltpu
from jax.experimental.pallas import tpu_sc as plsc

N = 10000
E = 320000
F_IN = 128
HID = 16
C = 40

NC = 2
NS = 16
W = NC * NS
EPW = E // W
CH = 128
NCHF = 78
TAIL = EPW - NCHF * CH
NB = 13
NP = 10240
RP = N // NS
DP = NP // NS
GB = 5
RB = N // GB


def _mesh():
    return plsc.VectorSubcoreMesh(core_axis_name="c", subcore_axis_name="s")


_SC_PARAMS = pltpu.CompilerParams(
    use_tc_tiling_on_sc=False, needs_layout_passes=False)


def _rsqrt_sc(d):
    bi = plsc.bitcast(d, jnp.int32)
    yi = jnp.int32(0x5F3759DF) - lax.shift_right_logical(bi, 1)
    y = plsc.bitcast(yi, jnp.float32)
    y = y * (1.5 - 0.5 * d * y * y)
    y = y * (1.5 - 0.5 * d * y * y)
    return y


def _agg_loop(sp_table, src_flat, dst_flat, rows, acc, gsem, ssem):
    def aggloop(g, cy):
        gd = [
            pltpu.async_copy(
                sp_table.at[src_flat.at[pl.ds((g * NB + b) * CH, CH)]],
                rows.at[b], gsem)
            for b in range(NB)
        ]
        sd = []
        for b in range(NB):
            gd[b].wait()
            sd.append(
                pltpu.async_copy(
                    rows.at[b],
                    acc.at[dst_flat.at[pl.ds((g * NB + b) * CH, CH)]],
                    ssem, add=True)
            )
        for d in sd:
            d.wait()
        return cy

    lax.fori_loop(0, NCHF // NB, aggloop, 0)
    pltpu.async_copy(
        sp_table.at[src_flat.at[pl.ds(NCHF * CH, TAIL)]],
        rows.at[0, pl.ds(0, TAIL)], gsem).wait()
    pltpu.async_copy(
        rows.at[0, pl.ds(0, TAIL)],
        acc.at[dst_flat.at[pl.ds(NCHF * CH, TAIL)]], ssem, add=True).wait()


def _deg_body(ei, ones_h, zerosd, out, dst_flat, ones_v, dacc, ssem):
    c = lax.axis_index("c")
    s = lax.axis_index("s")
    w = c * NS + s
    d0 = s * DP

    pltpu.sync_copy(ei.at[1, pl.ds(w * EPW, EPW)], dst_flat)
    pltpu.sync_copy(ones_h, ones_v)
    pltpu.sync_copy(zerosd, dacc.at[pl.ds(d0, DP)])
    plsc.subcore_barrier()

    def degloop(g, cy):
        sd = [
            pltpu.async_copy(
                ones_v,
                dacc.at[dst_flat.at[pl.ds((g * NB + b) * CH, CH)]],
                ssem, add=True)
            for b in range(NB)
        ]
        for d in sd:
            d.wait()
        return cy

    lax.fori_loop(0, NCHF // NB, degloop, 0)
    pltpu.async_copy(
        ones_v.at[pl.ds(0, TAIL)],
        dacc.at[dst_flat.at[pl.ds(NCHF * CH, TAIL)]], ssem, add=True).wait()
    plsc.subcore_barrier()
    pltpu.sync_copy(dacc.at[pl.ds(d0, DP)], out.at[c, pl.ds(d0, DP)])


def _sc_degree(ei, ones_h, zerosd):
    k = pl.kernel(
        _deg_body,
        out_type=jax.ShapeDtypeStruct((NC, NP), jnp.float32),
        mesh=_mesh(),
        compiler_params=_SC_PARAMS,
        scratch_types=[
            pltpu.VMEM((EPW,), jnp.int32),
            pltpu.VMEM((CH,), jnp.float32),
            pltpu.VMEM_SHARED((NP,), jnp.float32),
            pltpu.SemaphoreType.DMA,
        ],
    )
    return k(ei, ones_h, zerosd)


def _mega1_body(mm, ei, degp, zeros16,
                a1, t1o, dinv16o,
                src_idx, dst_idx, rows, dp0, dp1, dv16, mv,
                t1_sp, acc, dinv_sp, gsem, ssem):
    c = lax.axis_index("c")
    s = lax.axis_index("s")
    w = c * NS + s
    r0 = s * RP
    d0 = s * DP

    pltpu.sync_copy(ei.at[0, pl.ds(w * EPW, EPW)], src_idx)
    pltpu.sync_copy(ei.at[1, pl.ds(w * EPW, EPW)], dst_idx)
    pltpu.sync_copy(zeros16, acc.at[pl.ds(d0, DP)])
    pltpu.sync_copy(degp.at[0, pl.ds(d0, DP)], dp0)
    pltpu.sync_copy(degp.at[1, pl.ds(d0, DP)], dp1)
    pltpu.sync_copy(mm.at[pl.ds(r0, RP)], mv)

    def dloop(g, cy):
        base = g * 16
        y = _rsqrt_sc(dp0[pl.ds(base, 16)] + dp1[pl.ds(base, 16)] + 1.0)
        for i in range(16):
            dv16[base + i] = jnp.full((16,), 1.0, jnp.float32) * y[i]
        return cy

    lax.fori_loop(0, DP // 16, dloop, 0)
    pltpu.sync_copy(dv16, dinv_sp.at[pl.ds(d0, DP)])
    plsc.subcore_barrier()

    pltpu.sync_copy(dinv_sp.at[pl.ds(r0, RP)], dv16.at[pl.ds(0, RP)])

    def sloop(g, cy):
        for k in range(5):
            r = g * 5 + k
            mv[r] = mv[r] * dv16[r]
        return cy

    lax.fori_loop(0, RP // 5, sloop, 0)
    pltpu.sync_copy(mv, t1_sp.at[pl.ds(r0, RP)])

    @pl.when(c == 0)
    def _():
        pltpu.sync_copy(mv, t1o.at[pl.ds(r0, RP)])
        pltpu.sync_copy(dv16.at[pl.ds(0, RP)], dinv16o.at[pl.ds(r0, RP)])

    plsc.subcore_barrier()
    _agg_loop(t1_sp, src_idx, dst_idx, rows, acc, gsem, ssem)
    plsc.subcore_barrier()
    pltpu.sync_copy(acc.at[pl.ds(r0, RP)], a1.at[c, pl.ds(r0, RP)])


def _mega1(mm, ei, degp, zeros16):
    k = pl.kernel(
        _mega1_body,
        out_type=(
            jax.ShapeDtypeStruct((NC, N, HID), jnp.float32),
            jax.ShapeDtypeStruct((N, HID), jnp.float32),
            jax.ShapeDtypeStruct((N, HID), jnp.float32),
        ),
        mesh=_mesh(),
        compiler_params=_SC_PARAMS,
        scratch_types=[
            pltpu.VMEM((EPW,), jnp.int32),
            pltpu.VMEM((EPW,), jnp.int32),
            pltpu.VMEM((NB, CH, HID), jnp.float32),
            pltpu.VMEM((DP,), jnp.float32),
            pltpu.VMEM((DP,), jnp.float32),
            pltpu.VMEM((DP, HID), jnp.float32),
            pltpu.VMEM((RP, HID), jnp.float32),
            pltpu.VMEM_SHARED((NP, HID), jnp.float32),
            pltpu.VMEM_SHARED((NP, HID), jnp.float32),
            pltpu.VMEM_SHARED((NP, HID), jnp.float32),
            pltpu.SemaphoreType.DMA,
            pltpu.SemaphoreType.DMA,
        ],
    )
    return k(mm, ei, degp, zeros16)


def _mega2_body(a1, t1o, dinv16o, b1h, ei, zeros16,
                a2, t2o,
                src_idx, dst_idx, rows, b1v, dvt, p0, p1, t1s,
                t2_sp, acc, gsem, ssem):
    c = lax.axis_index("c")
    s = lax.axis_index("s")
    w = c * NS + s
    r0 = s * RP
    d0 = s * DP

    pltpu.sync_copy(ei.at[0, pl.ds(w * EPW, EPW)], src_idx)
    pltpu.sync_copy(ei.at[1, pl.ds(w * EPW, EPW)], dst_idx)
    pltpu.sync_copy(b1h, b1v)
    pltpu.sync_copy(zeros16, acc.at[pl.ds(d0, DP)])
    pltpu.sync_copy(dinv16o.at[pl.ds(r0, RP)], dvt)
    pltpu.sync_copy(a1.at[0, pl.ds(r0, RP)], p0)
    pltpu.sync_copy(a1.at[1, pl.ds(r0, RP)], p1)
    pltpu.sync_copy(t1o.at[pl.ds(r0, RP)], t1s)
    b1vec = b1v[...]

    def tloop(g, cy):
        for k in range(5):
            r = g * 5 + k
            y = dvt[r]
            z = y * (p0[r] + p1[r] + t1s[r]) + b1vec
            p0[r] = y * jnp.maximum(z, 0.0)
        return cy

    lax.fori_loop(0, RP // 5, tloop, 0)
    pltpu.sync_copy(p0, t2_sp.at[pl.ds(r0, RP)])

    @pl.when(c == 0)
    def _():
        pltpu.sync_copy(p0, t2o.at[pl.ds(r0, RP)])

    plsc.subcore_barrier()
    _agg_loop(t2_sp, src_idx, dst_idx, rows, acc, gsem, ssem)
    plsc.subcore_barrier()
    pltpu.sync_copy(acc.at[pl.ds(r0, RP)], a2.at[c, pl.ds(r0, RP)])


def _mega2(a1, t1o, dinv16o, b1, ei, zeros16):
    k = pl.kernel(
        _mega2_body,
        out_type=(
            jax.ShapeDtypeStruct((NC, N, HID), jnp.float32),
            jax.ShapeDtypeStruct((N, HID), jnp.float32),
        ),
        mesh=_mesh(),
        compiler_params=_SC_PARAMS,
        scratch_types=[
            pltpu.VMEM((EPW,), jnp.int32),
            pltpu.VMEM((EPW,), jnp.int32),
            pltpu.VMEM((NB, CH, HID), jnp.float32),
            pltpu.VMEM((HID,), jnp.float32),
            pltpu.VMEM((RP, HID), jnp.float32),
            pltpu.VMEM((RP, HID), jnp.float32),
            pltpu.VMEM((RP, HID), jnp.float32),
            pltpu.VMEM((RP, HID), jnp.float32),
            pltpu.VMEM_SHARED((NP, HID), jnp.float32),
            pltpu.VMEM_SHARED((NP, HID), jnp.float32),
            pltpu.SemaphoreType.DMA,
            pltpu.SemaphoreType.DMA,
        ],
    )
    return k(a1, t1o, dinv16o, b1, ei, zeros16)


def _tc_mm_body(x_ref, w1_ref, out_ref):
    out_ref[...] = jnp.dot(
        x_ref[...], w1_ref[...], preferred_element_type=jnp.float32)


def _tc_mm(x, w1):
    return pl.pallas_call(
        _tc_mm_body,
        out_shape=jax.ShapeDtypeStruct((N, HID), jnp.float32),
    )(x, w1)


def _tc_c_body(a_ref, t2_ref, dinv_ref, w2_ref, b2_ref, out_ref):
    u = dinv_ref[...] * (a_ref[0] + a_ref[1] + t2_ref[...])
    z = jnp.dot(u, w2_ref[...], preferred_element_type=jnp.float32) + b2_ref[...]
    m = jnp.max(z, axis=1, keepdims=True)
    zs = z - m
    lse = jnp.log(jnp.sum(jnp.exp(zs), axis=1, keepdims=True))
    out_ref[...] = zs - lse


def _tc_c(a, t2, dinv16, w2, b2):
    return pl.pallas_call(
        _tc_c_body,
        grid=(GB,),
        in_specs=[
            pl.BlockSpec((NC, RB, HID), lambda i: (0, i, 0)),
            pl.BlockSpec((RB, HID), lambda i: (i, 0)),
            pl.BlockSpec((RB, HID), lambda i: (i, 0)),
            pl.BlockSpec((HID, C), lambda i: (0, 0)),
            pl.BlockSpec((1, C), lambda i: (0, 0)),
        ],
        out_specs=pl.BlockSpec((RB, C), lambda i: (i, 0)),
        out_shape=jax.ShapeDtypeStruct((N, C), jnp.float32),
    )(a, t2, dinv16, w2, b2)


def kernel(x, edge_index, W1, b1, W2, b2):
    ones_h = jnp.ones((CH,), jnp.float32)
    zerosd = jnp.zeros((DP,), jnp.float32)
    zeros16 = jnp.zeros((DP, HID), jnp.float32)

    degp = _sc_degree(edge_index, ones_h, zerosd)
    mm = _tc_mm(x, W1)
    a1, t1o, dinv16o = _mega1(mm, edge_index, degp, zeros16)
    a2, t2o = _mega2(a1, t1o, dinv16o, b1, edge_index, zeros16)
    return _tc_c(a2, t2o, dinv16o, W2, b2.reshape(1, C))

# --- scband reference (transcript-rebuilt; emitter-appended) ---
"""Pipeline reference for scband-net-39230231281891 (READ-ONLY COPY).

The authoritative reference and input builder live on the scoring server;
editing this copy changes nothing except your own understanding.
"""

import jax, jax.numpy as jnp
import numpy as np

N = 10000
E = 320000
F_IN = 128
HID = 16
C = 40


def setup_inputs(seed: int = 0) -> dict:
    key = jax.random.key(seed)
    k1, k2, k3, k4, k5, k6 = jax.random.split(key, 6)
    x = jax.random.normal(k1, (N, F_IN), dtype=jnp.float32)
    edge_index = jax.random.randint(k2, (2, E), 0, N, dtype=jnp.int32)
    W1 = jax.random.normal(k3, (F_IN, HID), dtype=jnp.float32) / np.sqrt(F_IN)
    b1 = jnp.zeros((HID,), dtype=jnp.float32)
    W2 = jax.random.normal(k4, (HID, C), dtype=jnp.float32) / np.sqrt(HID)
    b2 = jnp.zeros((C,), dtype=jnp.float32)
    return {"x": x, "edge_index": edge_index, "W1": W1, "b1": b1, "W2": W2, "b2": b2}


def _gcn_conv(x, W, b, src, dst, n):
    # x' = x @ W, then symmetric-normalized scatter-add aggregation with self-loops
    h = x @ W
    loop = jnp.arange(n, dtype=src.dtype)
    src2 = jnp.concatenate([src, loop])
    dst2 = jnp.concatenate([dst, loop])
    deg = jnp.zeros((n,), dtype=h.dtype).at[dst2].add(1.0)
    dinv = jnp.where(deg > 0, deg ** -0.5, 0.0)
    norm = dinv[src2] * dinv[dst2]
    msg = h[src2] * norm[:, None]
    out = jnp.zeros((n, h.shape[1]), dtype=h.dtype).at[dst2].add(msg)
    return out + b


def reference(x, edge_index, W1, b1, W2, b2):
    src = edge_index[0]
    dst = edge_index[1]
    h = _gcn_conv(x, W1, b1, src, dst, N)
    h = jax.nn.relu(h)
    # F.dropout(training=self.training): eval mode -> identity
    h = _gcn_conv(h, W2, b2, src, dst, N)
    return jax.nn.log_softmax(h, axis=1)

if __name__ == "__main__":
    import jax
    _d = setup_inputs()
    print(jax.jit(kernel)(*tuple(_d.values())))

</pallas_src>

<mosaic_0001>
#map = affine_map<(d0, d1) -> (0, 0)>
#map1 = affine_map<(d0, d1) -> (0, 0, 0)>
module attributes {stable_mosaic.version = 14 : i64} {
  func.func @_mega1_body(%arg0: i32, %arg1: i32, %arg2: memref<10000x16xf32, #tpu.memory_space<hbm>>, %arg3: memref<2x320000xi32, #tpu.memory_space<hbm>>, %arg4: memref<2x10240xf32, #tpu.memory_space<hbm>>, %arg5: memref<640x16xf32, #tpu.memory_space<hbm>>, %arg6: memref<2x10000x16xf32, #tpu.memory_space<hbm>>, %arg7: memref<10000x16xf32, #tpu.memory_space<hbm>>, %arg8: memref<10000x16xf32, #tpu.memory_space<hbm>>, %arg9: memref<10000xi32, #tpu.memory_space<vmem>>, %arg10: memref<10000xi32, #tpu.memory_space<vmem>>, %arg11: memref<13x128x16xf32, #tpu.memory_space<vmem>>, %arg12: memref<640xf32, #tpu.memory_space<vmem>>, %arg13: memref<640xf32, #tpu.memory_space<vmem>>, %arg14: memref<640x16xf32, #tpu.memory_space<vmem>>, %arg15: memref<625x16xf32, #tpu.memory_space<vmem>>, %arg16: memref<10240x16xf32, #tpu.memory_space<vmem_shared>>, %arg17: memref<10240x16xf32, #tpu.memory_space<vmem_shared>>, %arg18: memref<10240x16xf32, #tpu.memory_space<vmem_shared>>, %arg19: memref<!tpu.dma_semaphore, #tpu.memory_space<semaphore_mem>>, %arg20: memref<!tpu.dma_semaphore, #tpu.memory_space<semaphore_mem>>) attributes {dimension_semantics = [#tpu.dimension_semantics<core_parallel>, #tpu.dimension_semantics<subcore_parallel>], iteration_bounds = array<i64: 2, 16>, scalar_prefetch = 0 : i64, scratch_operands = 12 : i64, tpu.core_type = #tpu.core_type<sc_vector_subcore>, window_params = [{transform_indices = #map}, {transform_indices = #map}, {transform_indices = #map}, {transform_indices = #map}, {transform_indices = #map1}, {transform_indices = #map}, {transform_indices = #map}]} {
    %mul3A = arith.constant 16 : i32
    %mul3A_0 = arith.muli %arg0, %mul3A : i32
    %add3A = arith.addi %mul3A_0, %arg1 : i32
    %mul3A_1 = arith.constant 625 : i32
    %mul3A_2 = arith.muli %arg1, %mul3A_1 : i32
    %mul3A_3 = arith.constant 640 : i32
    %mul3A_4 = arith.muli %arg1, %mul3A_3 : i32
    %mul3A_5 = arith.constant 10000 : i32
    %mul3A_6 = arith.muli %add3A, %mul3A_5 : i32
    %run_scoped3A = arith.constant 0 : i32
    "tpu.region"() ({
      %run_scoped3A_71 = tpu.sem_alloc : memref<!tpu.dma_semaphore, #tpu.memory_space<semaphore_mem>>
      %dma_start3A_72 = tpu.memref_slice %arg3[%run_scoped3A, %mul3A_6] : memref<2x320000xi32, #tpu.memory_space<hbm>> -> memref<1x10000xi32, #tpu.memory_space<hbm>>
      %dma_start3A_73 = tpu.memref_squeeze %dma_start3A_72 : memref<1x10000xi32, #tpu.memory_space<hbm>> -> memref<10000xi32, #tpu.memory_space<hbm>>
      %dma_start3A_74 = tpu.memref_slice %arg3[%run_scoped3A, %mul3A_6] : memref<2x320000xi32, #tpu.memory_space<hbm>> -> memref<1x10000xi32, #tpu.memory_space<hbm>>
      %dma_start3A_75 = tpu.memref_squeeze %dma_start3A_74 : memref<1x10000xi32, #tpu.memory_space<hbm>> -> memref<10000xi32, #tpu.memory_space<hbm>>
      tpu.enqueue_dma source(%dma_start3A_75 : memref<10000xi32, #tpu.memory_space<hbm>>) target(%arg9 : memref<10000xi32, #tpu.memory_space<vmem>>) target_semaphore(%run_scoped3A_71 : memref<!tpu.dma_semaphore, #tpu.memory_space<semaphore_mem>>)
      %dma_wait3A_76 = tpu.memref_slice %arg3[%run_scoped3A, %mul3A_6] : memref<2x320000xi32, #tpu.memory_space<hbm>> -> memref<1x10000xi32, #tpu.memory_space<hbm>>
      %dma_wait3A_77 = tpu.memref_squeeze %dma_wait3A_76 : memref<1x10000xi32, #tpu.memory_space<hbm>> -> memref<10000xi32, #tpu.memory_space<hbm>>
      %dma_wait3A_78 = tpu.memref_slice %arg3[%run_scoped3A, %mul3A_6] : memref<2x320000xi32, #tpu.memory_space<hbm>> -> memref<1x10000xi32, #tpu.memory_space<hbm>>
      %dma_wait3A_79 = tpu.memref_squeeze %dma_wait3A_78 : memref<1x10000xi32, #tpu.memory_space<hbm>> -> memref<10000xi32, #tpu.memory_space<hbm>>
      tpu.wait_dma2 semaphore(%run_scoped3A_71 : memref<!tpu.dma_semaphore, #tpu.memory_space<semaphore_mem>>) src(%dma_wait3A_79 : memref<10000xi32, #tpu.memory_space<hbm>>) dst(%arg9 : memref<10000xi32, #tpu.memory_space<vmem>>)
      tpu.yield
    }) : () -> ()
    %mul3A_7 = arith.constant 10000 : i32
    %mul3A_8 = arith.muli %add3A, %mul3A_7 : i32
    %run_scoped3A_9 = arith.constant 1 : i32
    "tpu.region"() ({
      %run_scoped3A_71 = tpu.sem_alloc : memref<!tpu.dma_semaphore, #tpu.memory_space<semaphore_mem>>
      %dma_start3A_72 = tpu.memref_slice %arg3[%run_scoped3A_9, %mul3A_8] : memref<2x320000xi32, #tpu.memory_space<hbm>> -> memref<1x10000xi32, #tpu.memory_space<hbm>>
      %dma_start3A_73 = tpu.memref_squeeze %dma_start3A_72 : memref<1x10000xi32, #tpu.memory_space<hbm>> -> memref<10000xi32, #tpu.memory_space<hbm>>
      %dma_start3A_74 = tpu.memref_slice %arg3[%run_scoped3A_9, %mul3A_8] : memref<2x320000xi32, #tpu.memory_space<hbm>> -> memref<1x10000xi32, #tpu.memory_space<hbm>>
      %dma_start3A_75 = tpu.memref_squeeze %dma_start3A_74 : memref<1x10000xi32, #tpu.memory_space<hbm>> -> memref<10000xi32, #tpu.memory_space<hbm>>
      tpu.enqueue_dma source(%dma_start3A_75 : memref<10000xi32, #tpu.memory_space<hbm>>) target(%arg10 : memref<10000xi32, #tpu.memory_space<vmem>>) target_semaphore(%run_scoped3A_71 : memref<!tpu.dma_semaphore, #tpu.memory_space<semaphore_mem>>)
      %dma_wait3A_76 = tpu.memref_slice %arg3[%run_scoped3A_9, %mul3A_8] : memref<2x320000xi32, #tpu.memory_space<hbm>> -> memref<1x10000xi32, #tpu.memory_space<hbm>>
      %dma_wait3A_77 = tpu.memref_squeeze %dma_wait3A_76 : memref<1x10000xi32, #tpu.memory_space<hbm>> -> memref<10000xi32, #tpu.memory_space<hbm>>
      %dma_wait3A_78 = tpu.memref_slice %arg3[%run_scoped3A_9, %mul3A_8] : memref<2x320000xi32, #tpu.memory_space<hbm>> -> memref<1x10000xi32, #tpu.memory_space<hbm>>
      %dma_wait3A_79 = tpu.memref_squeeze %dma_wait3A_78 : memref<1x10000xi32, #tpu.memory_space<hbm>> -> memref<10000xi32, #tpu.memory_space<hbm>>
      tpu.wait_dma2 semaphore(%run_scoped3A_71 : memref<!tpu.dma_semaphore, #tpu.memory_space<semaphore_mem>>) src(%dma_wait3A_79 : memref<10000xi32, #tpu.memory_space<hbm>>) dst(%arg10 : memref<10000xi32, #tpu.memory_space<vmem>>)
      tpu.yield
    }) : () -> ()
    "tpu.region"() ({
      %run_scoped3A_71 = tpu.sem_alloc : memref<!tpu.dma_semaphore, #tpu.memory_space<semaphore_mem>>
      %dma_start3A_72 = arith.constant 0 : i32
      %dma_start3A_73 = tpu.memref_slice %arg17[%mul3A_4, %dma_start3A_72] : memref<10240x16xf32, #tpu.memory_space<vmem_shared>> -> memref<640x16xf32, #tpu.memory_space<vmem_shared>>
      tpu.enqueue_dma source(%arg5 : memref<640x16xf32, #tpu.memory_space<hbm>>) target(%dma_start3A_73 : memref<640x16xf32, #tpu.memory_space<vmem_shared>>) target_semaphore(%run_scoped3A_71 : memref<!tpu.dma_semaphore, #tpu.memory_space<semaphore_mem>>)
      %dma_wait3A_74 = arith.constant 0 : i32
      %dma_wait3A_75 = tpu.memref_slice %arg17[%mul3A_4, %dma_wait3A_74] : memref<10240x16xf32, #tpu.memory_space<vmem_shared>> -> memref<640x16xf32, #tpu.memory_space<vmem_shared>>
      tpu.wait_dma2 semaphore(%run_scoped3A_71 : memref<!tpu.dma_semaphore, #tpu.memory_space<semaphore_mem>>) src(%arg5 : memref<640x16xf32, #tpu.memory_space<hbm>>) dst(%dma_wait3A_75 : memref<640x16xf32, #tpu.memory_space<vmem_shared>>)
      tpu.yield
    }) : () -> ()
    %run_scoped3A_10 = arith.constant 0 : i32
    "tpu.region"() ({
      %run_scoped3A_71 = tpu.sem_alloc : memref<!tpu.dma_semaphore, #tpu.memory_space<semaphore_mem>>
      %dma_start3A_72 = tpu.memref_slice %arg4[%run_scoped3A_10, %mul3A_4] : memref<2x10240xf32, #tpu.memory_space<hbm>> -> memref<1x640xf32, #tpu.memory_space<hbm>>
      %dma_start3A_73 = tpu.memref_squeeze %dma_start3A_72 : memref<1x640xf32, #tpu.memory_space<hbm>> -> memref<640xf32, #tpu.memory_space<hbm>>
      %dma_start3A_74 = tpu.memref_slice %arg4[%run_scoped3A_10, %mul3A_4] : memref<2x10240xf32, #tpu.memory_space<hbm>> -> memref<1x640xf32, #tpu.memory_space<hbm>>
      %dma_start3A_75 = tpu.memref_squeeze %dma_start3A_74 : memref<1x640xf32, #tpu.memory_space<hbm>> -> memref<640xf32, #tpu.memory_space<hbm>>
      tpu.enqueue_dma source(%dma_start3A_75 : memref<640xf32, #tpu.memory_space<hbm>>) target(%arg12 : memref<640xf32, #tpu.memory_space<vmem>>) target_semaphore(%run_scoped3A_71 : memref<!tpu.dma_semaphore, #tpu.memory_space<semaphore_mem>>)
      %dma_wait3A_76 = tpu.memref_slice %arg4[%run_scoped3A_10, %mul3A_4] : memref<2x10240xf32, #tpu.memory_space<hbm>> -> memref<1x640xf32, #tpu.memory_space<hbm>>
      %dma_wait3A_77 = tpu.memref_squeeze %dma_wait3A_76 : memref<1x640xf32, #tpu.memory_space<hbm>> -> memref<640xf32, #tpu.memory_space<hbm>>
      %dma_wait3A_78 = tpu.memref_slice %arg4[%run_scoped3A_10, %mul3A_4] : memref<2x10240xf32, #tpu.memory_space<hbm>> -> memref<1x640xf32, #tpu.memory_space<hbm>>
      %dma_wait3A_79 = tpu.memref_squeeze %dma_wait3A_78 : memref<1x640xf32, #tpu.memory_space<hbm>> -> memref<640xf32, #tpu.memory_space<hbm>>
      tpu.wait_dma2 semaphore(%run_scoped3A_71 : memref<!tpu.dma_semaphore, #tpu.memory_space<semaphore_mem>>) src(%dma_wait3A_79 : memref<640xf32, #tpu.memory_space<hbm>>) dst(%arg12 : memref<640xf32, #tpu.memory_space<vmem>>)
      tpu.yield
    }) : () -> ()
    %run_scoped3A_11 = arith.constant 1 : i32
    "tpu.region"() ({
      %run_scoped3A_71 = tpu.sem_alloc : memref<!tpu.dma_semaphore, #tpu.memory_space<semaphore_mem>>
      %dma_start3A_72 = tpu.memref_slice %arg4[%run_scoped3A_11, %mul3A_4] : memref<2x10240xf32, #tpu.memory_space<hbm>> -> memref<1x640xf32, #tpu.memory_space<hbm>>
      %dma_start3A_73 = tpu.memref_squeeze %dma_start3A_72 : memref<1x640xf32, #tpu.memory_space<hbm>> -> memref<640xf32, #tpu.memory_space<hbm>>
      %dma_start3A_74 = tpu.memref_slice %arg4[%run_scoped3A_11, %mul3A_4] : memref<2x10240xf32, #tpu.memory_space<hbm>> -> memref<1x640xf32, #tpu.memory_space<hbm>>
      %dma_start3A_75 = tpu.memref_squeeze %dma_start3A_74 : memref<1x640xf32, #tpu.memory_space<hbm>> -> memref<640xf32, #tpu.memory_space<hbm>>
      tpu.enqueue_dma source(%dma_start3A_75 : memref<640xf32, #tpu.memory_space<hbm>>) target(%arg13 : memref<640xf32, #tpu.memory_space<vmem>>) target_semaphore(%run_scoped3A_71 : memref<!tpu.dma_semaphore, #tpu.memory_space<semaphore_mem>>)
      %dma_wait3A_76 = tpu.memref_slice %arg4[%run_scoped3A_11, %mul3A_4] : memref<2x10240xf32, #tpu.memory_space<hbm>> -> memref<1x640xf32, #tpu.memory_space<hbm>>
      %dma_wait3A_77 = tpu.memref_squeeze %dma_wait3A_76 : memref<1x640xf32, #tpu.memory_space<hbm>> -> memref<640xf32, #tpu.memory_space<hbm>>
      %dma_wait3A_78 = tpu.memref_slice %arg4[%run_scoped3A_11, %mul3A_4] : memref<2x10240xf32, #tpu.memory_space<hbm>> -> memref<1x640xf32, #tpu.memory_space<hbm>>
      %dma_wait3A_79 = tpu.memref_squeeze %dma_wait3A_78 : memref<1x640xf32, #tpu.memory_space<hbm>> -> memref<640xf32, #tpu.memory_space<hbm>>
      tpu.wait_dma2 semaphore(%run_scoped3A_71 : memref<!tpu.dma_semaphore, #tpu.memory_space<semaphore_mem>>) src(%dma_wait3A_79 : memref<640xf32, #tpu.memory_space<hbm>>) dst(%arg13 : memref<640xf32, #tpu.memory_space<vmem>>)
      tpu.yield
    }) : () -> ()
    "tpu.region"() ({
      %run_scoped3A_71 = tpu.sem_alloc : memref<!tpu.dma_semaphore, #tpu.memory_space<semaphore_mem>>
      %dma_start3A_72 = arith.constant 0 : i32
      %dma_start3A_73 = tpu.memref_slice %arg2[%mul3A_2, %dma_start3A_72] : memref<10000x16xf32, #tpu.memory_space<hbm>> -> memref<625x16xf32, #tpu.memory_space<hbm>>
      %dma_start3A_74 = arith.constant 0 : i32
      %dma_start3A_75 = tpu.memref_slice %arg2[%mul3A_2, %dma_start3A_74] : memref<10000x16xf32, #tpu.memory_space<hbm>> -> memref<625x16xf32, #tpu.memory_space<hbm>>
      tpu.enqueue_dma source(%dma_start3A_75 : memref<625x16xf32, #tpu.memory_space<hbm>>) target(%arg15 : memref<625x16xf32, #tpu.memory_space<vmem>>) target_semaphore(%run_scoped3A_71 : memref<!tpu.dma_semaphore, #tpu.memory_space<semaphore_mem>>)
      %dma_wait3A_76 = arith.constant 0 : i32
      %dma_wait3A_77 = tpu.memref_slice %arg2[%mul3A_2, %dma_wait3A_76] : memref<10000x16xf32, #tpu.memory_space<hbm>> -> memref<625x16xf32, #tpu.memory_space<hbm>>
      %dma_wait3A_78 = arith.constant 0 : i32
      %dma_wait3A_79 = tpu.memref_slice %arg2[%mul3A_2, %dma_wait3A_78] : memref<10000x16xf32, #tpu.memory_space<hbm>> -> memref<625x16xf32, #tpu.memory_space<hbm>>
      tpu.wait_dma2 semaphore(%run_scoped3A_71 : memref<!tpu.dma_semaphore, #tpu.memory_space<semaphore_mem>>) src(%dma_wait3A_79 : memref<625x16xf32, #tpu.memory_space<hbm>>) dst(%arg15 : memref<625x16xf32, #tpu.memory_space<vmem>>)
      tpu.yield
    }) : () -> ()
    %scan3A = arith.constant 0 : i32
    %scan3A_12 = arith.constant 0 : i32
    %scan3A_13 = arith.constant 40 : i32
    %scan3A_14 = arith.addi %scan3A_12, %scan3A_13 : i32
    %scan3A_15 = arith.constant 1 : i32
    scf.for %scan3A_71 = %scan3A_12 to %scan3A_14 step %scan3A_15  : i32 {
      %mul3A_72 = arith.constant 16 : i32
      %mul3A_73 = arith.muli %scan3A_71, %mul3A_72 : i32
      %get3A = arith.index_cast %mul3A_73 : i32 to index
      %get3A_74 = tpu.vector_load %arg12[%get3A] {strides = array<i32>} : memref<640xf32, #tpu.memory_space<vmem>>, vector<16xf32>,
      %get3A_75 = arith.index_cast %mul3A_73 : i32 to index
      %get3A_76 = tpu.vector_load %arg13[%get3A_75] {strides = array<i32>} : memref<640xf32, #tpu.memory_space<vmem>>, vector<16xf32>,
      %add3A_77 = arith.addf %get3A_74, %get3A_76 : vector<16xf32>
      %add3A_78 = arith.constant 1.000000e+00 : f32
      %add3A_79 = vector.broadcast %add3A_78 : f32 to vector<16xf32>
      %add3A_80 = arith.addf %add3A_77, %add3A_79 : vector<16xf32>
      %bitcast3A = vector.bitcast %add3A_80 : vector<16xf32> to vector<16xi32>
      %shift_right_logical3A = arith.constant 1 : i32
      %shift_right_logical3A_81 = vector.broadcast %shift_right_logical3A : i32 to vector<16xi32>
      %shift_right_logical3A_82 = arith.shrui %bitcast3A, %shift_right_logical3A_81 : vector<16xi32>
      %sub3A = arith.constant 1597463007 : i32
      %sub3A_83 = vector.broadcast %sub3A : i32 to vector<16xi32>
      %sub3A_84 = arith.subi %sub3A_83, %shift_right_logical3A_82 : vector<16xi32>
      %bitcast3A_85 = vector.bitcast %sub3A_84 : vector<16xi32> to vector<16xf32>
      %mul3A_86 = arith.constant 5.000000e-01 : f32
      %mul3A_87 = vector.broadcast %mul3A_86 : f32 to vector<16xf32>
      %mul3A_88 = arith.mulf %mul3A_87, %add3A_80 : vector<16xf32>
      %mul3A_89 = arith.mulf %mul3A_88, %bitcast3A_85 : vector<16xf32>
      %mul3A_90 = arith.mulf %mul3A_89, %bitcast3A_85 : vector<16xf32>
      %sub3A_91 = arith.constant 1.500000e+00 : f32
      %sub3A_92 = vector.broadcast %sub3A_91 : f32 to vector<16xf32>
      %sub3A_93 = arith.subf %sub3A_92, %mul3A_90 : vector<16xf32>
      %mul3A_94 = arith.mulf %bitcast3A_85, %sub3A_93 : vector<16xf32>
      %mul3A_95 = arith.constant 5.000000e-01 : f32
      %mul3A_96 = vector.broadcast %mul3A_95 : f32 to vector<16xf32>
      %mul3A_97 = arith.mulf %mul3A_96, %add3A_80 : vector<16xf32>
      %mul3A_98 = arith.mulf %mul3A_97, %mul3A_94 : vector<16xf32>
      %mul3A_99 = arith.mulf %mul3A_98, %mul3A_94 : vector<16xf32>
      %sub3A_100 = arith.constant 1.500000e+00 : f32
      %sub3A_101 = vector.broadcast %sub3A_100 : f32 to vector<16xf32>
      %sub3A_102 = arith.subf %sub3A_101, %mul3A_99 : vector<16xf32>
      %mul3A_103 = arith.mulf %mul3A_94, %sub3A_102 : vector<16xf32>
      %broadcast_in_dim3A = arith.constant 1.000000e+00 : f32
      %broadcast_in_dim3A_104 = vector.broadcast %broadcast_in_dim3A : f32 to vector<16xf32>
      %slice3A = vector.extract_strided_slice %mul3A_103 {offsets = [0], sizes = [1], strides = [1]} : vector<16xf32> to vector<1xf32>
      %squeeze3A = vector.extract %slice3A[0] : f32 from vector<1xf32>
      %mul3A_105 = vector.broadcast %squeeze3A : f32 to vector<16xf32>
      %mul3A_106 = arith.mulf %broadcast_in_dim3A_104, %mul3A_105 : vector<16xf32>
      %add3A_107 = arith.constant 0 : i32
      %add3A_108 = arith.addi %mul3A_73, %add3A_107 : i32
      %swap3A = arith.index_cast %add3A_108 : i32 to index
      %swap3A_109 = arith.constant 0 : index
      %swap3A_110 = tpu.vector_load %arg14[%swap3A, %swap3A_109] {strides = array<i32>} : memref<640x16xf32, #tpu.memory_space<vmem>>, vector<16xf32>,
      tpu.vector_store %arg14[%swap3A, %swap3A_109], %mul3A_106 {strides = array<i32>} : memref<640x16xf32, #tpu.memory_space<vmem>>, vector<16xf32>,
      %broadcast_in_dim3A_111 = arith.constant 1.000000e+00 : f32
      %broadcast_in_dim3A_112 = vector.broadcast %broadcast_in_dim3A_111 : f32 to vector<16xf32>
      %slice3A_113 = vector.extract_strided_slice %mul3A_103 {offsets = [1], sizes = [1], strides = [1]} : vector<16xf32> to vector<1xf32>
      %squeeze3A_114 = vector.extract %slice3A_113[0] : f32 from vector<1xf32>
      %mul3A_115 = vector.broadcast %squeeze3A_114 : f32 to vector<16xf32>
      %mul3A_116 = arith.mulf %broadcast_in_dim3A_112, %mul3A_115 : vector<16xf32>
      %add3A_117 = arith.constant 1 : i32
      %add3A_118 = arith.addi %mul3A_73, %add3A_117 : i32
      %swap3A_119 = arith.index_cast %add3A_118 : i32 to index
      %swap3A_120 = arith.constant 0 : index
      %swap3A_121 = tpu.vector_load %arg14[%swap3A_119, %swap3A_120] {strides = array<i32>} : memref<640x16xf32, #tpu.memory_space<vmem>>, vector<16xf32>,
      tpu.vector_store %arg14[%swap3A_119, %swap3A_120], %mul3A_116 {strides = array<i32>} : memref<640x16xf32, #tpu.memory_space<vmem>>, vector<16xf32>,
      %broadcast_in_dim3A_122 = arith.constant 1.000000e+00 : f32
      %broadcast_in_dim3A_123 = vector.broadcast %broadcast_in_dim3A_122 : f32 to vector<16xf32>
      %slice3A_124 = vector.extract_strided_slice %mul3A_103 {offsets = [2], sizes = [1], strides = [1]} : vector<16xf32> to vector<1xf32>
      %squeeze3A_125 = vector.extract %slice3A_124[0] : f32 from vector<1xf32>
      %mul3A_126 = vector.broadcast %squeeze3A_125 : f32 to vector<16xf32>
      %mul3A_127 = arith.mulf %broadcast_in_dim3A_123, %mul3A_126 : vector<16xf32>
      %add3A_128 = arith.constant 2 : i32
      %add3A_129 = arith.addi %mul3A_73, %add3A_128 : i32
      %swap3A_130 = arith.index_cast %add3A_129 : i32 to index
      %swap3A_131 = arith.constant 0 : index
      %swap3A_132 = tpu.vector_load %arg14[%swap3A_130, %swap3A_131] {strides = array<i32>} : memref<640x16xf32, #tpu.memory_space<vmem>>, vector<16xf32>,
      tpu.vector_store %arg14[%swap3A_130, %swap3A_131], %mul3A_127 {strides = array<i32>} : memref<640x16xf32, #tpu.memory_space<vmem>>, vector<16xf32>,
      %broadcast_in_dim3A_133 = arith.constant 1.000000e+00 : f32
      %broadcast_in_dim3A_134 = vector.broadcast %broadcast_in_dim3A_133 : f32 to vector<16xf32>
      %slice3A_135 = vector.extract_strided_slice %mul3A_103 {offsets = [3], sizes = [1], strides = [1]} : vector<16xf32> to vector<1xf32>
      %squeeze3A_136 = vector.extract %slice3A_135[0] : f32 from vector<1xf32>
      %mul3A_137 = vector.broadcast %squeeze3A_136 : f32 to vector<16xf32>
      %mul3A_138 = arith.mulf %broadcast_in_dim3A_134, %mul3A_137 : vector<16xf32>
      %add3A_139 = arith.constant 3 : i32
      %add3A_140 = arith.addi %mul3A_73, %add3A_139 : i32
      %swap3A_141 = arith.index_cast %add3A_140 : i32 to index
      %swap3A_142 = arith.constant 0 : index
      %swap3A_143 = tpu.vector_load %arg14[%swap3A_141, %swap3A_142] {strides = array<i32>} : memref<640x16xf32, #tpu.memory_space<vmem>>, vector<16xf32>,
      tpu.vector_store %arg14[%swap3A_141, %swap3A_142], %mul3A_138 {strides = array<i32>} : memref<640x16xf32, #tpu.memory_space<vmem>>, vector<16xf32>,
      %broadcast_in_dim3A_144 = arith.constant 1.000000e+00 : f32
      %broadcast_in_dim3A_145 = vector.broadcast %broadcast_in_dim3A_144 : f32 to vector<16xf32>
      %slice3A_146 = vector.extract_strided_slice %mul3A_103 {offsets = [4], sizes = [1], strides = [1]} : vector<16xf32> to vector<1xf32>
      %squeeze3A_147 = vector.extract %slice3A_146[0] : f32 from vector<1xf32>
      %mul3A_148 = vector.broadcast %squeeze3A_147 : f32 to vector<16xf32>
      %mul3A_149 = arith.mulf %broadcast_in_dim3A_145, %mul3A_148 : vector<16xf32>
      %add3A_150 = arith.constant 4 : i32
      %add3A_151 = arith.addi %mul3A_73, %add3A_150 : i32
      %swap3A_152 = arith.index_cast %add3A_151 : i32 to index
      %swap3A_153 = arith.constant 0 : index
      %swap3A_154 = tpu.vector_load %arg14[%swap3A_152, %swap3A_153] {strides = array<i32>} : memref<640x16xf32, #tpu.memory_space<vmem>>, vector<16xf32>,
      tpu.vector_store %arg14[%swap3A_152, %swap3A_153], %mul3A_149 {strides = array<i32>} : memref<640x16xf32, #tpu.memory_space<vmem>>, vector<16xf32>,
      %broadcast_in_dim3A_155 = arith.constant 1.000000e+00 : f32
      %broadcast_in_dim3A_156 = vector.broadcast %broadcast_in_dim3A_155 : f32 to vector<16xf32>
      %slice3A_157 = vector.extract_strided_slice %mul3A_103 {offsets = [5], sizes = [1], strides = [1]} : vector<16xf32> to vector<1xf32>
      %squeeze3A_158 = vector.extract %slice3A_157[0] : f32 from vector<1xf32>
      %mul3A_159 = vector.broadcast %squeeze3A_158 : f32 to vector<16xf32>
      %mul3A_160 = arith.mulf %broadcast_in_dim3A_156, %mul3A_159 : vector<16xf32>
      %add3A_161 = arith.constant 5 : i32
      %add3A_162 = arith.addi %mul3A_73, %add3A_161 : i32
      %swap3A_163 = arith.index_cast %add3A_162 : i32 to index
      %swap3A_164 = arith.constant 0 : index
      %swap3A_165 = tpu.vector_load %arg14[%swap3A_163, %swap3A_164] {strides = array<i32>} : memref<640x16xf32, #tpu.memory_space<vmem>>, vector<16xf32>,
      tpu.vector_store %arg14[%swap3A_163, %swap3A_164], %mul3A_160 {strides = array<i32>} : memref<640x16xf32, #tpu.memory_space<vmem>>, vector<16xf32>,
      %broadcast_in_dim3A_166 = arith.constant 1.000000e+00 : f32
      %broadcast_in_dim3A_167 = vector.broadcast %broadcast_in_dim3A_166 : f32 to vector<16xf32>
      %slice3A_168 = vector.extract_strided_slice %mul3A_103 {offsets = [6], sizes = [1], strides = [1]} : vector<16xf32> to vector<1xf32>
      %squeeze3A_169 = vector.extract %slice3A_168[0] : f32 from vector<1xf32>
      %mul3A_170 = vector.broadcast %squeeze3A_169 : f32 to vector<16xf32>
      %mul3A_171 = arith.mulf %broadcast_in_dim3A_167, %mul3A_170 : vector<16xf32>
      %add3A_172 = arith.constant 6 : i32
      %add3A_173 = arith.addi %mul3A_73, %add3A_172 : i32
      %swap3A_174 = arith.index_cast %add3A_173 : i32 to index
      %swap3A_175 = arith.constant 0 : index
      %swap3A_176 = tpu.vector_load %arg14[%swap3A_174, %swap3A_175] {strides = array<i32>} : memref<640x16xf32, #tpu.memory_space<vmem>>, vector<16xf32>,
      tpu.vector_store %arg14[%swap3A_174, %swap3A_175], %mul3A_171 {strides = array<i32>} : memref<640x16xf32, #tpu.memory_space<vmem>>, vector<16xf32>,
      %broadcast_in_dim3A_177 = arith.constant 1.000000e+00 : f32
      %broadcast_in_dim3A_178 = vector.broadcast %broadcast_in_dim3A_177 : f32 to vector<16xf32>
      %slice3A_179 = vector.extract_strided_slice %mul3A_103 {offsets = [7], sizes = [1], strides = [1]} : vector<16xf32> to vector<1xf32>
      %squeeze3A_180 = vector.extract %slice3A_179[0] : f32 from vector<1xf32>
      %mul3A_181 = vector.broadcast %squeeze3A_180 : f32 to vector<16xf32>
      %mul3A_182 = arith.mulf %broadcast_in_dim3A_178, %mul3A_181 : vector<16xf32>
      %add3A_183 = arith.constant 7 : i32
      %add3A_184 = arith.addi %mul3A_73, %add3A_183 : i32
      %swap3A_185 = arith.index_cast %add3A_184 : i32 to index
      %swap3A_186 = arith.constant 0 : index
      %swap3A_187 = tpu.vector_load %arg14[%swap3A_185, %swap3A_186] {strides = array<i32>} : memref<640x16xf32, #tpu.memory_space<vmem>>, vector<16xf32>,
      tpu.vector_store %arg14[%swap3A_185, %swap3A_186], %mul3A_182 {strides = array<i32>} : memref<640x16xf32, #tpu.memory_space<vmem>>, vector<16xf32>,
      %broadcast_in_dim3A_188 = arith.constant 1.000000e+00 : f32
      %broadcast_in_dim3A_189 = vector.broadcast %broadcast_in_dim3A_188 : f32 to vector<16xf32>
      %slice3A_190 = vector.extract_strided_slice %mul3A_103 {offsets = [8], sizes = [1], strides = [1]} : vector<16xf32> to vector<1xf32>
      %squeeze3A_191 = vector.extract %slice3A_190[0] : f32 from vector<1xf32>
      %mul3A_192 = vector.broadcast %squeeze3A_191 : f32 to vector<16xf32>
      %mul3A_193 = arith.mulf %broadcast_in_dim3A_189, %mul3A_192 : vector<16xf32>
      %add3A_194 = arith.constant 8 : i32
      %add3A_195 = arith.addi %mul3A_73, %add3A_194 : i32
      %swap3A_196 = arith.index_cast %add3A_195 : i32 to index
      %swap3A_197 = arith.constant 0 : index
      %swap3A_198 = tpu.vector_load %arg14[%swap3A_196, %swap3A_197] {strides = array<i32>} : memref<640x16xf32, #tpu.memory_space<vmem>>, vector<16xf32>,
      tpu.vector_store %arg14[%swap3A_196, %swap3A_197], %mul3A_193 {strides = array<i32>} : memref<640x16xf32, #tpu.memory_space<vmem>>, vector<16xf32>,
      %broadcast_in_dim3A_199 = arith.constant 1.000000e+00 : f32
      %broadcast_in_dim3A_200 = vector.broadcast %broadcast_in_dim3A_199 : f32 to vector<16xf32>
      %slice3A_201 = vector.extract_strided_slice %mul3A_103 {offsets = [9], sizes = [1], strides = [1]} : vector<16xf32> to vector<1xf32>
      %squeeze3A_202 = vector.extract %slice3A_201[0] : f32 from vector<1xf32>
      %mul3A_203 = vector.broadcast %squeeze3A_202 : f32 to vector<16xf32>
      %mul3A_204 = arith.mulf %broadcast_in_dim3A_200, %mul3A_203 : vector<16xf32>
      %add3A_205 = arith.constant 9 : i32
      %add3A_206 = arith.addi %mul3A_73, %add3A_205 : i32
      %swap3A_207 = arith.index_cast %add3A_206 : i32 to index
      %swap3A_208 = arith.constant 0 : index
      %swap3A_209 = tpu.vector_load %arg14[%swap3A_207, %swap3A_208] {strides = array<i32>} : memref<640x16xf32, #tpu.memory_space<vmem>>, vector<16xf32>,
      tpu.vector_store %arg14[%swap3A_207, %swap3A_208], %mul3A_204 {strides = array<i32>} : memref<640x16xf32, #tpu.memory_space<vmem>>, vector<16xf32>,
      %broadcast_in_dim3A_210 = arith.constant 1.000000e+00 : f32
      %broadcast_in_dim3A_211 = vector.broadcast %broadcast_in_dim3A_210 : f32 to vector<16xf32>
      %slice3A_212 = vector.extract_strided_slice %mul3A_103 {offsets = [10], sizes = [1], strides = [1]} : vector<16xf32> to vector<1xf32>
      %squeeze3A_213 = vector.extract %slice3A_212[0] : f32 from vector<1xf32>
      %mul3A_214 = vector.broadcast %squeeze3A_213 : f32 to vector<16xf32>
      %mul3A_215 = arith.mulf %broadcast_in_dim3A_211, %mul3A_214 : vector<16xf32>
      %add3A_216 = arith.constant 10 : i32
      %add3A_217 = arith.addi %mul3A_73, %add3A_216 : i32
      %swap3A_218 = arith.index_cast %add3A_217 : i32 to index
      %swap3A_219 = arith.constant 0 : index
      %swap3A_220 = tpu.vector_load %arg14[%swap3A_218, %swap3A_219] {strides = array<i32>} : memref<640x16xf32, #tpu.memory_space<vmem>>, vector<16xf32>,
      tpu.vector_store %arg14[%swap3A_218, %swap3A_219], %mul3A_215 {strides = array<i32>} : memref<640x16xf32, #tpu.memory_space<vmem>>, vector<16xf32>,
      %broadcast_in_dim3A_221 = arith.constant 1.000000e+00 : f32
      %broadcast_in_dim3A_222 = vector.broadcast %broadcast_in_dim3A_221 : f32 to vector<16xf32>
      %slice3A_223 = vector.extract_strided_slice %mul3A_103 {offsets = [11], sizes = [1], strides = [1]} : vector<16xf32> to vector<1xf32>
      %squeeze3A_224 = vector.extract %slice3A_223[0] : f32 from vector<1xf32>
      %mul3A_225 = vector.broadcast %squeeze3A_224 : f32 to vector<16xf32>
      %mul3A_226 = arith.mulf %broadcast_in_dim3A_222, %mul3A_225 : vector<16xf32>
      %add3A_227 = arith.constant 11 : i32
      %add3A_228 = arith.addi %mul3A_73, %add3A_227 : i32
      %swap3A_229 = arith.index_cast %add3A_228 : i32 to index
      %swap3A_230 = arith.constant 0 : index
      %swap3A_231 = tpu.vector_load %arg14[%swap3A_229, %swap3A_230] {strides = array<i32>} : memref<640x16xf32, #tpu.memory_space<vmem>>, vector<16xf32>,
      tpu.vector_store %arg14[%swap3A_229, %swap3A_230], %mul3A_226 {strides = array<i32>} : memref<640x16xf32, #tpu.memory_space<vmem>>, vector<16xf32>,
      %broadcast_in_dim3A_232 = arith.constant 1.000000e+00 : f32
      %broadcast_in_dim3A_233 = vector.broadcast %broadcast_in_dim3A_232 : f32 to vector<16xf32>
      %slice3A_234 = vector.extract_strided_slice %mul3A_103 {offsets = [12], sizes = [1], strides = [1]} : vector<16xf32> to vector<1xf32>
      %squeeze3A_235 = vector.extract %slice3A_234[0] : f32 from vector<1xf32>
      %mul3A_236 = vector.broadcast %squeeze3A_235 : f32 to vector<16xf32>
      %mul3A_237 = arith.mulf %broadcast_in_dim3A_233, %mul3A_236 : vector<16xf32>
      %add3A_238 = arith.constant 12 : i32
      %add3A_239 = arith.addi %mul3A_73, %add3A_238 : i32
      %swap3A_240 = arith.index_cast %add3A_239 : i32 to index
      %swap3A_241 = arith.constant 0 : index
      %swap3A_242 = tpu.vector_load %arg14[%swap3A_240, %swap3A_241] {strides = array<i32>} : memref<640x16xf32, #tpu.memory_space<vmem>>, vector<16xf32>,
      tpu.vector_store %arg14[%swap3A_240, %swap3A_241], %mul3A_237 {strides = array<i32>} : memref<640x16xf32, #tpu.memory_space<vmem>>, vector<16xf32>,
      %broadcast_in_dim3A_243 = arith.constant 1.000000e+00 : f32
      %broadcast_in_dim3A_244 = vector.broadcast %broadcast_in_dim3A_243 : f32 to vector<16xf32>
      %slice3A_245 = vector.extract_strided_slice %mul3A_103 {offsets = [13], sizes = [1], strides = [1]} : vector<16xf32> to vector<1xf32>
      %squeeze3A_246 = vector.extract %slice3A_245[0] : f32 from vector<1xf32>
      %mul3A_247 = vector.broadcast %squeeze3A_246 : f32 to vector<16xf32>
      %mul3A_248 = arith.mulf %broadcast_in_dim3A_244, %mul3A_247 : vector<16xf32>
      %add3A_249 = arith.constant 13 : i32
      %add3A_250 = arith.addi %mul3A_73, %add3A_249 : i32
      %swap3A_251 = arith.index_cast %add3A_250 : i32 to index
      %swap3A_252 = arith.constant 0 : index
      %swap3A_253 = tpu.vector_load %arg14[%swap3A_251, %swap3A_252] {strides = array<i32>} : memref<640x16xf32, #tpu.memory_space<vmem>>, vector<16xf32>,
      tpu.vector_store %arg14[%swap3A_251, %swap3A_252], %mul3A_248 {strides = array<i32>} : memref<640x16xf32, #tpu.memory_space<vmem>>, vector<16xf32>,
      %broadcast_in_dim3A_254 = arith.constant 1.000000e+00 : f32
      %broadcast_in_dim3A_255 = vector.broadcast %broadcast_in_dim3A_254 : f32 to vector<16xf32>
      %slice3A_256 = vector.extract_strided_slice %mul3A_103 {offsets = [14], sizes = [1], strides = [1]} : vector<16xf32> to vector<1xf32>
      %squeeze3A_257 = vector.extract %slice3A_256[0] : f32 from vector<1xf32>
      %mul3A_258 = vector.broadcast %squeeze3A_257 : f32 to vector<16xf32>
      %mul3A_259 = arith.mulf %broadcast_in_dim3A_255, %mul3A_258 : vector<16xf32>
      %add3A_260 = arith.constant 14 : i32
      %add3A_261 = arith.addi %mul3A_73, %add3A_260 : i32
      %swap3A_262 = arith.index_cast %add3A_261 : i32 to index
      %swap3A_263 = arith.constant 0 : index
      %swap3A_264 = tpu.vector_load %arg14[%swap3A_262, %swap3A_263] {strides = array<i32>} : memref<640x16xf32, #tpu.memory_space<vmem>>, vector<16xf32>,
      tpu.vector_store %arg14[%swap3A_262, %swap3A_263], %mul3A_259 {strides = array<i32>} : memref<640x16xf32, #tpu.memory_space<vmem>>, vector<16xf32>,
      %broadcast_in_dim3A_265 = arith.constant 1.000000e+00 : f32
      %broadcast_in_dim3A_266 = vector.broadcast %broadcast_in_dim3A_265 : f32 to vector<16xf32>
      %slice3A_267 = vector.extract_strided_slice %mul3A_103 {offsets = [15], sizes = [1], strides = [1]} : vector<16xf32> to vector<1xf32>
      %squeeze3A_268 = vector.extract %slice3A_267[0] : f32 from vector<1xf32>
      %mul3A_269 = vector.broadcast %squeeze3A_268 : f32 to vector<16xf32>
      %mul3A_270 = arith.mulf %broadcast_in_dim3A_266, %mul3A_269 : vector<16xf32>
      %add3A_271 = arith.constant 15 : i32
      %add3A_272 = arith.addi %mul3A_73, %add3A_271 : i32
      %swap3A_273 = arith.index_cast %add3A_272 : i32 to index
      %swap3A_274 = arith.constant 0 : index
      %swap3A_275 = tpu.vector_load %arg14[%swap3A_273, %swap3A_274] {strides = array<i32>} : memref<640x16xf32, #tpu.memory_space<vmem>>, vector<16xf32>,
      tpu.vector_store %arg14[%swap3A_273, %swap3A_274], %mul3A_270 {strides = array<i32>} : memref<640x16xf32, #tpu.memory_space<vmem>>, vector<16xf32>,
    }
    %scan3A_16 = arith.constant 40 : i32
    "tpu.region"() ({
      %run_scoped3A_71 = tpu.sem_alloc : memref<!tpu.dma_semaphore, #tpu.memory_space<semaphore_mem>>
      %dma_start3A_72 = arith.constant 0 : i32
      %dma_start3A_73 = tpu.memref_slice %arg18[%mul3A_4, %dma_start3A_72] : memref<10240x16xf32, #tpu.memory_space<vmem_shared>> -> memref<640x16xf32, #tpu.memory_space<vmem_shared>>
      %dma_start3A_74 = arith.constant 0 : i32
      %dma_start3A_75 = tpu.memref_slice %arg18[%mul3A_4, %dma_start3A_74] : memref<10240x16xf32, #tpu.memory_space<vmem_shared>> -> memref<640x16xf32, #tpu.memory_space<vmem_shared>>
      tpu.enqueue_dma source(%arg14 : memref<640x16xf32, #tpu.memory_space<vmem>>) target(%dma_start3A_75 : memref<640x16xf32, #tpu.memory_space<vmem_shared>>) target_semaphore(%run_scoped3A_71 : memref<!tpu.dma_semaphore, #tpu.memory_space<semaphore_mem>>)
      %dma_wait3A_76 = arith.constant 0 : i32
      %dma_wait3A_77 = tpu.memref_slice %arg18[%mul3A_4, %dma_wait3A_76] : memref<10240x16xf32, #tpu.memory_space<vmem_shared>> -> memref<640x16xf32, #tpu.memory_space<vmem_shared>>
      %dma_wait3A_78 = arith.constant 0 : i32
      %dma_wait3A_79 = tpu.memref_slice %arg18[%mul3A_4, %dma_wait3A_78] : memref<10240x16xf32, #tpu.memory_space<vmem_shared>> -> memref<640x16xf32, #tpu.memory_space<vmem_shared>>
      tpu.wait_dma2 semaphore(%run_scoped3A_71 : memref<!tpu.dma_semaphore, #tpu.memory_space<semaphore_mem>>) src(%arg14 : memref<640x16xf32, #tpu.memory_space<vmem>>) dst(%dma_wait3A_79 : memref<640x16xf32, #tpu.memory_space<vmem_shared>>)
      tpu.yield
    }) : () -> ()
    %barrier3A = arith.constant 0 : index
    tpu.barrier barrier_id(%barrier3A)
    "tpu.region"() ({
      %run_scoped3A_71 = tpu.sem_alloc : memref<!tpu.dma_semaphore, #tpu.memory_space<semaphore_mem>>
      %dma_start3A_72 = arith.constant 0 : i32
      %dma_start3A_73 = arith.constant 0 : i32
      %dma_start3A_74 = tpu.memref_slice %arg14[%dma_start3A_72, %dma_start3A_73] : memref<640x16xf32, #tpu.memory_space<vmem>> -> memref<625x16xf32, #tpu.memory_space<vmem>>
      %dma_start3A_75 = arith.constant 0 : i32
      %dma_start3A_76 = tpu.memref_slice %arg18[%mul3A_2, %dma_start3A_75] : memref<10240x16xf32, #tpu.memory_space<vmem_shared>> -> memref<625x16xf32, #tpu.memory_space<vmem_shared>>
      %dma_start3A_77 = arith.constant 0 : i32
      %dma_start3A_78 = arith.constant 0 : i32
      %dma_start3A_79 = tpu.memref_slice %arg14[%dma_start3A_77, %dma_start3A_78] : memref<640x16xf32, #tpu.memory_space<vmem>> -> memref<625x16xf32, #tpu.memory_space<vmem>>
      %dma_start3A_80 = arith.constant 0 : i32
      %dma_start3A_81 = tpu.memref_slice %arg18[%mul3A_2, %dma_start3A_80] : memref<10240x16xf32, #tpu.memory_space<vmem_shared>> -> memref<625x16xf32, #tpu.memory_space<vmem_shared>>
      tpu.enqueue_dma source(%dma_start3A_81 : memref<625x16xf32, #tpu.memory_space<vmem_shared>>) target(%dma_start3A_79 : memref<625x16xf32, #tpu.memory_space<vmem>>) target_semaphore(%run_scoped3A_71 : memref<!tpu.dma_semaphore, #tpu.memory_space<semaphore_mem>>)
      %dma_wait3A_82 = arith.constant 0 : i32
      %dma_wait3A_83 = arith.constant 0 : i32
      %dma_wait3A_84 = tpu.memref_slice %arg14[%dma_wait3A_82, %dma_wait3A_83] : memref<640x16xf32, #tpu.memory_space<vmem>> -> memref<625x16xf32, #tpu.memory_space<vmem>>
      %dma_wait3A_85 = arith.constant 0 : i32
      %dma_wait3A_86 = tpu.memref_slice %arg18[%mul3A_2, %dma_wait3A_85] : memref<10240x16xf32, #tpu.memory_space<vmem_shared>> -> memref<625x16xf32, #tpu.memory_space<vmem_shared>>
      %dma_wait3A_87 = arith.constant 0 : i32
      %dma_wait3A_88 = arith.constant 0 : i32
      %dma_wait3A_89 = tpu.memref_slice %arg14[%dma_wait3A_87, %dma_wait3A_88] : memref<640x16xf32, #tpu.memory_space<vmem>> -> memref<625x16xf32, #tpu.memory_space<vmem>>
      %dma_wait3A_90 = arith.constant 0 : i32
      %dma_wait3A_91 = tpu.memref_slice %arg18[%mul3A_2, %dma_wait3A_90] : memref<10240x16xf32, #tpu.memory_space<vmem_shared>> -> memref<625x16xf32, #tpu.memory_space<vmem_shared>>
      tpu.wait_dma2 semaphore(%run_scoped3A_71 : memref<!tpu.dma_semaphore, #tpu.memory_space<semaphore_mem>>) src(%dma_wait3A_91 : memref<625x16xf32, #tpu.memory_space<vmem_shared>>) dst(%dma_wait3A_89 : memref<625x16xf32, #tpu.memory_space<vmem>>)
      tpu.yield
    }) : () -> ()
    %scan3A_17 = arith.constant 0 : i32
    %scan3A_18 = arith.constant 0 : i32
    %scan3A_19 = arith.constant 125 : i32
    %scan3A_20 = arith.addi %scan3A_18, %scan3A_19 : i32
    %scan3A_21 = arith.constant 1 : i32
    scf.for %scan3A_71 = %scan3A_18 to %scan3A_20 step %scan3A_21  : i32 {
      %mul3A_72 = arith.constant 5 : i32
      %mul3A_73 = arith.muli %scan3A_71, %mul3A_72 : i32
      %add3A_74 = arith.constant 0 : i32
      %add3A_75 = arith.addi %mul3A_73, %add3A_74 : i32
      %get3A = arith.index_cast %add3A_75 : i32 to index
      %get3A_76 = arith.constant 0 : index
      %get3A_77 = tpu.vector_load %arg15[%get3A, %get3A_76] {strides = array<i32>} : memref<625x16xf32, #tpu.memory_space<vmem>>, vector<16xf32>,
      %get3A_78 = arith.index_cast %add3A_75 : i32 to index
      %get3A_79 = arith.constant 0 : index
      %get3A_80 = tpu.vector_load %arg14[%get3A_78, %get3A_79] {strides = array<i32>} : memref<640x16xf32, #tpu.memory_space<vmem>>, vector<16xf32>,
      %mul3A_81 = arith.mulf %get3A_77, %get3A_80 : vector<16xf32>
      %swap3A = arith.index_cast %add3A_75 : i32 to index
      %swap3A_82 = arith.constant 0 : index
      %swap3A_83 = tpu.vector_load %arg15[%swap3A, %swap3A_82] {strides = array<i32>} : memref<625x16xf32, #tpu.memory_space<vmem>>, vector<16xf32>,
      tpu.vector_store %arg15[%swap3A, %swap3A_82], %mul3A_81 {strides = array<i32>} : memref<625x16xf32, #tpu.memory_space<vmem>>, vector<16xf32>,
      %mul3A_84 = arith.constant 5 : i32
      %mul3A_85 = arith.muli %scan3A_71, %mul3A_84 : i32
      %add3A_86 = arith.constant 1 : i32
      %add3A_87 = arith.addi %mul3A_85, %add3A_86 : i32
      %get3A_88 = arith.index_cast %add3A_87 : i32 to index
      %get3A_89 = arith.constant 0 : index
      %get3A_90 = tpu.vector_load %arg15[%get3A_88, %get3A_89] {strides = array<i32>} : memref<625x16xf32, #tpu.memory_space<vmem>>, vector<16xf32>,
      %get3A_91 = arith.index_cast %add3A_87 : i32 to index
      %get3A_92 = arith.constant 0 : index
      %get3A_93 = tpu.vector_load %arg14[%get3A_91, %get3A_92] {strides = array<i32>} : memref<640x16xf32, #tpu.memory_space<vmem>>, vector<16xf32>,
      %mul3A_94 = arith.mulf %get3A_90, %get3A_93 : vector<16xf32>
      %swap3A_95 = arith.index_cast %add3A_87 : i32 to index
      %swap3A_96 = arith.constant 0 : index
      %swap3A_97 = tpu.vector_load %arg15[%swap3A_95, %swap3A_96] {strides = array<i32>} : memref<625x16xf32, #tpu.memory_space<vmem>>, vector<16xf32>,
      tpu.vector_store %arg15[%swap3A_95, %swap3A_96], %mul3A_94 {strides = array<i32>} : memref<625x16xf32, #tpu.memory_space<vmem>>, vector<16xf32>,
      %mul3A_98 = arith.constant 5 : i32
      %mul3A_99 = arith.muli %scan3A_71, %mul3A_98 : i32
      %add3A_100 = arith.constant 2 : i32
      %add3A_101 = arith.addi %mul3A_99, %add3A_100 : i32
      %get3A_102 = arith.index_cast %add3A_101 : i32 to index
      %get3A_103 = arith.constant 0 : index
      %get3A_104 = tpu.vector_load %arg15[%get3A_102, %get3A_103] {strides = array<i32>} : memref<625x16xf32, #tpu.memory_space<vmem>>, vector<16xf32>,
      %get3A_105 = arith.index_cast %add3A_101 : i32 to index
      %get3A_106 = arith.constant 0 : index
      %get3A_107 = tpu.vector_load %arg14[%get3A_105, %get3A_106] {strides = array<i32>} : memref<640x16xf32, #tpu.memory_space<vmem>>, vector<16xf32>,
      %mul3A_108 = arith.mulf %get3A_104, %get3A_107 : vector<16xf32>
      %swap3A_109 = arith.index_cast %add3A_101 : i32 to index
      %swap3A_110 = arith.constant 0 : index
      %swap3A_111 = tpu.vector_load %arg15[%swap3A_109, %swap3A_110] {strides = array<i32>} : memref<625x16xf32, #tpu.memory_space<vmem>>, vector<16xf32>,
      tpu.vector_store %arg15[%swap3A_109, %swap3A_110], %mul3A_108 {strides = array<i32>} : memref<625x16xf32, #tpu.memory_space<vmem>>, vector<16xf32>,
      %mul3A_112 = arith.constant 5 : i32
      %mul3A_113 = arith.muli %scan3A_71, %mul3A_112 : i32
      %add3A_114 = arith.constant 3 : i32
      %add3A_115 = arith.addi %mul3A_113, %add3A_114 : i32
      %get3A_116 = arith.index_cast %add3A_115 : i32 to index
      %get3A_117 = arith.constant 0 : index
      %get3A_118 = tpu.vector_load %arg15[%get3A_116, %get3A_117] {strides = array<i32>} : memref<625x16xf32, #tpu.memory_space<vmem>>, vector<16xf32>,
      %get3A_119 = arith.index_cast %add3A_115 : i32 to index
      %get3A_120 = arith.constant 0 : index
      %get3A_121 = tpu.vector_load %arg14[%get3A_119, %get3A_120] {strides = array<i32>} : memref<640x16xf32, #tpu.memory_space<vmem>>, vector<16xf32>,
      %mul3A_122 = arith.mulf %get3A_118, %get3A_121 : vector<16xf32>
      %swap3A_123 = arith.index_cast %add3A_115 : i32 to index
      %swap3A_124 = arith.constant 0 : index
      %swap3A_125 = tpu.vector_load %arg15[%swap3A_123, %swap3A_124] {strides = array<i32>} : memref<625x16xf32, #tpu.memory_space<vmem>>, vector<16xf32>,
      tpu.vector_store %arg15[%swap3A_123, %swap3A_124], %mul3A_122 {strides = array<i32>} : memref<625x16xf32, #tpu.memory_space<vmem>>, vector<16xf32>,
      %mul3A_126 = arith.constant 5 : i32
      %mul3A_127 = arith.muli %scan3A_71, %mul3A_126 : i32
      %add3A_128 = arith.constant 4 : i32
      %add3A_129 = arith.addi %mul3A_127, %add3A_128 : i32
      %get3A_130 = arith.index_cast %add3A_129 : i32 to index
      %get3A_131 = arith.constant 0 : index
      %get3A_132 = tpu.vector_load %arg15[%get3A_130, %get3A_131] {strides = array<i32>} : memref<625x16xf32, #tpu.memory_space<vmem>>, vector<16xf32>,
      %get3A_133 = arith.index_cast %add3A_129 : i32 to index
      %get3A_134 = arith.constant 0 : index
      %get3A_135 = tpu.vector_load %arg14[%get3A_133, %get3A_134] {strides = array<i32>} : memref<640x16xf32, #tpu.memory_space<vmem>>, vector<16xf32>,
      %mul3A_136 = arith.mulf %get3A_132, %get3A_135 : vector<16xf32>
      %swap3A_137 = arith.index_cast %add3A_129 : i32 to index
      %swap3A_138 = arith.constant 0 : index
      %swap3A_139 = tpu.vector_load %arg15[%swap3A_137, %swap3A_138] {strides = array<i32>} : memref<625x16xf32, #tpu.memory_space<vmem>>, vector<16xf32>,
      tpu.vector_store %arg15[%swap3A_137, %swap3A_138], %mul3A_136 {strides = array<i32>} : memref<625x16xf32, #tpu.memory_space<vmem>>, vector<16xf32>,
    }
    %scan3A_22 = arith.constant 125 : i32
    "tpu.region"() ({
      %run_scoped3A_71 = tpu.sem_alloc : memref<!tpu.dma_semaphore, #tpu.memory_space<semaphore_mem>>
      %dma_start3A_72 = arith.constant 0 : i32
      %dma_start3A_73 = tpu.memref_slice %arg16[%mul3A_2, %dma_start3A_72] : memref<10240x16xf32, #tpu.memory_space<vmem_shared>> -> memref<625x16xf32, #tpu.memory_space<vmem_shared>>
      %dma_start3A_74 = arith.constant 0 : i32
      %dma_start3A_75 = tpu.memref_slice %arg16[%mul3A_2, %dma_start3A_74] : memref<10240x16xf32, #tpu.memory_space<vmem_shared>> -> memref<625x16xf32, #tpu.memory_space<vmem_shared>>
      tpu.enqueue_dma source(%arg15 : memref<625x16xf32, #tpu.memory_space<vmem>>) target(%dma_start3A_75 : memref<625x16xf32, #tpu.memory_space<vmem_shared>>) target_semaphore(%run_scoped3A_71 : memref<!tpu.dma_semaphore, #tpu.memory_space<semaphore_mem>>)
      %dma_wait3A_76 = arith.constant 0 : i32
      %dma_wait3A_77 = tpu.memref_slice %arg16[%mul3A_2, %dma_wait3A_76] : memref<10240x16xf32, #tpu.memory_space<vmem_shared>> -> memref<625x16xf32, #tpu.memory_space<vmem_shared>>
      %dma_wait3A_78 = arith.constant 0 : i32
      %dma_wait3A_79 = tpu.memref_slice %arg16[%mul3A_2, %dma_wait3A_78] : memref<10240x16xf32, #tpu.memory_space<vmem_shared>> -> memref<625x16xf32, #tpu.memory_space<vmem_shared>>
      tpu.wait_dma2 semaphore(%run_scoped3A_71 : memref<!tpu.dma_semaphore, #tpu.memory_space<semaphore_mem>>) src(%arg15 : memref<625x16xf32, #tpu.memory_space<vmem>>) dst(%dma_wait3A_79 : memref<625x16xf32, #tpu.memory_space<vmem_shared>>)
      tpu.yield
    }) : () -> ()
    %eq3A = arith.constant 0 : i32
    %eq3A_23 = arith.cmpi eq, %arg0, %eq3A : i32
    %convert_element_type3A = arith.extui %eq3A_23 : i1 to i32
    %cond3A = arith.constant 0 : i32
    %cond3A_24 = arith.cmpi ne, %convert_element_type3A, %cond3A : i32
    scf.if %cond3A_24 {
      "tpu.region"() ({
        %run_scoped3A_71 = tpu.sem_alloc : memref<!tpu.dma_semaphore, #tpu.memory_space<semaphore_mem>>
        %dma_start3A_72 = arith.constant 0 : i32
        %dma_start3A_73 = tpu.memref_slice %arg7[%mul3A_2, %dma_start3A_72] : memref<10000x16xf32, #tpu.memory_space<hbm>> -> memref<625x16xf32, #tpu.memory_space<hbm>>
        %dma_start3A_74 = arith.constant 0 : i32
        %dma_start3A_75 = tpu.memref_slice %arg7[%mul3A_2, %dma_start3A_74] : memref<10000x16xf32, #tpu.memory_space<hbm>> -> memref<625x16xf32, #tpu.memory_space<hbm>>
        tpu.enqueue_dma source(%arg15 : memref<625x16xf32, #tpu.memory_space<vmem>>) target(%dma_start3A_75 : memref<625x16xf32, #tpu.memory_space<hbm>>) target_semaphore(%run_scoped3A_71 : memref<!tpu.dma_semaphore, #tpu.memory_space<semaphore_mem>>)
        %dma_wait3A_76 = arith.constant 0 : i32
        %dma_wait3A_77 = tpu.memref_slice %arg7[%mul3A_2, %dma_wait3A_76] : memref<10000x16xf32, #tpu.memory_space<hbm>> -> memref<625x16xf32, #tpu.memory_space<hbm>>
        %dma_wait3A_78 = arith.constant 0 : i32
        %dma_wait3A_79 = tpu.memref_slice %arg7[%mul3A_2, %dma_wait3A_78] : memref<10000x16xf32, #tpu.memory_space<hbm>> -> memref<625x16xf32, #tpu.memory_space<hbm>>
        tpu.wait_dma2 semaphore(%run_scoped3A_71 : memref<!tpu.dma_semaphore, #tpu.memory_space<semaphore_mem>>) src(%arg15 : memref<625x16xf32, #tpu.memory_space<vmem>>) dst(%dma_wait3A_79 : memref<625x16xf32, #tpu.memory_space<hbm>>)
        tpu.yield
      }) : () -> ()
      "tpu.region"() ({
        %run_scoped3A_71 = tpu.sem_alloc : memref<!tpu.dma_semaphore, #tpu.memory_space<semaphore_mem>>
        %dma_start3A_72 = arith.constant 0 : i32
        %dma_start3A_73 = arith.constant 0 : i32
        %dma_start3A_74 = tpu.memref_slice %arg14[%dma_start3A_72, %dma_start3A_73] : memref<640x16xf32, #tpu.memory_space<vmem>> -> memref<625x16xf32, #tpu.memory_space<vmem>>
        %dma_start3A_75 = arith.constant 0 : i32
        %dma_start3A_76 = tpu.memref_slice %arg8[%mul3A_2, %dma_start3A_75] : memref<10000x16xf32, #tpu.memory_space<hbm>> -> memref<625x16xf32, #tpu.memory_space<hbm>>
        %dma_start3A_77 = arith.constant 0 : i32
        %dma_start3A_78 = tpu.memref_slice %arg8[%mul3A_2, %dma_start3A_77] : memref<10000x16xf32, #tpu.memory_space<hbm>> -> memref<625x16xf32, #tpu.memory_space<hbm>>
        %dma_start3A_79 = arith.constant 0 : i32
        %dma_start3A_80 = arith.constant 0 : i32
        %dma_start3A_81 = tpu.memref_slice %arg14[%dma_start3A_79, %dma_start3A_80] : memref<640x16xf32, #tpu.memory_space<vmem>> -> memref<625x16xf32, #tpu.memory_space<vmem>>
        tpu.enqueue_dma source(%dma_start3A_81 : memref<625x16xf32, #tpu.memory_space<vmem>>) target(%dma_start3A_78 : memref<625x16xf32, #tpu.memory_space<hbm>>) target_semaphore(%run_scoped3A_71 : memref<!tpu.dma_semaphore, #tpu.memory_space<semaphore_mem>>)
        %dma_wait3A_82 = arith.constant 0 : i32
        %dma_wait3A_83 = arith.constant 0 : i32
        %dma_wait3A_84 = tpu.memref_slice %arg14[%dma_wait3A_82, %dma_wait3A_83] : memref<640x16xf32, #tpu.memory_space<vmem>> -> memref<625x16xf32, #tpu.memory_space<vmem>>
        %dma_wait3A_85 = arith.constant 0 : i32
        %dma_wait3A_86 = tpu.memref_slice %arg8[%mul3A_2, %dma_wait3A_85] : memref<10000x16xf32, #tpu.memory_space<hbm>> -> memref<625x16xf32, #tpu.memory_space<hbm>>
        %dma_wait3A_87 = arith.constant 0 : i32
        %dma_wait3A_88 = tpu.memref_slice %arg8[%mul3A_2, %dma_wait3A_87] : memref<10000x16xf32, #tpu.memory_space<hbm>> -> memref<625x16xf32, #tpu.memory_space<hbm>>
        %dma_wait3A_89 = arith.constant 0 : i32
        %dma_wait3A_90 = arith.constant 0 : i32
        %dma_wait3A_91 = tpu.memref_slice %arg14[%dma_wait3A_89, %dma_wait3A_90] : memref<640x16xf32, #tpu.memory_space<vmem>> -> memref<625x16xf32, #tpu.memory_space<vmem>>
        tpu.wait_dma2 semaphore(%run_scoped3A_71 : memref<!tpu.dma_semaphore, #tpu.memory_space<semaphore_mem>>) src(%dma_wait3A_91 : memref<625x16xf32, #tpu.memory_space<vmem>>) dst(%dma_wait3A_88 : memref<625x16xf32, #tpu.memory_space<hbm>>)
        tpu.yield
      }) : () -> ()
    } else {
    }
    %barrier3A_25 = arith.constant 0 : index
    tpu.barrier barrier_id(%barrier3A_25)
    %scan3A_26 = arith.constant 0 : i32
    %scan3A_27 = arith.constant 0 : i32
    %scan3A_28 = arith.constant 6 : i32
    %scan3A_29 = arith.addi %scan3A_27, %scan3A_28 : i32
    %scan3A_30 = arith.constant 1 : i32
    scf.for %scan3A_71 = %scan3A_27 to %scan3A_29 step %scan3A_30  : i32 {
      %mul3A_72 = arith.constant 13 : i32
      %mul3A_73 = arith.muli %scan3A_71, %mul3A_72 : i32
      %add3A_74 = arith.constant 0 : i32
      %add3A_75 = arith.addi %mul3A_73, %add3A_74 : i32
      %mul3A_76 = arith.constant 128 : i32
      %mul3A_77 = arith.muli %add3A_75, %mul3A_76 : i32
      %dma_start3A_78 = arith.constant 0 : i32
      %dma_start3A_79 = arith.constant 0 : i32
      %dma_start3A_80 = arith.constant 0 : i32
      %dma_start3A_81 = tpu.memref_slice %arg11[%dma_start3A_78, %dma_start3A_79, %dma_start3A_80] : memref<13x128x16xf32, #tpu.memory_space<vmem>> -> memref<1x128x16xf32, #tpu.memory_space<vmem>>
      %dma_start3A_82 = tpu.memref_squeeze %dma_start3A_81 : memref<1x128x16xf32, #tpu.memory_space<vmem>> -> memref<128x16xf32, #tpu.memory_space<vmem>>
      %dma_start3A_83 = tpu.memref_slice %arg9[%mul3A_77] : memref<10000xi32, #tpu.memory_space<vmem>> -> memref<128xi32, #tpu.memory_space<vmem>>
      %dma_start3A_84 = arith.constant 0 : i32
      %dma_start3A_85 = arith.constant 0 : i32
      %dma_start3A_86 = tpu.memref_slice %arg16[%dma_start3A_84, %dma_start3A_85] : memref<10240x16xf32, #tpu.memory_space<vmem_shared>> -> memref<10240x16xf32, #tpu.memory_space<vmem_shared>>
      tpu.enqueue_indirect_dma source(%dma_start3A_86 : memref<10240x16xf32, #tpu.memory_space<vmem_shared>>) target(%dma_start3A_82 : memref<128x16xf32, #tpu.memory_space<vmem>>) offsets(%dma_start3A_83 : memref<128xi32, #tpu.memory_space<vmem>>) semaphore(%arg19 : memref<!tpu.dma_semaphore, #tpu.memory_space<semaphore_mem>>)
      %mul3A_87 = arith.constant 13 : i32
      %mul3A_88 = arith.muli %scan3A_71, %mul3A_87 : i32
      %add3A_89 = arith.constant 1 : i32
      %add3A_90 = arith.addi %mul3A_88, %add3A_89 : i32
      %mul3A_91 = arith.constant 128 : i32
      %mul3A_92 = arith.muli %add3A_90, %mul3A_91 : i32
      %dma_start3A_93 = arith.constant 1 : i32
      %dma_start3A_94 = arith.constant 0 : i32
      %dma_start3A_95 = arith.constant 0 : i32
      %dma_start3A_96 = tpu.memref_slice %arg11[%dma_start3A_93, %dma_start3A_94, %dma_start3A_95] : memref<13x128x16xf32, #tpu.memory_space<vmem>> -> memref<1x128x16xf32, #tpu.memory_space<vmem>>
      %dma_start3A_97 = tpu.memref_squeeze %dma_start3A_96 : memref<1x128x16xf32, #tpu.memory_space<vmem>> -> memref<128x16xf32, #tpu.memory_space<vmem>>
      %dma_start3A_98 = tpu.memref_slice %arg9[%mul3A_92] : memref<10000xi32, #tpu.memory_space<vmem>> -> memref<128xi32, #tpu.memory_space<vmem>>
      %dma_start3A_99 = arith.constant 0 : i32
      %dma_start3A_100 = arith.constant 0 : i32
      %dma_start3A_101 = tpu.memref_slice %arg16[%dma_start3A_99, %dma_start3A_100] : memref<10240x16xf32, #tpu.memory_space<vmem_shared>> -> memref<10240x16xf32, #tpu.memory_space<vmem_shared>>
      tpu.enqueue_indirect_dma source(%dma_start3A_101 : memref<10240x16xf32, #tpu.memory_space<vmem_shared>>) target(%dma_start3A_97 : memref<128x16xf32, #tpu.memory_space<vmem>>) offsets(%dma_start3A_98 : memref<128xi32, #tpu.memory_space<vmem>>) semaphore(%arg19 : memref<!tpu.dma_semaphore, #tpu.memory_space<semaphore_mem>>)
      %mul3A_102 = arith.constant 13 : i32
      %mul3A_103 = arith.muli %scan3A_71, %mul3A_102 : i32
      %add3A_104 = arith.constant 2 : i32
      %add3A_105 = arith.addi %mul3A_103, %add3A_104 : i32
      %mul3A_106 = arith.constant 128 : i32
      %mul3A_107 = arith.muli %add3A_105, %mul3A_106 : i32
      %dma_start3A_108 = arith.constant 2 : i32
      %dma_start3A_109 = arith.constant 0 : i32
      %dma_start3A_110 = arith.constant 0 : i32
      %dma_start3A_111 = tpu.memref_slice %arg11[%dma_start3A_108, %dma_start3A_109, %dma_start3A_110] : memref<13x128x16xf32, #tpu.memory_space<vmem>> -> memref<1x128x16xf32, #tpu.memory_space<vmem>>
      %dma_start3A_112 = tpu.memref_squeeze %dma_start3A_111 : memref<1x128x16xf32, #tpu.memory_space<vmem>> -> memref<128x16xf32, #tpu.memory_space<vmem>>
      %dma_start3A_113 = tpu.memref_slice %arg9[%mul3A_107] : memref<10000xi32, #tpu.memory_space<vmem>> -> memref<128xi32, #tpu.memory_space<vmem>>
      %dma_start3A_114 = arith.constant 0 : i32
      %dma_start3A_115 = arith.constant 0 : i32
      %dma_start3A_116 = tpu.memref_slice %arg16[%dma_start3A_114, %dma_start3A_115] : memref<10240x16xf32, #tpu.memory_space<vmem_shared>> -> memref<10240x16xf32, #tpu.memory_space<vmem_shared>>
      tpu.enqueue_indirect_dma source(%dma_start3A_116 : memref<10240x16xf32, #tpu.memory_space<vmem_shared>>) target(%dma_start3A_112 : memref<128x16xf32, #tpu.memory_space<vmem>>) offsets(%dma_start3A_113 : memref<128xi32, #tpu.memory_space<vmem>>) semaphore(%arg19 : memref<!tpu.dma_semaphore, #tpu.memory_space<semaphore_mem>>)
      %mul3A_117 = arith.constant 13 : i32
      %mul3A_118 = arith.muli %scan3A_71, %mul3A_117 : i32
      %add3A_119 = arith.constant 3 : i32
      %add3A_120 = arith.addi %mul3A_118, %add3A_119 : i32
      %mul3A_121 = arith.constant 128 : i32
      %mul3A_122 = arith.muli %add3A_120, %mul3A_121 : i32
      %dma_start3A_123 = arith.constant 3 : i32
      %dma_start3A_124 = arith.constant 0 : i32
      %dma_start3A_125 = arith.constant 0 : i32
      %dma_start3A_126 = tpu.memref_slice %arg11[%dma_start3A_123, %dma_start3A_124, %dma_start3A_125] : memref<13x128x16xf32, #tpu.memory_space<vmem>> -> memref<1x128x16xf32, #tpu.memory_space<vmem>>
      %dma_start3A_127 = tpu.memref_squeeze %dma_start3A_126 : memref<1x128x16xf32, #tpu.memory_space<vmem>> -> memref<128x16xf32, #tpu.memory_space<vmem>>
      %dma_start3A_128 = tpu.memref_slice %arg9[%mul3A_122] : memref<10000xi32, #tpu.memory_space<vmem>> -> memref<128xi32, #tpu.memory_space<vmem>>
      %dma_start3A_129 = arith.constant 0 : i32
      %dma_start3A_130 = arith.constant 0 : i32
      %dma_start3A_131 = tpu.memref_slice %arg16[%dma_start3A_129, %dma_start3A_130] : memref<10240x16xf32, #tpu.memory_space<vmem_shared>> -> memref<10240x16xf32, #tpu.memory_space<vmem_shared>>
      tpu.enqueue_indirect_dma source(%dma_start3A_131 : memref<10240x16xf32, #tpu.memory_space<vmem_shared>>) target(%dma_start3A_127 : memref<128x16xf32, #tpu.memory_space<vmem>>) offsets(%dma_start3A_128 : memref<128xi32, #tpu.memory_space<vmem>>) semaphore(%arg19 : memref<!tpu.dma_semaphore, #tpu.memory_space<semaphore_mem>>)
      %mul3A_132 = arith.constant 13 : i32
      %mul3A_133 = arith.muli %scan3A_71, %mul3A_132 : i32
      %add3A_134 = arith.constant 4 : i32
      %add3A_135 = arith.addi %mul3A_133, %add3A_134 : i32
      %mul3A_136 = arith.constant 128 : i32
      %mul3A_137 = arith.muli %add3A_135, %mul3A_136 : i32
      %dma_start3A_138 = arith.constant 4 : i32
      %dma_start3A_139 = arith.constant 0 : i32
      %dma_start3A_140 = arith.constant 0 : i32
      %dma_start3A_141 = tpu.memref_slice %arg11[%dma_start3A_138, %dma_start3A_139, %dma_start3A_140] : memref<13x128x16xf32, #tpu.memory_space<vmem>> -> memref<1x128x16xf32, #tpu.memory_space<vmem>>
      %dma_start3A_142 = tpu.memref_squeeze %dma_start3A_141 : memref<1x128x16xf32, #tpu.memory_space<vmem>> -> memref<128x16xf32, #tpu.memory_space<vmem>>
      %dma_start3A_143 = tpu.memref_slice %arg9[%mul3A_137] : memref<10000xi32, #tpu.memory_space<vmem>> -> memref<128xi32, #tpu.memory_space<vmem>>
      %dma_start3A_144 = arith.constant 0 : i32
      %dma_start3A_145 = arith.constant 0 : i32
      %dma_start3A_146 = tpu.memref_slice %arg16[%dma_start3A_144, %dma_start3A_145] : memref<10240x16xf32, #tpu.memory_space<vmem_shared>> -> memref<10240x16xf32, #tpu.memory_space<vmem_shared>>
      tpu.enqueue_indirect_dma source(%dma_start3A_146 : memref<10240x16xf32, #tpu.memory_space<vmem_shared>>) target(%dma_start3A_142 : memref<128x16xf32, #tpu.memory_space<vmem>>) offsets(%dma_start3A_143 : memref<128xi32, #tpu.memory_space<vmem>>) semaphore(%arg19 : memref<!tpu.dma_semaphore, #tpu.memory_space<semaphore_mem>>)
      %mul3A_147 = arith.constant 13 : i32
      %mul3A_148 = arith.muli %scan3A_71, %mul3A_147 : i32
      %add3A_149 = arith.constant 5 : i32
      %add3A_150 = arith.addi %mul3A_148, %add3A_149 : i32
      %mul3A_151 = arith.constant 128 : i32
      %mul3A_152 = arith.muli %add3A_150, %mul3A_151 : i32
      %dma_start3A_153 = arith.constant 5 : i32
      %dma_start3A_154 = arith.constant 0 : i32
      %dma_start3A_155 = arith.constant 0 : i32
      %dma_start3A_156 = tpu.memref_slice %arg11[%dma_start3A_153, %dma_start3A_154, %dma_start3A_155] : memref<13x128x16xf32, #tpu.memory_space<vmem>> -> memref<1x128x16xf32, #tpu.memory_space<vmem>>
      %dma_start3A_157 = tpu.memref_squeeze %dma_start3A_156 : memref<1x128x16xf32, #tpu.memory_space<vmem>> -> memref<128x16xf32, #tpu.memory_space<vmem>>
      %dma_start3A_158 = tpu.memref_slice %arg9[%mul3A_152] : memref<10000xi32, #tpu.memory_space<vmem>> -> memref<128xi32, #tpu.memory_space<vmem>>
      %dma_start3A_159 = arith.constant 0 : i32
      %dma_start3A_160 = arith.constant 0 : i32
      %dma_start3A_161 = tpu.memref_slice %arg16[%dma_start3A_159, %dma_start3A_160] : memref<10240x16xf32, #tpu.memory_space<vmem_shared>> -> memref<10240x16xf32, #tpu.memory_space<vmem_shared>>
      tpu.enqueue_indirect_dma source(%dma_start3A_161 : memref<10240x16xf32, #tpu.memory_space<vmem_shared>>) target(%dma_start3A_157 : memref<128x16xf32, #tpu.memory_space<vmem>>) offsets(%dma_start3A_158 : memref<128xi32, #tpu.memory_space<vmem>>) semaphore(%arg19 : memref<!tpu.dma_semaphore, #tpu.memory_space<semaphore_mem>>)
      %mul3A_162 = arith.constant 13 : i32
      %mul3A_163 = arith.muli %scan3A_71, %mul3A_162 : i32
      %add3A_164 = arith.constant 6 : i32
      %add3A_165 = arith.addi %mul3A_163, %add3A_164 : i32
      %mul3A_166 = arith.constant 128 : i32
      %mul3A_167 = arith.muli %add3A_165, %mul3A_166 : i32
      %dma_start3A_168 = arith.constant 6 : i32
      %dma_start3A_169 = arith.constant 0 : i32
      %dma_start3A_170 = arith.constant 0 : i32
      %dma_start3A_171 = tpu.memref_slice %arg11[%dma_start3A_168, %dma_start3A_169, %dma_start3A_170] : memref<13x128x16xf32, #tpu.memory_space<vmem>> -> memref<1x128x16xf32, #tpu.memory_space<vmem>>
      %dma_start3A_172 = tpu.memref_squeeze %dma_start3A_171 : memref<1x128x16xf32, #tpu.memory_space<vmem>> -> memref<128x16xf32, #tpu.memory_space<vmem>>
      %dma_start3A_173 = tpu.memref_slice %arg9[%mul3A_167] : memref<10000xi32, #tpu.memory_space<vmem>> -> memref<128xi32, #tpu.memory_space<vmem>>
      %dma_start3A_174 = arith.constant 0 : i32
      %dma_start3A_175 = arith.constant 0 : i32
      %dma_start3A_176 = tpu.memref_slice %arg16[%dma_start3A_174, %dma_start3A_175] : memref<10240x16xf32, #tpu.memory_space<vmem_shared>> -> memref<10240x16xf32, #tpu.memory_space<vmem_shared>>
      tpu.enqueue_indirect_dma source(%dma_start3A_176 : memref<10240x16xf32, #tpu.memory_space<vmem_shared>>) target(%dma_start3A_172 : memref<128x16xf32, #tpu.memory_space<vmem>>) offsets(%dma_start3A_173 : memref<128xi32, #tpu.memory_space<vmem>>) semaphore(%arg19 : memref<!tpu.dma_semaphore, #tpu.memory_space<semaphore_mem>>)
      %mul3A_177 = arith.constant 13 : i32
      %mul3A_178 = arith.muli %scan3A_71, %mul3A_177 : i32
      %add3A_179 = arith.constant 7 : i32
      %add3A_180 = arith.addi %mul3A_178, %add3A_179 : i32
      %mul3A_181 = arith.constant 128 : i32
      %mul3A_182 = arith.muli %add3A_180, %mul3A_181 : i32
      %dma_start3A_183 = arith.constant 7 : i32
      %dma_start3A_184 = arith.constant 0 : i32
      %dma_start3A_185 = arith.constant 0 : i32
      %dma_start3A_186 = tpu.memref_slice %arg11[%dma_start3A_183, %dma_start3A_184, %dma_start3A_185] : memref<13x128x16xf32, #tpu.memory_space<vmem>> -> memref<1x128x16xf32, #tpu.memory_space<vmem>>
      %dma_start3A_187 = tpu.memref_squeeze %dma_start3A_186 : memref<1x128x16xf32, #tpu.memory_space<vmem>> -> memref<128x16xf32, #tpu.memory_space<vmem>>
      %dma_start3A_188 = tpu.memref_slice %arg9[%mul3A_182] : memref<10000xi32, #tpu.memory_space<vmem>> -> memref<128xi32, #tpu.memory_space<vmem>>
      %dma_start3A_189 = arith.constant 0 : i32
      %dma_start3A_190 = arith.constant 0 : i32
      %dma_start3A_191 = tpu.memref_slice %arg16[%dma_start3A_189, %dma_start3A_190] : memref<10240x16xf32, #tpu.memory_space<vmem_shared>> -> memref<10240x16xf32, #tpu.memory_space<vmem_shared>>
      tpu.enqueue_indirect_dma source(%dma_start3A_191 : memref<10240x16xf32, #tpu.memory_space<vmem_shared>>) target(%dma_start3A_187 : memref<128x16xf32, #tpu.memory_space<vmem>>) offsets(%dma_start3A_188 : memref<128xi32, #tpu.memory_space<vmem>>) semaphore(%arg19 : memref<!tpu.dma_semaphore, #tpu.memory_space<semaphore_mem>>)
      %mul3A_192 = arith.constant 13 : i32
      %mul3A_193 = arith.muli %scan3A_71, %mul3A_192 : i32
      %add3A_194 = arith.constant 8 : i32
      %add3A_195 = arith.addi %mul3A_193, %add3A_194 : i32
      %mul3A_196 = arith.constant 128 : i32
      %mul3A_197 = arith.muli %add3A_195, %mul3A_196 : i32
      %dma_start3A_198 = arith.constant 8 : i32
      %dma_start3A_199 = arith.constant 0 : i32
      %dma_start3A_200 = arith.constant 0 : i32
      %dma_start3A_201 = tpu.memref_slice %arg11[%dma_start3A_198, %dma_start3A_199, %dma_start3A_200] : memref<13x128x16xf32, #tpu.memory_space<vmem>> -> memref<1x128x16xf32, #tpu.memory_space<vmem>>
      %dma_start3A_202 = tpu.memref_squeeze %dma_start3A_201 : memref<1x128x16xf32, #tpu.memory_space<vmem>> -> memref<128x16xf32, #tpu.memory_space<vmem>>
      %dma_start3A_203 = tpu.memref_slice %arg9[%mul3A_197] : memref<10000xi32, #tpu.memory_space<vmem>> -> memref<128xi32, #tpu.memory_space<vmem>>
      %dma_start3A_204 = arith.constant 0 : i32
      %dma_start3A_205 = arith.constant 0 : i32
      %dma_start3A_206 = tpu.memref_slice %arg16[%dma_start3A_204, %dma_start3A_205] : memref<10240x16xf32, #tpu.memory_space<vmem_shared>> -> memref<10240x16xf32, #tpu.memory_space<vmem_shared>>
      tpu.enqueue_indirect_dma source(%dma_start3A_206 : memref<10240x16xf32, #tpu.memory_space<vmem_shared>>) target(%dma_start3A_202 : memref<128x16xf32, #tpu.memory_space<vmem>>) offsets(%dma_start3A_203 : memref<128xi32, #tpu.memory_space<vmem>>) semaphore(%arg19 : memref<!tpu.dma_semaphore, #tpu.memory_space<semaphore_mem>>)
      %mul3A_207 = arith.constant 13 : i32
      %mul3A_208 = arith.muli %scan3A_71, %mul3A_207 : i32
      %add3A_209 = arith.constant 9 : i32
      %add3A_210 = arith.addi %mul3A_208, %add3A_209 : i32
      %mul3A_211 = arith.constant 128 : i32
      %mul3A_212 = arith.muli %add3A_210, %mul3A_211 : i32
      %dma_start3A_213 = arith.constant 9 : i32
      %dma_start3A_214 = arith.constant 0 : i32
      %dma_start3A_215 = arith.constant 0 : i32
      %dma_start3A_216 = tpu.memref_slice %arg11[%dma_start3A_213, %dma_start3A_214, %dma_start3A_215] : memref<13x128x16xf32, #tpu.memory_space<vmem>> -> memref<1x128x16xf32, #tpu.memory_space<vmem>>
      %dma_start3A_217 = tpu.memref_squeeze %dma_start3A_216 : memref<1x128x16xf32, #tpu.memory_space<vmem>> -> memref<128x16xf32, #tpu.memory_space<vmem>>
      %dma_start3A_218 = tpu.memref_slice %arg9[%mul3A_212] : memref<10000xi32, #tpu.memory_space<vmem>> -> memref<128xi32, #tpu.memory_space<vmem>>
      %dma_start3A_219 = arith.constant 0 : i32
      %dma_start3A_220 = arith.constant 0 : i32
      %dma_start3A_221 = tpu.memref_slice %arg16[%dma_start3A_219, %dma_start3A_220] : memref<10240x16xf32, #tpu.memory_space<vmem_shared>> -> memref<10240x16xf32, #tpu.memory_space<vmem_shared>>
      tpu.enqueue_indirect_dma source(%dma_start3A_221 : memref<10240x16xf32, #tpu.memory_space<vmem_shared>>) target(%dma_start3A_217 : memref<128x16xf32, #tpu.memory_space<vmem>>) offsets(%dma_start3A_218 : memref<128xi32, #tpu.memory_space<vmem>>) semaphore(%arg19 : memref<!tpu.dma_semaphore, #tpu.memory_space<semaphore_mem>>)
      %mul3A_222 = arith.constant 13 : i32
      %mul3A_223 = arith.muli %scan3A_71, %mul3A_222 : i32
      %add3A_224 = arith.constant 10 : i32
      %add3A_225 = arith.addi %mul3A_223, %add3A_224 : i32
      %mul3A_226 = arith.constant 128 : i32
      %mul3A_227 = arith.muli %add3A_225, %mul3A_226 : i32
      %dma_start3A_228 = arith.constant 10 : i32
      %dma_start3A_229 = arith.constant 0 : i32
      %dma_start3A_230 = arith.constant 0 : i32
      %dma_start3A_231 = tpu.memref_slice %arg11[%dma_start3A_228, %dma_start3A_229, %dma_start3A_230] : memref<13x128x16xf32, #tpu.memory_space<vmem>> -> memref<1x128x16xf32, #tpu.memory_space<vmem>>
      %dma_start3A_232 = tpu.memref_squeeze %dma_start3A_231 : memref<1x128x16xf32, #tpu.memory_space<vmem>> -> memref<128x16xf32, #tpu.memory_space<vmem>>
      %dma_start3A_233 = tpu.memref_slice %arg9[%mul3A_227] : memref<10000xi32, #tpu.memory_space<vmem>> -> memref<128xi32, #tpu.memory_space<vmem>>
      %dma_start3A_234 = arith.constant 0 : i32
      %dma_start3A_235 = arith.constant 0 : i32
      %dma_start3A_236 = tpu.memref_slice %arg16[%dma_start3A_234, %dma_start3A_235] : memref<10240x16xf32, #tpu.memory_space<vmem_shared>> -> memref<10240x16xf32, #tpu.memory_space<vmem_shared>>
      tpu.enqueue_indirect_dma source(%dma_start3A_236 : memref<10240x16xf32, #tpu.memory_space<vmem_shared>>) target(%dma_start3A_232 : memref<128x16xf32, #tpu.memory_space<vmem>>) offsets(%dma_start3A_233 : memref<128xi32, #tpu.memory_space<vmem>>) semaphore(%arg19 : memref<!tpu.dma_semaphore, #tpu.memory_space<semaphore_mem>>)
      %mul3A_237 = arith.constant 13 : i32
      %mul3A_238 = arith.muli %scan3A_71, %mul3A_237 : i32
      %add3A_239 = arith.constant 11 : i32
      %add3A_240 = arith.addi %mul3A_238, %add3A_239 : i32
      %mul3A_241 = arith.constant 128 : i32
      %mul3A_242 = arith.muli %add3A_240, %mul3A_241 : i32
      %dma_start3A_243 = arith.constant 11 : i32
      %dma_start3A_244 = arith.constant 0 : i32
      %dma_start3A_245 = arith.constant 0 : i32
      %dma_start3A_246 = tpu.memref_slice %arg11[%dma_start3A_243, %dma_start3A_244, %dma_start3A_245] : memref<13x128x16xf32, #tpu.memory_space<vmem>> -> memref<1x128x16xf32, #tpu.memory_space<vmem>>
      %dma_start3A_247 = tpu.memref_squeeze %dma_start3A_246 : memref<1x128x16xf32, #tpu.memory_space<vmem>> -> memref<128x16xf32, #tpu.memory_space<vmem>>
      %dma_start3A_248 = tpu.memref_slice %arg9[%mul3A_242] : memref<10000xi32, #tpu.memory_space<vmem>> -> memref<128xi32, #tpu.memory_space<vmem>>
      %dma_start3A_249 = arith.constant 0 : i32
      %dma_start3A_250 = arith.constant 0 : i32
      %dma_start3A_251 = tpu.memref_slice %arg16[%dma_start3A_249, %dma_start3A_250] : memref<10240x16xf32, #tpu.memory_space<vmem_shared>> -> memref<10240x16xf32, #tpu.memory_space<vmem_shared>>
      tpu.enqueue_indirect_dma source(%dma_start3A_251 : memref<10240x16xf32, #tpu.memory_space<vmem_shared>>) target(%dma_start3A_247 : memref<128x16xf32, #tpu.memory_space<vmem>>) offsets(%dma_start3A_248 : memref<128xi32, #tpu.memory_space<vmem>>) semaphore(%arg19 : memref<!tpu.dma_semaphore, #tpu.memory_space<semaphore_mem>>)
      %mul3A_252 = arith.constant 13 : i32
      %mul3A_253 = arith.muli %scan3A_71, %mul3A_252 : i32
      %add3A_254 = arith.constant 12 : i32
      %add3A_255 = arith.addi %mul3A_253, %add3A_254 : i32
      %mul3A_256 = arith.constant 128 : i32
      %mul3A_257 = arith.muli %add3A_255, %mul3A_256 : i32
      %dma_start3A_258 = arith.constant 12 : i32
      %dma_start3A_259 = arith.constant 0 : i32
      %dma_start3A_260 = arith.constant 0 : i32
      %dma_start3A_261 = tpu.memref_slice %arg11[%dma_start3A_258, %dma_start3A_259, %dma_start3A_260] : memref<13x128x16xf32, #tpu.memory_space<vmem>> -> memref<1x128x16xf32, #tpu.memory_space<vmem>>
      %dma_start3A_262 = tpu.memref_squeeze %dma_start3A_261 : memref<1x128x16xf32, #tpu.memory_space<vmem>> -> memref<128x16xf32, #tpu.memory_space<vmem>>
      %dma_start3A_263 = tpu.memref_slice %arg9[%mul3A_257] : memref<10000xi32, #tpu.memory_space<vmem>> -> memref<128xi32, #tpu.memory_space<vmem>>
      %dma_start3A_264 = arith.constant 0 : i32
      %dma_start3A_265 = arith.constant 0 : i32
      %dma_start3A_266 = tpu.memref_slice %arg16[%dma_start3A_264, %dma_start3A_265] : memref<10240x16xf32, #tpu.memory_space<vmem_shared>> -> memref<10240x16xf32, #tpu.memory_space<vmem_shared>>
      tpu.enqueue_indirect_dma source(%dma_start3A_266 : memref<10240x16xf32, #tpu.memory_space<vmem_shared>>) target(%dma_start3A_262 : memref<128x16xf32, #tpu.memory_space<vmem>>) offsets(%dma_start3A_263 : memref<128xi32, #tpu.memory_space<vmem>>) semaphore(%arg19 : memref<!tpu.dma_semaphore, #tpu.memory_space<semaphore_mem>>)
      %dma_wait3A_267 = arith.constant 0 : i32
      %dma_wait3A_268 = arith.constant 0 : i32
      %dma_wait3A_269 = arith.constant 0 : i32
      %dma_wait3A_270 = tpu.memref_slice %arg11[%dma_wait3A_267, %dma_wait3A_268, %dma_wait3A_269] : memref<13x128x16xf32, #tpu.memory_space<vmem>> -> memref<1x128x16xf32, #tpu.memory_space<vmem>>
      %dma_wait3A_271 = tpu.memref_squeeze %dma_wait3A_270 : memref<1x128x16xf32, #tpu.memory_space<vmem>> -> memref<128x16xf32, #tpu.memory_space<vmem>>
      %dma_wait3A_272 = tpu.memref_slice %arg9[%mul3A_77] : memref<10000xi32, #tpu.memory_space<vmem>> -> memref<128xi32, #tpu.memory_space<vmem>>
      %dma_wait3A_273 = arith.constant 0 : i32
      %dma_wait3A_274 = arith.constant 0 : i32
      %dma_wait3A_275 = tpu.memref_slice %arg16[%dma_wait3A_273, %dma_wait3A_274] : memref<10240x16xf32, #tpu.memory_space<vmem_shared>> -> memref<10240x16xf32, #tpu.memory_space<vmem_shared>>
      tpu.wait_indirect_dma semaphore(%arg19 : memref<!tpu.dma_semaphore, #tpu.memory_space<semaphore_mem>>) src(%dma_wait3A_275 : memref<10240x16xf32, #tpu.memory_space<vmem_shared>>) dst(%dma_wait3A_271 : memref<128x16xf32, #tpu.memory_space<vmem>>)
      %mul3A_276 = arith.constant 13 : i32
      %mul3A_277 = arith.muli %scan3A_71, %mul3A_276 : i32
      %add3A_278 = arith.constant 0 : i32
      %add3A_279 = arith.addi %mul3A_277, %add3A_278 : i32
      %mul3A_280 = arith.constant 128 : i32
      %mul3A_281 = arith.muli %add3A_279, %mul3A_280 : i32
      %dma_start3A_282 = arith.constant 0 : i32
      %dma_start3A_283 = arith.constant 0 : i32
      %dma_start3A_284 = arith.constant 0 : i32
      %dma_start3A_285 = tpu.memref_slice %arg11[%dma_start3A_282, %dma_start3A_283, %dma_start3A_284] : memref<13x128x16xf32, #tpu.memory_space<vmem>> -> memref<1x128x16xf32, #tpu.memory_space<vmem>>
      %dma_start3A_286 = tpu.memref_squeeze %dma_start3A_285 : memref<1x128x16xf32, #tpu.memory_space<vmem>> -> memref<128x16xf32, #tpu.memory_space<vmem>>
      %dma_start3A_287 = tpu.memref_slice %arg10[%mul3A_281] : memref<10000xi32, #tpu.memory_space<vmem>> -> memref<128xi32, #tpu.memory_space<vmem>>
      %dma_start3A_288 = arith.constant 0 : i32
      %dma_start3A_289 = arith.constant 0 : i32
      %dma_start3A_290 = tpu.memref_slice %arg17[%dma_start3A_288, %dma_start3A_289] : memref<10240x16xf32, #tpu.memory_space<vmem_shared>> -> memref<10240x16xf32, #tpu.memory_space<vmem_shared>>
      tpu.enqueue_indirect_dma source(%dma_start3A_286 : memref<128x16xf32, #tpu.memory_space<vmem>>) target(%dma_start3A_290 : memref<10240x16xf32, #tpu.memory_space<vmem_shared>>) offsets(%dma_start3A_287 : memref<128xi32, #tpu.memory_space<vmem>>) semaphore(%arg20 : memref<!tpu.dma_semaphore, #tpu.memory_space<semaphore_mem>>) {add = true}
      %dma_wait3A_291 = arith.constant 1 : i32
      %dma_wait3A_292 = arith.constant 0 : i32
      %dma_wait3A_293 = arith.constant 0 : i32
      %dma_wait3A_294 = tpu.memref_slice %arg11[%dma_wait3A_291, %dma_wait3A_292, %dma_wait3A_293] : memref<13x128x16xf32, #tpu.memory_space<vmem>> -> memref<1x128x16xf32, #tpu.memory_space<vmem>>
      %dma_wait3A_295 = tpu.memref_squeeze %dma_wait3A_294 : memref<1x128x16xf32, #tpu.memory_space<vmem>> -> memref<128x16xf32, #tpu.memory_space<vmem>>
      %dma_wait3A_296 = tpu.memref_slice %arg9[%mul3A_92] : memref<10000xi32, #tpu.memory_space<vmem>> -> memref<128xi32, #tpu.memory_space<vmem>>
      %dma_wait3A_297 = arith.constant 0 : i32
      %dma_wait3A_298 = arith.constant 0 : i32
      %dma_wait3A_299 = tpu.memref_slice %arg16[%dma_wait3A_297, %dma_wait3A_298] : memref<10240x16xf32, #tpu.memory_space<vmem_shared>> -> memref<10240x16xf32, #tpu.memory_space<vmem_shared>>
      tpu.wait_indirect_dma semaphore(%arg19 : memref<!tpu.dma_semaphore, #tpu.memory_space<semaphore_mem>>) src(%dma_wait3A_299 : memref<10240x16xf32, #tpu.memory_space<vmem_shared>>) dst(%dma_wait3A_295 : memref<128x16xf32, #tpu.memory_space<vmem>>)
      %mul3A_300 = arith.constant 13 : i32
      %mul3A_301 = arith.muli %scan3A_71, %mul3A_300 : i32
      %add3A_302 = arith.constant 1 : i32
      %add3A_303 = arith.addi %mul3A_301, %add3A_302 : i32
      %mul3A_304 = arith.constant 128 : i32
      %mul3A_305 = arith.muli %add3A_303, %mul3A_304 : i32
      %dma_start3A_306 = arith.constant 1 : i32
      %dma_start3A_307 = arith.constant 0 : i32
      %dma_start3A_308 = arith.constant 0 : i32
      %dma_start3A_309 = tpu.memref_slice %arg11[%dma_start3A_306, %dma_start3A_307, %dma_start3A_308] : memref<13x128x16xf32, #tpu.memory_space<vmem>> -> memref<1x128x16xf32, #tpu.memory_space<vmem>>
      %dma_start3A_310 = tpu.memref_squeeze %dma_start3A_309 : memref<1x128x16xf32, #tpu.memory_space<vmem>> -> memref<128x16xf32, #tpu.memory_space<vmem>>
      %dma_start3A_311 = tpu.memref_slice %arg10[%mul3A_305] : memref<10000xi32, #tpu.memory_space<vmem>> -> memref<128xi32, #tpu.memory_space<vmem>>
      %dma_start3A_312 = arith.constant 0 : i32
      %dma_start3A_313 = arith.constant 0 : i32
      %dma_start3A_314 = tpu.memref_slice %arg17[%dma_start3A_312, %dma_start3A_313] : memref<10240x16xf32, #tpu.memory_space<vmem_shared>> -> memref<10240x16xf32, #tpu.memory_space<vmem_shared>>
      tpu.enqueue_indirect_dma source(%dma_start3A_310 : memref<128x16xf32, #tpu.memory_space<vmem>>) target(%dma_start3A_314 : memref<10240x16xf32, #tpu.memory_space<vmem_shared>>) offsets(%dma_start3A_311 : memref<128xi32, #tpu.memory_space<vmem>>) semaphore(%arg20 : memref<!tpu.dma_semaphore, #tpu.memory_space<semaphore_mem>>) {add = true}
      %dma_wait3A_315 = arith.constant 2 : i32
      %dma_wait3A_316 = arith.constant 0 : i32
      %dma_wait3A_317 = arith.constant 0 : i32
      %dma_wait3A_318 = tpu.memref_slice %arg11[%dma_wait3A_315, %dma_wait3A_316, %dma_wait3A_317] : memref<13x128x16xf32, #tpu.memory_space<vmem>> -> memref<1x128x16xf32, #tpu.memory_space<vmem>>
      %dma_wait3A_319 = tpu.memref_squeeze %dma_wait3A_318 : memref<1x128x16xf32, #tpu.memory_space<vmem>> -> memref<128x16xf32, #tpu.memory_space<vmem>>
      %dma_wait3A_320 = tpu.memref_slice %arg9[%mul3A_107] : memref<10000xi32, #tpu.memory_space<vmem>> -> memref<128xi32, #tpu.memory_space<vmem>>
      %dma_wait3A_321 = arith.constant 0 : i32
      %dma_wait3A_322 = arith.constant 0 : i32
      %dma_wait3A_323 = tpu.memref_slice %arg16[%dma_wait3A_321, %dma_wait3A_322] : memref<10240x16xf32, #tpu.memory_space<vmem_shared>> -> memref<10240x16xf32, #tpu.memory_space<vmem_shared>>
      tpu.wait_indirect_dma semaphore(%arg19 : memref<!tpu.dma_semaphore, #tpu.memory_space<semaphore_mem>>) src(%dma_wait3A_323 : memref<10240x16xf32, #tpu.memory_space<vmem_shared>>) dst(%dma_wait3A_319 : memref<128x16xf32, #tpu.memory_space<vmem>>)
      %mul3A_324 = arith.constant 13 : i32
      %mul3A_325 = arith.muli %scan3A_71, %mul3A_324 : i32
      %add3A_326 = arith.constant 2 : i32
      %add3A_327 = arith.addi %mul3A_325, %add3A_326 : i32
      %mul3A_328 = arith.constant 128 : i32
      %mul3A_329 = arith.muli %add3A_327, %mul3A_328 : i32
      %dma_start3A_330 = arith.constant 2 : i32
      %dma_start3A_331 = arith.constant 0 : i32
      %dma_start3A_332 = arith.constant 0 : i32
      %dma_start3A_333 = tpu.memref_slice %arg11[%dma_start3A_330, %dma_start3A_331, %dma_start3A_332] : memref<13x128x16xf32, #tpu.memory_space<vmem>> -> memref<1x128x16xf32, #tpu.memory_space<vmem>>
      %dma_start3A_334 = tpu.memref_squeeze %dma_start3A_333 : memref<1x128x16xf32, #tpu.memory_space<vmem>> -> memref<128x16xf32, #tpu.memory_space<vmem>>
      %dma_start3A_335 = tpu.memref_slice %arg10[%mul3A_329] : memref<10000xi32, #tpu.memory_space<vmem>> -> memref<128xi32, #tpu.memory_space<vmem>>
      %dma_start3A_336 = arith.constant 0 : i32
      %dma_start3A_337 = arith.constant 0 : i32
      %dma_start3A_338 = tpu.memref_slice %arg17[%dma_start3A_336, %dma_start3A_337] : memref<10240x16xf32, #tpu.memory_space<vmem_shared>> -> memref<10240x16xf32, #tpu.memory_space<vmem_shared>>
      tpu.enqueue_indirect_dma source(%dma_start3A_334 : memref<128x16xf32, #tpu.memory_space<vmem>>) target(%dma_start3A_338 : memref<10240x16xf32, #tpu.memory_space<vmem_shared>>) offsets(%dma_start3A_335 : memref<128xi32, #tpu.memory_space<vmem>>) semaphore(%arg20 : memref<!tpu.dma_semaphore, #tpu.memory_space<semaphore_mem>>) {add = true}
      %dma_wait3A_339 = arith.constant 3 : i32
      %dma_wait3A_340 = arith.constant 0 : i32
      %dma_wait3A_341 = arith.constant 0 : i32
      %dma_wait3A_342 = tpu.memref_slice %arg11[%dma_wait3A_339, %dma_wait3A_340, %dma_wait3A_341] : memref<13x128x16xf32, #tpu.memory_space<vmem>> -> memref<1x128x16xf32, #tpu.memory_space<vmem>>
      %dma_wait3A_343 = tpu.memref_squeeze %dma_wait3A_342 : memref<1x128x16xf32, #tpu.memory_space<vmem>> -> memref<128x16xf32, #tpu.memory_space<vmem>>
      %dma_wait3A_344 = tpu.memref_slice %arg9[%mul3A_122] : memref<10000xi32, #tpu.memory_space<vmem>> -> memref<128xi32, #tpu.memory_space<vmem>>
      %dma_wait3A_345 = arith.constant 0 : i32
      %dma_wait3A_346 = arith.constant 0 : i32
      %dma_wait3A_347 = tpu.memref_slice %arg16[%dma_wait3A_345, %dma_wait3A_346] : memref<10240x16xf32, #tpu.memory_space<vmem_shared>> -> memref<10240x16xf32, #tpu.memory_space<vmem_shared>>
      tpu.wait_indirect_dma semaphore(%arg19 : memref<!tpu.dma_semaphore, #tpu.memory_space<semaphore_mem>>) src(%dma_wait3A_347 : memref<10240x16xf32, #tpu.memory_space<vmem_shared>>) dst(%dma_wait3A_343 : memref<128x16xf32, #tpu.memory_space<vmem>>)
      %mul3A_348 = arith.constant 13 : i32
      %mul3A_349 = arith.muli %scan3A_71, %mul3A_348 : i32
      %add3A_350 = arith.constant 3 : i32
      %add3A_351 = arith.addi %mul3A_349, %add3A_350 : i32
      %mul3A_352 = arith.constant 128 : i32
      %mul3A_353 = arith.muli %add3A_351, %mul3A_352 : i32
      %dma_start3A_354 = arith.constant 3 : i32
      %dma_start3A_355 = arith.constant 0 : i32
      %dma_start3A_356 = arith.constant 0 : i32
      %dma_start3A_357 = tpu.memref_slice %arg11[%dma_start3A_354, %dma_start3A_355, %dma_start3A_356] : memref<13x128x16xf32, #tpu.memory_space<vmem>> -> memref<1x128x16xf32, #tpu.memory_space<vmem>>
      %dma_start3A_358 = tpu.memref_squeeze %dma_start3A_357 : memref<1x128x16xf32, #tpu.memory_space<vmem>> -> memref<128x16xf32, #tpu.memory_space<vmem>>
      %dma_start3A_359 = tpu.memref_slice %arg10[%mul3A_353] : memref<10000xi32, #tpu.memory_space<vmem>> -> memref<128xi32, #tpu.memory_space<vmem>>
      %dma_start3A_360 = arith.constant 0 : i32
      %dma_start3A_361 = arith.constant 0 : i32
      %dma_start3A_362 = tpu.memref_slice %arg17[%dma_start3A_360, %dma_start3A_361] : memref<10240x16xf32, #tpu.memory_space<vmem_shared>> -> memref<10240x16xf32, #tpu.memory_space<vmem_shared>>
      tpu.enqueue_indirect_dma source(%dma_start3A_358 : memref<128x16xf32, #tpu.memory_space<vmem>>) target(%dma_start3A_362 : memref<10240x16xf32, #tpu.memory_space<vmem_shared>>) offsets(%dma_start3A_359 : memref<128xi32, #tpu.memory_space<vmem>>) semaphore(%arg20 : memref<!tpu.dma_semaphore, #tpu.memory_space<semaphore_mem>>) {add = true}
      %dma_wait3A_363 = arith.constant 4 : i32
      %dma_wait3A_364 = arith.constant 0 : i32
      %dma_wait3A_365 = arith.constant 0 : i32
      %dma_wait3A_366 = tpu.memref_slice %arg11[%dma_wait3A_363, %dma_wait3A_364, %dma_wait3A_365] : memref<13x128x16xf32, #tpu.memory_space<vmem>> -> memref<1x128x16xf32, #tpu.memory_space<vmem>>
      %dma_wait3A_367 = tpu.memref_squeeze %dma_wait3A_366 : memref<1x128x16xf32, #tpu.memory_space<vmem>> -> memref<128x16xf32, #tpu.memory_space<vmem>>
      %dma_wait3A_368 = tpu.memref_slice %arg9[%mul3A_137] : memref<10000xi32, #tpu.memory_space<vmem>> -> memref<128xi32, #tpu.memory_space<vmem>>
      %dma_wait3A_369 = arith.constant 0 : i32
      %dma_wait3A_370 = arith.constant 0 : i32
      %dma_wait3A_371 = tpu.memref_slice %arg16[%dma_wait3A_369, %dma_wait3A_370] : memref<10240x16xf32, #tpu.memory_space<vmem_shared>> -> memref<10240x16xf32, #tpu.memory_space<vmem_shared>>
      tpu.wait_indirect_dma semaphore(%arg19 : memref<!tpu.dma_semaphore, #tpu.memory_space<semaphore_mem>>) src(%dma_wait3A_371 : memref<10240x16xf32, #tpu.memory_space<vmem_shared>>) dst(%dma_wait3A_367 : memref<128x16xf32, #tpu.memory_space<vmem>>)
      %mul3A_372 = arith.constant 13 : i32
      %mul3A_373 = arith.muli %scan3A_71, %mul3A_372 : i32
      %add3A_374 = arith.constant 4 : i32
      %add3A_375 = arith.addi %mul3A_373, %add3A_374 : i32
      %mul3A_376 = arith.constant 128 : i32
      %mul3A_377 = arith.muli %add3A_375, %mul3A_376 : i32
      %dma_start3A_378 = arith.constant 4 : i32
      %dma_start3A_379 = arith.constant 0 : i32
      %dma_start3A_380 = arith.constant 0 : i32
      %dma_start3A_381 = tpu.memref_slice %arg11[%dma_start3A_378, %dma_start3A_379, %dma_start3A_380] : memref<13x128x16xf32, #tpu.memory_space<vmem>> -> memref<1x128x16xf32, #tpu.memory_space<vmem>>
      %dma_start3A_382 = tpu.memref_squeeze %dma_start3A_381 : memref<1x128x16xf32, #tpu.memory_space<vmem>> -> memref<128x16xf32, #tpu.memory_space<vmem>>
      %dma_start3A_383 = tpu.memref_slice %arg10[%mul3A_377] : memref<10000xi32, #tpu.memory_space<vmem>> -> memref<128xi32, #tpu.memory_space<vmem>>
      %dma_start3A_384 = arith.constant 0 : i32
      %dma_start3A_385 = arith.constant 0 : i32
      %dma_start3A_386 = tpu.memref_slice %arg17[%dma_start3A_384, %dma_start3A_385] : memref<10240x16xf32, #tpu.memory_space<vmem_shared>> -> memref<10240x16xf32, #tpu.memory_space<vmem_shared>>
      tpu.enqueue_indirect_dma source(%dma_start3A_382 : memref<128x16xf32, #tpu.memory_space<vmem>>) target(%dma_start3A_386 : memref<10240x16xf32, #tpu.memory_space<vmem_shared>>) offsets(%dma_start3A_383 : memref<128xi32, #tpu.memory_space<vmem>>) semaphore(%arg20 : memref<!tpu.dma_semaphore, #tpu.memory_space<semaphore_mem>>) {add = true}
      %dma_wait3A_387 = arith.constant 5 : i32
      %dma_wait3A_388 = arith.constant 0 : i32
      %dma_wait3A_389 = arith.constant 0 : i32
      %dma_wait3A_390 = tpu.memref_slice %arg11[%dma_wait3A_387, %dma_wait3A_388, %dma_wait3A_389] : memref<13x128x16xf32, #tpu.memory_space<vmem>> -> memref<1x128x16xf32, #tpu.memory_space<vmem>>
      %dma_wait3A_391 = tpu.memref_squeeze %dma_wait3A_390 : memref<1x128x16xf32, #tpu.memory_space<vmem>> -> memref<128x16xf32, #tpu.memory_space<vmem>>
      %dma_wait3A_392 = tpu.memref_slice %arg9[%mul3A_152] : memref<10000xi32, #tpu.memory_space<vmem>> -> memref<128xi32, #tpu.memory_space<vmem>>
      %dma_wait3A_393 = arith.constant 0 : i32
      %dma_wait3A_394 = arith.constant 0 : i32
      %dma_wait3A_395 = tpu.memref_slice %arg16[%dma_wait3A_393, %dma_wait3A_394] : memref<10240x16xf32, #tpu.memory_space<vmem_shared>> -> memref<10240x16xf32, #tpu.memory_space<vmem_shared>>
      tpu.wait_indirect_dma semaphore(%arg19 : memref<!tpu.dma_semaphore, #tpu.memory_space<semaphore_mem>>) src(%dma_wait3A_395 : memref<10240x16xf32, #tpu.memory_space<vmem_shared>>) dst(%dma_wait3A_391 : memref<128x16xf32, #tpu.memory_space<vmem>>)
      %mul3A_396 = arith.constant 13 : i32
      %mul3A_397 = arith.muli %scan3A_71, %mul3A_396 : i32
      %add3A_398 = arith.constant 5 : i32
      %add3A_399 = arith.addi %mul3A_397, %add3A_398 : i32
      %mul3A_400 = arith.constant 128 : i32
      %mul3A_401 = arith.muli %add3A_399, %mul3A_400 : i32
      %dma_start3A_402 = arith.constant 5 : i32
      %dma_start3A_403 = arith.constant 0 : i32
      %dma_start3A_404 = arith.constant 0 : i32
      %dma_start3A_405 = tpu.memref_slice %arg11[%dma_start3A_402, %dma_start3A_403, %dma_start3A_404] : memref<13x128x16xf32, #tpu.memory_space<vmem>> -> memref<1x128x16xf32, #tpu.memory_space<vmem>>
      %dma_start3A_406 = tpu.memref_squeeze %dma_start3A_405 : memref<1x128x16xf32, #tpu.memory_space<vmem>> -> memref<128x16xf32, #tpu.memory_space<vmem>>
      %dma_start3A_407 = tpu.memref_slice %arg10[%mul3A_401] : memref<10000xi32, #tpu.memory_space<vmem>> -> memref<128xi32, #tpu.memory_space<vmem>>
      %dma_start3A_408 = arith.constant 0 : i32
      %dma_start3A_409 = arith.constant 0 : i32
      %dma_start3A_410 = tpu.memref_slice %arg17[%dma_start3A_408, %dma_start3A_409] : memref<10240x16xf32, #tpu.memory_space<vmem_shared>> -> memref<10240x16xf32, #tpu.memory_space<vmem_shared>>
      tpu.enqueue_indirect_dma source(%dma_start3A_406 : memref<128x16xf32, #tpu.memory_space<vmem>>) target(%dma_start3A_410 : memref<10240x16xf32, #tpu.memory_space<vmem_shared>>) offsets(%dma_start3A_407 : memref<128xi32, #tpu.memory_space<vmem>>) semaphore(%arg20 : memref<!tpu.dma_semaphore, #tpu.memory_space<semaphore_mem>>) {add = true}
      %dma_wait3A_411 = arith.constant 6 : i32
      %dma_wait3A_412 = arith.constant 0 : i32
      %dma_wait3A_413 = arith.constant 0 : i32
      %dma_wait3A_414 = tpu.memref_slice %arg11[%dma_wait3A_411, %dma_wait3A_412, %dma_wait3A_413] : memref<13x128x16xf32, #tpu.memory_space<vmem>> -> memref<1x128x16xf32, #tpu.memory_space<vmem>>
      %dma_wait3A_415 = tpu.memref_squeeze %dma_wait3A_414 : memref<1x128x16xf32, #tpu.memory_space<vmem>> -> memref<128x16xf32, #tpu.memory_space<vmem>>
      %dma_wait3A_416 = tpu.memref_slice %arg9[%mul3A_167] : memref<10000xi32, #tpu.memory_space<vmem>> -> memref<128xi32, #tpu.memory_space<vmem>>
      %dma_wait3A_417 = arith.constant 0 : i32
      %dma_wait3A_418 = arith.constant 0 : i32
      %dma_wait3A_419 = tpu.memref_slice %arg16[%dma_wait3A_417, %dma_wait3A_418] : memref<10240x16xf32, #tpu.memory_space<vmem_shared>> -> memref<10240x16xf32, #tpu.memory_space<vmem_shared>>
      tpu.wait_indirect_dma semaphore(%arg19 : memref<!tpu.dma_semaphore, #tpu.memory_space<semaphore_mem>>) src(%dma_wait3A_419 : memref<10240x16xf32, #tpu.memory_space<vmem_shared>>) dst(%dma_wait3A_415 : memref<128x16xf32, #tpu.memory_space<vmem>>)
      %mul3A_420 = arith.constant 13 : i32
      %mul3A_421 = arith.muli %scan3A_71, %mul3A_420 : i32
      %add3A_422 = arith.constant 6 : i32
      %add3A_423 = arith.addi %mul3A_421, %add3A_422 : i32
      %mul3A_424 = arith.constant 128 : i32
      %mul3A_425 = arith.muli %add3A_423, %mul3A_424 : i32
      %dma_start3A_426 = arith.constant 6 : i32
      %dma_start3A_427 = arith.constant 0 : i32
      %dma_start3A_428 = arith.constant 0 : i32
      %dma_start3A_429 = tpu.memref_slice %arg11[%dma_start3A_426, %dma_start3A_427, %dma_start3A_428] : memref<13x128x16xf32, #tpu.memory_space<vmem>> -> memref<1x128x16xf32, #tpu.memory_space<vmem>>
      %dma_start3A_430 = tpu.memref_squeeze %dma_start3A_429 : memref<1x128x16xf32, #tpu.memory_space<vmem>> -> memref<128x16xf32, #tpu.memory_space<vmem>>
      %dma_start3A_431 = tpu.memref_slice %arg10[%mul3A_425] : memref<10000xi32, #tpu.memory_space<vmem>> -> memref<128xi32, #tpu.memory_space<vmem>>
      %dma_start3A_432 = arith.constant 0 : i32
      %dma_start3A_433 = arith.constant 0 : i32
      %dma_start3A_434 = tpu.memref_slice %arg17[%dma_start3A_432, %dma_start3A_433] : memref<10240x16xf32, #tpu.memory_space<vmem_shared>> -> memref<10240x16xf32, #tpu.memory_space<vmem_shared>>
      tpu.enqueue_indirect_dma source(%dma_start3A_430 : memref<128x16xf32, #tpu.memory_space<vmem>>) target(%dma_start3A_434 : memref<10240x16xf32, #tpu.memory_space<vmem_shared>>) offsets(%dma_start3A_431 : memref<128xi32, #tpu.memory_space<vmem>>) semaphore(%arg20 : memref<!tpu.dma_semaphore, #tpu.memory_space<semaphore_mem>>) {add = true}
      %dma_wait3A_435 = arith.constant 7 : i32
      %dma_wait3A_436 = arith.constant 0 : i32
      %dma_wait3A_437 = arith.constant 0 : i32
      %dma_wait3A_438 = tpu.memref_slice %arg11[%dma_wait3A_435, %dma_wait3A_436, %dma_wait3A_437] : memref<13x128x16xf32, #tpu.memory_space<vmem>> -> memref<1x128x16xf32, #tpu.memory_space<vmem>>
      %dma_wait3A_439 = tpu.memref_squeeze %dma_wait3A_438 : memref<1x128x16xf32, #tpu.memory_space<vmem>> -> memref<128x16xf32, #tpu.memory_space<vmem>>
      %dma_wait3A_440 = tpu.memref_slice %arg9[%mul3A_182] : memref<10000xi32, #tpu.memory_space<vmem>> -> memref<128xi32, #tpu.memory_space<vmem>>
      %dma_wait3A_441 = arith.constant 0 : i32
      %dma_wait3A_442 = arith.constant 0 : i32
      %dma_wait3A_443 = tpu.memref_slice %arg16[%dma_wait3A_441, %dma_wait3A_442] : memref<10240x16xf32, #tpu.memory_space<vmem_shared>> -> memref<10240x16xf32, #tpu.memory_space<vmem_shared>>
      tpu.wait_indirect_dma semaphore(%arg19 : memref<!tpu.dma_semaphore, #tpu.memory_space<semaphore_mem>>) src(%dma_wait3A_443 : memref<10240x16xf32, #tpu.memory_space<vmem_shared>>) dst(%dma_wait3A_439 : memref<128x16xf32, #tpu.memory_space<vmem>>)
      %mul3A_444 = arith.constant 13 : i32
      %mul3A_445 = arith.muli %scan3A_71, %mul3A_444 : i32
      %add3A_446 = arith.constant 7 : i32
      %add3A_447 = arith.addi %mul3A_445, %add3A_446 : i32
      %mul3A_448 = arith.constant 128 : i32
      %mul3A_449 = arith.muli %add3A_447, %mul3A_448 : i32
      %dma_start3A_450 = arith.constant 7 : i32
      %dma_start3A_451 = arith.constant 0 : i32
      %dma_start3A_452 = arith.constant 0 : i32
      %dma_start3A_453 = tpu.memref_slice %arg11[%dma_start3A_450, %dma_start3A_451, %dma_start3A_452] : memref<13x128x16xf32, #tpu.memory_space<vmem>> -> memref<1x128x16xf32, #tpu.memory_space<vmem>>
      %dma_start3A_454 = tpu.memref_squeeze %dma_start3A_453 : memref<1x128x16xf32, #tpu.memory_space<vmem>> -> memref<128x16xf32, #tpu.memory_space<vmem>>
      %dma_start3A_455 = tpu.memref_slice %arg10[%mul3A_449] : memref<10000xi32, #tpu.memory_space<vmem>> -> memref<128xi32, #tpu.memory_space<vmem>>
      %dma_start3A_456 = arith.constant 0 : i32
      %dma_start3A_457 = arith.constant 0 : i32
      %dma_start3A_458 = tpu.memref_slice %arg17[%dma_start3A_456, %dma_start3A_457] : memref<10240x16xf32, #tpu.memory_space<vmem_shared>> -> memref<10240x16xf32, #tpu.memory_space<vmem_shared>>
      tpu.enqueue_indirect_dma source(%dma_start3A_454 : memref<128x16xf32, #tpu.memory_space<vmem>>) target(%dma_start3A_458 : memref<10240x16xf32, #tpu.memory_space<vmem_shared>>) offsets(%dma_start3A_455 : memref<128xi32, #tpu.memory_space<vmem>>) semaphore(%arg20 : memref<!tpu.dma_semaphore, #tpu.memory_space<semaphore_mem>>) {add = true}
      %dma_wait3A_459 = arith.constant 8 : i32
      %dma_wait3A_460 = arith.constant 0 : i32
      %dma_wait3A_461 = arith.constant 0 : i32
      %dma_wait3A_462 = tpu.memref_slice %arg11[%dma_wait3A_459, %dma_wait3A_460, %dma_wait3A_461] : memref<13x128x16xf32, #tpu.memory_space<vmem>> -> memref<1x128x16xf32, #tpu.memory_space<vmem>>
      %dma_wait3A_463 = tpu.memref_squeeze %dma_wait3A_462 : memref<1x128x16xf32, #tpu.memory_space<vmem>> -> memref<128x16xf32, #tpu.memory_space<vmem>>
      %dma_wait3A_464 = tpu.memref_slice %arg9[%mul3A_197] : memref<10000xi32, #tpu.memory_space<vmem>> -> memref<128xi32, #tpu.memory_space<vmem>>
      %dma_wait3A_465 = arith.constant 0 : i32
      %dma_wait3A_466 = arith.constant 0 : i32
      %dma_wait3A_467 = tpu.memref_slice %arg16[%dma_wait3A_465, %dma_wait3A_466] : memref<10240x16xf32, #tpu.memory_space<vmem_shared>> -> memref<10240x16xf32, #tpu.memory_space<vmem_shared>>
      tpu.wait_indirect_dma semaphore(%arg19 : memref<!tpu.dma_semaphore, #tpu.memory_space<semaphore_mem>>) src(%dma_wait3A_467 : memref<10240x16xf32, #tpu.memory_space<vmem_shared>>) dst(%dma_wait3A_463 : memref<128x16xf32, #tpu.memory_space<vmem>>)
      %mul3A_468 = arith.constant 13 : i32
      %mul3A_469 = arith.muli %scan3A_71, %mul3A_468 : i32
      %add3A_470 = arith.constant 8 : i32
      %add3A_471 = arith.addi %mul3A_469, %add3A_470 : i32
      %mul3A_472 = arith.constant 128 : i32
      %mul3A_473 = arith.muli %add3A_471, %mul3A_472 : i32
      %dma_start3A_474 = arith.constant 8 : i32
      %dma_start3A_475 = arith.constant 0 : i32
      %dma_start3A_476 = arith.constant 0 : i32
      %dma_start3A_477 = tpu.memref_slice %arg11[%dma_start3A_474, %dma_start3A_475, %dma_start3A_476] : memref<13x128x16xf32, #tpu.memory_space<vmem>> -> memref<1x128x16xf32, #tpu.memory_space<vmem>>
      %dma_start3A_478 = tpu.memref_squeeze %dma_start3A_477 : memref<1x128x16xf32, #tpu.memory_space<vmem>> -> memref<128x16xf32, #tpu.memory_space<vmem>>
      %dma_start3A_479 = tpu.memref_slice %arg10[%mul3A_473] : memref<10000xi32, #tpu.memory_space<vmem>> -> memref<128xi32, #tpu.memory_space<vmem>>
      %dma_start3A_480 = arith.constant 0 : i32
      %dma_start3A_481 = arith.constant 0 : i32
      %dma_start3A_482 = tpu.memref_slice %arg17[%dma_start3A_480, %dma_start3A_481] : memref<10240x16xf32, #tpu.memory_space<vmem_shared>> -> memref<10240x16xf32, #tpu.memory_space<vmem_shared>>
      tpu.enqueue_indirect_dma source(%dma_start3A_478 : memref<128x16xf32, #tpu.memory_space<vmem>>) target(%dma_start3A_482 : memref<10240x16xf32, #tpu.memory_space<vmem_shared>>) offsets(%dma_start3A_479 : memref<128xi32, #tpu.memory_space<vmem>>) semaphore(%arg20 : memref<!tpu.dma_semaphore, #tpu.memory_space<semaphore_mem>>) {add = true}
      %dma_wait3A_483 = arith.constant 9 : i32
      %dma_wait3A_484 = arith.constant 0 : i32
      %dma_wait3A_485 = arith.constant 0 : i32
      %dma_wait3A_486 = tpu.memref_slice %arg11[%dma_wait3A_483, %dma_wait3A_484, %dma_wait3A_485] : memref<13x128x16xf32, #tpu.memory_space<vmem>> -> memref<1x128x16xf32, #tpu.memory_space<vmem>>
      %dma_wait3A_487 = tpu.memref_squeeze %dma_wait3A_486 : memref<1x128x16xf32, #tpu.memory_space<vmem>> -> memref<128x16xf32, #tpu.memory_space<vmem>>
      %dma_wait3A_488 = tpu.memref_slice %arg9[%mul3A_212] : memref<10000xi32, #tpu.memory_space<vmem>> -> memref<128xi32, #tpu.memory_space<vmem>>
      %dma_wait3A_489 = arith.constant 0 : i32
      %dma_wait3A_490 = arith.constant 0 : i32
      %dma_wait3A_491 = tpu.memref_slice %arg16[%dma_wait3A_489, %dma_wait3A_490] : memref<10240x16xf32, #tpu.memory_space<vmem_shared>> -> memref<10240x16xf32, #tpu.memory_space<vmem_shared>>
      tpu.wait_indirect_dma semaphore(%arg19 : memref<!tpu.dma_semaphore, #tpu.memory_space<semaphore_mem>>) src(%dma_wait3A_491 : memref<10240x16xf32, #tpu.memory_space<vmem_shared>>) dst(%dma_wait3A_487 : memref<128x16xf32, #tpu.memory_space<vmem>>)
      %mul3A_492 = arith.constant 13 : i32
      %mul3A_493 = arith.muli %scan3A_71, %mul3A_492 : i32
      %add3A_494 = arith.constant 9 : i32
      %add3A_495 = arith.addi %mul3A_493, %add3A_494 : i32
      %mul3A_496 = arith.constant 128 : i32
      %mul3A_497 = arith.muli %add3A_495, %mul3A_496 : i32
      %dma_start3A_498 = arith.constant 9 : i32
      %dma_start3A_499 = arith.constant 0 : i32
      %dma_start3A_500 = arith.constant 0 : i32
      %dma_start3A_501 = tpu.memref_slice %arg11[%dma_start3A_498, %dma_start3A_499, %dma_start3A_500] : memref<13x128x16xf32, #tpu.memory_space<vmem>> -> memref<1x128x16xf32, #tpu.memory_space<vmem>>
      %dma_start3A_502 = tpu.memref_squeeze %dma_start3A_501 : memref<1x128x16xf32, #tpu.memory_space<vmem>> -> memref<128x16xf32, #tpu.memory_space<vmem>>
      %dma_start3A_503 = tpu.memref_slice %arg10[%mul3A_497] : memref<10000xi32, #tpu.memory_space<vmem>> -> memref<128xi32, #tpu.memory_space<vmem>>
      %dma_start3A_504 = arith.constant 0 : i32
      %dma_start3A_505 = arith.constant 0 : i32
      %dma_start3A_506 = tpu.memref_slice %arg17[%dma_start3A_504, %dma_start3A_505] : memref<10240x16xf32, #tpu.memory_space<vmem_shared>> -> memref<10240x16xf32, #tpu.memory_space<vmem_shared>>
      tpu.enqueue_indirect_dma source(%dma_start3A_502 : memref<128x16xf32, #tpu.memory_space<vmem>>) target(%dma_start3A_506 : memref<10240x16xf32, #tpu.memory_space<vmem_shared>>) offsets(%dma_start3A_503 : memref<128xi32, #tpu.memory_space<vmem>>) semaphore(%arg20 : memref<!tpu.dma_semaphore, #tpu.memory_space<semaphore_mem>>) {add = true}
      %dma_wait3A_507 = arith.constant 10 : i32
      %dma_wait3A_508 = arith.constant 0 : i32
      %dma_wait3A_509 = arith.constant 0 : i32
      %dma_wait3A_510 = tpu.memref_slice %arg11[%dma_wait3A_507, %dma_wait3A_508, %dma_wait3A_509] : memref<13x128x16xf32, #tpu.memory_space<vmem>> -> memref<1x128x16xf32, #tpu.memory_space<vmem>>
      %dma_wait3A_511 = tpu.memref_squeeze %dma_wait3A_510 : memref<1x128x16xf32, #tpu.memory_space<vmem>> -> memref<128x16xf32, #tpu.memory_space<vmem>>
      %dma_wait3A_512 = tpu.memref_slice %arg9[%mul3A_227] : memref<10000xi32, #tpu.memory_space<vmem>> -> memref<128xi32, #tpu.memory_space<vmem>>
      %dma_wait3A_513 = arith.constant 0 : i32
      %dma_wait3A_514 = arith.constant 0 : i32
      %dma_wait3A_515 = tpu.memref_slice %arg16[%dma_wait3A_513, %dma_wait3A_514] : memref<10240x16xf32, #tpu.memory_space<vmem_shared>> -> memref<10240x16xf32, #tpu.memory_space<vmem_shared>>
      tpu.wait_indirect_dma semaphore(%arg19 : memref<!tpu.dma_semaphore, #tpu.memory_space<semaphore_mem>>) src(%dma_wait3A_515 : memref<10240x16xf32, #tpu.memory_space<vmem_shared>>) dst(%dma_wait3A_511 : memref<128x16xf32, #tpu.memory_space<vmem>>)
      %mul3A_516 = arith.constant 13 : i32
      %mul3A_517 = arith.muli %scan3A_71, %mul3A_516 : i32
      %add3A_518 = arith.constant 10 : i32
      %add3A_519 = arith.addi %mul3A_517, %add3A_518 : i32
      %mul3A_520 = arith.constant 128 : i32
      %mul3A_521 = arith.muli %add3A_519, %mul3A_520 : i32
      %dma_start3A_522 = arith.constant 10 : i32
      %dma_start3A_523 = arith.constant 0 : i32
      %dma_start3A_524 = arith.constant 0 : i32
      %dma_start3A_525 = tpu.memref_slice %arg11[%dma_start3A_522, %dma_start3A_523, %dma_start3A_524] : memref<13x128x16xf32, #tpu.memory_space<vmem>> -> memref<1x128x16xf32, #tpu.memory_space<vmem>>
      %dma_start3A_526 = tpu.memref_squeeze %dma_start3A_525 : memref<1x128x16xf32, #tpu.memory_space<vmem>> -> memref<128x16xf32, #tpu.memory_space<vmem>>
      %dma_start3A_527 = tpu.memref_slice %arg10[%mul3A_521] : memref<10000xi32, #tpu.memory_space<vmem>> -> memref<128xi32, #tpu.memory_space<vmem>>
      %dma_start3A_528 = arith.constant 0 : i32
      %dma_start3A_529 = arith.constant 0 : i32
      %dma_start3A_530 = tpu.memref_slice %arg17[%dma_start3A_528, %dma_start3A_529] : memref<10240x16xf32, #tpu.memory_space<vmem_shared>> -> memref<10240x16xf32, #tpu.memory_space<vmem_shared>>
      tpu.enqueue_indirect_dma source(%dma_start3A_526 : memref<128x16xf32, #tpu.memory_space<vmem>>) target(%dma_start3A_530 : memref<10240x16xf32, #tpu.memory_space<vmem_shared>>) offsets(%dma_start3A_527 : memref<128xi32, #tpu.memory_space<vmem>>) semaphore(%arg20 : memref<!tpu.dma_semaphore, #tpu.memory_space<semaphore_mem>>) {add = true}
      %dma_wait3A_531 = arith.constant 11 : i32
      %dma_wait3A_532 = arith.constant 0 : i32
      %dma_wait3A_533 = arith.constant 0 : i32
      %dma_wait3A_534 = tpu.memref_slice %arg11[%dma_wait3A_531, %dma_wait3A_532, %dma_wait3A_533] : memref<13x128x16xf32, #tpu.memory_space<vmem>> -> memref<1x128x16xf32, #tpu.memory_space<vmem>>
      %dma_wait3A_535 = tpu.memref_squeeze %dma_wait3A_534 : memref<1x128x16xf32, #tpu.memory_space<vmem>> -> memref<128x16xf32, #tpu.memory_space<vmem>>
      %dma_wait3A_536 = tpu.memref_slice %arg9[%mul3A_242] : memref<10000xi32, #tpu.memory_space<vmem>> -> memref<128xi32, #tpu.memory_space<vmem>>
      %dma_wait3A_537 = arith.constant 0 : i32
      %dma_wait3A_538 = arith.constant 0 : i32
      %dma_wait3A_539 = tpu.memref_slice %arg16[%dma_wait3A_537, %dma_wait3A_538] : memref<10240x16xf32, #tpu.memory_space<vmem_shared>> -> memref<10240x16xf32, #tpu.memory_space<vmem_shared>>
      tpu.wait_indirect_dma semaphore(%arg19 : memref<!tpu.dma_semaphore, #tpu.memory_space<semaphore_mem>>) src(%dma_wait3A_539 : memref<10240x16xf32, #tpu.memory_space<vmem_shared>>) dst(%dma_wait3A_535 : memref<128x16xf32, #tpu.memory_space<vmem>>)
      %mul3A_540 = arith.constant 13 : i32
      %mul3A_541 = arith.muli %scan3A_71, %mul3A_540 : i32
      %add3A_542 = arith.constant 11 : i32
      %add3A_543 = arith.addi %mul3A_541, %add3A_542 : i32
      %mul3A_544 = arith.constant 128 : i32
      %mul3A_545 = arith.muli %add3A_543, %mul3A_544 : i32
      %dma_start3A_546 = arith.constant 11 : i32
      %dma_start3A_547 = arith.constant 0 : i32
      %dma_start3A_548 = arith.constant 0 : i32
      %dma_start3A_549 = tpu.memref_slice %arg11[%dma_start3A_546, %dma_start3A_547, %dma_start3A_548] : memref<13x128x16xf32, #tpu.memory_space<vmem>> -> memref<1x128x16xf32, #tpu.memory_space<vmem>>
      %dma_start3A_550 = tpu.memref_squeeze %dma_start3A_549 : memref<1x128x16xf32, #tpu.memory_space<vmem>> -> memref<128x16xf32, #tpu.memory_space<vmem>>
      %dma_start3A_551 = tpu.memref_slice %arg10[%mul3A_545] : memref<10000xi32, #tpu.memory_space<vmem>> -> memref<128xi32, #tpu.memory_space<vmem>>
      %dma_start3A_552 = arith.constant 0 : i32
      %dma_start3A_553 = arith.constant 0 : i32
      %dma_start3A_554 = tpu.memref_slice %arg17[%dma_start3A_552, %dma_start3A_553] : memref<10240x16xf32, #tpu.memory_space<vmem_shared>> -> memref<10240x16xf32, #tpu.memory_space<vmem_shared>>
      tpu.enqueue_indirect_dma source(%dma_start3A_550 : memref<128x16xf32, #tpu.memory_space<vmem>>) target(%dma_start3A_554 : memref<10240x16xf32, #tpu.memory_space<vmem_shared>>) offsets(%dma_start3A_551 : memref<128xi32, #tpu.memory_space<vmem>>) semaphore(%arg20 : memref<!tpu.dma_semaphore, #tpu.memory_space<semaphore_mem>>) {add = true}
      %dma_wait3A_555 = arith.constant 12 : i32
      %dma_wait3A_556 = arith.constant 0 : i32
      %dma_wait3A_557 = arith.constant 0 : i32
      %dma_wait3A_558 = tpu.memref_slice %arg11[%dma_wait3A_555, %dma_wait3A_556, %dma_wait3A_557] : memref<13x128x16xf32, #tpu.memory_space<vmem>> -> memref<1x128x16xf32, #tpu.memory_space<vmem>>
      %dma_wait3A_559 = tpu.memref_squeeze %dma_wait3A_558 : memref<1x128x16xf32, #tpu.memory_space<vmem>> -> memref<128x16xf32, #tpu.memory_space<vmem>>
      %dma_wait3A_560 = tpu.memref_slice %arg9[%mul3A_257] : memref<10000xi32, #tpu.memory_space<vmem>> -> memref<128xi32, #tpu.memory_space<vmem>>
      %dma_wait3A_561 = arith.constant 0 : i32
      %dma_wait3A_562 = arith.constant 0 : i32
      %dma_wait3A_563 = tpu.memref_slice %arg16[%dma_wait3A_561, %dma_wait3A_562] : memref<10240x16xf32, #tpu.memory_space<vmem_shared>> -> memref<10240x16xf32, #tpu.memory_space<vmem_shared>>
      tpu.wait_indirect_dma semaphore(%arg19 : memref<!tpu.dma_semaphore, #tpu.memory_space<semaphore_mem>>) src(%dma_wait3A_563 : memref<10240x16xf32, #tpu.memory_space<vmem_shared>>) dst(%dma_wait3A_559 : memref<128x16xf32, #tpu.memory_space<vmem>>)
      %mul3A_564 = arith.constant 13 : i32
      %mul3A_565 = arith.muli %scan3A_71, %mul3A_564 : i32
      %add3A_566 = arith.constant 12 : i32
      %add3A_567 = arith.addi %mul3A_565, %add3A_566 : i32
      %mul3A_568 = arith.constant 128 : i32
      %mul3A_569 = arith.muli %add3A_567, %mul3A_568 : i32
      %dma_start3A_570 = arith.constant 12 : i32
      %dma_start3A_571 = arith.constant 0 : i32
      %dma_start3A_572 = arith.constant 0 : i32
      %dma_start3A_573 = tpu.memref_slice %arg11[%dma_start3A_570, %dma_start3A_571, %dma_start3A_572] : memref<13x128x16xf32, #tpu.memory_space<vmem>> -> memref<1x128x16xf32, #tpu.memory_space<vmem>>
      %dma_start3A_574 = tpu.memref_squeeze %dma_start3A_573 : memref<1x128x16xf32, #tpu.memory_space<vmem>> -> memref<128x16xf32, #tpu.memory_space<vmem>>
      %dma_start3A_575 = tpu.memref_slice %arg10[%mul3A_569] : memref<10000xi32, #tpu.memory_space<vmem>> -> memref<128xi32, #tpu.memory_space<vmem>>
      %dma_start3A_576 = arith.constant 0 : i32
      %dma_start3A_577 = arith.constant 0 : i32
      %dma_start3A_578 = tpu.memref_slice %arg17[%dma_start3A_576, %dma_start3A_577] : memref<10240x16xf32, #tpu.memory_space<vmem_shared>> -> memref<10240x16xf32, #tpu.memory_space<vmem_shared>>
      tpu.enqueue_indirect_dma source(%dma_start3A_574 : memref<128x16xf32, #tpu.memory_space<vmem>>) target(%dma_start3A_578 : memref<10240x16xf32, #tpu.memory_space<vmem_shared>>) offsets(%dma_start3A_575 : memref<128xi32, #tpu.memory_space<vmem>>) semaphore(%arg20 : memref<!tpu.dma_semaphore, #tpu.memory_space<semaphore_mem>>) {add = true}
      %dma_wait3A_579 = arith.constant 0 : i32
      %dma_wait3A_580 = arith.constant 0 : i32
      %dma_wait3A_581 = arith.constant 0 : i32
      %dma_wait3A_582 = tpu.memref_slice %arg11[%dma_wait3A_579, %dma_wait3A_580, %dma_wait3A_581] : memref<13x128x16xf32, #tpu.memory_space<vmem>> -> memref<1x128x16xf32, #tpu.memory_space<vmem>>
      %dma_wait3A_583 = tpu.memref_squeeze %dma_wait3A_582 : memref<1x128x16xf32, #tpu.memory_space<vmem>> -> memref<128x16xf32, #tpu.memory_space<vmem>>
      %dma_wait3A_584 = tpu.memref_slice %arg10[%mul3A_281] : memref<10000xi32, #tpu.memory_space<vmem>> -> memref<128xi32, #tpu.memory_space<vmem>>
      %dma_wait3A_585 = arith.constant 0 : i32
      %dma_wait3A_586 = arith.constant 0 : i32
      %dma_wait3A_587 = tpu.memref_slice %arg17[%dma_wait3A_585, %dma_wait3A_586] : memref<10240x16xf32, #tpu.memory_space<vmem_shared>> -> memref<10240x16xf32, #tpu.memory_space<vmem_shared>>
      tpu.wait_indirect_dma semaphore(%arg20 : memref<!tpu.dma_semaphore, #tpu.memory_space<semaphore_mem>>) src(%dma_wait3A_583 : memref<128x16xf32, #tpu.memory_space<vmem>>) dst(%dma_wait3A_587 : memref<10240x16xf32, #tpu.memory_space<vmem_shared>>)
      %dma_wait3A_588 = arith.constant 1 : i32
      %dma_wait3A_589 = arith.constant 0 : i32
      %dma_wait3A_590 = arith.constant 0 : i32
      %dma_wait3A_591 = tpu.memref_slice %arg11[%dma_wait3A_588, %dma_wait3A_589, %dma_wait3A_590] : memref<13x128x16xf32, #tpu.memory_space<vmem>> -> memref<1x128x16xf32, #tpu.memory_space<vmem>>
      %dma_wait3A_592 = tpu.memref_squeeze %dma_wait3A_591 : memref<1x128x16xf32, #tpu.memory_space<vmem>> -> memref<128x16xf32, #tpu.memory_space<vmem>>
      %dma_wait3A_593 = tpu.memref_slice %arg10[%mul3A_305] : memref<10000xi32, #tpu.memory_space<vmem>> -> memref<128xi32, #tpu.memory_space<vmem>>
      %dma_wait3A_594 = arith.constant 0 : i32
      %dma_wait3A_595 = arith.constant 0 : i32
      %dma_wait3A_596 = tpu.memref_slice %arg17[%dma_wait3A_594, %dma_wait3A_595] : memref<10240x16xf32, #tpu.memory_space<vmem_shared>> -> memref<10240x16xf32, #tpu.memory_space<vmem_shared>>
      tpu.wait_indirect_dma semaphore(%arg20 : memref<!tpu.dma_semaphore, #tpu.memory_space<semaphore_mem>>) src(%dma_wait3A_592 : memref<128x16xf32, #tpu.memory_space<vmem>>) dst(%dma_wait3A_596 : memref<10240x16xf32, #tpu.memory_space<vmem_shared>>)
      %dma_wait3A_597 = arith.constant 2 : i32
      %dma_wait3A_598 = arith.constant 0 : i32
      %dma_wait3A_599 = arith.constant 0 : i32
      %dma_wait3A_600 = tpu.memref_slice %arg11[%dma_wait3A_597, %dma_wait3A_598, %dma_wait3A_599] : memref<13x128x16xf32, #tpu.memory_space<vmem>> -> memref<1x128x16xf32, #tpu.memory_space<vmem>>
      %dma_wait3A_601 = tpu.memref_squeeze %dma_wait3A_600 : memref<1x128x16xf32, #tpu.memory_space<vmem>> -> memref<128x16xf32, #tpu.memory_space<vmem>>
      %dma_wait3A_602 = tpu.memref_slice %arg10[%mul3A_329] : memref<10000xi32, #tpu.memory_space<vmem>> -> memref<128xi32, #tpu.memory_space<vmem>>
      %dma_wait3A_603 = arith.constant 0 : i32
      %dma_wait3A_604 = arith.constant 0 : i32
      %dma_wait3A_605 = tpu.memref_slice %arg17[%dma_wait3A_603, %dma_wait3A_604] : memref<10240x16xf32, #tpu.memory_space<vmem_shared>> -> memref<10240x16xf32, #tpu.memory_space<vmem_shared>>
      tpu.wait_indirect_dma semaphore(%arg20 : memref<!tpu.dma_semaphore, #tpu.memory_space<semaphore_mem>>) src(%dma_wait3A_601 : memref<128x16xf32, #tpu.memory_space<vmem>>) dst(%dma_wait3A_605 : memref<10240x16xf32, #tpu.memory_space<vmem_shared>>)
      %dma_wait3A_606 = arith.constant 3 : i32
      %dma_wait3A_607 = arith.constant 0 : i32
      %dma_wait3A_608 = arith.constant 0 : i32
      %dma_wait3A_609 = tpu.memref_slice %arg11[%dma_wait3A_606, %dma_wait3A_607, %dma_wait3A_608] : memref<13x128x16xf32, #tpu.memory_space<vmem>> -> memref<1x128x16xf32, #tpu.memory_space<vmem>>
      %dma_wait3A_610 = tpu.memref_squeeze %dma_wait3A_609 : memref<1x128x16xf32, #tpu.memory_space<vmem>> -> memref<128x16xf32, #tpu.memory_space<vmem>>
      %dma_wait3A_611 = tpu.memref_slice %arg10[%mul3A_353] : memref<10000xi32, #tpu.memory_space<vmem>> -> memref<128xi32, #tpu.memory_space<vmem>>
      %dma_wait3A_612 = arith.constant 0 : i32
      %dma_wait3A_613 = arith.constant 0 : i32
      %dma_wait3A_614 = tpu.memref_slice %arg17[%dma_wait3A_612, %dma_wait3A_613] : memref<10240x16xf32, #tpu.memory_space<vmem_shared>> -> memref<10240x16xf32, #tpu.memory_space<vmem_shared>>
      tpu.wait_indirect_dma semaphore(%arg20 : memref<!tpu.dma_semaphore, #tpu.memory_space<semaphore_mem>>) src(%dma_wait3A_610 : memref<128x16xf32, #tpu.memory_space<vmem>>) dst(%dma_wait3A_614 : memref<10240x16xf32, #tpu.memory_space<vmem_shared>>)
      %dma_wait3A_615 = arith.constant 4 : i32
      %dma_wait3A_616 = arith.constant 0 : i32
      %dma_wait3A_617 = arith.constant 0 : i32
      %dma_wait3A_618 = tpu.memref_slice %arg11[%dma_wait3A_615, %dma_wait3A_616, %dma_wait3A_617] : memref<13x128x16xf32, #tpu.memory_space<vmem>> -> memref<1x128x16xf32, #tpu.memory_space<vmem>>
      %dma_wait3A_619 = tpu.memref_squeeze %dma_wait3A_618 : memref<1x128x16xf32, #tpu.memory_space<vmem>> -> memref<128x16xf32, #tpu.memory_space<vmem>>
      %dma_wait3A_620 = tpu.memref_slice %arg10[%mul3A_377] : memref<10000xi32, #tpu.memory_space<vmem>> -> memref<128xi32, #tpu.memory_space<vmem>>
      %dma_wait3A_621 = arith.constant 0 : i32
      %dma_wait3A_622 = arith.constant 0 : i32
      %dma_wait3A_623 = tpu.memref_slice %arg17[%dma_wait3A_621, %dma_wait3A_622] : memref<10240x16xf32, #tpu.memory_space<vmem_shared>> -> memref<10240x16xf32, #tpu.memory_space<vmem_shared>>
      tpu.wait_indirect_dma semaphore(%arg20 : memref<!tpu.dma_semaphore, #tpu.memory_space<semaphore_mem>>) src(%dma_wait3A_619 : memref<128x16xf32, #tpu.memory_space<vmem>>) dst(%dma_wait3A_623 : memref<10240x16xf32, #tpu.memory_space<vmem_shared>>)
      %dma_wait3A_624 = arith.constant 5 : i32
      %dma_wait3A_625 = arith.constant 0 : i32
      %dma_wait3A_626 = arith.constant 0 : i32
      %dma_wait3A_627 = tpu.memref_slice %arg11[%dma_wait3A_624, %dma_wait3A_625, %dma_wait3A_626] : memref<13x128x16xf32, #tpu.memory_space<vmem>> -> memref<1x128x16xf32, #tpu.memory_space<vmem>>
      %dma_wait3A_628 = tpu.memref_squeeze %dma_wait3A_627 : memref<1x128x16xf32, #tpu.memory_space<vmem>> -> memref<128x16xf32, #tpu.memory_space<vmem>>
      %dma_wait3A_629 = tpu.memref_slice %arg10[%mul3A_401] : memref<10000xi32, #tpu.memory_space<vmem>> -> memref<128xi32, #tpu.memory_space<vmem>>
      %dma_wait3A_630 = arith.constant 0 : i32
      %dma_wait3A_631 = arith.constant 0 : i32
      %dma_wait3A_632 = tpu.memref_slice %arg17[%dma_wait3A_630, %dma_wait3A_631] : memref<10240x16xf32, #tpu.memory_space<vmem_shared>> -> memref<10240x16xf32, #tpu.memory_space<vmem_shared>>
      tpu.wait_indirect_dma semaphore(%arg20 : memref<!tpu.dma_semaphore, #tpu.memory_space<semaphore_mem>>) src(%dma_wait3A_628 : memref<128x16xf32, #tpu.memory_space<vmem>>) dst(%dma_wait3A_632 : memref<10240x16xf32, #tpu.memory_space<vmem_shared>>)
      %dma_wait3A_633 = arith.constant 6 : i32
      %dma_wait3A_634 = arith.constant 0 : i32
      %dma_wait3A_635 = arith.constant 0 : i32
      %dma_wait3A_636 = tpu.memref_slice %arg11[%dma_wait3A_633, %dma_wait3A_634, %dma_wait3A_635] : memref<13x128x16xf32, #tpu.memory_space<vmem>> -> memref<1x128x16xf32, #tpu.memory_space<vmem>>
      %dma_wait3A_637 = tpu.memref_squeeze %dma_wait3A_636 : memref<1x128x16xf32, #tpu.memory_space<vmem>> -> memref<128x16xf32, #tpu.memory_space<vmem>>
      %dma_wait3A_638 = tpu.memref_slice %arg10[%mul3A_425] : memref<10000xi32, #tpu.memory_space<vmem>> -> memref<128xi32, #tpu.memory_space<vmem>>
      %dma_wait3A_639 = arith.constant 0 : i32
      %dma_wait3A_640 = arith.constant 0 : i32
      %dma_wait3A_641 = tpu.memref_slice %arg17[%dma_wait3A_639, %dma_wait3A_640] : memref<10240x16xf32, #tpu.memory_space<vmem_shared>> -> memref<10240x16xf32, #tpu.memory_space<vmem_shared>>
      tpu.wait_indirect_dma semaphore(%arg20 : memref<!tpu.dma_semaphore, #tpu.memory_space<semaphore_mem>>) src(%dma_wait3A_637 : memref<128x16xf32, #tpu.memory_space<vmem>>) dst(%dma_wait3A_641 : memref<10240x16xf32, #tpu.memory_space<vmem_shared>>)
      %dma_wait3A_642 = arith.constant 7 : i32
      %dma_wait3A_643 = arith.constant 0 : i32
      %dma_wait3A_644 = arith.constant 0 : i32
      %dma_wait3A_645 = tpu.memref_slice %arg11[%dma_wait3A_642, %dma_wait3A_643, %dma_wait3A_644] : memref<13x128x16xf32, #tpu.memory_space<vmem>> -> memref<1x128x16xf32, #tpu.memory_space<vmem>>
      %dma_wait3A_646 = tpu.memref_squeeze %dma_wait3A_645 : memref<1x128x16xf32, #tpu.memory_space<vmem>> -> memref<128x16xf32, #tpu.memory_space<vmem>>
      %dma_wait3A_647 = tpu.memref_slice %arg10[%mul3A_449] : memref<10000xi32, #tpu.memory_space<vmem>> -> memref<128xi32, #tpu.memory_space<vmem>>
      %dma_wait3A_648 = arith.constant 0 : i32
      %dma_wait3A_649 = arith.constant 0 : i32
      %dma_wait3A_650 = tpu.memref_slice %arg17[%dma_wait3A_648, %dma_wait3A_649] : memref<10240x16xf32, #tpu.memory_space<vmem_shared>> -> memref<10240x16xf32, #tpu.memory_space<vmem_shared>>
      tpu.wait_indirect_dma semaphore(%arg20 : memref<!tpu.dma_semaphore, #tpu.memory_space<semaphore_mem>>) src(%dma_wait3A_646 : memref<128x16xf32, #tpu.memory_space<vmem>>) dst(%dma_wait3A_650 : memref<10240x16xf32, #tpu.memory_space<vmem_shared>>)
      %dma_wait3A_651 = arith.constant 8 : i32
      %dma_wait3A_652 = arith.constant 0 : i32
      %dma_wait3A_653 = arith.constant 0 : i32
      %dma_wait3A_654 = tpu.memref_slice %arg11[%dma_wait3A_651, %dma_wait3A_652, %dma_wait3A_653] : memref<13x128x16xf32, #tpu.memory_space<vmem>> -> memref<1x128x16xf32, #tpu.memory_space<vmem>>
      %dma_wait3A_655 = tpu.memref_squeeze %dma_wait3A_654 : memref<1x128x16xf32, #tpu.memory_space<vmem>> -> memref<128x16xf32, #tpu.memory_space<vmem>>
      %dma_wait3A_656 = tpu.memref_slice %arg10[%mul3A_473] : memref<10000xi32, #tpu.memory_space<vmem>> -> memref<128xi32, #tpu.memory_space<vmem>>
      %dma_wait3A_657 = arith.constant 0 : i32
      %dma_wait3A_658 = arith.constant 0 : i32
      %dma_wait3A_659 = tpu.memref_slice %arg17[%dma_wait3A_657, %dma_wait3A_658] : memref<10240x16xf32, #tpu.memory_space<vmem_shared>> -> memref<10240x16xf32, #tpu.memory_space<vmem_shared>>
      tpu.wait_indirect_dma semaphore(%arg20 : memref<!tpu.dma_semaphore, #tpu.memory_space<semaphore_mem>>) src(%dma_wait3A_655 : memref<128x16xf32, #tpu.memory_space<vmem>>) dst(%dma_wait3A_659 : memref<10240x16xf32, #tpu.memory_space<vmem_shared>>)
      %dma_wait3A_660 = arith.constant 9 : i32
      %dma_wait3A_661 = arith.constant 0 : i32
      %dma_wait3A_662 = arith.constant 0 : i32
      %dma_wait3A_663 = tpu.memref_slice %arg11[%dma_wait3A_660, %dma_wait3A_661, %dma_wait3A_662] : memref<13x128x16xf32, #tpu.memory_space<vmem>> -> memref<1x128x16xf32, #tpu.memory_space<vmem>>
      %dma_wait3A_664 = tpu.memref_squeeze %dma_wait3A_663 : memref<1x128x16xf32, #tpu.memory_space<vmem>> -> memref<128x16xf32, #tpu.memory_space<vmem>>
      %dma_wait3A_665 = tpu.memref_slice %arg10[%mul3A_497] : memref<10000xi32, #tpu.memory_space<vmem>> -> memref<128xi32, #tpu.memory_space<vmem>>
      %dma_wait3A_666 = arith.constant 0 : i32
      %dma_wait3A_667 = arith.constant 0 : i32
      %dma_wait3A_668 = tpu.memref_slice %arg17[%dma_wait3A_666, %dma_wait3A_667] : memref<10240x16xf32, #tpu.memory_space<vmem_shared>> -> memref<10240x16xf32, #tpu.memory_space<vmem_shared>>
      tpu.wait_indirect_dma semaphore(%arg20 : memref<!tpu.dma_semaphore, #tpu.memory_space<semaphore_mem>>) src(%dma_wait3A_664 : memref<128x16xf32, #tpu.memory_space<vmem>>) dst(%dma_wait3A_668 : memref<10240x16xf32, #tpu.memory_space<vmem_shared>>)
      %dma_wait3A_669 = arith.constant 10 : i32
      %dma_wait3A_670 = arith.constant 0 : i32
      %dma_wait3A_671 = arith.constant 0 : i32
      %dma_wait3A_672 = tpu.memref_slice %arg11[%dma_wait3A_669, %dma_wait3A_670, %dma_wait3A_671] : memref<13x128x16xf32, #tpu.memory_space<vmem>> -> memref<1x128x16xf32, #tpu.memory_space<vmem>>
      %dma_wait3A_673 = tpu.memref_squeeze %dma_wait3A_672 : memref<1x128x16xf32, #tpu.memory_space<vmem>> -> memref<128x16xf32, #tpu.memory_space<vmem>>
      %dma_wait3A_674 = tpu.memref_slice %arg10[%mul3A_521] : memref<10000xi32, #tpu.memory_space<vmem>> -> memref<128xi32, #tpu.memory_space<vmem>>
      %dma_wait3A_675 = arith.constant 0 : i32
      %dma_wait3A_676 = arith.constant 0 : i32
      %dma_wait3A_677 = tpu.memref_slice %arg17[%dma_wait3A_675, %dma_wait3A_676] : memref<10240x16xf32, #tpu.memory_space<vmem_shared>> -> memref<10240x16xf32, #tpu.memory_space<vmem_shared>>
      tpu.wait_indirect_dma semaphore(%arg20 : memref<!tpu.dma_semaphore, #tpu.memory_space<semaphore_mem>>) src(%dma_wait3A_673 : memref<128x16xf32, #tpu.memory_space<vmem>>) dst(%dma_wait3A_677 : memref<10240x16xf32, #tpu.memory_space<vmem_shared>>)
      %dma_wait3A_678 = arith.constant 11 : i32
      %dma_wait3A_679 = arith.constant 0 : i32
      %dma_wait3A_680 = arith.constant 0 : i32
      %dma_wait3A_681 = tpu.memref_slice %arg11[%dma_wait3A_678, %dma_wait3A_679, %dma_wait3A_680] : memref<13x128x16xf32, #tpu.memory_space<vmem>> -> memref<1x128x16xf32, #tpu.memory_space<vmem>>
      %dma_wait3A_682 = tpu.memref_squeeze %dma_wait3A_681 : memref<1x128x16xf32, #tpu.memory_space<vmem>> -> memref<128x16xf32, #tpu.memory_space<vmem>>
      %dma_wait3A_683 = tpu.memref_slice %arg10[%mul3A_545] : memref<10000xi32, #tpu.memory_space<vmem>> -> memref<128xi32, #tpu.memory_space<vmem>>
      %dma_wait3A_684 = arith.constant 0 : i32
      %dma_wait3A_685 = arith.constant 0 : i32
      %dma_wait3A_686 = tpu.memref_slice %arg17[%dma_wait3A_684, %dma_wait3A_685] : memref<10240x16xf32, #tpu.memory_space<vmem_shared>> -> memref<10240x16xf32, #tpu.memory_space<vmem_shared>>
      tpu.wait_indirect_dma semaphore(%arg20 : memref<!tpu.dma_semaphore, #tpu.memory_space<semaphore_mem>>) src(%dma_wait3A_682 : memref<128x16xf32, #tpu.memory_space<vmem>>) dst(%dma_wait3A_686 : memref<10240x16xf32, #tpu.memory_space<vmem_shared>>)
      %dma_wait3A_687 = arith.constant 12 : i32
      %dma_wait3A_688 = arith.constant 0 : i32
      %dma_wait3A_689 = arith.constant 0 : i32
      %dma_wait3A_690 = tpu.memref_slice %arg11[%dma_wait3A_687, %dma_wait3A_688, %dma_wait3A_689] : memref<13x128x16xf32, #tpu.memory_space<vmem>> -> memref<1x128x16xf32, #tpu.memory_space<vmem>>
      %dma_wait3A_691 = tpu.memref_squeeze %dma_wait3A_690 : memref<1x128x16xf32, #tpu.memory_space<vmem>> -> memref<128x16xf32, #tpu.memory_space<vmem>>
      %dma_wait3A_692 = tpu.memref_slice %arg10[%mul3A_569] : memref<10000xi32, #tpu.memory_space<vmem>> -> memref<128xi32, #tpu.memory_space<vmem>>
      %dma_wait3A_693 = arith.constant 0 : i32
      %dma_wait3A_694 = arith.constant 0 : i32
      %dma_wait3A_695 = tpu.memref_slice %arg17[%dma_wait3A_693, %dma_wait3A_694] : memref<10240x16xf32, #tpu.memory_space<vmem_shared>> -> memref<10240x16xf32, #tpu.memory_space<vmem_shared>>
      tpu.wait_indirect_dma semaphore(%arg20 : memref<!tpu.dma_semaphore, #tpu.memory_space<semaphore_mem>>) src(%dma_wait3A_691 : memref<128x16xf32, #tpu.memory_space<vmem>>) dst(%dma_wait3A_695 : memref<10240x16xf32, #tpu.memory_space<vmem_shared>>)
    }
    %scan3A_31 = arith.constant 6 : i32
    %dma_start3A = arith.constant 0 : i32
    %dma_start3A_32 = arith.constant 0 : i32
    %dma_start3A_33 = arith.constant 0 : i32
    %dma_start3A_34 = tpu.memref_slice %arg11[%dma_start3A, %dma_start3A_32, %dma_start3A_33] : memref<13x128x16xf32, #tpu.memory_space<vmem>> -> memref<1x16x16xf32, #tpu.memory_space<vmem>>
    %dma_start3A_35 = tpu.memref_squeeze %dma_start3A_34 : memref<1x16x16xf32, #tpu.memory_space<vmem>> -> memref<16x16xf32, #tpu.memory_space<vmem>>
    %dma_start3A_36 = arith.constant 9984 : i32
    %dma_start3A_37 = tpu.memref_slice %arg9[%dma_start3A_36] : memref<10000xi32, #tpu.memory_space<vmem>> -> memref<16xi32, #tpu.memory_space<vmem>>
    %dma_start3A_38 = arith.constant 0 : i32
    %dma_start3A_39 = arith.constant 0 : i32
    %dma_start3A_40 = tpu.memref_slice %arg16[%dma_start3A_38, %dma_start3A_39] : memref<10240x16xf32, #tpu.memory_space<vmem_shared>> -> memref<10240x16xf32, #tpu.memory_space<vmem_shared>>
    tpu.enqueue_indirect_dma source(%dma_start3A_40 : memref<10240x16xf32, #tpu.memory_space<vmem_shared>>) target(%dma_start3A_35 : memref<16x16xf32, #tpu.memory_space<vmem>>) offsets(%dma_start3A_37 : memref<16xi32, #tpu.memory_space<vmem>>) semaphore(%arg19 : memref<!tpu.dma_semaphore, #tpu.memory_space<semaphore_mem>>)
    %dma_wait3A = arith.constant 0 : i32
    %dma_wait3A_41 = arith.constant 0 : i32
    %dma_wait3A_42 = arith.constant 0 : i32
    %dma_wait3A_43 = tpu.memref_slice %arg11[%dma_wait3A, %dma_wait3A_41, %dma_wait3A_42] : memref<13x128x16xf32, #tpu.memory_space<vmem>> -> memref<1x16x16xf32, #tpu.memory_space<vmem>>
    %dma_wait3A_44 = tpu.memref_squeeze %dma_wait3A_43 : memref<1x16x16xf32, #tpu.memory_space<vmem>> -> memref<16x16xf32, #tpu.memory_space<vmem>>
    %dma_wait3A_45 = arith.constant 9984 : i32
    %dma_wait3A_46 = tpu.memref_slice %arg9[%dma_wait3A_45] : memref<10000xi32, #tpu.memory_space<vmem>> -> memref<16xi32, #tpu.memory_space<vmem>>
    %dma_wait3A_47 = arith.constant 0 : i32
    %dma_wait3A_48 = arith.constant 0 : i32
    %dma_wait3A_49 = tpu.memref_slice %arg16[%dma_wait3A_47, %dma_wait3A_48] : memref<10240x16xf32, #tpu.memory_space<vmem_shared>> -> memref<10240x16xf32, #tpu.memory_space<vmem_shared>>
    tpu.wait_indirect_dma semaphore(%arg19 : memref<!tpu.dma_semaphore, #tpu.memory_space<semaphore_mem>>) src(%dma_wait3A_49 : memref<10240x16xf32, #tpu.memory_space<vmem_shared>>) dst(%dma_wait3A_44 : memref<16x16xf32, #tpu.memory_space<vmem>>)
    %dma_start3A_50 = arith.constant 0 : i32
    %dma_start3A_51 = arith.constant 0 : i32
    %dma_start3A_52 = arith.constant 0 : i32
    %dma_start3A_53 = tpu.memref_slice %arg11[%dma_start3A_50, %dma_start3A_51, %dma_start3A_52] : memref<13x128x16xf32, #tpu.memory_space<vmem>> -> memref<1x16x16xf32, #tpu.memory_space<vmem>>
    %dma_start3A_54 = tpu.memref_squeeze %dma_start3A_53 : memref<1x16x16xf32, #tpu.memory_space<vmem>> -> memref<16x16xf32, #tpu.memory_space<vmem>>
    %dma_start3A_55 = arith.constant 9984 : i32
    %dma_start3A_56 = tpu.memref_slice %arg10[%dma_start3A_55] : memref<10000xi32, #tpu.memory_space<vmem>> -> memref<16xi32, #tpu.memory_space<vmem>>
    %dma_start3A_57 = arith.constant 0 : i32
    %dma_start3A_58 = arith.constant 0 : i32
    %dma_start3A_59 = tpu.memref_slice %arg17[%dma_start3A_57, %dma_start3A_58] : memref<10240x16xf32, #tpu.memory_space<vmem_shared>> -> memref<10240x16xf32, #tpu.memory_space<vmem_shared>>
    tpu.enqueue_indirect_dma source(%dma_start3A_54 : memref<16x16xf32, #tpu.memory_space<vmem>>) target(%dma_start3A_59 : memref<10240x16xf32, #tpu.memory_space<vmem_shared>>) offsets(%dma_start3A_56 : memref<16xi32, #tpu.memory_space<vmem>>) semaphore(%arg20 : memref<!tpu.dma_semaphore, #tpu.memory_space<semaphore_mem>>) {add = true}
    %dma_wait3A_60 = arith.constant 0 : i32
    %dma_wait3A_61 = arith.constant 0 : i32
    %dma_wait3A_62 = arith.constant 0 : i32
    %dma_wait3A_63 = tpu.memref_slice %arg11[%dma_wait3A_60, %dma_wait3A_61, %dma_wait3A_62] : memref<13x128x16xf32, #tpu.memory_space<vmem>> -> memref<1x16x16xf32, #tpu.memory_space<vmem>>
    %dma_wait3A_64 = tpu.memref_squeeze %dma_wait3A_63 : memref<1x16x16xf32, #tpu.memory_space<vmem>> -> memref<16x16xf32, #tpu.memory_space<vmem>>
    %dma_wait3A_65 = arith.constant 9984 : i32
    %dma_wait3A_66 = tpu.memref_slice %arg10[%dma_wait3A_65] : memref<10000xi32, #tpu.memory_space<vmem>> -> memref<16xi32, #tpu.memory_space<vmem>>
    %dma_wait3A_67 = arith.constant 0 : i32
    %dma_wait3A_68 = arith.constant 0 : i32
    %dma_wait3A_69 = tpu.memref_slice %arg17[%dma_wait3A_67, %dma_wait3A_68] : memref<10240x16xf32, #tpu.memory_space<vmem_shared>> -> memref<10240x16xf32, #tpu.memory_space<vmem_shared>>
    tpu.wait_indirect_dma semaphore(%arg20 : memref<!tpu.dma_semaphore, #tpu.memory_space<semaphore_mem>>) src(%dma_wait3A_64 : memref<16x16xf32, #tpu.memory_space<vmem>>) dst(%dma_wait3A_69 : memref<10240x16xf32, #tpu.memory_space<vmem_shared>>)
    %barrier3A_70 = arith.constant 0 : index
    tpu.barrier barrier_id(%barrier3A_70)
    "tpu.region"() ({
      %run_scoped3A_71 = tpu.sem_alloc : memref<!tpu.dma_semaphore, #tpu.memory_space<semaphore_mem>>
      %dma_start3A_72 = arith.constant 0 : i32
      %dma_start3A_73 = tpu.memref_slice %arg6[%arg0, %mul3A_2, %dma_start3A_72] : memref<2x10000x16xf32, #tpu.memory_space<hbm>> -> memref<1x625x16xf32, #tpu.memory_space<hbm>>
      %dma_start3A_74 = tpu.memref_squeeze %dma_start3A_73 : memref<1x625x16xf32, #tpu.memory_space<hbm>> -> memref<625x16xf32, #tpu.memory_space<hbm>>
      %dma_start3A_75 = arith.constant 0 : i32
      %dma_start3A_76 = tpu.memref_slice %arg17[%mul3A_2, %dma_start3A_75] : memref<10240x16xf32, #tpu.memory_space<vmem_shared>> -> memref<625x16xf32, #tpu.memory_space<vmem_shared>>
      tpu.enqueue_dma source(%dma_start3A_76 : memref<625x16xf32, #tpu.memory_space<vmem_shared>>) target(%dma_start3A_74 : memref<625x16xf32, #tpu.memory_space<hbm>>) target_semaphore(%run_scoped3A_71 : memref<!tpu.dma_semaphore, #tpu.memory_space<semaphore_mem>>)
      %dma_wait3A_77 = arith.constant 0 : i32
      %dma_wait3A_78 = tpu.memref_slice %arg6[%arg0, %mul3A_2, %dma_wait3A_77] : memref<2x10000x16xf32, #tpu.memory_space<hbm>> -> memref<1x625x16xf32, #tpu.memory_space<hbm>>
      %dma_wait3A_79 = tpu.memref_squeeze %dma_wait3A_78 : memref<1x625x16xf32, #tpu.memory_space<hbm>> -> memref<625x16xf32, #tpu.memory_space<hbm>>
      %dma_wait3A_80 = arith.constant 0 : i32
      %dma_wait3A_81 = tpu.memref_slice %arg17[%mul3A_2, %dma_wait3A_80] : memref<10240x16xf32, #tpu.memory_space<vmem_shared>> -> memref<625x16xf32, #tpu.memory_space<vmem_shared>>
      tpu.wait_dma2 semaphore(%run_scoped3A_71 : memref<!tpu.dma_semaphore, #tpu.memory_space<semaphore_mem>>) src(%dma_wait3A_81 : memref<625x16xf32, #tpu.memory_space<vmem_shared>>) dst(%dma_wait3A_79 : memref<625x16xf32, #tpu.memory_space<hbm>>)
      tpu.yield
    }) : () -> ()
    return
  }
}

#map = affine_map<(d0, d1) -> (0, 0)>
#map1 = affine_map<(d0, d1) -> (0)>
module attributes {stable_mosaic.version = 14 : i64} {
  func.func @_deg_body(%arg0: i32, %arg1: i32, %arg2: memref<2x320000xi32, #tpu.memory_space<hbm>>, %arg3: memref<128xf32, #tpu.memory_space<hbm>>, %arg4: memref<640xf32, #tpu.memory_space<hbm>>, %arg5: memref<2x10240xf32, #tpu.memory_space<hbm>>, %arg6: memref<10000xi32, #tpu.memory_space<vmem>>, %arg7: memref<128xf32, #tpu.memory_space<vmem>>, %arg8: memref<10240xf32, #tpu.memory_space<vmem_shared>>, %arg9: memref<!tpu.dma_semaphore, #tpu.memory_space<semaphore_mem>>) attributes {dimension_semantics = [#tpu.dimension_semantics<core_parallel>, #tpu.dimension_semantics<subcore_parallel>], iteration_bounds = array<i64: 2, 16>, scalar_prefetch = 0 : i64, scratch_operands = 4 : i64, tpu.core_type = #tpu.core_type<sc_vector_subcore>, window_params = [{transform_indices = #map}, {transform_indices = #map1}, {transform_indices = #map1}, {transform_indices = #map}]} {
    %mul3A = arith.constant 16 : i32
    %mul3A_0 = arith.muli %arg0, %mul3A : i32
    %add3A = arith.addi %mul3A_0, %arg1 : i32
    %mul3A_1 = arith.constant 640 : i32
    %mul3A_2 = arith.muli %arg1, %mul3A_1 : i32
    %mul3A_3 = arith.constant 10000 : i32
    %mul3A_4 = arith.muli %add3A, %mul3A_3 : i32
    %run_scoped3A = arith.constant 1 : i32
    "tpu.region"() ({
      %run_scoped3A_21 = tpu.sem_alloc : memref<!tpu.dma_semaphore, #tpu.memory_space<semaphore_mem>>
      %dma_start3A_22 = tpu.memref_slice %arg2[%run_scoped3A, %mul3A_4] : memref<2x320000xi32, #tpu.memory_space<hbm>> -> memref<1x10000xi32, #tpu.memory_space<hbm>>
      %dma_start3A_23 = tpu.memref_squeeze %dma_start3A_22 : memref<1x10000xi32, #tpu.memory_space<hbm>> -> memref<10000xi32, #tpu.memory_space<hbm>>
      %dma_start3A_24 = tpu.memref_slice %arg2[%run_scoped3A, %mul3A_4] : memref<2x320000xi32, #tpu.memory_space<hbm>> -> memref<1x10000xi32, #tpu.memory_space<hbm>>
      %dma_start3A_25 = tpu.memref_squeeze %dma_start3A_24 : memref<1x10000xi32, #tpu.memory_space<hbm>> -> memref<10000xi32, #tpu.memory_space<hbm>>
      tpu.enqueue_dma source(%dma_start3A_25 : memref<10000xi32, #tpu.memory_space<hbm>>) target(%arg6 : memref<10000xi32, #tpu.memory_space<vmem>>) target_semaphore(%run_scoped3A_21 : memref<!tpu.dma_semaphore, #tpu.memory_space<semaphore_mem>>)
      %dma_wait3A_26 = tpu.memref_slice %arg2[%run_scoped3A, %mul3A_4] : memref<2x320000xi32, #tpu.memory_space<hbm>> -> memref<1x10000xi32, #tpu.memory_space<hbm>>
      %dma_wait3A_27 = tpu.memref_squeeze %dma_wait3A_26 : memref<1x10000xi32, #tpu.memory_space<hbm>> -> memref<10000xi32, #tpu.memory_space<hbm>>
      %dma_wait3A_28 = tpu.memref_slice %arg2[%run_scoped3A, %mul3A_4] : memref<2x320000xi32, #tpu.memory_space<hbm>> -> memref<1x10000xi32, #tpu.memory_space<hbm>>
      %dma_wait3A_29 = tpu.memref_squeeze %dma_wait3A_28 : memref<1x10000xi32, #tpu.memory_space<hbm>> -> memref<10000xi32, #tpu.memory_space<hbm>>
      tpu.wait_dma2 semaphore(%run_scoped3A_21 : memref<!tpu.dma_semaphore, #tpu.memory_space<semaphore_mem>>) src(%dma_wait3A_29 : memref<10000xi32, #tpu.memory_space<hbm>>) dst(%arg6 : memref<10000xi32, #tpu.memory_space<vmem>>)
      tpu.yield
    }) : () -> ()
    "tpu.region"() ({
      %run_scoped3A_21 = tpu.sem_alloc : memref<!tpu.dma_semaphore, #tpu.memory_space<semaphore_mem>>
      tpu.enqueue_dma source(%arg3 : memref<128xf32, #tpu.memory_space<hbm>>) target(%arg7 : memref<128xf32, #tpu.memory_space<vmem>>) target_semaphore(%run_scoped3A_21 : memref<!tpu.dma_semaphore, #tpu.memory_space<semaphore_mem>>)
      tpu.wait_dma2 semaphore(%run_scoped3A_21 : memref<!tpu.dma_semaphore, #tpu.memory_space<semaphore_mem>>) src(%arg3 : memref<128xf32, #tpu.memory_space<hbm>>) dst(%arg7 : memref<128xf32, #tpu.memory_space<vmem>>)
      tpu.yield
    }) : () -> ()
    "tpu.region"() ({
      %run_scoped3A_21 = tpu.sem_alloc : memref<!tpu.dma_semaphore, #tpu.memory_space<semaphore_mem>>
      %dma_start3A_22 = tpu.memref_slice %arg8[%mul3A_2] : memref<10240xf32, #tpu.memory_space<vmem_shared>> -> memref<640xf32, #tpu.memory_space<vmem_shared>>
      tpu.enqueue_dma source(%arg4 : memref<640xf32, #tpu.memory_space<hbm>>) target(%dma_start3A_22 : memref<640xf32, #tpu.memory_space<vmem_shared>>) target_semaphore(%run_scoped3A_21 : memref<!tpu.dma_semaphore, #tpu.memory_space<semaphore_mem>>)
      %dma_wait3A_23 = tpu.memref_slice %arg8[%mul3A_2] : memref<10240xf32, #tpu.memory_space<vmem_shared>> -> memref<640xf32, #tpu.memory_space<vmem_shared>>
      tpu.wait_dma2 semaphore(%run_scoped3A_21 : memref<!tpu.dma_semaphore, #tpu.memory_space<semaphore_mem>>) src(%arg4 : memref<640xf32, #tpu.memory_space<hbm>>) dst(%dma_wait3A_23 : memref<640xf32, #tpu.memory_space<vmem_shared>>)
      tpu.yield
    }) : () -> ()
    %barrier3A = arith.constant 0 : index
    tpu.barrier barrier_id(%barrier3A)
    %scan3A = arith.constant 0 : i32
    %scan3A_5 = arith.constant 0 : i32
    %scan3A_6 = arith.constant 6 : i32
    %scan3A_7 = arith.addi %scan3A_5, %scan3A_6 : i32
    %scan3A_8 = arith.constant 1 : i32
    scf.for %scan3A_21 = %scan3A_5 to %scan3A_7 step %scan3A_8  : i32 {
      %mul3A_22 = arith.constant 13 : i32
      %mul3A_23 = arith.muli %scan3A_21, %mul3A_22 : i32
      %add3A_24 = arith.constant 0 : i32
      %add3A_25 = arith.addi %mul3A_23, %add3A_24 : i32
      %mul3A_26 = arith.constant 128 : i32
      %mul3A_27 = arith.muli %add3A_25, %mul3A_26 : i32
      %dma_start3A_28 = tpu.memref_slice %arg6[%mul3A_27] : memref<10000xi32, #tpu.memory_space<vmem>> -> memref<128xi32, #tpu.memory_space<vmem>>
      %dma_start3A_29 = arith.constant 0 : i32
      %dma_start3A_30 = tpu.memref_slice %arg8[%dma_start3A_29] : memref<10240xf32, #tpu.memory_space<vmem_shared>> -> memref<10240xf32, #tpu.memory_space<vmem_shared>>
      tpu.enqueue_indirect_dma source(%arg7 : memref<128xf32, #tpu.memory_space<vmem>>) target(%dma_start3A_30 : memref<10240xf32, #tpu.memory_space<vmem_shared>>) offsets(%dma_start3A_28 : memref<128xi32, #tpu.memory_space<vmem>>) semaphore(%arg9 : memref<!tpu.dma_semaphore, #tpu.memory_space<semaphore_mem>>) {add = true}
      %mul3A_31 = arith.constant 13 : i32
      %mul3A_32 = arith.muli %scan3A_21, %mul3A_31 : i32
      %add3A_33 = arith.constant 1 : i32
      %add3A_34 = arith.addi %mul3A_32, %add3A_33 : i32
      %mul3A_35 = arith.constant 128 : i32
      %mul3A_36 = arith.muli %add3A_34, %mul3A_35 : i32
      %dma_start3A_37 = tpu.memref_slice %arg6[%mul3A_36] : memref<10000xi32, #tpu.memory_space<vmem>> -> memref<128xi32, #tpu.memory_space<vmem>>
      %dma_start3A_38 = arith.constant 0 : i32
      %dma_start3A_39 = tpu.memref_slice %arg8[%dma_start3A_38] : memref<10240xf32, #tpu.memory_space<vmem_shared>> -> memref<10240xf32, #tpu.memory_space<vmem_shared>>
      tpu.enqueue_indirect_dma source(%arg7 : memref<128xf32, #tpu.memory_space<vmem>>) target(%dma_start3A_39 : memref<10240xf32, #tpu.memory_space<vmem_shared>>) offsets(%dma_start3A_37 : memref<128xi32, #tpu.memory_space<vmem>>) semaphore(%arg9 : memref<!tpu.dma_semaphore, #tpu.memory_space<semaphore_mem>>) {add = true}
      %mul3A_40 = arith.constant 13 : i32
      %mul3A_41 = arith.muli %scan3A_21, %mul3A_40 : i32
      %add3A_42 = arith.constant 2 : i32
      %add3A_43 = arith.addi %mul3A_41, %add3A_42 : i32
      %mul3A_44 = arith.constant 128 : i32
      %mul3A_45 = arith.muli %add3A_43, %mul3A_44 : i32
      %dma_start3A_46 = tpu.memref_slice %arg6[%mul3A_45] : memref<10000xi32, #tpu.memory_space<vmem>> -> memref<128xi32, #tpu.memory_space<vmem>>
      %dma_start3A_47 = arith.constant 0 : i32
      %dma_start3A_48 = tpu.memref_slice %arg8[%dma_start3A_47] : memref<10240xf32, #tpu.memory_space<vmem_shared>> -> memref<10240xf32, #tpu.memory_space<vmem_shared>>
      tpu.enqueue_indirect_dma source(%arg7 : memref<128xf32, #tpu.memory_space<vmem>>) target(%dma_start3A_48 : memref<10240xf32, #tpu.memory_space<vmem_shared>>) offsets(%dma_start3A_46 : memref<128xi32, #tpu.memory_space<vmem>>) semaphore(%arg9 : memref<!tpu.dma_semaphore, #tpu.memory_space<semaphore_mem>>) {add = true}
      %mul3A_49 = arith.constant 13 : i32
      %mul3A_50 = arith.muli %scan3A_21, %mul3A_49 : i32
      %add3A_51 = arith.constant 3 : i32
      %add3A_52 = arith.addi %mul3A_50, %add3A_51 : i32
      %mul3A_53 = arith.constant 128 : i32
      %mul3A_54 = arith.muli %add3A_52, %mul3A_53 : i32
      %dma_start3A_55 = tpu.memref_slice %arg6[%mul3A_54] : memref<10000xi32, #tpu.memory_space<vmem>> -> memref<128xi32, #tpu.memory_space<vmem>>
      %dma_start3A_56 = arith.constant 0 : i32
      %dma_start3A_57 = tpu.memref_slice %arg8[%dma_start3A_56] : memref<10240xf32, #tpu.memory_space<vmem_shared>> -> memref<10240xf32, #tpu.memory_space<vmem_shared>>
      tpu.enqueue_indirect_dma source(%arg7 : memref<128xf32, #tpu.memory_space<vmem>>) target(%dma_start3A_57 : memref<10240xf32, #tpu.memory_space<vmem_shared>>) offsets(%dma_start3A_55 : memref<128xi32, #tpu.memory_space<vmem>>) semaphore(%arg9 : memref<!tpu.dma_semaphore, #tpu.memory_space<semaphore_mem>>) {add = true}
      %mul3A_58 = arith.constant 13 : i32
      %mul3A_59 = arith.muli %scan3A_21, %mul3A_58 : i32
      %add3A_60 = arith.constant 4 : i32
      %add3A_61 = arith.addi %mul3A_59, %add3A_60 : i32
      %mul3A_62 = arith.constant 128 : i32
      %mul3A_63 = arith.muli %add3A_61, %mul3A_62 : i32
      %dma_start3A_64 = tpu.memref_slice %arg6[%mul3A_63] : memref<10000xi32, #tpu.memory_space<vmem>> -> memref<128xi32, #tpu.memory_space<vmem>>
      %dma_start3A_65 = arith.constant 0 : i32
      %dma_start3A_66 = tpu.memref_slice %arg8[%dma_start3A_65] : memref<10240xf32, #tpu.memory_space<vmem_shared>> -> memref<10240xf32, #tpu.memory_space<vmem_shared>>
      tpu.enqueue_indirect_dma source(%arg7 : memref<128xf32, #tpu.memory_space<vmem>>) target(%dma_start3A_66 : memref<10240xf32, #tpu.memory_space<vmem_shared>>) offsets(%dma_start3A_64 : memref<128xi32, #tpu.memory_space<vmem>>) semaphore(%arg9 : memref<!tpu.dma_semaphore, #tpu.memory_space<semaphore_mem>>) {add = true}
      %mul3A_67 = arith.constant 13 : i32
      %mul3A_68 = arith.muli %scan3A_21, %mul3A_67 : i32
      %add3A_69 = arith.constant 5 : i32
      %add3A_70 = arith.addi %mul3A_68, %add3A_69 : i32
      %mul3A_71 = arith.constant 128 : i32
      %mul3A_72 = arith.muli %add3A_70, %mul3A_71 : i32
      %dma_start3A_73 = tpu.memref_slice %arg6[%mul3A_72] : memref<10000xi32, #tpu.memory_space<vmem>> -> memref<128xi32, #tpu.memory_space<vmem>>
      %dma_start3A_74 = arith.constant 0 : i32
      %dma_start3A_75 = tpu.memref_slice %arg8[%dma_start3A_74] : memref<10240xf32, #tpu.memory_space<vmem_shared>> -> memref<10240xf32, #tpu.memory_space<vmem_shared>>
      tpu.enqueue_indirect_dma source(%arg7 : memref<128xf32, #tpu.memory_space<vmem>>) target(%dma_start3A_75 : memref<10240xf32, #tpu.memory_space<vmem_shared>>) offsets(%dma_start3A_73 : memref<128xi32, #tpu.memory_space<vmem>>) semaphore(%arg9 : memref<!tpu.dma_semaphore, #tpu.memory_space<semaphore_mem>>) {add = true}
      %mul3A_76 = arith.constant 13 : i32
      %mul3A_77 = arith.muli %scan3A_21, %mul3A_76 : i32
      %add3A_78 = arith.constant 6 : i32
      %add3A_79 = arith.addi %mul3A_77, %add3A_78 : i32
      %mul3A_80 = arith.constant 128 : i32
      %mul3A_81 = arith.muli %add3A_79, %mul3A_80 : i32
      %dma_start3A_82 = tpu.memref_slice %arg6[%mul3A_81] : memref<10000xi32, #tpu.memory_space<vmem>> -> memref<128xi32, #tpu.memory_space<vmem>>
      %dma_start3A_83 = arith.constant 0 : i32
      %dma_start3A_84 = tpu.memref_slice %arg8[%dma_start3A_83] : memref<10240xf32, #tpu.memory_space<vmem_shared>> -> memref<10240xf32, #tpu.memory_space<vmem_shared>>
      tpu.enqueue_indirect_dma source(%arg7 : memref<128xf32, #tpu.memory_space<vmem>>) target(%dma_start3A_84 : memref<10240xf32, #tpu.memory_space<vmem_shared>>) offsets(%dma_start3A_82 : memref<128xi32, #tpu.memory_space<vmem>>) semaphore(%arg9 : memref<!tpu.dma_semaphore, #tpu.memory_space<semaphore_mem>>) {add = true}
      %mul3A_85 = arith.constant 13 : i32
      %mul3A_86 = arith.muli %scan3A_21, %mul3A_85 : i32
      %add3A_87 = arith.constant 7 : i32
      %add3A_88 = arith.addi %mul3A_86, %add3A_87 : i32
      %mul3A_89 = arith.constant 128 : i32
      %mul3A_90 = arith.muli %add3A_88, %mul3A_89 : i32
      %dma_start3A_91 = tpu.memref_slice %arg6[%mul3A_90] : memref<10000xi32, #tpu.memory_space<vmem>> -> memref<128xi32, #tpu.memory_space<vmem>>
      %dma_start3A_92 = arith.constant 0 : i32
      %dma_start3A_93 = tpu.memref_slice %arg8[%dma_start3A_92] : memref<10240xf32, #tpu.memory_space<vmem_shared>> -> memref<10240xf32, #tpu.memory_space<vmem_shared>>
      tpu.enqueue_indirect_dma source(%arg7 : memref<128xf32, #tpu.memory_space<vmem>>) target(%dma_start3A_93 : memref<10240xf32, #tpu.memory_space<vmem_shared>>) offsets(%dma_start3A_91 : memref<128xi32, #tpu.memory_space<vmem>>) semaphore(%arg9 : memref<!tpu.dma_semaphore, #tpu.memory_space<semaphore_mem>>) {add = true}
      %mul3A_94 = arith.constant 13 : i32
      %mul3A_95 = arith.muli %scan3A_21, %mul3A_94 : i32
      %add3A_96 = arith.constant 8 : i32
      %add3A_97 = arith.addi %mul3A_95, %add3A_96 : i32
      %mul3A_98 = arith.constant 128 : i32
      %mul3A_99 = arith.muli %add3A_97, %mul3A_98 : i32
      %dma_start3A_100 = tpu.memref_slice %arg6[%mul3A_99] : memref<10000xi32, #tpu.memory_space<vmem>> -> memref<128xi32, #tpu.memory_space<vmem>>
      %dma_start3A_101 = arith.constant 0 : i32
      %dma_start3A_102 = tpu.memref_slice %arg8[%dma_start3A_101] : memref<10240xf32, #tpu.memory_space<vmem_shared>> -> memref<10240xf32, #tpu.memory_space<vmem_shared>>
      tpu.enqueue_indirect_dma source(%arg7 : memref<128xf32, #tpu.memory_space<vmem>>) target(%dma_start3A_102 : memref<10240xf32, #tpu.memory_space<vmem_shared>>) offsets(%dma_start3A_100 : memref<128xi32, #tpu.memory_space<vmem>>) semaphore(%arg9 : memref<!tpu.dma_semaphore, #tpu.memory_space<semaphore_mem>>) {add = true}
      %mul3A_103 = arith.constant 13 : i32
      %mul3A_104 = arith.muli %scan3A_21, %mul3A_103 : i32
      %add3A_105 = arith.constant 9 : i32
      %add3A_106 = arith.addi %mul3A_104, %add3A_105 : i32
      %mul3A_107 = arith.constant 128 : i32
      %mul3A_108 = arith.muli %add3A_106, %mul3A_107 : i32
      %dma_start3A_109 = tpu.memref_slice %arg6[%mul3A_108] : memref<10000xi32, #tpu.memory_space<vmem>> -> memref<128xi32, #tpu.memory_space<vmem>>
      %dma_start3A_110 = arith.constant 0 : i32
      %dma_start3A_111 = tpu.memref_slice %arg8[%dma_start3A_110] : memref<10240xf32, #tpu.memory_space<vmem_shared>> -> memref<10240xf32, #tpu.memory_space<vmem_shared>>
      tpu.enqueue_indirect_dma source(%arg7 : memref<128xf32, #tpu.memory_space<vmem>>) target(%dma_start3A_111 : memref<10240xf32, #tpu.memory_space<vmem_shared>>) offsets(%dma_start3A_109 : memref<128xi32, #tpu.memory_space<vmem>>) semaphore(%arg9 : memref<!tpu.dma_semaphore, #tpu.memory_space<semaphore_mem>>) {add = true}
      %mul3A_112 = arith.constant 13 : i32
      %mul3A_113 = arith.muli %scan3A_21, %mul3A_112 : i32
      %add3A_114 = arith.constant 10 : i32
      %add3A_115 = arith.addi %mul3A_113, %add3A_114 : i32
      %mul3A_116 = arith.constant 128 : i32
      %mul3A_117 = arith.muli %add3A_115, %mul3A_116 : i32
      %dma_start3A_118 = tpu.memref_slice %arg6[%mul3A_117] : memref<10000xi32, #tpu.memory_space<vmem>> -> memref<128xi32, #tpu.memory_space<vmem>>
      %dma_start3A_119 = arith.constant 0 : i32
      %dma_start3A_120 = tpu.memref_slice %arg8[%dma_start3A_119] : memref<10240xf32, #tpu.memory_space<vmem_shared>> -> memref<10240xf32, #tpu.memory_space<vmem_shared>>
      tpu.enqueue_indirect_dma source(%arg7 : memref<128xf32, #tpu.memory_space<vmem>>) target(%dma_start3A_120 : memref<10240xf32, #tpu.memory_space<vmem_shared>>) offsets(%dma_start3A_118 : memref<128xi32, #tpu.memory_space<vmem>>) semaphore(%arg9 : memref<!tpu.dma_semaphore, #tpu.memory_space<semaphore_mem>>) {add = true}
      %mul3A_121 = arith.constant 13 : i32
      %mul3A_122 = arith.muli %scan3A_21, %mul3A_121 : i32
      %add3A_123 = arith.constant 11 : i32
      %add3A_124 = arith.addi %mul3A_122, %add3A_123 : i32
      %mul3A_125 = arith.constant 128 : i32
      %mul3A_126 = arith.muli %add3A_124, %mul3A_125 : i32
      %dma_start3A_127 = tpu.memref_slice %arg6[%mul3A_126] : memref<10000xi32, #tpu.memory_space<vmem>> -> memref<128xi32, #tpu.memory_space<vmem>>
      %dma_start3A_128 = arith.constant 0 : i32
      %dma_start3A_129 = tpu.memref_slice %arg8[%dma_start3A_128] : memref<10240xf32, #tpu.memory_space<vmem_shared>> -> memref<10240xf32, #tpu.memory_space<vmem_shared>>
      tpu.enqueue_indirect_dma source(%arg7 : memref<128xf32, #tpu.memory_space<vmem>>) target(%dma_start3A_129 : memref<10240xf32, #tpu.memory_space<vmem_shared>>) offsets(%dma_start3A_127 : memref<128xi32, #tpu.memory_space<vmem>>) semaphore(%arg9 : memref<!tpu.dma_semaphore, #tpu.memory_space<semaphore_mem>>) {add = true}
      %mul3A_130 = arith.constant 13 : i32
      %mul3A_131 = arith.muli %scan3A_21, %mul3A_130 : i32
      %add3A_132 = arith.constant 12 : i32
      %add3A_133 = arith.addi %mul3A_131, %add3A_132 : i32
      %mul3A_134 = arith.constant 128 : i32
      %mul3A_135 = arith.muli %add3A_133, %mul3A_134 : i32
      %dma_start3A_136 = tpu.memref_slice %arg6[%mul3A_135] : memref<10000xi32, #tpu.memory_space<vmem>> -> memref<128xi32, #tpu.memory_space<vmem>>
      %dma_start3A_137 = arith.constant 0 : i32
      %dma_start3A_138 = tpu.memref_slice %arg8[%dma_start3A_137] : memref<10240xf32, #tpu.memory_space<vmem_shared>> -> memref<10240xf32, #tpu.memory_space<vmem_shared>>
      tpu.enqueue_indirect_dma source(%arg7 : memref<128xf32, #tpu.memory_space<vmem>>) target(%dma_start3A_138 : memref<10240xf32, #tpu.memory_space<vmem_shared>>) offsets(%dma_start3A_136 : memref<128xi32, #tpu.memory_space<vmem>>) semaphore(%arg9 : memref<!tpu.dma_semaphore, #tpu.memory_space<semaphore_mem>>) {add = true}
      %dma_wait3A_139 = tpu.memref_slice %arg6[%mul3A_27] : memref<10000xi32, #tpu.memory_space<vmem>> -> memref<128xi32, #tpu.memory_space<vmem>>
      %dma_wait3A_140 = arith.constant 0 : i32
      %dma_wait3A_141 = tpu.memref_slice %arg8[%dma_wait3A_140] : memref<10240xf32, #tpu.memory_space<vmem_shared>> -> memref<10240xf32, #tpu.memory_space<vmem_shared>>
      tpu.wait_indirect_dma semaphore(%arg9 : memref<!tpu.dma_semaphore, #tpu.memory_space<semaphore_mem>>) src(%arg7 : memref<128xf32, #tpu.memory_space<vmem>>) dst(%dma_wait3A_141 : memref<10240xf32, #tpu.memory_space<vmem_shared>>)
      %dma_wait3A_142 = tpu.memref_slice %arg6[%mul3A_36] : memref<10000xi32, #tpu.memory_space<vmem>> -> memref<128xi32, #tpu.memory_space<vmem>>
      %dma_wait3A_143 = arith.constant 0 : i32
      %dma_wait3A_144 = tpu.memref_slice %arg8[%dma_wait3A_143] : memref<10240xf32, #tpu.memory_space<vmem_shared>> -> memref<10240xf32, #tpu.memory_space<vmem_shared>>
      tpu.wait_indirect_dma semaphore(%arg9 : memref<!tpu.dma_semaphore, #tpu.memory_space<semaphore_mem>>) src(%arg7 : memref<128xf32, #tpu.memory_space<vmem>>) dst(%dma_wait3A_144 : memref<10240xf32, #tpu.memory_space<vmem_shared>>)
      %dma_wait3A_145 = tpu.memref_slice %arg6[%mul3A_45] : memref<10000xi32, #tpu.memory_space<vmem>> -> memref<128xi32, #tpu.memory_space<vmem>>
      %dma_wait3A_146 = arith.constant 0 : i32
      %dma_wait3A_147 = tpu.memref_slice %arg8[%dma_wait3A_146] : memref<10240xf32, #tpu.memory_space<vmem_shared>> -> memref<10240xf32, #tpu.memory_space<vmem_shared>>
      tpu.wait_indirect_dma semaphore(%arg9 : memref<!tpu.dma_semaphore, #tpu.memory_space<semaphore_mem>>) src(%arg7 : memref<128xf32, #tpu.memory_space<vmem>>) dst(%dma_wait3A_147 : memref<10240xf32, #tpu.memory_space<vmem_shared>>)
      %dma_wait3A_148 = tpu.memref_slice %arg6[%mul3A_54] : memref<10000xi32, #tpu.memory_space<vmem>> -> memref<128xi32, #tpu.memory_space<vmem>>
      %dma_wait3A_149 = arith.constant 0 : i32
      %dma_wait3A_150 = tpu.memref_slice %arg8[%dma_wait3A_149] : memref<10240xf32, #tpu.memory_space<vmem_shared>> -> memref<10240xf32, #tpu.memory_space<vmem_shared>>
      tpu.wait_indirect_dma semaphore(%arg9 : memref<!tpu.dma_semaphore, #tpu.memory_space<semaphore_mem>>) src(%arg7 : memref<128xf32, #tpu.memory_space<vmem>>) dst(%dma_wait3A_150 : memref<10240xf32, #tpu.memory_space<vmem_shared>>)
      %dma_wait3A_151 = tpu.memref_slice %arg6[%mul3A_63] : memref<10000xi32, #tpu.memory_space<vmem>> -> memref<128xi32, #tpu.memory_space<vmem>>
      %dma_wait3A_152 = arith.constant 0 : i32
      %dma_wait3A_153 = tpu.memref_slice %arg8[%dma_wait3A_152] : memref<10240xf32, #tpu.memory_space<vmem_shared>> -> memref<10240xf32, #tpu.memory_space<vmem_shared>>
      tpu.wait_indirect_dma semaphore(%arg9 : memref<!tpu.dma_semaphore, #tpu.memory_space<semaphore_mem>>) src(%arg7 : memref<128xf32, #tpu.memory_space<vmem>>) dst(%dma_wait3A_153 : memref<10240xf32, #tpu.memory_space<vmem_shared>>)
      %dma_wait3A_154 = tpu.memref_slice %arg6[%mul3A_72] : memref<10000xi32, #tpu.memory_space<vmem>> -> memref<128xi32, #tpu.memory_space<vmem>>
      %dma_wait3A_155 = arith.constant 0 : i32
      %dma_wait3A_156 = tpu.memref_slice %arg8[%dma_wait3A_155] : memref<10240xf32, #tpu.memory_space<vmem_shared>> -> memref<10240xf32, #tpu.memory_space<vmem_shared>>
      tpu.wait_indirect_dma semaphore(%arg9 : memref<!tpu.dma_semaphore, #tpu.memory_space<semaphore_mem>>) src(%arg7 : memref<128xf32, #tpu.memory_space<vmem>>) dst(%dma_wait3A_156 : memref<10240xf32, #tpu.memory_space<vmem_shared>>)
      %dma_wait3A_157 = tpu.memref_slice %arg6[%mul3A_81] : memref<10000xi32, #tpu.memory_space<vmem>> -> memref<128xi32, #tpu.memory_space<vmem>>
      %dma_wait3A_158 = arith.constant 0 : i32
      %dma_wait3A_159 = tpu.memref_slice %arg8[%dma_wait3A_158] : memref<10240xf32, #tpu.memory_space<vmem_shared>> -> memref<10240xf32, #tpu.memory_space<vmem_shared>>
      tpu.wait_indirect_dma semaphore(%arg9 : memref<!tpu.dma_semaphore, #tpu.memory_space<semaphore_mem>>) src(%arg7 : memref<128xf32, #tpu.memory_space<vmem>>) dst(%dma_wait3A_159 : memref<10240xf32, #tpu.memory_space<vmem_shared>>)
      %dma_wait3A_160 = tpu.memref_slice %arg6[%mul3A_90] : memref<10000xi32, #tpu.memory_space<vmem>> -> memref<128xi32, #tpu.memory_space<vmem>>
      %dma_wait3A_161 = arith.constant 0 : i32
      %dma_wait3A_162 = tpu.memref_slice %arg8[%dma_wait3A_161] : memref<10240xf32, #tpu.memory_space<vmem_shared>> -> memref<10240xf32, #tpu.memory_space<vmem_shared>>
      tpu.wait_indirect_dma semaphore(%arg9 : memref<!tpu.dma_semaphore, #tpu.memory_space<semaphore_mem>>) src(%arg7 : memref<128xf32, #tpu.memory_space<vmem>>) dst(%dma_wait3A_162 : memref<10240xf32, #tpu.memory_space<vmem_shared>>)
      %dma_wait3A_163 = tpu.memref_slice %arg6[%mul3A_99] : memref<10000xi32, #tpu.memory_space<vmem>> -> memref<128xi32, #tpu.memory_space<vmem>>
      %dma_wait3A_164 = arith.constant 0 : i32
      %dma_wait3A_165 = tpu.memref_slice %arg8[%dma_wait3A_164] : memref<10240xf32, #tpu.memory_space<vmem_shared>> -> memref<10240xf32, #tpu.memory_space<vmem_shared>>
      tpu.wait_indirect_dma semaphore(%arg9 : memref<!tpu.dma_semaphore, #tpu.memory_space<semaphore_mem>>) src(%arg7 : memref<128xf32, #tpu.memory_space<vmem>>) dst(%dma_wait3A_165 : memref<10240xf32, #tpu.memory_space<vmem_shared>>)
      %dma_wait3A_166 = tpu.memref_slice %arg6[%mul3A_108] : memref<10000xi32, #tpu.memory_space<vmem>> -> memref<128xi32, #tpu.memory_space<vmem>>
      %dma_wait3A_167 = arith.constant 0 : i32
      %dma_wait3A_168 = tpu.memref_slice %arg8[%dma_wait3A_167] : memref<10240xf32, #tpu.memory_space<vmem_shared>> -> memref<10240xf32, #tpu.memory_space<vmem_shared>>
      tpu.wait_indirect_dma semaphore(%arg9 : memref<!tpu.dma_semaphore, #tpu.memory_space<semaphore_mem>>) src(%arg7 : memref<128xf32, #tpu.memory_space<vmem>>) dst(%dma_wait3A_168 : memref<10240xf32, #tpu.memory_space<vmem_shared>>)
      %dma_wait3A_169 = tpu.memref_slice %arg6[%mul3A_117] : memref<10000xi32, #tpu.memory_space<vmem>> -> memref<128xi32, #tpu.memory_space<vmem>>
      %dma_wait3A_170 = arith.constant 0 : i32
      %dma_wait3A_171 = tpu.memref_slice %arg8[%dma_wait3A_170] : memref<10240xf32, #tpu.memory_space<vmem_shared>> -> memref<10240xf32, #tpu.memory_space<vmem_shared>>
      tpu.wait_indirect_dma semaphore(%arg9 : memref<!tpu.dma_semaphore, #tpu.memory_space<semaphore_mem>>) src(%arg7 : memref<128xf32, #tpu.memory_space<vmem>>) dst(%dma_wait3A_171 : memref<10240xf32, #tpu.memory_space<vmem_shared>>)
      %dma_wait3A_172 = tpu.memref_slice %arg6[%mul3A_126] : memref<10000xi32, #tpu.memory_space<vmem>> -> memref<128xi32, #tpu.memory_space<vmem>>
      %dma_wait3A_173 = arith.constant 0 : i32
      %dma_wait3A_174 = tpu.memref_slice %arg8[%dma_wait3A_173] : memref<10240xf32, #tpu.memory_space<vmem_shared>> -> memref<10240xf32, #tpu.memory_space<vmem_shared>>
      tpu.wait_indirect_dma semaphore(%arg9 : memref<!tpu.dma_semaphore, #tpu.memory_space<semaphore_mem>>) src(%arg7 : memref<128xf32, #tpu.memory_space<vmem>>) dst(%dma_wait3A_174 : memref<10240xf32, #tpu.memory_space<vmem_shared>>)
      %dma_wait3A_175 = tpu.memref_slice %arg6[%mul3A_135] : memref<10000xi32, #tpu.memory_space<vmem>> -> memref<128xi32, #tpu.memory_space<vmem>>
      %dma_wait3A_176 = arith.constant 0 : i32
      %dma_wait3A_177 = tpu.memref_slice %arg8[%dma_wait3A_176] : memref<10240xf32, #tpu.memory_space<vmem_shared>> -> memref<10240xf32, #tpu.memory_space<vmem_shared>>
      tpu.wait_indirect_dma semaphore(%arg9 : memref<!tpu.dma_semaphore, #tpu.memory_space<semaphore_mem>>) src(%arg7 : memref<128xf32, #tpu.memory_space<vmem>>) dst(%dma_wait3A_177 : memref<10240xf32, #tpu.memory_space<vmem_shared>>)
    }
    %scan3A_9 = arith.constant 6 : i32
    %dma_start3A = arith.constant 0 : i32
    %dma_start3A_10 = tpu.memref_slice %arg7[%dma_start3A] : memref<128xf32, #tpu.memory_space<vmem>> -> memref<16xf32, #tpu.memory_space<vmem>>
    %dma_start3A_11 = arith.constant 9984 : i32
    %dma_start3A_12 = tpu.memref_slice %arg6[%dma_start3A_11] : memref<10000xi32, #tpu.memory_space<vmem>> -> memref<16xi32, #tpu.memory_space<vmem>>
    %dma_start3A_13 = arith.constant 0 : i32
    %dma_start3A_14 = tpu.memref_slice %arg8[%dma_start3A_13] : memref<10240xf32, #tpu.memory_space<vmem_shared>> -> memref<10240xf32, #tpu.memory_space<vmem_shared>>
    tpu.enqueue_indirect_dma source(%dma_start3A_10 : memref<16xf32, #tpu.memory_space<vmem>>) target(%dma_start3A_14 : memref<10240xf32, #tpu.memory_space<vmem_shared>>) offsets(%dma_start3A_12 : memref<16xi32, #tpu.memory_space<vmem>>) semaphore(%arg9 : memref<!tpu.dma_semaphore, #tpu.memory_space<semaphore_mem>>) {add = true}
    %dma_wait3A = arith.constant 0 : i32
    %dma_wait3A_15 = tpu.memref_slice %arg7[%dma_wait3A] : memref<128xf32, #tpu.memory_space<vmem>> -> memref<16xf32, #tpu.memory_space<vmem>>
    %dma_wait3A_16 = arith.constant 9984 : i32
    %dma_wait3A_17 = tpu.memref_slice %arg6[%dma_wait3A_16] : memref<10000xi32, #tpu.memory_space<vmem>> -> memref<16xi32, #tpu.memory_space<vmem>>
    %dma_wait3A_18 = arith.constant 0 : i32
    %dma_wait3A_19 = tpu.memref_slice %arg8[%dma_wait3A_18] : memref<10240xf32, #tpu.memory_space<vmem_shared>> -> memref<10240xf32, #tpu.memory_space<vmem_shared>>
    tpu.wait_indirect_dma semaphore(%arg9 : memref<!tpu.dma_semaphore, #tpu.memory_space<semaphore_mem>>) src(%dma_wait3A_15 : memref<16xf32, #tpu.memory_space<vmem>>) dst(%dma_wait3A_19 : memref<10240xf32, #tpu.memory_space<vmem_shared>>)
    %barrier3A_20 = arith.constant 0 : index
    tpu.barrier barrier_id(%barrier3A_20)
    "tpu.region"() ({
      %run_scoped3A_21 = tpu.sem_alloc : memref<!tpu.dma_semaphore, #tpu.memory_space<semaphore_mem>>
      %dma_start3A_22 = tpu.memref_slice %arg5[%arg0, %mul3A_2] : memref<2x10240xf32, #tpu.memory_space<hbm>> -> memref<1x640xf32, #tpu.memory_space<hbm>>
      %dma_start3A_23 = tpu.memref_squeeze %dma_start3A_22 : memref<1x640xf32, #tpu.memory_space<hbm>> -> memref<640xf32, #tpu.memory_space<hbm>>
      %dma_start3A_24 = tpu.memref_slice %arg8[%mul3A_2] : memref<10240xf32, #tpu.memory_space<vmem_shared>> -> memref<640xf32, #tpu.memory_space<vmem_shared>>
      tpu.enqueue_dma source(%dma_start3A_24 : memref<640xf32, #tpu.memory_space<vmem_shared>>) target(%dma_start3A_23 : memref<640xf32, #tpu.memory_space<hbm>>) target_semaphore(%run_scoped3A_21 : memref<!tpu.dma_semaphore, #tpu.memory_space<semaphore_mem>>)
      %dma_wait3A_25 = tpu.memref_slice %arg5[%arg0, %mul3A_2] : memref<2x10240xf32, #tpu.memory_space<hbm>> -> memref<1x640xf32, #tpu.memory_space<hbm>>
      %dma_wait3A_26 = tpu.memref_squeeze %dma_wait3A_25 : memref<1x640xf32, #tpu.memory_space<hbm>> -> memref<640xf32, #tpu.memory_space<hbm>>
      %dma_wait3A_27 = tpu.memref_slice %arg8[%mul3A_2] : memref<10240xf32, #tpu.memory_space<vmem_shared>> -> memref<640xf32, #tpu.memory_space<vmem_shared>>
      tpu.wait_dma2 semaphore(%run_scoped3A_21 : memref<!tpu.dma_semaphore, #tpu.memory_space<semaphore_mem>>) src(%dma_wait3A_27 : memref<640xf32, #tpu.memory_space<vmem_shared>>) dst(%dma_wait3A_26 : memref<640xf32, #tpu.memory_space<hbm>>)
      tpu.yield
    }) : () -> ()
    return
  }
}

#map = affine_map<(d0, d1) -> (0, 0, 0)>
#map1 = affine_map<(d0, d1) -> (0, 0)>
#map2 = affine_map<(d0, d1) -> (0)>
module attributes {stable_mosaic.version = 14 : i64} {
  func.func @_mega2_body(%arg0: i32, %arg1: i32, %arg2: memref<2x10000x16xf32, #tpu.memory_space<hbm>>, %arg3: memref<10000x16xf32, #tpu.memory_space<hbm>>, %arg4: memref<10000x16xf32, #tpu.memory_space<hbm>>, %arg5: memref<16xf32, #tpu.memory_space<hbm>>, %arg6: memref<2x320000xi32, #tpu.memory_space<hbm>>, %arg7: memref<640x16xf32, #tpu.memory_space<hbm>>, %arg8: memref<2x10000x16xf32, #tpu.memory_space<hbm>>, %arg9: memref<10000x16xf32, #tpu.memory_space<hbm>>, %arg10: memref<10000xi32, #tpu.memory_space<vmem>>, %arg11: memref<10000xi32, #tpu.memory_space<vmem>>, %arg12: memref<13x128x16xf32, #tpu.memory_space<vmem>>, %arg13: memref<16xf32, #tpu.memory_space<vmem>>, %arg14: memref<625x16xf32, #tpu.memory_space<vmem>>, %arg15: memref<625x16xf32, #tpu.memory_space<vmem>>, %arg16: memref<625x16xf32, #tpu.memory_space<vmem>>, %arg17: memref<625x16xf32, #tpu.memory_space<vmem>>, %arg18: memref<10240x16xf32, #tpu.memory_space<vmem_shared>>, %arg19: memref<10240x16xf32, #tpu.memory_space<vmem_shared>>, %arg20: memref<!tpu.dma_semaphore, #tpu.memory_space<semaphore_mem>>, %arg21: memref<!tpu.dma_semaphore, #tpu.memory_space<semaphore_mem>>) attributes {dimension_semantics = [#tpu.dimension_semantics<core_parallel>, #tpu.dimension_semantics<subcore_parallel>], iteration_bounds = array<i64: 2, 16>, scalar_prefetch = 0 : i64, scratch_operands = 12 : i64, tpu.core_type = #tpu.core_type<sc_vector_subcore>, window_params = [{transform_indices = #map}, {transform_indices = #map1}, {transform_indices = #map1}, {transform_indices = #map2}, {transform_indices = #map1}, {transform_indices = #map1}, {transform_indices = #map}, {transform_indices = #map1}]} {
    %mul3A = arith.constant 16 : i32
    %mul3A_0 = arith.muli %arg0, %mul3A : i32
    %add3A = arith.addi %mul3A_0, %arg1 : i32
    %mul3A_1 = arith.constant 625 : i32
    %mul3A_2 = arith.muli %arg1, %mul3A_1 : i32
    %mul3A_3 = arith.constant 640 : i32
    %mul3A_4 = arith.muli %arg1, %mul3A_3 : i32
    %mul3A_5 = arith.constant 10000 : i32
    %mul3A_6 = arith.muli %add3A, %mul3A_5 : i32
    %run_scoped3A = arith.constant 0 : i32
    "tpu.region"() ({
      %run_scoped3A_65 = tpu.sem_alloc : memref<!tpu.dma_semaphore, #tpu.memory_space<semaphore_mem>>
      %dma_start3A_66 = tpu.memref_slice %arg6[%run_scoped3A, %mul3A_6] : memref<2x320000xi32, #tpu.memory_space<hbm>> -> memref<1x10000xi32, #tpu.memory_space<hbm>>
      %dma_start3A_67 = tpu.memref_squeeze %dma_start3A_66 : memref<1x10000xi32, #tpu.memory_space<hbm>> -> memref<10000xi32, #tpu.memory_space<hbm>>
      %dma_start3A_68 = tpu.memref_slice %arg6[%run_scoped3A, %mul3A_6] : memref<2x320000xi32, #tpu.memory_space<hbm>> -> memref<1x10000xi32, #tpu.memory_space<hbm>>
      %dma_start3A_69 = tpu.memref_squeeze %dma_start3A_68 : memref<1x10000xi32, #tpu.memory_space<hbm>> -> memref<10000xi32, #tpu.memory_space<hbm>>
      tpu.enqueue_dma source(%dma_start3A_69 : memref<10000xi32, #tpu.memory_space<hbm>>) target(%arg10 : memref<10000xi32, #tpu.memory_space<vmem>>) target_semaphore(%run_scoped3A_65 : memref<!tpu.dma_semaphore, #tpu.memory_space<semaphore_mem>>)
      %dma_wait3A_70 = tpu.memref_slice %arg6[%run_scoped3A, %mul3A_6] : memref<2x320000xi32, #tpu.memory_space<hbm>> -> memref<1x10000xi32, #tpu.memory_space<hbm>>
      %dma_wait3A_71 = tpu.memref_squeeze %dma_wait3A_70 : memref<1x10000xi32, #tpu.memory_space<hbm>> -> memref<10000xi32, #tpu.memory_space<hbm>>
      %dma_wait3A_72 = tpu.memref_slice %arg6[%run_scoped3A, %mul3A_6] : memref<2x320000xi32, #tpu.memory_space<hbm>> -> memref<1x10000xi32, #tpu.memory_space<hbm>>
      %dma_wait3A_73 = tpu.memref_squeeze %dma_wait3A_72 : memref<1x10000xi32, #tpu.memory_space<hbm>> -> memref<10000xi32, #tpu.memory_space<hbm>>
      tpu.wait_dma2 semaphore(%run_scoped3A_65 : memref<!tpu.dma_semaphore, #tpu.memory_space<semaphore_mem>>) src(%dma_wait3A_73 : memref<10000xi32, #tpu.memory_space<hbm>>) dst(%arg10 : memref<10000xi32, #tpu.memory_space<vmem>>)
      tpu.yield
    }) : () -> ()
    %mul3A_7 = arith.constant 10000 : i32
    %mul3A_8 = arith.muli %add3A, %mul3A_7 : i32
    %run_scoped3A_9 = arith.constant 1 : i32
    "tpu.region"() ({
      %run_scoped3A_65 = tpu.sem_alloc : memref<!tpu.dma_semaphore, #tpu.memory_space<semaphore_mem>>
      %dma_start3A_66 = tpu.memref_slice %arg6[%run_scoped3A_9, %mul3A_8] : memref<2x320000xi32, #tpu.memory_space<hbm>> -> memref<1x10000xi32, #tpu.memory_space<hbm>>
      %dma_start3A_67 = tpu.memref_squeeze %dma_start3A_66 : memref<1x10000xi32, #tpu.memory_space<hbm>> -> memref<10000xi32, #tpu.memory_space<hbm>>
      %dma_start3A_68 = tpu.memref_slice %arg6[%run_scoped3A_9, %mul3A_8] : memref<2x320000xi32, #tpu.memory_space<hbm>> -> memref<1x10000xi32, #tpu.memory_space<hbm>>
      %dma_start3A_69 = tpu.memref_squeeze %dma_start3A_68 : memref<1x10000xi32, #tpu.memory_space<hbm>> -> memref<10000xi32, #tpu.memory_space<hbm>>
      tpu.enqueue_dma source(%dma_start3A_69 : memref<10000xi32, #tpu.memory_space<hbm>>) target(%arg11 : memref<10000xi32, #tpu.memory_space<vmem>>) target_semaphore(%run_scoped3A_65 : memref<!tpu.dma_semaphore, #tpu.memory_space<semaphore_mem>>)
      %dma_wait3A_70 = tpu.memref_slice %arg6[%run_scoped3A_9, %mul3A_8] : memref<2x320000xi32, #tpu.memory_space<hbm>> -> memref<1x10000xi32, #tpu.memory_space<hbm>>
      %dma_wait3A_71 = tpu.memref_squeeze %dma_wait3A_70 : memref<1x10000xi32, #tpu.memory_space<hbm>> -> memref<10000xi32, #tpu.memory_space<hbm>>
      %dma_wait3A_72 = tpu.memref_slice %arg6[%run_scoped3A_9, %mul3A_8] : memref<2x320000xi32, #tpu.memory_space<hbm>> -> memref<1x10000xi32, #tpu.memory_space<hbm>>
      %dma_wait3A_73 = tpu.memref_squeeze %dma_wait3A_72 : memref<1x10000xi32, #tpu.memory_space<hbm>> -> memref<10000xi32, #tpu.memory_space<hbm>>
      tpu.wait_dma2 semaphore(%run_scoped3A_65 : memref<!tpu.dma_semaphore, #tpu.memory_space<semaphore_mem>>) src(%dma_wait3A_73 : memref<10000xi32, #tpu.memory_space<hbm>>) dst(%arg11 : memref<10000xi32, #tpu.memory_space<vmem>>)
      tpu.yield
    }) : () -> ()
    "tpu.region"() ({
      %run_scoped3A_65 = tpu.sem_alloc : memref<!tpu.dma_semaphore, #tpu.memory_space<semaphore_mem>>
      tpu.enqueue_dma source(%arg5 : memref<16xf32, #tpu.memory_space<hbm>>) target(%arg13 : memref<16xf32, #tpu.memory_space<vmem>>) target_semaphore(%run_scoped3A_65 : memref<!tpu.dma_semaphore, #tpu.memory_space<semaphore_mem>>)
      tpu.wait_dma2 semaphore(%run_scoped3A_65 : memref<!tpu.dma_semaphore, #tpu.memory_space<semaphore_mem>>) src(%arg5 : memref<16xf32, #tpu.memory_space<hbm>>) dst(%arg13 : memref<16xf32, #tpu.memory_space<vmem>>)
      tpu.yield
    }) : () -> ()
    "tpu.region"() ({
      %run_scoped3A_65 = tpu.sem_alloc : memref<!tpu.dma_semaphore, #tpu.memory_space<semaphore_mem>>
      %dma_start3A_66 = arith.constant 0 : i32
      %dma_start3A_67 = tpu.memref_slice %arg19[%mul3A_4, %dma_start3A_66] : memref<10240x16xf32, #tpu.memory_space<vmem_shared>> -> memref<640x16xf32, #tpu.memory_space<vmem_shared>>
      tpu.enqueue_dma source(%arg7 : memref<640x16xf32, #tpu.memory_space<hbm>>) target(%dma_start3A_67 : memref<640x16xf32, #tpu.memory_space<vmem_shared>>) target_semaphore(%run_scoped3A_65 : memref<!tpu.dma_semaphore, #tpu.memory_space<semaphore_mem>>)
      %dma_wait3A_68 = arith.constant 0 : i32
      %dma_wait3A_69 = tpu.memref_slice %arg19[%mul3A_4, %dma_wait3A_68] : memref<10240x16xf32, #tpu.memory_space<vmem_shared>> -> memref<640x16xf32, #tpu.memory_space<vmem_shared>>
      tpu.wait_dma2 semaphore(%run_scoped3A_65 : memref<!tpu.dma_semaphore, #tpu.memory_space<semaphore_mem>>) src(%arg7 : memref<640x16xf32, #tpu.memory_space<hbm>>) dst(%dma_wait3A_69 : memref<640x16xf32, #tpu.memory_space<vmem_shared>>)
      tpu.yield
    }) : () -> ()
    "tpu.region"() ({
      %run_scoped3A_65 = tpu.sem_alloc : memref<!tpu.dma_semaphore, #tpu.memory_space<semaphore_mem>>
      %dma_start3A_66 = arith.constant 0 : i32
      %dma_start3A_67 = tpu.memref_slice %arg4[%mul3A_2, %dma_start3A_66] : memref<10000x16xf32, #tpu.memory_space<hbm>> -> memref<625x16xf32, #tpu.memory_space<hbm>>
      %dma_start3A_68 = arith.constant 0 : i32
      %dma_start3A_69 = tpu.memref_slice %arg4[%mul3A_2, %dma_start3A_68] : memref<10000x16xf32, #tpu.memory_space<hbm>> -> memref<625x16xf32, #tpu.memory_space<hbm>>
      tpu.enqueue_dma source(%dma_start3A_69 : memref<625x16xf32, #tpu.memory_space<hbm>>) target(%arg14 : memref<625x16xf32, #tpu.memory_space<vmem>>) target_semaphore(%run_scoped3A_65 : memref<!tpu.dma_semaphore, #tpu.memory_space<semaphore_mem>>)
      %dma_wait3A_70 = arith.constant 0 : i32
      %dma_wait3A_71 = tpu.memref_slice %arg4[%mul3A_2, %dma_wait3A_70] : memref<10000x16xf32, #tpu.memory_space<hbm>> -> memref<625x16xf32, #tpu.memory_space<hbm>>
      %dma_wait3A_72 = arith.constant 0 : i32
      %dma_wait3A_73 = tpu.memref_slice %arg4[%mul3A_2, %dma_wait3A_72] : memref<10000x16xf32, #tpu.memory_space<hbm>> -> memref<625x16xf32, #tpu.memory_space<hbm>>
      tpu.wait_dma2 semaphore(%run_scoped3A_65 : memref<!tpu.dma_semaphore, #tpu.memory_space<semaphore_mem>>) src(%dma_wait3A_73 : memref<625x16xf32, #tpu.memory_space<hbm>>) dst(%arg14 : memref<625x16xf32, #tpu.memory_space<vmem>>)
      tpu.yield
    }) : () -> ()
    %run_scoped3A_10 = arith.constant 0 : i32
    "tpu.region"() ({
      %run_scoped3A_65 = tpu.sem_alloc : memref<!tpu.dma_semaphore, #tpu.memory_space<semaphore_mem>>
      %dma_start3A_66 = arith.constant 0 : i32
      %dma_start3A_67 = tpu.memref_slice %arg2[%run_scoped3A_10, %mul3A_2, %dma_start3A_66] : memref<2x10000x16xf32, #tpu.memory_space<hbm>> -> memref<1x625x16xf32, #tpu.memory_space<hbm>>
      %dma_start3A_68 = tpu.memref_squeeze %dma_start3A_67 : memref<1x625x16xf32, #tpu.memory_space<hbm>> -> memref<625x16xf32, #tpu.memory_space<hbm>>
      %dma_start3A_69 = arith.constant 0 : i32
      %dma_start3A_70 = tpu.memref_slice %arg2[%run_scoped3A_10, %mul3A_2, %dma_start3A_69] : memref<2x10000x16xf32, #tpu.memory_space<hbm>> -> memref<1x625x16xf32, #tpu.memory_space<hbm>>
      %dma_start3A_71 = tpu.memref_squeeze %dma_start3A_70 : memref<1x625x16xf32, #tpu.memory_space<hbm>> -> memref<625x16xf32, #tpu.memory_space<hbm>>
      tpu.enqueue_dma source(%dma_start3A_71 : memref<625x16xf32, #tpu.memory_space<hbm>>) target(%arg15 : memref<625x16xf32, #tpu.memory_space<vmem>>) target_semaphore(%run_scoped3A_65 : memref<!tpu.dma_semaphore, #tpu.memory_space<semaphore_mem>>)
      %dma_wait3A_72 = arith.constant 0 : i32
      %dma_wait3A_73 = tpu.memref_slice %arg2[%run_scoped3A_10, %mul3A_2, %dma_wait3A_72] : memref<2x10000x16xf32, #tpu.memory_space<hbm>> -> memref<1x625x16xf32, #tpu.memory_space<hbm>>
      %dma_wait3A_74 = tpu.memref_squeeze %dma_wait3A_73 : memref<1x625x16xf32, #tpu.memory_space<hbm>> -> memref<625x16xf32, #tpu.memory_space<hbm>>
      %dma_wait3A_75 = arith.constant 0 : i32
      %dma_wait3A_76 = tpu.memref_slice %arg2[%run_scoped3A_10, %mul3A_2, %dma_wait3A_75] : memref<2x10000x16xf32, #tpu.memory_space<hbm>> -> memref<1x625x16xf32, #tpu.memory_space<hbm>>
      %dma_wait3A_77 = tpu.memref_squeeze %dma_wait3A_76 : memref<1x625x16xf32, #tpu.memory_space<hbm>> -> memref<625x16xf32, #tpu.memory_space<hbm>>
      tpu.wait_dma2 semaphore(%run_scoped3A_65 : memref<!tpu.dma_semaphore, #tpu.memory_space<semaphore_mem>>) src(%dma_wait3A_77 : memref<625x16xf32, #tpu.memory_space<hbm>>) dst(%arg15 : memref<625x16xf32, #tpu.memory_space<vmem>>)
      tpu.yield
    }) : () -> ()
    %run_scoped3A_11 = arith.constant 1 : i32
    "tpu.region"() ({
      %run_scoped3A_65 = tpu.sem_alloc : memref<!tpu.dma_semaphore, #tpu.memory_space<semaphore_mem>>
      %dma_start3A_66 = arith.constant 0 : i32
      %dma_start3A_67 = tpu.memref_slice %arg2[%run_scoped3A_11, %mul3A_2, %dma_start3A_66] : memref<2x10000x16xf32, #tpu.memory_space<hbm>> -> memref<1x625x16xf32, #tpu.memory_space<hbm>>
      %dma_start3A_68 = tpu.memref_squeeze %dma_start3A_67 : memref<1x625x16xf32, #tpu.memory_space<hbm>> -> memref<625x16xf32, #tpu.memory_space<hbm>>
      %dma_start3A_69 = arith.constant 0 : i32
      %dma_start3A_70 = tpu.memref_slice %arg2[%run_scoped3A_11, %mul3A_2, %dma_start3A_69] : memref<2x10000x16xf32, #tpu.memory_space<hbm>> -> memref<1x625x16xf32, #tpu.memory_space<hbm>>
      %dma_start3A_71 = tpu.memref_squeeze %dma_start3A_70 : memref<1x625x16xf32, #tpu.memory_space<hbm>> -> memref<625x16xf32, #tpu.memory_space<hbm>>
      tpu.enqueue_dma source(%dma_start3A_71 : memref<625x16xf32, #tpu.memory_space<hbm>>) target(%arg16 : memref<625x16xf32, #tpu.memory_space<vmem>>) target_semaphore(%run_scoped3A_65 : memref<!tpu.dma_semaphore, #tpu.memory_space<semaphore_mem>>)
      %dma_wait3A_72 = arith.constant 0 : i32
      %dma_wait3A_73 = tpu.memref_slice %arg2[%run_scoped3A_11, %mul3A_2, %dma_wait3A_72] : memref<2x10000x16xf32, #tpu.memory_space<hbm>> -> memref<1x625x16xf32, #tpu.memory_space<hbm>>
      %dma_wait3A_74 = tpu.memref_squeeze %dma_wait3A_73 : memref<1x625x16xf32, #tpu.memory_space<hbm>> -> memref<625x16xf32, #tpu.memory_space<hbm>>
      %dma_wait3A_75 = arith.constant 0 : i32
      %dma_wait3A_76 = tpu.memref_slice %arg2[%run_scoped3A_11, %mul3A_2, %dma_wait3A_75] : memref<2x10000x16xf32, #tpu.memory_space<hbm>> -> memref<1x625x16xf32, #tpu.memory_space<hbm>>
      %dma_wait3A_77 = tpu.memref_squeeze %dma_wait3A_76 : memref<1x625x16xf32, #tpu.memory_space<hbm>> -> memref<625x16xf32, #tpu.memory_space<hbm>>
      tpu.wait_dma2 semaphore(%run_scoped3A_65 : memref<!tpu.dma_semaphore, #tpu.memory_space<semaphore_mem>>) src(%dma_wait3A_77 : memref<625x16xf32, #tpu.memory_space<hbm>>) dst(%arg16 : memref<625x16xf32, #tpu.memory_space<vmem>>)
      tpu.yield
    }) : () -> ()
    "tpu.region"() ({
      %run_scoped3A_65 = tpu.sem_alloc : memref<!tpu.dma_semaphore, #tpu.memory_space<semaphore_mem>>
      %dma_start3A_66 = arith.constant 0 : i32
      %dma_start3A_67 = tpu.memref_slice %arg3[%mul3A_2, %dma_start3A_66] : memref<10000x16xf32, #tpu.memory_space<hbm>> -> memref<625x16xf32, #tpu.memory_space<hbm>>
      %dma_start3A_68 = arith.constant 0 : i32
      %dma_start3A_69 = tpu.memref_slice %arg3[%mul3A_2, %dma_start3A_68] : memref<10000x16xf32, #tpu.memory_space<hbm>> -> memref<625x16xf32, #tpu.memory_space<hbm>>
      tpu.enqueue_dma source(%dma_start3A_69 : memref<625x16xf32, #tpu.memory_space<hbm>>) target(%arg17 : memref<625x16xf32, #tpu.memory_space<vmem>>) target_semaphore(%run_scoped3A_65 : memref<!tpu.dma_semaphore, #tpu.memory_space<semaphore_mem>>)
      %dma_wait3A_70 = arith.constant 0 : i32
      %dma_wait3A_71 = tpu.memref_slice %arg3[%mul3A_2, %dma_wait3A_70] : memref<10000x16xf32, #tpu.memory_space<hbm>> -> memref<625x16xf32, #tpu.memory_space<hbm>>
      %dma_wait3A_72 = arith.constant 0 : i32
      %dma_wait3A_73 = tpu.memref_slice %arg3[%mul3A_2, %dma_wait3A_72] : memref<10000x16xf32, #tpu.memory_space<hbm>> -> memref<625x16xf32, #tpu.memory_space<hbm>>
      tpu.wait_dma2 semaphore(%run_scoped3A_65 : memref<!tpu.dma_semaphore, #tpu.memory_space<semaphore_mem>>) src(%dma_wait3A_73 : memref<625x16xf32, #tpu.memory_space<hbm>>) dst(%arg17 : memref<625x16xf32, #tpu.memory_space<vmem>>)
      tpu.yield
    }) : () -> ()
    %get3A = arith.constant 0 : index
    %get3A_12 = tpu.vector_load %arg13[%get3A] {strides = array<i32>} : memref<16xf32, #tpu.memory_space<vmem>>, vector<16xf32>,
    %scan3A = arith.constant 0 : i32
    %scan3A_13 = arith.constant 0 : i32
    %scan3A_14 = arith.constant 125 : i32
    %scan3A_15 = arith.addi %scan3A_13, %scan3A_14 : i32
    %scan3A_16 = arith.constant 1 : i32
    scf.for %scan3A_65 = %scan3A_13 to %scan3A_15 step %scan3A_16  : i32 {
      %mul3A_66 = arith.constant 5 : i32
      %mul3A_67 = arith.muli %scan3A_65, %mul3A_66 : i32
      %add3A_68 = arith.constant 0 : i32
      %add3A_69 = arith.addi %mul3A_67, %add3A_68 : i32
      %get3A_70 = arith.index_cast %add3A_69 : i32 to index
      %get3A_71 = arith.constant 0 : index
      %get3A_72 = tpu.vector_load %arg14[%get3A_70, %get3A_71] {strides = array<i32>} : memref<625x16xf32, #tpu.memory_space<vmem>>, vector<16xf32>,
      %get3A_73 = arith.index_cast %add3A_69 : i32 to index
      %get3A_74 = arith.constant 0 : index
      %get3A_75 = tpu.vector_load %arg15[%get3A_73, %get3A_74] {strides = array<i32>} : memref<625x16xf32, #tpu.memory_space<vmem>>, vector<16xf32>,
      %get3A_76 = arith.index_cast %add3A_69 : i32 to index
      %get3A_77 = arith.constant 0 : index
      %get3A_78 = tpu.vector_load %arg16[%get3A_76, %get3A_77] {strides = array<i32>} : memref<625x16xf32, #tpu.memory_space<vmem>>, vector<16xf32>,
      %add3A_79 = arith.addf %get3A_75, %get3A_78 : vector<16xf32>
      %get3A_80 = arith.index_cast %add3A_69 : i32 to index
      %get3A_81 = arith.constant 0 : index
      %get3A_82 = tpu.vector_load %arg17[%get3A_80, %get3A_81] {strides = array<i32>} : memref<625x16xf32, #tpu.memory_space<vmem>>, vector<16xf32>,
      %add3A_83 = arith.addf %add3A_79, %get3A_82 : vector<16xf32>
      %mul3A_84 = arith.mulf %get3A_72, %add3A_83 : vector<16xf32>
      %add3A_85 = arith.addf %mul3A_84, %get3A_12 : vector<16xf32>
      %max3A = arith.constant 0.000000e+00 : f32
      %max3A_86 = vector.broadcast %max3A : f32 to vector<16xf32>
      %max3A_87 = arith.maximumf %add3A_85, %max3A_86 : vector<16xf32>
      %mul3A_88 = arith.mulf %get3A_72, %max3A_87 : vector<16xf32>
      %swap3A = arith.index_cast %add3A_69 : i32 to index
      %swap3A_89 = arith.constant 0 : index
      %swap3A_90 = tpu.vector_load %arg15[%swap3A, %swap3A_89] {strides = array<i32>} : memref<625x16xf32, #tpu.memory_space<vmem>>, vector<16xf32>,
      tpu.vector_store %arg15[%swap3A, %swap3A_89], %mul3A_88 {strides = array<i32>} : memref<625x16xf32, #tpu.memory_space<vmem>>, vector<16xf32>,
      %mul3A_91 = arith.constant 5 : i32
      %mul3A_92 = arith.muli %scan3A_65, %mul3A_91 : i32
      %add3A_93 = arith.constant 1 : i32
      %add3A_94 = arith.addi %mul3A_92, %add3A_93 : i32
      %get3A_95 = arith.index_cast %add3A_94 : i32 to index
      %get3A_96 = arith.constant 0 : index
      %get3A_97 = tpu.vector_load %arg14[%get3A_95, %get3A_96] {strides = array<i32>} : memref<625x16xf32, #tpu.memory_space<vmem>>, vector<16xf32>,
      %get3A_98 = arith.index_cast %add3A_94 : i32 to index
      %get3A_99 = arith.constant 0 : index
      %get3A_100 = tpu.vector_load %arg15[%get3A_98, %get3A_99] {strides = array<i32>} : memref<625x16xf32, #tpu.memory_space<vmem>>, vector<16xf32>,
      %get3A_101 = arith.index_cast %add3A_94 : i32 to index
      %get3A_102 = arith.constant 0 : index
      %get3A_103 = tpu.vector_load %arg16[%get3A_101, %get3A_102] {strides = array<i32>} : memref<625x16xf32, #tpu.memory_space<vmem>>, vector<16xf32>,
      %add3A_104 = arith.addf %get3A_100, %get3A_103 : vector<16xf32>
      %get3A_105 = arith.index_cast %add3A_94 : i32 to index
      %get3A_106 = arith.constant 0 : index
      %get3A_107 = tpu.vector_load %arg17[%get3A_105, %get3A_106] {strides = array<i32>} : memref<625x16xf32, #tpu.memory_space<vmem>>, vector<16xf32>,
      %add3A_108 = arith.addf %add3A_104, %get3A_107 : vector<16xf32>
      %mul3A_109 = arith.mulf %get3A_97, %add3A_108 : vector<16xf32>
      %add3A_110 = arith.addf %mul3A_109, %get3A_12 : vector<16xf32>
      %max3A_111 = arith.constant 0.000000e+00 : f32
      %max3A_112 = vector.broadcast %max3A_111 : f32 to vector<16xf32>
      %max3A_113 = arith.maximumf %add3A_110, %max3A_112 : vector<16xf32>
      %mul3A_114 = arith.mulf %get3A_97, %max3A_113 : vector<16xf32>
      %swap3A_115 = arith.index_cast %add3A_94 : i32 to index
      %swap3A_116 = arith.constant 0 : index
      %swap3A_117 = tpu.vector_load %arg15[%swap3A_115, %swap3A_116] {strides = array<i32>} : memref<625x16xf32, #tpu.memory_space<vmem>>, vector<16xf32>,
      tpu.vector_store %arg15[%swap3A_115, %swap3A_116], %mul3A_114 {strides = array<i32>} : memref<625x16xf32, #tpu.memory_space<vmem>>, vector<16xf32>,
      %mul3A_118 = arith.constant 5 : i32
      %mul3A_119 = arith.muli %scan3A_65, %mul3A_118 : i32
      %add3A_120 = arith.constant 2 : i32
      %add3A_121 = arith.addi %mul3A_119, %add3A_120 : i32
      %get3A_122 = arith.index_cast %add3A_121 : i32 to index
      %get3A_123 = arith.constant 0 : index
      %get3A_124 = tpu.vector_load %arg14[%get3A_122, %get3A_123] {strides = array<i32>} : memref<625x16xf32, #tpu.memory_space<vmem>>, vector<16xf32>,
      %get3A_125 = arith.index_cast %add3A_121 : i32 to index
      %get3A_126 = arith.constant 0 : index
      %get3A_127 = tpu.vector_load %arg15[%get3A_125, %get3A_126] {strides = array<i32>} : memref<625x16xf32, #tpu.memory_space<vmem>>, vector<16xf32>,
      %get3A_128 = arith.index_cast %add3A_121 : i32 to index
      %get3A_129 = arith.constant 0 : index
      %get3A_130 = tpu.vector_load %arg16[%get3A_128, %get3A_129] {strides = array<i32>} : memref<625x16xf32, #tpu.memory_space<vmem>>, vector<16xf32>,
      %add3A_131 = arith.addf %get3A_127, %get3A_130 : vector<16xf32>
      %get3A_132 = arith.index_cast %add3A_121 : i32 to index
      %get3A_133 = arith.constant 0 : index
      %get3A_134 = tpu.vector_load %arg17[%get3A_132, %get3A_133] {strides = array<i32>} : memref<625x16xf32, #tpu.memory_space<vmem>>, vector<16xf32>,
      %add3A_135 = arith.addf %add3A_131, %get3A_134 : vector<16xf32>
      %mul3A_136 = arith.mulf %get3A_124, %add3A_135 : vector<16xf32>
      %add3A_137 = arith.addf %mul3A_136, %get3A_12 : vector<16xf32>
      %max3A_138 = arith.constant 0.000000e+00 : f32
      %max3A_139 = vector.broadcast %max3A_138 : f32 to vector<16xf32>
      %max3A_140 = arith.maximumf %add3A_137, %max3A_139 : vector<16xf32>
      %mul3A_141 = arith.mulf %get3A_124, %max3A_140 : vector<16xf32>
      %swap3A_142 = arith.index_cast %add3A_121 : i32 to index
      %swap3A_143 = arith.constant 0 : index
      %swap3A_144 = tpu.vector_load %arg15[%swap3A_142, %swap3A_143] {strides = array<i32>} : memref<625x16xf32, #tpu.memory_space<vmem>>, vector<16xf32>,
      tpu.vector_store %arg15[%swap3A_142, %swap3A_143], %mul3A_141 {strides = array<i32>} : memref<625x16xf32, #tpu.memory_space<vmem>>, vector<16xf32>,
      %mul3A_145 = arith.constant 5 : i32
      %mul3A_146 = arith.muli %scan3A_65, %mul3A_145 : i32
      %add3A_147 = arith.constant 3 : i32
      %add3A_148 = arith.addi %mul3A_146, %add3A_147 : i32
      %get3A_149 = arith.index_cast %add3A_148 : i32 to index
      %get3A_150 = arith.constant 0 : index
      %get3A_151 = tpu.vector_load %arg14[%get3A_149, %get3A_150] {strides = array<i32>} : memref<625x16xf32, #tpu.memory_space<vmem>>, vector<16xf32>,
      %get3A_152 = arith.index_cast %add3A_148 : i32 to index
      %get3A_153 = arith.constant 0 : index
      %get3A_154 = tpu.vector_load %arg15[%get3A_152, %get3A_153] {strides = array<i32>} : memref<625x16xf32, #tpu.memory_space<vmem>>, vector<16xf32>,
      %get3A_155 = arith.index_cast %add3A_148 : i32 to index
      %get3A_156 = arith.constant 0 : index
      %get3A_157 = tpu.vector_load %arg16[%get3A_155, %get3A_156] {strides = array<i32>} : memref<625x16xf32, #tpu.memory_space<vmem>>, vector<16xf32>,
      %add3A_158 = arith.addf %get3A_154, %get3A_157 : vector<16xf32>
      %get3A_159 = arith.index_cast %add3A_148 : i32 to index
      %get3A_160 = arith.constant 0 : index
      %get3A_161 = tpu.vector_load %arg17[%get3A_159, %get3A_160] {strides = array<i32>} : memref<625x16xf32, #tpu.memory_space<vmem>>, vector<16xf32>,
      %add3A_162 = arith.addf %add3A_158, %get3A_161 : vector<16xf32>
      %mul3A_163 = arith.mulf %get3A_151, %add3A_162 : vector<16xf32>
      %add3A_164 = arith.addf %mul3A_163, %get3A_12 : vector<16xf32>
      %max3A_165 = arith.constant 0.000000e+00 : f32
      %max3A_166 = vector.broadcast %max3A_165 : f32 to vector<16xf32>
      %max3A_167 = arith.maximumf %add3A_164, %max3A_166 : vector<16xf32>
      %mul3A_168 = arith.mulf %get3A_151, %max3A_167 : vector<16xf32>
      %swap3A_169 = arith.index_cast %add3A_148 : i32 to index
      %swap3A_170 = arith.constant 0 : index
      %swap3A_171 = tpu.vector_load %arg15[%swap3A_169, %swap3A_170] {strides = array<i32>} : memref<625x16xf32, #tpu.memory_space<vmem>>, vector<16xf32>,
      tpu.vector_store %arg15[%swap3A_169, %swap3A_170], %mul3A_168 {strides = array<i32>} : memref<625x16xf32, #tpu.memory_space<vmem>>, vector<16xf32>,
      %mul3A_172 = arith.constant 5 : i32
      %mul3A_173 = arith.muli %scan3A_65, %mul3A_172 : i32
      %add3A_174 = arith.constant 4 : i32
      %add3A_175 = arith.addi %mul3A_173, %add3A_174 : i32
      %get3A_176 = arith.index_cast %add3A_175 : i32 to index
      %get3A_177 = arith.constant 0 : index
      %get3A_178 = tpu.vector_load %arg14[%get3A_176, %get3A_177] {strides = array<i32>} : memref<625x16xf32, #tpu.memory_space<vmem>>, vector<16xf32>,
      %get3A_179 = arith.index_cast %add3A_175 : i32 to index
      %get3A_180 = arith.constant 0 : index
      %get3A_181 = tpu.vector_load %arg15[%get3A_179, %get3A_180] {strides = array<i32>} : memref<625x16xf32, #tpu.memory_space<vmem>>, vector<16xf32>,
      %get3A_182 = arith.index_cast %add3A_175 : i32 to index
      %get3A_183 = arith.constant 0 : index
      %get3A_184 = tpu.vector_load %arg16[%get3A_182, %get3A_183] {strides = array<i32>} : memref<625x16xf32, #tpu.memory_space<vmem>>, vector<16xf32>,
      %add3A_185 = arith.addf %get3A_181, %get3A_184 : vector<16xf32>
      %get3A_186 = arith.index_cast %add3A_175 : i32 to index
      %get3A_187 = arith.constant 0 : index
      %get3A_188 = tpu.vector_load %arg17[%get3A_186, %get3A_187] {strides = array<i32>} : memref<625x16xf32, #tpu.memory_space<vmem>>, vector<16xf32>,
      %add3A_189 = arith.addf %add3A_185, %get3A_188 : vector<16xf32>
      %mul3A_190 = arith.mulf %get3A_178, %add3A_189 : vector<16xf32>
      %add3A_191 = arith.addf %mul3A_190, %get3A_12 : vector<16xf32>
      %max3A_192 = arith.constant 0.000000e+00 : f32
      %max3A_193 = vector.broadcast %max3A_192 : f32 to vector<16xf32>
      %max3A_194 = arith.maximumf %add3A_191, %max3A_193 : vector<16xf32>
      %mul3A_195 = arith.mulf %get3A_178, %max3A_194 : vector<16xf32>
      %swap3A_196 = arith.index_cast %add3A_175 : i32 to index
      %swap3A_197 = arith.constant 0 : index
      %swap3A_198 = tpu.vector_load %arg15[%swap3A_196, %swap3A_197] {strides = array<i32>} : memref<625x16xf32, #tpu.memory_space<vmem>>, vector<16xf32>,
      tpu.vector_store %arg15[%swap3A_196, %swap3A_197], %mul3A_195 {strides = array<i32>} : memref<625x16xf32, #tpu.memory_space<vmem>>, vector<16xf32>,
    }
    %scan3A_17 = arith.constant 125 : i32
    "tpu.region"() ({
      %run_scoped3A_65 = tpu.sem_alloc : memref<!tpu.dma_semaphore, #tpu.memory_space<semaphore_mem>>
      %dma_start3A_66 = arith.constant 0 : i32
      %dma_start3A_67 = tpu.memref_slice %arg18[%mul3A_2, %dma_start3A_66] : memref<10240x16xf32, #tpu.memory_space<vmem_shared>> -> memref<625x16xf32, #tpu.memory_space<vmem_shared>>
      %dma_start3A_68 = arith.constant 0 : i32
      %dma_start3A_69 = tpu.memref_slice %arg18[%mul3A_2, %dma_start3A_68] : memref<10240x16xf32, #tpu.memory_space<vmem_shared>> -> memref<625x16xf32, #tpu.memory_space<vmem_shared>>
      tpu.enqueue_dma source(%arg15 : memref<625x16xf32, #tpu.memory_space<vmem>>) target(%dma_start3A_69 : memref<625x16xf32, #tpu.memory_space<vmem_shared>>) target_semaphore(%run_scoped3A_65 : memref<!tpu.dma_semaphore, #tpu.memory_space<semaphore_mem>>)
      %dma_wait3A_70 = arith.constant 0 : i32
      %dma_wait3A_71 = tpu.memref_slice %arg18[%mul3A_2, %dma_wait3A_70] : memref<10240x16xf32, #tpu.memory_space<vmem_shared>> -> memref<625x16xf32, #tpu.memory_space<vmem_shared>>
      %dma_wait3A_72 = arith.constant 0 : i32
      %dma_wait3A_73 = tpu.memref_slice %arg18[%mul3A_2, %dma_wait3A_72] : memref<10240x16xf32, #tpu.memory_space<vmem_shared>> -> memref<625x16xf32, #tpu.memory_space<vmem_shared>>
      tpu.wait_dma2 semaphore(%run_scoped3A_65 : memref<!tpu.dma_semaphore, #tpu.memory_space<semaphore_mem>>) src(%arg15 : memref<625x16xf32, #tpu.memory_space<vmem>>) dst(%dma_wait3A_73 : memref<625x16xf32, #tpu.memory_space<vmem_shared>>)
      tpu.yield
    }) : () -> ()
    %eq3A = arith.constant 0 : i32
    %eq3A_18 = arith.cmpi eq, %arg0, %eq3A : i32
    %convert_element_type3A = arith.extui %eq3A_18 : i1 to i32
    %cond3A = arith.constant 0 : i32
    %cond3A_19 = arith.cmpi ne, %convert_element_type3A, %cond3A : i32
    scf.if %cond3A_19 {
      "tpu.region"() ({
        %run_scoped3A_65 = tpu.sem_alloc : memref<!tpu.dma_semaphore, #tpu.memory_space<semaphore_mem>>
        %dma_start3A_66 = arith.constant 0 : i32
        %dma_start3A_67 = tpu.memref_slice %arg9[%mul3A_2, %dma_start3A_66] : memref<10000x16xf32, #tpu.memory_space<hbm>> -> memref<625x16xf32, #tpu.memory_space<hbm>>
        %dma_start3A_68 = arith.constant 0 : i32
        %dma_start3A_69 = tpu.memref_slice %arg9[%mul3A_2, %dma_start3A_68] : memref<10000x16xf32, #tpu.memory_space<hbm>> -> memref<625x16xf32, #tpu.memory_space<hbm>>
        tpu.enqueue_dma source(%arg15 : memref<625x16xf32, #tpu.memory_space<vmem>>) target(%dma_start3A_69 : memref<625x16xf32, #tpu.memory_space<hbm>>) target_semaphore(%run_scoped3A_65 : memref<!tpu.dma_semaphore, #tpu.memory_space<semaphore_mem>>)
        %dma_wait3A_70 = arith.constant 0 : i32
        %dma_wait3A_71 = tpu.memref_slice %arg9[%mul3A_2, %dma_wait3A_70] : memref<10000x16xf32, #tpu.memory_space<hbm>> -> memref<625x16xf32, #tpu.memory_space<hbm>>
        %dma_wait3A_72 = arith.constant 0 : i32
        %dma_wait3A_73 = tpu.memref_slice %arg9[%mul3A_2, %dma_wait3A_72] : memref<10000x16xf32, #tpu.memory_space<hbm>> -> memref<625x16xf32, #tpu.memory_space<hbm>>
        tpu.wait_dma2 semaphore(%run_scoped3A_65 : memref<!tpu.dma_semaphore, #tpu.memory_space<semaphore_mem>>) src(%arg15 : memref<625x16xf32, #tpu.memory_space<vmem>>) dst(%dma_wait3A_73 : memref<625x16xf32, #tpu.memory_space<hbm>>)
        tpu.yield
      }) : () -> ()
    } else {
    }
    %barrier3A = arith.constant 0 : index
    tpu.barrier barrier_id(%barrier3A)
    %scan3A_20 = arith.constant 0 : i32
    %scan3A_21 = arith.constant 0 : i32
    %scan3A_22 = arith.constant 6 : i32
    %scan3A_23 = arith.addi %scan3A_21, %scan3A_22 : i32
    %scan3A_24 = arith.constant 1 : i32
    scf.for %scan3A_65 = %scan3A_21 to %scan3A_23 step %scan3A_24  : i32 {
      %mul3A_66 = arith.constant 13 : i32
      %mul3A_67 = arith.muli %scan3A_65, %mul3A_66 : i32
      %add3A_68 = arith.constant 0 : i32
      %add3A_69 = arith.addi %mul3A_67, %add3A_68 : i32
      %mul3A_70 = arith.constant 128 : i32
      %mul3A_71 = arith.muli %add3A_69, %mul3A_70 : i32
      %dma_start3A_72 = arith.constant 0 : i32
      %dma_start3A_73 = arith.constant 0 : i32
      %dma_start3A_74 = arith.constant 0 : i32
      %dma_start3A_75 = tpu.memref_slice %arg12[%dma_start3A_72, %dma_start3A_73, %dma_start3A_74] : memref<13x128x16xf32, #tpu.memory_space<vmem>> -> memref<1x128x16xf32, #tpu.memory_space<vmem>>
      %dma_start3A_76 = tpu.memref_squeeze %dma_start3A_75 : memref<1x128x16xf32, #tpu.memory_space<vmem>> -> memref<128x16xf32, #tpu.memory_space<vmem>>
      %dma_start3A_77 = tpu.memref_slice %arg10[%mul3A_71] : memref<10000xi32, #tpu.memory_space<vmem>> -> memref<128xi32, #tpu.memory_space<vmem>>
      %dma_start3A_78 = arith.constant 0 : i32
      %dma_start3A_79 = arith.constant 0 : i32
      %dma_start3A_80 = tpu.memref_slice %arg18[%dma_start3A_78, %dma_start3A_79] : memref<10240x16xf32, #tpu.memory_space<vmem_shared>> -> memref<10240x16xf32, #tpu.memory_space<vmem_shared>>
      tpu.enqueue_indirect_dma source(%dma_start3A_80 : memref<10240x16xf32, #tpu.memory_space<vmem_shared>>) target(%dma_start3A_76 : memref<128x16xf32, #tpu.memory_space<vmem>>) offsets(%dma_start3A_77 : memref<128xi32, #tpu.memory_space<vmem>>) semaphore(%arg20 : memref<!tpu.dma_semaphore, #tpu.memory_space<semaphore_mem>>)
      %mul3A_81 = arith.constant 13 : i32
      %mul3A_82 = arith.muli %scan3A_65, %mul3A_81 : i32
      %add3A_83 = arith.constant 1 : i32
      %add3A_84 = arith.addi %mul3A_82, %add3A_83 : i32
      %mul3A_85 = arith.constant 128 : i32
      %mul3A_86 = arith.muli %add3A_84, %mul3A_85 : i32
      %dma_start3A_87 = arith.constant 1 : i32
      %dma_start3A_88 = arith.constant 0 : i32
      %dma_start3A_89 = arith.constant 0 : i32
      %dma_start3A_90 = tpu.memref_slice %arg12[%dma_start3A_87, %dma_start3A_88, %dma_start3A_89] : memref<13x128x16xf32, #tpu.memory_space<vmem>> -> memref<1x128x16xf32, #tpu.memory_space<vmem>>
      %dma_start3A_91 = tpu.memref_squeeze %dma_start3A_90 : memref<1x128x16xf32, #tpu.memory_space<vmem>> -> memref<128x16xf32, #tpu.memory_space<vmem>>
      %dma_start3A_92 = tpu.memref_slice %arg10[%mul3A_86] : memref<10000xi32, #tpu.memory_space<vmem>> -> memref<128xi32, #tpu.memory_space<vmem>>
      %dma_start3A_93 = arith.constant 0 : i32
      %dma_start3A_94 = arith.constant 0 : i32
      %dma_start3A_95 = tpu.memref_slice %arg18[%dma_start3A_93, %dma_start3A_94] : memref<10240x16xf32, #tpu.memory_space<vmem_shared>> -> memref<10240x16xf32, #tpu.memory_space<vmem_shared>>
      tpu.enqueue_indirect_dma source(%dma_start3A_95 : memref<10240x16xf32, #tpu.memory_space<vmem_shared>>) target(%dma_start3A_91 : memref<128x16xf32, #tpu.memory_space<vmem>>) offsets(%dma_start3A_92 : memref<128xi32, #tpu.memory_space<vmem>>) semaphore(%arg20 : memref<!tpu.dma_semaphore, #tpu.memory_space<semaphore_mem>>)
      %mul3A_96 = arith.constant 13 : i32
      %mul3A_97 = arith.muli %scan3A_65, %mul3A_96 : i32
      %add3A_98 = arith.constant 2 : i32
      %add3A_99 = arith.addi %mul3A_97, %add3A_98 : i32
      %mul3A_100 = arith.constant 128 : i32
      %mul3A_101 = arith.muli %add3A_99, %mul3A_100 : i32
      %dma_start3A_102 = arith.constant 2 : i32
      %dma_start3A_103 = arith.constant 0 : i32
      %dma_start3A_104 = arith.constant 0 : i32
      %dma_start3A_105 = tpu.memref_slice %arg12[%dma_start3A_102, %dma_start3A_103, %dma_start3A_104] : memref<13x128x16xf32, #tpu.memory_space<vmem>> -> memref<1x128x16xf32, #tpu.memory_space<vmem>>
      %dma_start3A_106 = tpu.memref_squeeze %dma_start3A_105 : memref<1x128x16xf32, #tpu.memory_space<vmem>> -> memref<128x16xf32, #tpu.memory_space<vmem>>
      %dma_start3A_107 = tpu.memref_slice %arg10[%mul3A_101] : memref<10000xi32, #tpu.memory_space<vmem>> -> memref<128xi32, #tpu.memory_space<vmem>>
      %dma_start3A_108 = arith.constant 0 : i32
      %dma_start3A_109 = arith.constant 0 : i32
      %dma_start3A_110 = tpu.memref_slice %arg18[%dma_start3A_108, %dma_start3A_109] : memref<10240x16xf32, #tpu.memory_space<vmem_shared>> -> memref<10240x16xf32, #tpu.memory_space<vmem_shared>>
      tpu.enqueue_indirect_dma source(%dma_start3A_110 : memref<10240x16xf32, #tpu.memory_space<vmem_shared>>) target(%dma_start3A_106 : memref<128x16xf32, #tpu.memory_space<vmem>>) offsets(%dma_start3A_107 : memref<128xi32, #tpu.memory_space<vmem>>) semaphore(%arg20 : memref<!tpu.dma_semaphore, #tpu.memory_space<semaphore_mem>>)
      %mul3A_111 = arith.constant 13 : i32
      %mul3A_112 = arith.muli %scan3A_65, %mul3A_111 : i32
      %add3A_113 = arith.constant 3 : i32
      %add3A_114 = arith.addi %mul3A_112, %add3A_113 : i32
      %mul3A_115 = arith.constant 128 : i32
      %mul3A_116 = arith.muli %add3A_114, %mul3A_115 : i32
      %dma_start3A_117 = arith.constant 3 : i32
      %dma_start3A_118 = arith.constant 0 : i32
      %dma_start3A_119 = arith.constant 0 : i32
      %dma_start3A_120 = tpu.memref_slice %arg12[%dma_start3A_117, %dma_start3A_118, %dma_start3A_119] : memref<13x128x16xf32, #tpu.memory_space<vmem>> -> memref<1x128x16xf32, #tpu.memory_space<vmem>>
      %dma_start3A_121 = tpu.memref_squeeze %dma_start3A_120 : memref<1x128x16xf32, #tpu.memory_space<vmem>> -> memref<128x16xf32, #tpu.memory_space<vmem>>
      %dma_start3A_122 = tpu.memref_slice %arg10[%mul3A_116] : memref<10000xi32, #tpu.memory_space<vmem>> -> memref<128xi32, #tpu.memory_space<vmem>>
      %dma_start3A_123 = arith.constant 0 : i32
      %dma_start3A_124 = arith.constant 0 : i32
      %dma_start3A_125 = tpu.memref_slice %arg18[%dma_start3A_123, %dma_start3A_124] : memref<10240x16xf32, #tpu.memory_space<vmem_shared>> -> memref<10240x16xf32, #tpu.memory_space<vmem_shared>>
      tpu.enqueue_indirect_dma source(%dma_start3A_125 : memref<10240x16xf32, #tpu.memory_space<vmem_shared>>) target(%dma_start3A_121 : memref<128x16xf32, #tpu.memory_space<vmem>>) offsets(%dma_start3A_122 : memref<128xi32, #tpu.memory_space<vmem>>) semaphore(%arg20 : memref<!tpu.dma_semaphore, #tpu.memory_space<semaphore_mem>>)
      %mul3A_126 = arith.constant 13 : i32
      %mul3A_127 = arith.muli %scan3A_65, %mul3A_126 : i32
      %add3A_128 = arith.constant 4 : i32
      %add3A_129 = arith.addi %mul3A_127, %add3A_128 : i32
      %mul3A_130 = arith.constant 128 : i32
      %mul3A_131 = arith.muli %add3A_129, %mul3A_130 : i32
      %dma_start3A_132 = arith.constant 4 : i32
      %dma_start3A_133 = arith.constant 0 : i32
      %dma_start3A_134 = arith.constant 0 : i32
      %dma_start3A_135 = tpu.memref_slice %arg12[%dma_start3A_132, %dma_start3A_133, %dma_start3A_134] : memref<13x128x16xf32, #tpu.memory_space<vmem>> -> memref<1x128x16xf32, #tpu.memory_space<vmem>>
      %dma_start3A_136 = tpu.memref_squeeze %dma_start3A_135 : memref<1x128x16xf32, #tpu.memory_space<vmem>> -> memref<128x16xf32, #tpu.memory_space<vmem>>
      %dma_start3A_137 = tpu.memref_slice %arg10[%mul3A_131] : memref<10000xi32, #tpu.memory_space<vmem>> -> memref<128xi32, #tpu.memory_space<vmem>>
      %dma_start3A_138 = arith.constant 0 : i32
      %dma_start3A_139 = arith.constant 0 : i32
      %dma_start3A_140 = tpu.memref_slice %arg18[%dma_start3A_138, %dma_start3A_139] : memref<10240x16xf32, #tpu.memory_space<vmem_shared>> -> memref<10240x16xf32, #tpu.memory_space<vmem_shared>>
      tpu.enqueue_indirect_dma source(%dma_start3A_140 : memref<10240x16xf32, #tpu.memory_space<vmem_shared>>) target(%dma_start3A_136 : memref<128x16xf32, #tpu.memory_space<vmem>>) offsets(%dma_start3A_137 : memref<128xi32, #tpu.memory_space<vmem>>) semaphore(%arg20 : memref<!tpu.dma_semaphore, #tpu.memory_space<semaphore_mem>>)
      %mul3A_141 = arith.constant 13 : i32
      %mul3A_142 = arith.muli %scan3A_65, %mul3A_141 : i32
      %add3A_143 = arith.constant 5 : i32
      %add3A_144 = arith.addi %mul3A_142, %add3A_143 : i32
      %mul3A_145 = arith.constant 128 : i32
      %mul3A_146 = arith.muli %add3A_144, %mul3A_145 : i32
      %dma_start3A_147 = arith.constant 5 : i32
      %dma_start3A_148 = arith.constant 0 : i32
      %dma_start3A_149 = arith.constant 0 : i32
      %dma_start3A_150 = tpu.memref_slice %arg12[%dma_start3A_147, %dma_start3A_148, %dma_start3A_149] : memref<13x128x16xf32, #tpu.memory_space<vmem>> -> memref<1x128x16xf32, #tpu.memory_space<vmem>>
      %dma_start3A_151 = tpu.memref_squeeze %dma_start3A_150 : memref<1x128x16xf32, #tpu.memory_space<vmem>> -> memref<128x16xf32, #tpu.memory_space<vmem>>
      %dma_start3A_152 = tpu.memref_slice %arg10[%mul3A_146] : memref<10000xi32, #tpu.memory_space<vmem>> -> memref<128xi32, #tpu.memory_space<vmem>>
      %dma_start3A_153 = arith.constant 0 : i32
      %dma_start3A_154 = arith.constant 0 : i32
      %dma_start3A_155 = tpu.memref_slice %arg18[%dma_start3A_153, %dma_start3A_154] : memref<10240x16xf32, #tpu.memory_space<vmem_shared>> -> memref<10240x16xf32, #tpu.memory_space<vmem_shared>>
      tpu.enqueue_indirect_dma source(%dma_start3A_155 : memref<10240x16xf32, #tpu.memory_space<vmem_shared>>) target(%dma_start3A_151 : memref<128x16xf32, #tpu.memory_space<vmem>>) offsets(%dma_start3A_152 : memref<128xi32, #tpu.memory_space<vmem>>) semaphore(%arg20 : memref<!tpu.dma_semaphore, #tpu.memory_space<semaphore_mem>>)
      %mul3A_156 = arith.constant 13 : i32
      %mul3A_157 = arith.muli %scan3A_65, %mul3A_156 : i32
      %add3A_158 = arith.constant 6 : i32
      %add3A_159 = arith.addi %mul3A_157, %add3A_158 : i32
      %mul3A_160 = arith.constant 128 : i32
      %mul3A_161 = arith.muli %add3A_159, %mul3A_160 : i32
      %dma_start3A_162 = arith.constant 6 : i32
      %dma_start3A_163 = arith.constant 0 : i32
      %dma_start3A_164 = arith.constant 0 : i32
      %dma_start3A_165 = tpu.memref_slice %arg12[%dma_start3A_162, %dma_start3A_163, %dma_start3A_164] : memref<13x128x16xf32, #tpu.memory_space<vmem>> -> memref<1x128x16xf32, #tpu.memory_space<vmem>>
      %dma_start3A_166 = tpu.memref_squeeze %dma_start3A_165 : memref<1x128x16xf32, #tpu.memory_space<vmem>> -> memref<128x16xf32, #tpu.memory_space<vmem>>
      %dma_start3A_167 = tpu.memref_slice %arg10[%mul3A_161] : memref<10000xi32, #tpu.memory_space<vmem>> -> memref<128xi32, #tpu.memory_space<vmem>>
      %dma_start3A_168 = arith.constant 0 : i32
      %dma_start3A_169 = arith.constant 0 : i32
      %dma_start3A_170 = tpu.memref_slice %arg18[%dma_start3A_168, %dma_start3A_169] : memref<10240x16xf32, #tpu.memory_space<vmem_shared>> -> memref<10240x16xf32, #tpu.memory_space<vmem_shared>>
      tpu.enqueue_indirect_dma source(%dma_start3A_170 : memref<10240x16xf32, #tpu.memory_space<vmem_shared>>) target(%dma_start3A_166 : memref<128x16xf32, #tpu.memory_space<vmem>>) offsets(%dma_start3A_167 : memref<128xi32, #tpu.memory_space<vmem>>) semaphore(%arg20 : memref<!tpu.dma_semaphore, #tpu.memory_space<semaphore_mem>>)
      %mul3A_171 = arith.constant 13 : i32
      %mul3A_172 = arith.muli %scan3A_65, %mul3A_171 : i32
      %add3A_173 = arith.constant 7 : i32
      %add3A_174 = arith.addi %mul3A_172, %add3A_173 : i32
      %mul3A_175 = arith.constant 128 : i32
      %mul3A_176 = arith.muli %add3A_174, %mul3A_175 : i32
      %dma_start3A_177 = arith.constant 7 : i32
      %dma_start3A_178 = arith.constant 0 : i32
      %dma_start3A_179 = arith.constant 0 : i32
      %dma_start3A_180 = tpu.memref_slice %arg12[%dma_start3A_177, %dma_start3A_178, %dma_start3A_179] : memref<13x128x16xf32, #tpu.memory_space<vmem>> -> memref<1x128x16xf32, #tpu.memory_space<vmem>>
      %dma_start3A_181 = tpu.memref_squeeze %dma_start3A_180 : memref<1x128x16xf32, #tpu.memory_space<vmem>> -> memref<128x16xf32, #tpu.memory_space<vmem>>
      %dma_start3A_182 = tpu.memref_slice %arg10[%mul3A_176] : memref<10000xi32, #tpu.memory_space<vmem>> -> memref<128xi32, #tpu.memory_space<vmem>>
      %dma_start3A_183 = arith.constant 0 : i32
      %dma_start3A_184 = arith.constant 0 : i32
      %dma_start3A_185 = tpu.memref_slice %arg18[%dma_start3A_183, %dma_start3A_184] : memref<10240x16xf32, #tpu.memory_space<vmem_shared>> -> memref<10240x16xf32, #tpu.memory_space<vmem_shared>>
      tpu.enqueue_indirect_dma source(%dma_start3A_185 : memref<10240x16xf32, #tpu.memory_space<vmem_shared>>) target(%dma_start3A_181 : memref<128x16xf32, #tpu.memory_space<vmem>>) offsets(%dma_start3A_182 : memref<128xi32, #tpu.memory_space<vmem>>) semaphore(%arg20 : memref<!tpu.dma_semaphore, #tpu.memory_space<semaphore_mem>>)
      %mul3A_186 = arith.constant 13 : i32
      %mul3A_187 = arith.muli %scan3A_65, %mul3A_186 : i32
      %add3A_188 = arith.constant 8 : i32
      %add3A_189 = arith.addi %mul3A_187, %add3A_188 : i32
      %mul3A_190 = arith.constant 128 : i32
      %mul3A_191 = arith.muli %add3A_189, %mul3A_190 : i32
      %dma_start3A_192 = arith.constant 8 : i32
      %dma_start3A_193 = arith.constant 0 : i32
      %dma_start3A_194 = arith.constant 0 : i32
      %dma_start3A_195 = tpu.memref_slice %arg12[%dma_start3A_192, %dma_start3A_193, %dma_start3A_194] : memref<13x128x16xf32, #tpu.memory_space<vmem>> -> memref<1x128x16xf32, #tpu.memory_space<vmem>>
      %dma_start3A_196 = tpu.memref_squeeze %dma_start3A_195 : memref<1x128x16xf32, #tpu.memory_space<vmem>> -> memref<128x16xf32, #tpu.memory_space<vmem>>
      %dma_start3A_197 = tpu.memref_slice %arg10[%mul3A_191] : memref<10000xi32, #tpu.memory_space<vmem>> -> memref<128xi32, #tpu.memory_space<vmem>>
      %dma_start3A_198 = arith.constant 0 : i32
      %dma_start3A_199 = arith.constant 0 : i32
      %dma_start3A_200 = tpu.memref_slice %arg18[%dma_start3A_198, %dma_start3A_199] : memref<10240x16xf32, #tpu.memory_space<vmem_shared>> -> memref<10240x16xf32, #tpu.memory_space<vmem_shared>>
      tpu.enqueue_indirect_dma source(%dma_start3A_200 : memref<10240x16xf32, #tpu.memory_space<vmem_shared>>) target(%dma_start3A_196 : memref<128x16xf32, #tpu.memory_space<vmem>>) offsets(%dma_start3A_197 : memref<128xi32, #tpu.memory_space<vmem>>) semaphore(%arg20 : memref<!tpu.dma_semaphore, #tpu.memory_space<semaphore_mem>>)
      %mul3A_201 = arith.constant 13 : i32
      %mul3A_202 = arith.muli %scan3A_65, %mul3A_201 : i32
      %add3A_203 = arith.constant 9 : i32
      %add3A_204 = arith.addi %mul3A_202, %add3A_203 : i32
      %mul3A_205 = arith.constant 128 : i32
      %mul3A_206 = arith.muli %add3A_204, %mul3A_205 : i32
      %dma_start3A_207 = arith.constant 9 : i32
      %dma_start3A_208 = arith.constant 0 : i32
      %dma_start3A_209 = arith.constant 0 : i32
      %dma_start3A_210 = tpu.memref_slice %arg12[%dma_start3A_207, %dma_start3A_208, %dma_start3A_209] : memref<13x128x16xf32, #tpu.memory_space<vmem>> -> memref<1x128x16xf32, #tpu.memory_space<vmem>>
      %dma_start3A_211 = tpu.memref_squeeze %dma_start3A_210 : memref<1x128x16xf32, #tpu.memory_space<vmem>> -> memref<128x16xf32, #tpu.memory_space<vmem>>
      %dma_start3A_212 = tpu.memref_slice %arg10[%mul3A_206] : memref<10000xi32, #tpu.memory_space<vmem>> -> memref<128xi32, #tpu.memory_space<vmem>>
      %dma_start3A_213 = arith.constant 0 : i32
      %dma_start3A_214 = arith.constant 0 : i32
      %dma_start3A_215 = tpu.memref_slice %arg18[%dma_start3A_213, %dma_start3A_214] : memref<10240x16xf32, #tpu.memory_space<vmem_shared>> -> memref<10240x16xf32, #tpu.memory_space<vmem_shared>>
      tpu.enqueue_indirect_dma source(%dma_start3A_215 : memref<10240x16xf32, #tpu.memory_space<vmem_shared>>) target(%dma_start3A_211 : memref<128x16xf32, #tpu.memory_space<vmem>>) offsets(%dma_start3A_212 : memref<128xi32, #tpu.memory_space<vmem>>) semaphore(%arg20 : memref<!tpu.dma_semaphore, #tpu.memory_space<semaphore_mem>>)
      %mul3A_216 = arith.constant 13 : i32
      %mul3A_217 = arith.muli %scan3A_65, %mul3A_216 : i32
      %add3A_218 = arith.constant 10 : i32
      %add3A_219 = arith.addi %mul3A_217, %add3A_218 : i32
      %mul3A_220 = arith.constant 128 : i32
      %mul3A_221 = arith.muli %add3A_219, %mul3A_220 : i32
      %dma_start3A_222 = arith.constant 10 : i32
      %dma_start3A_223 = arith.constant 0 : i32
      %dma_start3A_224 = arith.constant 0 : i32
      %dma_start3A_225 = tpu.memref_slice %arg12[%dma_start3A_222, %dma_start3A_223, %dma_start3A_224] : memref<13x128x16xf32, #tpu.memory_space<vmem>> -> memref<1x128x16xf32, #tpu.memory_space<vmem>>
      %dma_start3A_226 = tpu.memref_squeeze %dma_start3A_225 : memref<1x128x16xf32, #tpu.memory_space<vmem>> -> memref<128x16xf32, #tpu.memory_space<vmem>>
      %dma_start3A_227 = tpu.memref_slice %arg10[%mul3A_221] : memref<10000xi32, #tpu.memory_space<vmem>> -> memref<128xi32, #tpu.memory_space<vmem>>
      %dma_start3A_228 = arith.constant 0 : i32
      %dma_start3A_229 = arith.constant 0 : i32
      %dma_start3A_230 = tpu.memref_slice %arg18[%dma_start3A_228, %dma_start3A_229] : memref<10240x16xf32, #tpu.memory_space<vmem_shared>> -> memref<10240x16xf32, #tpu.memory_space<vmem_shared>>
      tpu.enqueue_indirect_dma source(%dma_start3A_230 : memref<10240x16xf32, #tpu.memory_space<vmem_shared>>) target(%dma_start3A_226 : memref<128x16xf32, #tpu.memory_space<vmem>>) offsets(%dma_start3A_227 : memref<128xi32, #tpu.memory_space<vmem>>) semaphore(%arg20 : memref<!tpu.dma_semaphore, #tpu.memory_space<semaphore_mem>>)
      %mul3A_231 = arith.constant 13 : i32
      %mul3A_232 = arith.muli %scan3A_65, %mul3A_231 : i32
      %add3A_233 = arith.constant 11 : i32
      %add3A_234 = arith.addi %mul3A_232, %add3A_233 : i32
      %mul3A_235 = arith.constant 128 : i32
      %mul3A_236 = arith.muli %add3A_234, %mul3A_235 : i32
      %dma_start3A_237 = arith.constant 11 : i32
      %dma_start3A_238 = arith.constant 0 : i32
      %dma_start3A_239 = arith.constant 0 : i32
      %dma_start3A_240 = tpu.memref_slice %arg12[%dma_start3A_237, %dma_start3A_238, %dma_start3A_239] : memref<13x128x16xf32, #tpu.memory_space<vmem>> -> memref<1x128x16xf32, #tpu.memory_space<vmem>>
      %dma_start3A_241 = tpu.memref_squeeze %dma_start3A_240 : memref<1x128x16xf32, #tpu.memory_space<vmem>> -> memref<128x16xf32, #tpu.memory_space<vmem>>
      %dma_start3A_242 = tpu.memref_slice %arg10[%mul3A_236] : memref<10000xi32, #tpu.memory_space<vmem>> -> memref<128xi32, #tpu.memory_space<vmem>>
      %dma_start3A_243 = arith.constant 0 : i32
      %dma_start3A_244 = arith.constant 0 : i32
      %dma_start3A_245 = tpu.memref_slice %arg18[%dma_start3A_243, %dma_start3A_244] : memref<10240x16xf32, #tpu.memory_space<vmem_shared>> -> memref<10240x16xf32, #tpu.memory_space<vmem_shared>>
      tpu.enqueue_indirect_dma source(%dma_start3A_245 : memref<10240x16xf32, #tpu.memory_space<vmem_shared>>) target(%dma_start3A_241 : memref<128x16xf32, #tpu.memory_space<vmem>>) offsets(%dma_start3A_242 : memref<128xi32, #tpu.memory_space<vmem>>) semaphore(%arg20 : memref<!tpu.dma_semaphore, #tpu.memory_space<semaphore_mem>>)
      %mul3A_246 = arith.constant 13 : i32
      %mul3A_247 = arith.muli %scan3A_65, %mul3A_246 : i32
      %add3A_248 = arith.constant 12 : i32
      %add3A_249 = arith.addi %mul3A_247, %add3A_248 : i32
      %mul3A_250 = arith.constant 128 : i32
      %mul3A_251 = arith.muli %add3A_249, %mul3A_250 : i32
      %dma_start3A_252 = arith.constant 12 : i32
      %dma_start3A_253 = arith.constant 0 : i32
      %dma_start3A_254 = arith.constant 0 : i32
      %dma_start3A_255 = tpu.memref_slice %arg12[%dma_start3A_252, %dma_start3A_253, %dma_start3A_254] : memref<13x128x16xf32, #tpu.memory_space<vmem>> -> memref<1x128x16xf32, #tpu.memory_space<vmem>>
      %dma_start3A_256 = tpu.memref_squeeze %dma_start3A_255 : memref<1x128x16xf32, #tpu.memory_space<vmem>> -> memref<128x16xf32, #tpu.memory_space<vmem>>
      %dma_start3A_257 = tpu.memref_slice %arg10[%mul3A_251] : memref<10000xi32, #tpu.memory_space<vmem>> -> memref<128xi32, #tpu.memory_space<vmem>>
      %dma_start3A_258 = arith.constant 0 : i32
      %dma_start3A_259 = arith.constant 0 : i32
      %dma_start3A_260 = tpu.memref_slice %arg18[%dma_start3A_258, %dma_start3A_259] : memref<10240x16xf32, #tpu.memory_space<vmem_shared>> -> memref<10240x16xf32, #tpu.memory_space<vmem_shared>>
      tpu.enqueue_indirect_dma source(%dma_start3A_260 : memref<10240x16xf32, #tpu.memory_space<vmem_shared>>) target(%dma_start3A_256 : memref<128x16xf32, #tpu.memory_space<vmem>>) offsets(%dma_start3A_257 : memref<128xi32, #tpu.memory_space<vmem>>) semaphore(%arg20 : memref<!tpu.dma_semaphore, #tpu.memory_space<semaphore_mem>>)
      %dma_wait3A_261 = arith.constant 0 : i32
      %dma_wait3A_262 = arith.constant 0 : i32
      %dma_wait3A_263 = arith.constant 0 : i32
      %dma_wait3A_264 = tpu.memref_slice %arg12[%dma_wait3A_261, %dma_wait3A_262, %dma_wait3A_263] : memref<13x128x16xf32, #tpu.memory_space<vmem>> -> memref<1x128x16xf32, #tpu.memory_space<vmem>>
      %dma_wait3A_265 = tpu.memref_squeeze %dma_wait3A_264 : memref<1x128x16xf32, #tpu.memory_space<vmem>> -> memref<128x16xf32, #tpu.memory_space<vmem>>
      %dma_wait3A_266 = tpu.memref_slice %arg10[%mul3A_71] : memref<10000xi32, #tpu.memory_space<vmem>> -> memref<128xi32, #tpu.memory_space<vmem>>
      %dma_wait3A_267 = arith.constant 0 : i32
      %dma_wait3A_268 = arith.constant 0 : i32
      %dma_wait3A_269 = tpu.memref_slice %arg18[%dma_wait3A_267, %dma_wait3A_268] : memref<10240x16xf32, #tpu.memory_space<vmem_shared>> -> memref<10240x16xf32, #tpu.memory_space<vmem_shared>>
      tpu.wait_indirect_dma semaphore(%arg20 : memref<!tpu.dma_semaphore, #tpu.memory_space<semaphore_mem>>) src(%dma_wait3A_269 : memref<10240x16xf32, #tpu.memory_space<vmem_shared>>) dst(%dma_wait3A_265 : memref<128x16xf32, #tpu.memory_space<vmem>>)
      %mul3A_270 = arith.constant 13 : i32
      %mul3A_271 = arith.muli %scan3A_65, %mul3A_270 : i32
      %add3A_272 = arith.constant 0 : i32
      %add3A_273 = arith.addi %mul3A_271, %add3A_272 : i32
      %mul3A_274 = arith.constant 128 : i32
      %mul3A_275 = arith.muli %add3A_273, %mul3A_274 : i32
      %dma_start3A_276 = arith.constant 0 : i32
      %dma_start3A_277 = arith.constant 0 : i32
      %dma_start3A_278 = arith.constant 0 : i32
      %dma_start3A_279 = tpu.memref_slice %arg12[%dma_start3A_276, %dma_start3A_277, %dma_start3A_278] : memref<13x128x16xf32, #tpu.memory_space<vmem>> -> memref<1x128x16xf32, #tpu.memory_space<vmem>>
      %dma_start3A_280 = tpu.memref_squeeze %dma_start3A_279 : memref<1x128x16xf32, #tpu.memory_space<vmem>> -> memref<128x16xf32, #tpu.memory_space<vmem>>
      %dma_start3A_281 = tpu.memref_slice %arg11[%mul3A_275] : memref<10000xi32, #tpu.memory_space<vmem>> -> memref<128xi32, #tpu.memory_space<vmem>>
      %dma_start3A_282 = arith.constant 0 : i32
      %dma_start3A_283 = arith.constant 0 : i32
      %dma_start3A_284 = tpu.memref_slice %arg19[%dma_start3A_282, %dma_start3A_283] : memref<10240x16xf32, #tpu.memory_space<vmem_shared>> -> memref<10240x16xf32, #tpu.memory_space<vmem_shared>>
      tpu.enqueue_indirect_dma source(%dma_start3A_280 : memref<128x16xf32, #tpu.memory_space<vmem>>) target(%dma_start3A_284 : memref<10240x16xf32, #tpu.memory_space<vmem_shared>>) offsets(%dma_start3A_281 : memref<128xi32, #tpu.memory_space<vmem>>) semaphore(%arg21 : memref<!tpu.dma_semaphore, #tpu.memory_space<semaphore_mem>>) {add = true}
      %dma_wait3A_285 = arith.constant 1 : i32
      %dma_wait3A_286 = arith.constant 0 : i32
      %dma_wait3A_287 = arith.constant 0 : i32
      %dma_wait3A_288 = tpu.memref_slice %arg12[%dma_wait3A_285, %dma_wait3A_286, %dma_wait3A_287] : memref<13x128x16xf32, #tpu.memory_space<vmem>> -> memref<1x128x16xf32, #tpu.memory_space<vmem>>
      %dma_wait3A_289 = tpu.memref_squeeze %dma_wait3A_288 : memref<1x128x16xf32, #tpu.memory_space<vmem>> -> memref<128x16xf32, #tpu.memory_space<vmem>>
      %dma_wait3A_290 = tpu.memref_slice %arg10[%mul3A_86] : memref<10000xi32, #tpu.memory_space<vmem>> -> memref<128xi32, #tpu.memory_space<vmem>>
      %dma_wait3A_291 = arith.constant 0 : i32
      %dma_wait3A_292 = arith.constant 0 : i32
      %dma_wait3A_293 = tpu.memref_slice %arg18[%dma_wait3A_291, %dma_wait3A_292] : memref<10240x16xf32, #tpu.memory_space<vmem_shared>> -> memref<10240x16xf32, #tpu.memory_space<vmem_shared>>
      tpu.wait_indirect_dma semaphore(%arg20 : memref<!tpu.dma_semaphore, #tpu.memory_space<semaphore_mem>>) src(%dma_wait3A_293 : memref<10240x16xf32, #tpu.memory_space<vmem_shared>>) dst(%dma_wait3A_289 : memref<128x16xf32, #tpu.memory_space<vmem>>)
      %mul3A_294 = arith.constant 13 : i32
      %mul3A_295 = arith.muli %scan3A_65, %mul3A_294 : i32
      %add3A_296 = arith.constant 1 : i32
      %add3A_297 = arith.addi %mul3A_295, %add3A_296 : i32
      %mul3A_298 = arith.constant 128 : i32
      %mul3A_299 = arith.muli %add3A_297, %mul3A_298 : i32
      %dma_start3A_300 = arith.constant 1 : i32
      %dma_start3A_301 = arith.constant 0 : i32
      %dma_start3A_302 = arith.constant 0 : i32
      %dma_start3A_303 = tpu.memref_slice %arg12[%dma_start3A_300, %dma_start3A_301, %dma_start3A_302] : memref<13x128x16xf32, #tpu.memory_space<vmem>> -> memref<1x128x16xf32, #tpu.memory_space<vmem>>
      %dma_start3A_304 = tpu.memref_squeeze %dma_start3A_303 : memref<1x128x16xf32, #tpu.memory_space<vmem>> -> memref<128x16xf32, #tpu.memory_space<vmem>>
      %dma_start3A_305 = tpu.memref_slice %arg11[%mul3A_299] : memref<10000xi32, #tpu.memory_space<vmem>> -> memref<128xi32, #tpu.memory_space<vmem>>
      %dma_start3A_306 = arith.constant 0 : i32
      %dma_start3A_307 = arith.constant 0 : i32
      %dma_start3A_308 = tpu.memref_slice %arg19[%dma_start3A_306, %dma_start3A_307] : memref<10240x16xf32, #tpu.memory_space<vmem_shared>> -> memref<10240x16xf32, #tpu.memory_space<vmem_shared>>
      tpu.enqueue_indirect_dma source(%dma_start3A_304 : memref<128x16xf32, #tpu.memory_space<vmem>>) target(%dma_start3A_308 : memref<10240x16xf32, #tpu.memory_space<vmem_shared>>) offsets(%dma_start3A_305 : memref<128xi32, #tpu.memory_space<vmem>>) semaphore(%arg21 : memref<!tpu.dma_semaphore, #tpu.memory_space<semaphore_mem>>) {add = true}
      %dma_wait3A_309 = arith.constant 2 : i32
      %dma_wait3A_310 = arith.constant 0 : i32
      %dma_wait3A_311 = arith.constant 0 : i32
      %dma_wait3A_312 = tpu.memref_slice %arg12[%dma_wait3A_309, %dma_wait3A_310, %dma_wait3A_311] : memref<13x128x16xf32, #tpu.memory_space<vmem>> -> memref<1x128x16xf32, #tpu.memory_space<vmem>>
      %dma_wait3A_313 = tpu.memref_squeeze %dma_wait3A_312 : memref<1x128x16xf32, #tpu.memory_space<vmem>> -> memref<128x16xf32, #tpu.memory_space<vmem>>
      %dma_wait3A_314 = tpu.memref_slice %arg10[%mul3A_101] : memref<10000xi32, #tpu.memory_space<vmem>> -> memref<128xi32, #tpu.memory_space<vmem>>
      %dma_wait3A_315 = arith.constant 0 : i32
      %dma_wait3A_316 = arith.constant 0 : i32
      %dma_wait3A_317 = tpu.memref_slice %arg18[%dma_wait3A_315, %dma_wait3A_316] : memref<10240x16xf32, #tpu.memory_space<vmem_shared>> -> memref<10240x16xf32, #tpu.memory_space<vmem_shared>>
      tpu.wait_indirect_dma semaphore(%arg20 : memref<!tpu.dma_semaphore, #tpu.memory_space<semaphore_mem>>) src(%dma_wait3A_317 : memref<10240x16xf32, #tpu.memory_space<vmem_shared>>) dst(%dma_wait3A_313 : memref<128x16xf32, #tpu.memory_space<vmem>>)
      %mul3A_318 = arith.constant 13 : i32
      %mul3A_319 = arith.muli %scan3A_65, %mul3A_318 : i32
      %add3A_320 = arith.constant 2 : i32
      %add3A_321 = arith.addi %mul3A_319, %add3A_320 : i32
      %mul3A_322 = arith.constant 128 : i32
      %mul3A_323 = arith.muli %add3A_321, %mul3A_322 : i32
      %dma_start3A_324 = arith.constant 2 : i32
      %dma_start3A_325 = arith.constant 0 : i32
      %dma_start3A_326 = arith.constant 0 : i32
      %dma_start3A_327 = tpu.memref_slice %arg12[%dma_start3A_324, %dma_start3A_325, %dma_start3A_326] : memref<13x128x16xf32, #tpu.memory_space<vmem>> -> memref<1x128x16xf32, #tpu.memory_space<vmem>>
      %dma_start3A_328 = tpu.memref_squeeze %dma_start3A_327 : memref<1x128x16xf32, #tpu.memory_space<vmem>> -> memref<128x16xf32, #tpu.memory_space<vmem>>
      %dma_start3A_329 = tpu.memref_slice %arg11[%mul3A_323] : memref<10000xi32, #tpu.memory_space<vmem>> -> memref<128xi32, #tpu.memory_space<vmem>>
      %dma_start3A_330 = arith.constant 0 : i32
      %dma_start3A_331 = arith.constant 0 : i32
      %dma_start3A_332 = tpu.memref_slice %arg19[%dma_start3A_330, %dma_start3A_331] : memref<10240x16xf32, #tpu.memory_space<vmem_shared>> -> memref<10240x16xf32, #tpu.memory_space<vmem_shared>>
      tpu.enqueue_indirect_dma source(%dma_start3A_328 : memref<128x16xf32, #tpu.memory_space<vmem>>) target(%dma_start3A_332 : memref<10240x16xf32, #tpu.memory_space<vmem_shared>>) offsets(%dma_start3A_329 : memref<128xi32, #tpu.memory_space<vmem>>) semaphore(%arg21 : memref<!tpu.dma_semaphore, #tpu.memory_space<semaphore_mem>>) {add = true}
      %dma_wait3A_333 = arith.constant 3 : i32
      %dma_wait3A_334 = arith.constant 0 : i32
      %dma_wait3A_335 = arith.constant 0 : i32
      %dma_wait3A_336 = tpu.memref_slice %arg12[%dma_wait3A_333, %dma_wait3A_334, %dma_wait3A_335] : memref<13x128x16xf32, #tpu.memory_space<vmem>> -> memref<1x128x16xf32, #tpu.memory_space<vmem>>
      %dma_wait3A_337 = tpu.memref_squeeze %dma_wait3A_336 : memref<1x128x16xf32, #tpu.memory_space<vmem>> -> memref<128x16xf32, #tpu.memory_space<vmem>>
      %dma_wait3A_338 = tpu.memref_slice %arg10[%mul3A_116] : memref<10000xi32, #tpu.memory_space<vmem>> -> memref<128xi32, #tpu.memory_space<vmem>>
      %dma_wait3A_339 = arith.constant 0 : i32
      %dma_wait3A_340 = arith.constant 0 : i32
      %dma_wait3A_341 = tpu.memref_slice %arg18[%dma_wait3A_339, %dma_wait3A_340] : memref<10240x16xf32, #tpu.memory_space<vmem_shared>> -> memref<10240x16xf32, #tpu.memory_space<vmem_shared>>
      tpu.wait_indirect_dma semaphore(%arg20 : memref<!tpu.dma_semaphore, #tpu.memory_space<semaphore_mem>>) src(%dma_wait3A_341 : memref<10240x16xf32, #tpu.memory_space<vmem_shared>>) dst(%dma_wait3A_337 : memref<128x16xf32, #tpu.memory_space<vmem>>)
      %mul3A_342 = arith.constant 13 : i32
      %mul3A_343 = arith.muli %scan3A_65, %mul3A_342 : i32
      %add3A_344 = arith.constant 3 : i32
      %add3A_345 = arith.addi %mul3A_343, %add3A_344 : i32
      %mul3A_346 = arith.constant 128 : i32
      %mul3A_347 = arith.muli %add3A_345, %mul3A_346 : i32
      %dma_start3A_348 = arith.constant 3 : i32
      %dma_start3A_349 = arith.constant 0 : i32
      %dma_start3A_350 = arith.constant 0 : i32
      %dma_start3A_351 = tpu.memref_slice %arg12[%dma_start3A_348, %dma_start3A_349, %dma_start3A_350] : memref<13x128x16xf32, #tpu.memory_space<vmem>> -> memref<1x128x16xf32, #tpu.memory_space<vmem>>
      %dma_start3A_352 = tpu.memref_squeeze %dma_start3A_351 : memref<1x128x16xf32, #tpu.memory_space<vmem>> -> memref<128x16xf32, #tpu.memory_space<vmem>>
      %dma_start3A_353 = tpu.memref_slice %arg11[%mul3A_347] : memref<10000xi32, #tpu.memory_space<vmem>> -> memref<128xi32, #tpu.memory_space<vmem>>
      %dma_start3A_354 = arith.constant 0 : i32
      %dma_start3A_355 = arith.constant 0 : i32
      %dma_start3A_356 = tpu.memref_slice %arg19[%dma_start3A_354, %dma_start3A_355] : memref<10240x16xf32, #tpu.memory_space<vmem_shared>> -> memref<10240x16xf32, #tpu.memory_space<vmem_shared>>
      tpu.enqueue_indirect_dma source(%dma_start3A_352 : memref<128x16xf32, #tpu.memory_space<vmem>>) target(%dma_start3A_356 : memref<10240x16xf32, #tpu.memory_space<vmem_shared>>) offsets(%dma_start3A_353 : memref<128xi32, #tpu.memory_space<vmem>>) semaphore(%arg21 : memref<!tpu.dma_semaphore, #tpu.memory_space<semaphore_mem>>) {add = true}
      %dma_wait3A_357 = arith.constant 4 : i32
      %dma_wait3A_358 = arith.constant 0 : i32
      %dma_wait3A_359 = arith.constant 0 : i32
      %dma_wait3A_360 = tpu.memref_slice %arg12[%dma_wait3A_357, %dma_wait3A_358, %dma_wait3A_359] : memref<13x128x16xf32, #tpu.memory_space<vmem>> -> memref<1x128x16xf32, #tpu.memory_space<vmem>>
      %dma_wait3A_361 = tpu.memref_squeeze %dma_wait3A_360 : memref<1x128x16xf32, #tpu.memory_space<vmem>> -> memref<128x16xf32, #tpu.memory_space<vmem>>
      %dma_wait3A_362 = tpu.memref_slice %arg10[%mul3A_131] : memref<10000xi32, #tpu.memory_space<vmem>> -> memref<128xi32, #tpu.memory_space<vmem>>
      %dma_wait3A_363 = arith.constant 0 : i32
      %dma_wait3A_364 = arith.constant 0 : i32
      %dma_wait3A_365 = tpu.memref_slice %arg18[%dma_wait3A_363, %dma_wait3A_364] : memref<10240x16xf32, #tpu.memory_space<vmem_shared>> -> memref<10240x16xf32, #tpu.memory_space<vmem_shared>>
      tpu.wait_indirect_dma semaphore(%arg20 : memref<!tpu.dma_semaphore, #tpu.memory_space<semaphore_mem>>) src(%dma_wait3A_365 : memref<10240x16xf32, #tpu.memory_space<vmem_shared>>) dst(%dma_wait3A_361 : memref<128x16xf32, #tpu.memory_space<vmem>>)
      %mul3A_366 = arith.constant 13 : i32
      %mul3A_367 = arith.muli %scan3A_65, %mul3A_366 : i32
      %add3A_368 = arith.constant 4 : i32
      %add3A_369 = arith.addi %mul3A_367, %add3A_368 : i32
      %mul3A_370 = arith.constant 128 : i32
      %mul3A_371 = arith.muli %add3A_369, %mul3A_370 : i32
      %dma_start3A_372 = arith.constant 4 : i32
      %dma_start3A_373 = arith.constant 0 : i32
      %dma_start3A_374 = arith.constant 0 : i32
      %dma_start3A_375 = tpu.memref_slice %arg12[%dma_start3A_372, %dma_start3A_373, %dma_start3A_374] : memref<13x128x16xf32, #tpu.memory_space<vmem>> -> memref<1x128x16xf32, #tpu.memory_space<vmem>>
      %dma_start3A_376 = tpu.memref_squeeze %dma_start3A_375 : memref<1x128x16xf32, #tpu.memory_space<vmem>> -> memref<128x16xf32, #tpu.memory_space<vmem>>
      %dma_start3A_377 = tpu.memref_slice %arg11[%mul3A_371] : memref<10000xi32, #tpu.memory_space<vmem>> -> memref<128xi32, #tpu.memory_space<vmem>>
      %dma_start3A_378 = arith.constant 0 : i32
      %dma_start3A_379 = arith.constant 0 : i32
      %dma_start3A_380 = tpu.memref_slice %arg19[%dma_start3A_378, %dma_start3A_379] : memref<10240x16xf32, #tpu.memory_space<vmem_shared>> -> memref<10240x16xf32, #tpu.memory_space<vmem_shared>>
      tpu.enqueue_indirect_dma source(%dma_start3A_376 : memref<128x16xf32, #tpu.memory_space<vmem>>) target(%dma_start3A_380 : memref<10240x16xf32, #tpu.memory_space<vmem_shared>>) offsets(%dma_start3A_377 : memref<128xi32, #tpu.memory_space<vmem>>) semaphore(%arg21 : memref<!tpu.dma_semaphore, #tpu.memory_space<semaphore_mem>>) {add = true}
      %dma_wait3A_381 = arith.constant 5 : i32
      %dma_wait3A_382 = arith.constant 0 : i32
      %dma_wait3A_383 = arith.constant 0 : i32
      %dma_wait3A_384 = tpu.memref_slice %arg12[%dma_wait3A_381, %dma_wait3A_382, %dma_wait3A_383] : memref<13x128x16xf32, #tpu.memory_space<vmem>> -> memref<1x128x16xf32, #tpu.memory_space<vmem>>
      %dma_wait3A_385 = tpu.memref_squeeze %dma_wait3A_384 : memref<1x128x16xf32, #tpu.memory_space<vmem>> -> memref<128x16xf32, #tpu.memory_space<vmem>>
      %dma_wait3A_386 = tpu.memref_slice %arg10[%mul3A_146] : memref<10000xi32, #tpu.memory_space<vmem>> -> memref<128xi32, #tpu.memory_space<vmem>>
      %dma_wait3A_387 = arith.constant 0 : i32
      %dma_wait3A_388 = arith.constant 0 : i32
      %dma_wait3A_389 = tpu.memref_slice %arg18[%dma_wait3A_387, %dma_wait3A_388] : memref<10240x16xf32, #tpu.memory_space<vmem_shared>> -> memref<10240x16xf32, #tpu.memory_space<vmem_shared>>
      tpu.wait_indirect_dma semaphore(%arg20 : memref<!tpu.dma_semaphore, #tpu.memory_space<semaphore_mem>>) src(%dma_wait3A_389 : memref<10240x16xf32, #tpu.memory_space<vmem_shared>>) dst(%dma_wait3A_385 : memref<128x16xf32, #tpu.memory_space<vmem>>)
      %mul3A_390 = arith.constant 13 : i32
      %mul3A_391 = arith.muli %scan3A_65, %mul3A_390 : i32
      %add3A_392 = arith.constant 5 : i32
      %add3A_393 = arith.addi %mul3A_391, %add3A_392 : i32
      %mul3A_394 = arith.constant 128 : i32
      %mul3A_395 = arith.muli %add3A_393, %mul3A_394 : i32
      %dma_start3A_396 = arith.constant 5 : i32
      %dma_start3A_397 = arith.constant 0 : i32
      %dma_start3A_398 = arith.constant 0 : i32
      %dma_start3A_399 = tpu.memref_slice %arg12[%dma_start3A_396, %dma_start3A_397, %dma_start3A_398] : memref<13x128x16xf32, #tpu.memory_space<vmem>> -> memref<1x128x16xf32, #tpu.memory_space<vmem>>
      %dma_start3A_400 = tpu.memref_squeeze %dma_start3A_399 : memref<1x128x16xf32, #tpu.memory_space<vmem>> -> memref<128x16xf32, #tpu.memory_space<vmem>>
      %dma_start3A_401 = tpu.memref_slice %arg11[%mul3A_395] : memref<10000xi32, #tpu.memory_space<vmem>> -> memref<128xi32, #tpu.memory_space<vmem>>
      %dma_start3A_402 = arith.constant 0 : i32
      %dma_start3A_403 = arith.constant 0 : i32
      %dma_start3A_404 = tpu.memref_slice %arg19[%dma_start3A_402, %dma_start3A_403] : memref<10240x16xf32, #tpu.memory_space<vmem_shared>> -> memref<10240x16xf32, #tpu.memory_space<vmem_shared>>
      tpu.enqueue_indirect_dma source(%dma_start3A_400 : memref<128x16xf32, #tpu.memory_space<vmem>>) target(%dma_start3A_404 : memref<10240x16xf32, #tpu.memory_space<vmem_shared>>) offsets(%dma_start3A_401 : memref<128xi32, #tpu.memory_space<vmem>>) semaphore(%arg21 : memref<!tpu.dma_semaphore, #tpu.memory_space<semaphore_mem>>) {add = true}
      %dma_wait3A_405 = arith.constant 6 : i32
      %dma_wait3A_406 = arith.constant 0 : i32
      %dma_wait3A_407 = arith.constant 0 : i32
      %dma_wait3A_408 = tpu.memref_slice %arg12[%dma_wait3A_405, %dma_wait3A_406, %dma_wait3A_407] : memref<13x128x16xf32, #tpu.memory_space<vmem>> -> memref<1x128x16xf32, #tpu.memory_space<vmem>>
      %dma_wait3A_409 = tpu.memref_squeeze %dma_wait3A_408 : memref<1x128x16xf32, #tpu.memory_space<vmem>> -> memref<128x16xf32, #tpu.memory_space<vmem>>
      %dma_wait3A_410 = tpu.memref_slice %arg10[%mul3A_161] : memref<10000xi32, #tpu.memory_space<vmem>> -> memref<128xi32, #tpu.memory_space<vmem>>
      %dma_wait3A_411 = arith.constant 0 : i32
      %dma_wait3A_412 = arith.constant 0 : i32
      %dma_wait3A_413 = tpu.memref_slice %arg18[%dma_wait3A_411, %dma_wait3A_412] : memref<10240x16xf32, #tpu.memory_space<vmem_shared>> -> memref<10240x16xf32, #tpu.memory_space<vmem_shared>>
      tpu.wait_indirect_dma semaphore(%arg20 : memref<!tpu.dma_semaphore, #tpu.memory_space<semaphore_mem>>) src(%dma_wait3A_413 : memref<10240x16xf32, #tpu.memory_space<vmem_shared>>) dst(%dma_wait3A_409 : memref<128x16xf32, #tpu.memory_space<vmem>>)
      %mul3A_414 = arith.constant 13 : i32
      %mul3A_415 = arith.muli %scan3A_65, %mul3A_414 : i32
      %add3A_416 = arith.constant 6 : i32
      %add3A_417 = arith.addi %mul3A_415, %add3A_416 : i32
      %mul3A_418 = arith.constant 128 : i32
      %mul3A_419 = arith.muli %add3A_417, %mul3A_418 : i32
      %dma_start3A_420 = arith.constant 6 : i32
      %dma_start3A_421 = arith.constant 0 : i32
      %dma_start3A_422 = arith.constant 0 : i32
      %dma_start3A_423 = tpu.memref_slice %arg12[%dma_start3A_420, %dma_start3A_421, %dma_start3A_422] : memref<13x128x16xf32, #tpu.memory_space<vmem>> -> memref<1x128x16xf32, #tpu.memory_space<vmem>>
      %dma_start3A_424 = tpu.memref_squeeze %dma_start3A_423 : memref<1x128x16xf32, #tpu.memory_space<vmem>> -> memref<128x16xf32, #tpu.memory_space<vmem>>
      %dma_start3A_425 = tpu.memref_slice %arg11[%mul3A_419] : memref<10000xi32, #tpu.memory_space<vmem>> -> memref<128xi32, #tpu.memory_space<vmem>>
      %dma_start3A_426 = arith.constant 0 : i32
      %dma_start3A_427 = arith.constant 0 : i32
      %dma_start3A_428 = tpu.memref_slice %arg19[%dma_start3A_426, %dma_start3A_427] : memref<10240x16xf32, #tpu.memory_space<vmem_shared>> -> memref<10240x16xf32, #tpu.memory_space<vmem_shared>>
      tpu.enqueue_indirect_dma source(%dma_start3A_424 : memref<128x16xf32, #tpu.memory_space<vmem>>) target(%dma_start3A_428 : memref<10240x16xf32, #tpu.memory_space<vmem_shared>>) offsets(%dma_start3A_425 : memref<128xi32, #tpu.memory_space<vmem>>) semaphore(%arg21 : memref<!tpu.dma_semaphore, #tpu.memory_space<semaphore_mem>>) {add = true}
      %dma_wait3A_429 = arith.constant 7 : i32
      %dma_wait3A_430 = arith.constant 0 : i32
      %dma_wait3A_431 = arith.constant 0 : i32
      %dma_wait3A_432 = tpu.memref_slice %arg12[%dma_wait3A_429, %dma_wait3A_430, %dma_wait3A_431] : memref<13x128x16xf32, #tpu.memory_space<vmem>> -> memref<1x128x16xf32, #tpu.memory_space<vmem>>
      %dma_wait3A_433 = tpu.memref_squeeze %dma_wait3A_432 : memref<1x128x16xf32, #tpu.memory_space<vmem>> -> memref<128x16xf32, #tpu.memory_space<vmem>>
      %dma_wait3A_434 = tpu.memref_slice %arg10[%mul3A_176] : memref<10000xi32, #tpu.memory_space<vmem>> -> memref<128xi32, #tpu.memory_space<vmem>>
      %dma_wait3A_435 = arith.constant 0 : i32
      %dma_wait3A_436 = arith.constant 0 : i32
      %dma_wait3A_437 = tpu.memref_slice %arg18[%dma_wait3A_435, %dma_wait3A_436] : memref<10240x16xf32, #tpu.memory_space<vmem_shared>> -> memref<10240x16xf32, #tpu.memory_space<vmem_shared>>
      tpu.wait_indirect_dma semaphore(%arg20 : memref<!tpu.dma_semaphore, #tpu.memory_space<semaphore_mem>>) src(%dma_wait3A_437 : memref<10240x16xf32, #tpu.memory_space<vmem_shared>>) dst(%dma_wait3A_433 : memref<128x16xf32, #tpu.memory_space<vmem>>)
      %mul3A_438 = arith.constant 13 : i32
      %mul3A_439 = arith.muli %scan3A_65, %mul3A_438 : i32
      %add3A_440 = arith.constant 7 : i32
      %add3A_441 = arith.addi %mul3A_439, %add3A_440 : i32
      %mul3A_442 = arith.constant 128 : i32
      %mul3A_443 = arith.muli %add3A_441, %mul3A_442 : i32
      %dma_start3A_444 = arith.constant 7 : i32
      %dma_start3A_445 = arith.constant 0 : i32
      %dma_start3A_446 = arith.constant 0 : i32
      %dma_start3A_447 = tpu.memref_slice %arg12[%dma_start3A_444, %dma_start3A_445, %dma_start3A_446] : memref<13x128x16xf32, #tpu.memory_space<vmem>> -> memref<1x128x16xf32, #tpu.memory_space<vmem>>
      %dma_start3A_448 = tpu.memref_squeeze %dma_start3A_447 : memref<1x128x16xf32, #tpu.memory_space<vmem>> -> memref<128x16xf32, #tpu.memory_space<vmem>>
      %dma_start3A_449 = tpu.memref_slice %arg11[%mul3A_443] : memref<10000xi32, #tpu.memory_space<vmem>> -> memref<128xi32, #tpu.memory_space<vmem>>
      %dma_start3A_450 = arith.constant 0 : i32
      %dma_start3A_451 = arith.constant 0 : i32
      %dma_start3A_452 = tpu.memref_slice %arg19[%dma_start3A_450, %dma_start3A_451] : memref<10240x16xf32, #tpu.memory_space<vmem_shared>> -> memref<10240x16xf32, #tpu.memory_space<vmem_shared>>
      tpu.enqueue_indirect_dma source(%dma_start3A_448 : memref<128x16xf32, #tpu.memory_space<vmem>>) target(%dma_start3A_452 : memref<10240x16xf32, #tpu.memory_space<vmem_shared>>) offsets(%dma_start3A_449 : memref<128xi32, #tpu.memory_space<vmem>>) semaphore(%arg21 : memref<!tpu.dma_semaphore, #tpu.memory_space<semaphore_mem>>) {add = true}
      %dma_wait3A_453 = arith.constant 8 : i32
      %dma_wait3A_454 = arith.constant 0 : i32
      %dma_wait3A_455 = arith.constant 0 : i32
      %dma_wait3A_456 = tpu.memref_slice %arg12[%dma_wait3A_453, %dma_wait3A_454, %dma_wait3A_455] : memref<13x128x16xf32, #tpu.memory_space<vmem>> -> memref<1x128x16xf32, #tpu.memory_space<vmem>>
      %dma_wait3A_457 = tpu.memref_squeeze %dma_wait3A_456 : memref<1x128x16xf32, #tpu.memory_space<vmem>> -> memref<128x16xf32, #tpu.memory_space<vmem>>
      %dma_wait3A_458 = tpu.memref_slice %arg10[%mul3A_191] : memref<10000xi32, #tpu.memory_space<vmem>> -> memref<128xi32, #tpu.memory_space<vmem>>
      %dma_wait3A_459 = arith.constant 0 : i32
      %dma_wait3A_460 = arith.constant 0 : i32
      %dma_wait3A_461 = tpu.memref_slice %arg18[%dma_wait3A_459, %dma_wait3A_460] : memref<10240x16xf32, #tpu.memory_space<vmem_shared>> -> memref<10240x16xf32, #tpu.memory_space<vmem_shared>>
      tpu.wait_indirect_dma semaphore(%arg20 : memref<!tpu.dma_semaphore, #tpu.memory_space<semaphore_mem>>) src(%dma_wait3A_461 : memref<10240x16xf32, #tpu.memory_space<vmem_shared>>) dst(%dma_wait3A_457 : memref<128x16xf32, #tpu.memory_space<vmem>>)
      %mul3A_462 = arith.constant 13 : i32
      %mul3A_463 = arith.muli %scan3A_65, %mul3A_462 : i32
      %add3A_464 = arith.constant 8 : i32
      %add3A_465 = arith.addi %mul3A_463, %add3A_464 : i32
      %mul3A_466 = arith.constant 128 : i32
      %mul3A_467 = arith.muli %add3A_465, %mul3A_466 : i32
      %dma_start3A_468 = arith.constant 8 : i32
      %dma_start3A_469 = arith.constant 0 : i32
      %dma_start3A_470 = arith.constant 0 : i32
      %dma_start3A_471 = tpu.memref_slice %arg12[%dma_start3A_468, %dma_start3A_469, %dma_start3A_470] : memref<13x128x16xf32, #tpu.memory_space<vmem>> -> memref<1x128x16xf32, #tpu.memory_space<vmem>>
      %dma_start3A_472 = tpu.memref_squeeze %dma_start3A_471 : memref<1x128x16xf32, #tpu.memory_space<vmem>> -> memref<128x16xf32, #tpu.memory_space<vmem>>
      %dma_start3A_473 = tpu.memref_slice %arg11[%mul3A_467] : memref<10000xi32, #tpu.memory_space<vmem>> -> memref<128xi32, #tpu.memory_space<vmem>>
      %dma_start3A_474 = arith.constant 0 : i32
      %dma_start3A_475 = arith.constant 0 : i32
      %dma_start3A_476 = tpu.memref_slice %arg19[%dma_start3A_474, %dma_start3A_475] : memref<10240x16xf32, #tpu.memory_space<vmem_shared>> -> memref<10240x16xf32, #tpu.memory_space<vmem_shared>>
      tpu.enqueue_indirect_dma source(%dma_start3A_472 : memref<128x16xf32, #tpu.memory_space<vmem>>) target(%dma_start3A_476 : memref<10240x16xf32, #tpu.memory_space<vmem_shared>>) offsets(%dma_start3A_473 : memref<128xi32, #tpu.memory_space<vmem>>) semaphore(%arg21 : memref<!tpu.dma_semaphore, #tpu.memory_space<semaphore_mem>>) {add = true}
      %dma_wait3A_477 = arith.constant 9 : i32
      %dma_wait3A_478 = arith.constant 0 : i32
      %dma_wait3A_479 = arith.constant 0 : i32
      %dma_wait3A_480 = tpu.memref_slice %arg12[%dma_wait3A_477, %dma_wait3A_478, %dma_wait3A_479] : memref<13x128x16xf32, #tpu.memory_space<vmem>> -> memref<1x128x16xf32, #tpu.memory_space<vmem>>
      %dma_wait3A_481 = tpu.memref_squeeze %dma_wait3A_480 : memref<1x128x16xf32, #tpu.memory_space<vmem>> -> memref<128x16xf32, #tpu.memory_space<vmem>>
      %dma_wait3A_482 = tpu.memref_slice %arg10[%mul3A_206] : memref<10000xi32, #tpu.memory_space<vmem>> -> memref<128xi32, #tpu.memory_space<vmem>>
      %dma_wait3A_483 = arith.constant 0 : i32
      %dma_wait3A_484 = arith.constant 0 : i32
      %dma_wait3A_485 = tpu.memref_slice %arg18[%dma_wait3A_483, %dma_wait3A_484] : memref<10240x16xf32, #tpu.memory_space<vmem_shared>> -> memref<10240x16xf32, #tpu.memory_space<vmem_shared>>
      tpu.wait_indirect_dma semaphore(%arg20 : memref<!tpu.dma_semaphore, #tpu.memory_space<semaphore_mem>>) src(%dma_wait3A_485 : memref<10240x16xf32, #tpu.memory_space<vmem_shared>>) dst(%dma_wait3A_481 : memref<128x16xf32, #tpu.memory_space<vmem>>)
      %mul3A_486 = arith.constant 13 : i32
      %mul3A_487 = arith.muli %scan3A_65, %mul3A_486 : i32
      %add3A_488 = arith.constant 9 : i32
      %add3A_489 = arith.addi %mul3A_487, %add3A_488 : i32
      %mul3A_490 = arith.constant 128 : i32
      %mul3A_491 = arith.muli %add3A_489, %mul3A_490 : i32
      %dma_start3A_492 = arith.constant 9 : i32
      %dma_start3A_493 = arith.constant 0 : i32
      %dma_start3A_494 = arith.constant 0 : i32
      %dma_start3A_495 = tpu.memref_slice %arg12[%dma_start3A_492, %dma_start3A_493, %dma_start3A_494] : memref<13x128x16xf32, #tpu.memory_space<vmem>> -> memref<1x128x16xf32, #tpu.memory_space<vmem>>
      %dma_start3A_496 = tpu.memref_squeeze %dma_start3A_495 : memref<1x128x16xf32, #tpu.memory_space<vmem>> -> memref<128x16xf32, #tpu.memory_space<vmem>>
      %dma_start3A_497 = tpu.memref_slice %arg11[%mul3A_491] : memref<10000xi32, #tpu.memory_space<vmem>> -> memref<128xi32, #tpu.memory_space<vmem>>
      %dma_start3A_498 = arith.constant 0 : i32
      %dma_start3A_499 = arith.constant 0 : i32
      %dma_start3A_500 = tpu.memref_slice %arg19[%dma_start3A_498, %dma_start3A_499] : memref<10240x16xf32, #tpu.memory_space<vmem_shared>> -> memref<10240x16xf32, #tpu.memory_space<vmem_shared>>
      tpu.enqueue_indirect_dma source(%dma_start3A_496 : memref<128x16xf32, #tpu.memory_space<vmem>>) target(%dma_start3A_500 : memref<10240x16xf32, #tpu.memory_space<vmem_shared>>) offsets(%dma_start3A_497 : memref<128xi32, #tpu.memory_space<vmem>>) semaphore(%arg21 : memref<!tpu.dma_semaphore, #tpu.memory_space<semaphore_mem>>) {add = true}
      %dma_wait3A_501 = arith.constant 10 : i32
      %dma_wait3A_502 = arith.constant 0 : i32
      %dma_wait3A_503 = arith.constant 0 : i32
      %dma_wait3A_504 = tpu.memref_slice %arg12[%dma_wait3A_501, %dma_wait3A_502, %dma_wait3A_503] : memref<13x128x16xf32, #tpu.memory_space<vmem>> -> memref<1x128x16xf32, #tpu.memory_space<vmem>>
      %dma_wait3A_505 = tpu.memref_squeeze %dma_wait3A_504 : memref<1x128x16xf32, #tpu.memory_space<vmem>> -> memref<128x16xf32, #tpu.memory_space<vmem>>
      %dma_wait3A_506 = tpu.memref_slice %arg10[%mul3A_221] : memref<10000xi32, #tpu.memory_space<vmem>> -> memref<128xi32, #tpu.memory_space<vmem>>
      %dma_wait3A_507 = arith.constant 0 : i32
      %dma_wait3A_508 = arith.constant 0 : i32
      %dma_wait3A_509 = tpu.memref_slice %arg18[%dma_wait3A_507, %dma_wait3A_508] : memref<10240x16xf32, #tpu.memory_space<vmem_shared>> -> memref<10240x16xf32, #tpu.memory_space<vmem_shared>>
      tpu.wait_indirect_dma semaphore(%arg20 : memref<!tpu.dma_semaphore, #tpu.memory_space<semaphore_mem>>) src(%dma_wait3A_509 : memref<10240x16xf32, #tpu.memory_space<vmem_shared>>) dst(%dma_wait3A_505 : memref<128x16xf32, #tpu.memory_space<vmem>>)
      %mul3A_510 = arith.constant 13 : i32
      %mul3A_511 = arith.muli %scan3A_65, %mul3A_510 : i32
      %add3A_512 = arith.constant 10 : i32
      %add3A_513 = arith.addi %mul3A_511, %add3A_512 : i32
      %mul3A_514 = arith.constant 128 : i32
      %mul3A_515 = arith.muli %add3A_513, %mul3A_514 : i32
      %dma_start3A_516 = arith.constant 10 : i32
      %dma_start3A_517 = arith.constant 0 : i32
      %dma_start3A_518 = arith.constant 0 : i32
      %dma_start3A_519 = tpu.memref_slice %arg12[%dma_start3A_516, %dma_start3A_517, %dma_start3A_518] : memref<13x128x16xf32, #tpu.memory_space<vmem>> -> memref<1x128x16xf32, #tpu.memory_space<vmem>>
      %dma_start3A_520 = tpu.memref_squeeze %dma_start3A_519 : memref<1x128x16xf32, #tpu.memory_space<vmem>> -> memref<128x16xf32, #tpu.memory_space<vmem>>
      %dma_start3A_521 = tpu.memref_slice %arg11[%mul3A_515] : memref<10000xi32, #tpu.memory_space<vmem>> -> memref<128xi32, #tpu.memory_space<vmem>>
      %dma_start3A_522 = arith.constant 0 : i32
      %dma_start3A_523 = arith.constant 0 : i32
      %dma_start3A_524 = tpu.memref_slice %arg19[%dma_start3A_522, %dma_start3A_523] : memref<10240x16xf32, #tpu.memory_space<vmem_shared>> -> memref<10240x16xf32, #tpu.memory_space<vmem_shared>>
      tpu.enqueue_indirect_dma source(%dma_start3A_520 : memref<128x16xf32, #tpu.memory_space<vmem>>) target(%dma_start3A_524 : memref<10240x16xf32, #tpu.memory_space<vmem_shared>>) offsets(%dma_start3A_521 : memref<128xi32, #tpu.memory_space<vmem>>) semaphore(%arg21 : memref<!tpu.dma_semaphore, #tpu.memory_space<semaphore_mem>>) {add = true}
      %dma_wait3A_525 = arith.constant 11 : i32
      %dma_wait3A_526 = arith.constant 0 : i32
      %dma_wait3A_527 = arith.constant 0 : i32
      %dma_wait3A_528 = tpu.memref_slice %arg12[%dma_wait3A_525, %dma_wait3A_526, %dma_wait3A_527] : memref<13x128x16xf32, #tpu.memory_space<vmem>> -> memref<1x128x16xf32, #tpu.memory_space<vmem>>
      %dma_wait3A_529 = tpu.memref_squeeze %dma_wait3A_528 : memref<1x128x16xf32, #tpu.memory_space<vmem>> -> memref<128x16xf32, #tpu.memory_space<vmem>>
      %dma_wait3A_530 = tpu.memref_slice %arg10[%mul3A_236] : memref<10000xi32, #tpu.memory_space<vmem>> -> memref<128xi32, #tpu.memory_space<vmem>>
      %dma_wait3A_531 = arith.constant 0 : i32
      %dma_wait3A_532 = arith.constant 0 : i32
      %dma_wait3A_533 = tpu.memref_slice %arg18[%dma_wait3A_531, %dma_wait3A_532] : memref<10240x16xf32, #tpu.memory_space<vmem_shared>> -> memref<10240x16xf32, #tpu.memory_space<vmem_shared>>
      tpu.wait_indirect_dma semaphore(%arg20 : memref<!tpu.dma_semaphore, #tpu.memory_space<semaphore_mem>>) src(%dma_wait3A_533 : memref<10240x16xf32, #tpu.memory_space<vmem_shared>>) dst(%dma_wait3A_529 : memref<128x16xf32, #tpu.memory_space<vmem>>)
      %mul3A_534 = arith.constant 13 : i32
      %mul3A_535 = arith.muli %scan3A_65, %mul3A_534 : i32
      %add3A_536 = arith.constant 11 : i32
      %add3A_537 = arith.addi %mul3A_535, %add3A_536 : i32
      %mul3A_538 = arith.constant 128 : i32
      %mul3A_539 = arith.muli %add3A_537, %mul3A_538 : i32
      %dma_start3A_540 = arith.constant 11 : i32
      %dma_start3A_541 = arith.constant 0 : i32
      %dma_start3A_542 = arith.constant 0 : i32
      %dma_start3A_543 = tpu.memref_slice %arg12[%dma_start3A_540, %dma_start3A_541, %dma_start3A_542] : memref<13x128x16xf32, #tpu.memory_space<vmem>> -> memref<1x128x16xf32, #tpu.memory_space<vmem>>
      %dma_start3A_544 = tpu.memref_squeeze %dma_start3A_543 : memref<1x128x16xf32, #tpu.memory_space<vmem>> -> memref<128x16xf32, #tpu.memory_space<vmem>>
      %dma_start3A_545 = tpu.memref_slice %arg11[%mul3A_539] : memref<10000xi32, #tpu.memory_space<vmem>> -> memref<128xi32, #tpu.memory_space<vmem>>
      %dma_start3A_546 = arith.constant 0 : i32
      %dma_start3A_547 = arith.constant 0 : i32
      %dma_start3A_548 = tpu.memref_slice %arg19[%dma_start3A_546, %dma_start3A_547] : memref<10240x16xf32, #tpu.memory_space<vmem_shared>> -> memref<10240x16xf32, #tpu.memory_space<vmem_shared>>
      tpu.enqueue_indirect_dma source(%dma_start3A_544 : memref<128x16xf32, #tpu.memory_space<vmem>>) target(%dma_start3A_548 : memref<10240x16xf32, #tpu.memory_space<vmem_shared>>) offsets(%dma_start3A_545 : memref<128xi32, #tpu.memory_space<vmem>>) semaphore(%arg21 : memref<!tpu.dma_semaphore, #tpu.memory_space<semaphore_mem>>) {add = true}
      %dma_wait3A_549 = arith.constant 12 : i32
      %dma_wait3A_550 = arith.constant 0 : i32
      %dma_wait3A_551 = arith.constant 0 : i32
      %dma_wait3A_552 = tpu.memref_slice %arg12[%dma_wait3A_549, %dma_wait3A_550, %dma_wait3A_551] : memref<13x128x16xf32, #tpu.memory_space<vmem>> -> memref<1x128x16xf32, #tpu.memory_space<vmem>>
      %dma_wait3A_553 = tpu.memref_squeeze %dma_wait3A_552 : memref<1x128x16xf32, #tpu.memory_space<vmem>> -> memref<128x16xf32, #tpu.memory_space<vmem>>
      %dma_wait3A_554 = tpu.memref_slice %arg10[%mul3A_251] : memref<10000xi32, #tpu.memory_space<vmem>> -> memref<128xi32, #tpu.memory_space<vmem>>
      %dma_wait3A_555 = arith.constant 0 : i32
      %dma_wait3A_556 = arith.constant 0 : i32
      %dma_wait3A_557 = tpu.memref_slice %arg18[%dma_wait3A_555, %dma_wait3A_556] : memref<10240x16xf32, #tpu.memory_space<vmem_shared>> -> memref<10240x16xf32, #tpu.memory_space<vmem_shared>>
      tpu.wait_indirect_dma semaphore(%arg20 : memref<!tpu.dma_semaphore, #tpu.memory_space<semaphore_mem>>) src(%dma_wait3A_557 : memref<10240x16xf32, #tpu.memory_space<vmem_shared>>) dst(%dma_wait3A_553 : memref<128x16xf32, #tpu.memory_space<vmem>>)
      %mul3A_558 = arith.constant 13 : i32
      %mul3A_559 = arith.muli %scan3A_65, %mul3A_558 : i32
      %add3A_560 = arith.constant 12 : i32
      %add3A_561 = arith.addi %mul3A_559, %add3A_560 : i32
      %mul3A_562 = arith.constant 128 : i32
      %mul3A_563 = arith.muli %add3A_561, %mul3A_562 : i32
      %dma_start3A_564 = arith.constant 12 : i32
      %dma_start3A_565 = arith.constant 0 : i32
      %dma_start3A_566 = arith.constant 0 : i32
      %dma_start3A_567 = tpu.memref_slice %arg12[%dma_start3A_564, %dma_start3A_565, %dma_start3A_566] : memref<13x128x16xf32, #tpu.memory_space<vmem>> -> memref<1x128x16xf32, #tpu.memory_space<vmem>>
      %dma_start3A_568 = tpu.memref_squeeze %dma_start3A_567 : memref<1x128x16xf32, #tpu.memory_space<vmem>> -> memref<128x16xf32, #tpu.memory_space<vmem>>
      %dma_start3A_569 = tpu.memref_slice %arg11[%mul3A_563] : memref<10000xi32, #tpu.memory_space<vmem>> -> memref<128xi32, #tpu.memory_space<vmem>>
      %dma_start3A_570 = arith.constant 0 : i32
      %dma_start3A_571 = arith.constant 0 : i32
      %dma_start3A_572 = tpu.memref_slice %arg19[%dma_start3A_570, %dma_start3A_571] : memref<10240x16xf32, #tpu.memory_space<vmem_shared>> -> memref<10240x16xf32, #tpu.memory_space<vmem_shared>>
      tpu.enqueue_indirect_dma source(%dma_start3A_568 : memref<128x16xf32, #tpu.memory_space<vmem>>) target(%dma_start3A_572 : memref<10240x16xf32, #tpu.memory_space<vmem_shared>>) offsets(%dma_start3A_569 : memref<128xi32, #tpu.memory_space<vmem>>) semaphore(%arg21 : memref<!tpu.dma_semaphore, #tpu.memory_space<semaphore_mem>>) {add = true}
      %dma_wait3A_573 = arith.constant 0 : i32
      %dma_wait3A_574 = arith.constant 0 : i32
      %dma_wait3A_575 = arith.constant 0 : i32
      %dma_wait3A_576 = tpu.memref_slice %arg12[%dma_wait3A_573, %dma_wait3A_574, %dma_wait3A_575] : memref<13x128x16xf32, #tpu.memory_space<vmem>> -> memref<1x128x16xf32, #tpu.memory_space<vmem>>
      %dma_wait3A_577 = tpu.memref_squeeze %dma_wait3A_576 : memref<1x128x16xf32, #tpu.memory_space<vmem>> -> memref<128x16xf32, #tpu.memory_space<vmem>>
      %dma_wait3A_578 = tpu.memref_slice %arg11[%mul3A_275] : memref<10000xi32, #tpu.memory_space<vmem>> -> memref<128xi32, #tpu.memory_space<vmem>>
      %dma_wait3A_579 = arith.constant 0 : i32
      %dma_wait3A_580 = arith.constant 0 : i32
      %dma_wait3A_581 = tpu.memref_slice %arg19[%dma_wait3A_579, %dma_wait3A_580] : memref<10240x16xf32, #tpu.memory_space<vmem_shared>> -> memref<10240x16xf32, #tpu.memory_space<vmem_shared>>
      tpu.wait_indirect_dma semaphore(%arg21 : memref<!tpu.dma_semaphore, #tpu.memory_space<semaphore_mem>>) src(%dma_wait3A_577 : memref<128x16xf32, #tpu.memory_space<vmem>>) dst(%dma_wait3A_581 : memref<10240x16xf32, #tpu.memory_space<vmem_shared>>)
      %dma_wait3A_582 = arith.constant 1 : i32
      %dma_wait3A_583 = arith.constant 0 : i32
      %dma_wait3A_584 = arith.constant 0 : i32
      %dma_wait3A_585 = tpu.memref_slice %arg12[%dma_wait3A_582, %dma_wait3A_583, %dma_wait3A_584] : memref<13x128x16xf32, #tpu.memory_space<vmem>> -> memref<1x128x16xf32, #tpu.memory_space<vmem>>
      %dma_wait3A_586 = tpu.memref_squeeze %dma_wait3A_585 : memref<1x128x16xf32, #tpu.memory_space<vmem>> -> memref<128x16xf32, #tpu.memory_space<vmem>>
      %dma_wait3A_587 = tpu.memref_slice %arg11[%mul3A_299] : memref<10000xi32, #tpu.memory_space<vmem>> -> memref<128xi32, #tpu.memory_space<vmem>>
      %dma_wait3A_588 = arith.constant 0 : i32
      %dma_wait3A_589 = arith.constant 0 : i32
      %dma_wait3A_590 = tpu.memref_slice %arg19[%dma_wait3A_588, %dma_wait3A_589] : memref<10240x16xf32, #tpu.memory_space<vmem_shared>> -> memref<10240x16xf32, #tpu.memory_space<vmem_shared>>
      tpu.wait_indirect_dma semaphore(%arg21 : memref<!tpu.dma_semaphore, #tpu.memory_space<semaphore_mem>>) src(%dma_wait3A_586 : memref<128x16xf32, #tpu.memory_space<vmem>>) dst(%dma_wait3A_590 : memref<10240x16xf32, #tpu.memory_space<vmem_shared>>)
      %dma_wait3A_591 = arith.constant 2 : i32
      %dma_wait3A_592 = arith.constant 0 : i32
      %dma_wait3A_593 = arith.constant 0 : i32
      %dma_wait3A_594 = tpu.memref_slice %arg12[%dma_wait3A_591, %dma_wait3A_592, %dma_wait3A_593] : memref<13x128x16xf32, #tpu.memory_space<vmem>> -> memref<1x128x16xf32, #tpu.memory_space<vmem>>
      %dma_wait3A_595 = tpu.memref_squeeze %dma_wait3A_594 : memref<1x128x16xf32, #tpu.memory_space<vmem>> -> memref<128x16xf32, #tpu.memory_space<vmem>>
      %dma_wait3A_596 = tpu.memref_slice %arg11[%mul3A_323] : memref<10000xi32, #tpu.memory_space<vmem>> -> memref<128xi32, #tpu.memory_space<vmem>>
      %dma_wait3A_597 = arith.constant 0 : i32
      %dma_wait3A_598 = arith.constant 0 : i32
      %dma_wait3A_599 = tpu.memref_slice %arg19[%dma_wait3A_597, %dma_wait3A_598] : memref<10240x16xf32, #tpu.memory_space<vmem_shared>> -> memref<10240x16xf32, #tpu.memory_space<vmem_shared>>
      tpu.wait_indirect_dma semaphore(%arg21 : memref<!tpu.dma_semaphore, #tpu.memory_space<semaphore_mem>>) src(%dma_wait3A_595 : memref<128x16xf32, #tpu.memory_space<vmem>>) dst(%dma_wait3A_599 : memref<10240x16xf32, #tpu.memory_space<vmem_shared>>)
      %dma_wait3A_600 = arith.constant 3 : i32
      %dma_wait3A_601 = arith.constant 0 : i32
      %dma_wait3A_602 = arith.constant 0 : i32
      %dma_wait3A_603 = tpu.memref_slice %arg12[%dma_wait3A_600, %dma_wait3A_601, %dma_wait3A_602] : memref<13x128x16xf32, #tpu.memory_space<vmem>> -> memref<1x128x16xf32, #tpu.memory_space<vmem>>
      %dma_wait3A_604 = tpu.memref_squeeze %dma_wait3A_603 : memref<1x128x16xf32, #tpu.memory_space<vmem>> -> memref<128x16xf32, #tpu.memory_space<vmem>>
      %dma_wait3A_605 = tpu.memref_slice %arg11[%mul3A_347] : memref<10000xi32, #tpu.memory_space<vmem>> -> memref<128xi32, #tpu.memory_space<vmem>>
      %dma_wait3A_606 = arith.constant 0 : i32
      %dma_wait3A_607 = arith.constant 0 : i32
      %dma_wait3A_608 = tpu.memref_slice %arg19[%dma_wait3A_606, %dma_wait3A_607] : memref<10240x16xf32, #tpu.memory_space<vmem_shared>> -> memref<10240x16xf32, #tpu.memory_space<vmem_shared>>
      tpu.wait_indirect_dma semaphore(%arg21 : memref<!tpu.dma_semaphore, #tpu.memory_space<semaphore_mem>>) src(%dma_wait3A_604 : memref<128x16xf32, #tpu.memory_space<vmem>>) dst(%dma_wait3A_608 : memref<10240x16xf32, #tpu.memory_space<vmem_shared>>)
      %dma_wait3A_609 = arith.constant 4 : i32
      %dma_wait3A_610 = arith.constant 0 : i32
      %dma_wait3A_611 = arith.constant 0 : i32
      %dma_wait3A_612 = tpu.memref_slice %arg12[%dma_wait3A_609, %dma_wait3A_610, %dma_wait3A_611] : memref<13x128x16xf32, #tpu.memory_space<vmem>> -> memref<1x128x16xf32, #tpu.memory_space<vmem>>
      %dma_wait3A_613 = tpu.memref_squeeze %dma_wait3A_612 : memref<1x128x16xf32, #tpu.memory_space<vmem>> -> memref<128x16xf32, #tpu.memory_space<vmem>>
      %dma_wait3A_614 = tpu.memref_slice %arg11[%mul3A_371] : memref<10000xi32, #tpu.memory_space<vmem>> -> memref<128xi32, #tpu.memory_space<vmem>>
      %dma_wait3A_615 = arith.constant 0 : i32
      %dma_wait3A_616 = arith.constant 0 : i32
      %dma_wait3A_617 = tpu.memref_slice %arg19[%dma_wait3A_615, %dma_wait3A_616] : memref<10240x16xf32, #tpu.memory_space<vmem_shared>> -> memref<10240x16xf32, #tpu.memory_space<vmem_shared>>
      tpu.wait_indirect_dma semaphore(%arg21 : memref<!tpu.dma_semaphore, #tpu.memory_space<semaphore_mem>>) src(%dma_wait3A_613 : memref<128x16xf32, #tpu.memory_space<vmem>>) dst(%dma_wait3A_617 : memref<10240x16xf32, #tpu.memory_space<vmem_shared>>)
      %dma_wait3A_618 = arith.constant 5 : i32
      %dma_wait3A_619 = arith.constant 0 : i32
      %dma_wait3A_620 = arith.constant 0 : i32
      %dma_wait3A_621 = tpu.memref_slice %arg12[%dma_wait3A_618, %dma_wait3A_619, %dma_wait3A_620] : memref<13x128x16xf32, #tpu.memory_space<vmem>> -> memref<1x128x16xf32, #tpu.memory_space<vmem>>
      %dma_wait3A_622 = tpu.memref_squeeze %dma_wait3A_621 : memref<1x128x16xf32, #tpu.memory_space<vmem>> -> memref<128x16xf32, #tpu.memory_space<vmem>>
      %dma_wait3A_623 = tpu.memref_slice %arg11[%mul3A_395] : memref<10000xi32, #tpu.memory_space<vmem>> -> memref<128xi32, #tpu.memory_space<vmem>>
      %dma_wait3A_624 = arith.constant 0 : i32
      %dma_wait3A_625 = arith.constant 0 : i32
      %dma_wait3A_626 = tpu.memref_slice %arg19[%dma_wait3A_624, %dma_wait3A_625] : memref<10240x16xf32, #tpu.memory_space<vmem_shared>> -> memref<10240x16xf32, #tpu.memory_space<vmem_shared>>
      tpu.wait_indirect_dma semaphore(%arg21 : memref<!tpu.dma_semaphore, #tpu.memory_space<semaphore_mem>>) src(%dma_wait3A_622 : memref<128x16xf32, #tpu.memory_space<vmem>>) dst(%dma_wait3A_626 : memref<10240x16xf32, #tpu.memory_space<vmem_shared>>)
      %dma_wait3A_627 = arith.constant 6 : i32
      %dma_wait3A_628 = arith.constant 0 : i32
      %dma_wait3A_629 = arith.constant 0 : i32
      %dma_wait3A_630 = tpu.memref_slice %arg12[%dma_wait3A_627, %dma_wait3A_628, %dma_wait3A_629] : memref<13x128x16xf32, #tpu.memory_space<vmem>> -> memref<1x128x16xf32, #tpu.memory_space<vmem>>
      %dma_wait3A_631 = tpu.memref_squeeze %dma_wait3A_630 : memref<1x128x16xf32, #tpu.memory_space<vmem>> -> memref<128x16xf32, #tpu.memory_space<vmem>>
      %dma_wait3A_632 = tpu.memref_slice %arg11[%mul3A_419] : memref<10000xi32, #tpu.memory_space<vmem>> -> memref<128xi32, #tpu.memory_space<vmem>>
      %dma_wait3A_633 = arith.constant 0 : i32
      %dma_wait3A_634 = arith.constant 0 : i32
      %dma_wait3A_635 = tpu.memref_slice %arg19[%dma_wait3A_633, %dma_wait3A_634] : memref<10240x16xf32, #tpu.memory_space<vmem_shared>> -> memref<10240x16xf32, #tpu.memory_space<vmem_shared>>
      tpu.wait_indirect_dma semaphore(%arg21 : memref<!tpu.dma_semaphore, #tpu.memory_space<semaphore_mem>>) src(%dma_wait3A_631 : memref<128x16xf32, #tpu.memory_space<vmem>>) dst(%dma_wait3A_635 : memref<10240x16xf32, #tpu.memory_space<vmem_shared>>)
      %dma_wait3A_636 = arith.constant 7 : i32
      %dma_wait3A_637 = arith.constant 0 : i32
      %dma_wait3A_638 = arith.constant 0 : i32
      %dma_wait3A_639 = tpu.memref_slice %arg12[%dma_wait3A_636, %dma_wait3A_637, %dma_wait3A_638] : memref<13x128x16xf32, #tpu.memory_space<vmem>> -> memref<1x128x16xf32, #tpu.memory_space<vmem>>
      %dma_wait3A_640 = tpu.memref_squeeze %dma_wait3A_639 : memref<1x128x16xf32, #tpu.memory_space<vmem>> -> memref<128x16xf32, #tpu.memory_space<vmem>>
      %dma_wait3A_641 = tpu.memref_slice %arg11[%mul3A_443] : memref<10000xi32, #tpu.memory_space<vmem>> -> memref<128xi32, #tpu.memory_space<vmem>>
      %dma_wait3A_642 = arith.constant 0 : i32
      %dma_wait3A_643 = arith.constant 0 : i32
      %dma_wait3A_644 = tpu.memref_slice %arg19[%dma_wait3A_642, %dma_wait3A_643] : memref<10240x16xf32, #tpu.memory_space<vmem_shared>> -> memref<10240x16xf32, #tpu.memory_space<vmem_shared>>
      tpu.wait_indirect_dma semaphore(%arg21 : memref<!tpu.dma_semaphore, #tpu.memory_space<semaphore_mem>>) src(%dma_wait3A_640 : memref<128x16xf32, #tpu.memory_space<vmem>>) dst(%dma_wait3A_644 : memref<10240x16xf32, #tpu.memory_space<vmem_shared>>)
      %dma_wait3A_645 = arith.constant 8 : i32
      %dma_wait3A_646 = arith.constant 0 : i32
      %dma_wait3A_647 = arith.constant 0 : i32
      %dma_wait3A_648 = tpu.memref_slice %arg12[%dma_wait3A_645, %dma_wait3A_646, %dma_wait3A_647] : memref<13x128x16xf32, #tpu.memory_space<vmem>> -> memref<1x128x16xf32, #tpu.memory_space<vmem>>
      %dma_wait3A_649 = tpu.memref_squeeze %dma_wait3A_648 : memref<1x128x16xf32, #tpu.memory_space<vmem>> -> memref<128x16xf32, #tpu.memory_space<vmem>>
      %dma_wait3A_650 = tpu.memref_slice %arg11[%mul3A_467] : memref<10000xi32, #tpu.memory_space<vmem>> -> memref<128xi32, #tpu.memory_space<vmem>>
      %dma_wait3A_651 = arith.constant 0 : i32
      %dma_wait3A_652 = arith.constant 0 : i32
      %dma_wait3A_653 = tpu.memref_slice %arg19[%dma_wait3A_651, %dma_wait3A_652] : memref<10240x16xf32, #tpu.memory_space<vmem_shared>> -> memref<10240x16xf32, #tpu.memory_space<vmem_shared>>
      tpu.wait_indirect_dma semaphore(%arg21 : memref<!tpu.dma_semaphore, #tpu.memory_space<semaphore_mem>>) src(%dma_wait3A_649 : memref<128x16xf32, #tpu.memory_space<vmem>>) dst(%dma_wait3A_653 : memref<10240x16xf32, #tpu.memory_space<vmem_shared>>)
      %dma_wait3A_654 = arith.constant 9 : i32
      %dma_wait3A_655 = arith.constant 0 : i32
      %dma_wait3A_656 = arith.constant 0 : i32
      %dma_wait3A_657 = tpu.memref_slice %arg12[%dma_wait3A_654, %dma_wait3A_655, %dma_wait3A_656] : memref<13x128x16xf32, #tpu.memory_space<vmem>> -> memref<1x128x16xf32, #tpu.memory_space<vmem>>
      %dma_wait3A_658 = tpu.memref_squeeze %dma_wait3A_657 : memref<1x128x16xf32, #tpu.memory_space<vmem>> -> memref<128x16xf32, #tpu.memory_space<vmem>>
      %dma_wait3A_659 = tpu.memref_slice %arg11[%mul3A_491] : memref<10000xi32, #tpu.memory_space<vmem>> -> memref<128xi32, #tpu.memory_space<vmem>>
      %dma_wait3A_660 = arith.constant 0 : i32
      %dma_wait3A_661 = arith.constant 0 : i32
      %dma_wait3A_662 = tpu.memref_slice %arg19[%dma_wait3A_660, %dma_wait3A_661] : memref<10240x16xf32, #tpu.memory_space<vmem_shared>> -> memref<10240x16xf32, #tpu.memory_space<vmem_shared>>
      tpu.wait_indirect_dma semaphore(%arg21 : memref<!tpu.dma_semaphore, #tpu.memory_space<semaphore_mem>>) src(%dma_wait3A_658 : memref<128x16xf32, #tpu.memory_space<vmem>>) dst(%dma_wait3A_662 : memref<10240x16xf32, #tpu.memory_space<vmem_shared>>)
      %dma_wait3A_663 = arith.constant 10 : i32
      %dma_wait3A_664 = arith.constant 0 : i32
      %dma_wait3A_665 = arith.constant 0 : i32
      %dma_wait3A_666 = tpu.memref_slice %arg12[%dma_wait3A_663, %dma_wait3A_664, %dma_wait3A_665] : memref<13x128x16xf32, #tpu.memory_space<vmem>> -> memref<1x128x16xf32, #tpu.memory_space<vmem>>
      %dma_wait3A_667 = tpu.memref_squeeze %dma_wait3A_666 : memref<1x128x16xf32, #tpu.memory_space<vmem>> -> memref<128x16xf32, #tpu.memory_space<vmem>>
      %dma_wait3A_668 = tpu.memref_slice %arg11[%mul3A_515] : memref<10000xi32, #tpu.memory_space<vmem>> -> memref<128xi32, #tpu.memory_space<vmem>>
      %dma_wait3A_669 = arith.constant 0 : i32
      %dma_wait3A_670 = arith.constant 0 : i32
      %dma_wait3A_671 = tpu.memref_slice %arg19[%dma_wait3A_669, %dma_wait3A_670] : memref<10240x16xf32, #tpu.memory_space<vmem_shared>> -> memref<10240x16xf32, #tpu.memory_space<vmem_shared>>
      tpu.wait_indirect_dma semaphore(%arg21 : memref<!tpu.dma_semaphore, #tpu.memory_space<semaphore_mem>>) src(%dma_wait3A_667 : memref<128x16xf32, #tpu.memory_space<vmem>>) dst(%dma_wait3A_671 : memref<10240x16xf32, #tpu.memory_space<vmem_shared>>)
      %dma_wait3A_672 = arith.constant 11 : i32
      %dma_wait3A_673 = arith.constant 0 : i32
      %dma_wait3A_674 = arith.constant 0 : i32
      %dma_wait3A_675 = tpu.memref_slice %arg12[%dma_wait3A_672, %dma_wait3A_673, %dma_wait3A_674] : memref<13x128x16xf32, #tpu.memory_space<vmem>> -> memref<1x128x16xf32, #tpu.memory_space<vmem>>
      %dma_wait3A_676 = tpu.memref_squeeze %dma_wait3A_675 : memref<1x128x16xf32, #tpu.memory_space<vmem>> -> memref<128x16xf32, #tpu.memory_space<vmem>>
      %dma_wait3A_677 = tpu.memref_slice %arg11[%mul3A_539] : memref<10000xi32, #tpu.memory_space<vmem>> -> memref<128xi32, #tpu.memory_space<vmem>>
      %dma_wait3A_678 = arith.constant 0 : i32
      %dma_wait3A_679 = arith.constant 0 : i32
      %dma_wait3A_680 = tpu.memref_slice %arg19[%dma_wait3A_678, %dma_wait3A_679] : memref<10240x16xf32, #tpu.memory_space<vmem_shared>> -> memref<10240x16xf32, #tpu.memory_space<vmem_shared>>
      tpu.wait_indirect_dma semaphore(%arg21 : memref<!tpu.dma_semaphore, #tpu.memory_space<semaphore_mem>>) src(%dma_wait3A_676 : memref<128x16xf32, #tpu.memory_space<vmem>>) dst(%dma_wait3A_680 : memref<10240x16xf32, #tpu.memory_space<vmem_shared>>)
      %dma_wait3A_681 = arith.constant 12 : i32
      %dma_wait3A_682 = arith.constant 0 : i32
      %dma_wait3A_683 = arith.constant 0 : i32
      %dma_wait3A_684 = tpu.memref_slice %arg12[%dma_wait3A_681, %dma_wait3A_682, %dma_wait3A_683] : memref<13x128x16xf32, #tpu.memory_space<vmem>> -> memref<1x128x16xf32, #tpu.memory_space<vmem>>
      %dma_wait3A_685 = tpu.memref_squeeze %dma_wait3A_684 : memref<1x128x16xf32, #tpu.memory_space<vmem>> -> memref<128x16xf32, #tpu.memory_space<vmem>>
      %dma_wait3A_686 = tpu.memref_slice %arg11[%mul3A_563] : memref<10000xi32, #tpu.memory_space<vmem>> -> memref<128xi32, #tpu.memory_space<vmem>>
      %dma_wait3A_687 = arith.constant 0 : i32
      %dma_wait3A_688 = arith.constant 0 : i32
      %dma_wait3A_689 = tpu.memref_slice %arg19[%dma_wait3A_687, %dma_wait3A_688] : memref<10240x16xf32, #tpu.memory_space<vmem_shared>> -> memref<10240x16xf32, #tpu.memory_space<vmem_shared>>
      tpu.wait_indirect_dma semaphore(%arg21 : memref<!tpu.dma_semaphore, #tpu.memory_space<semaphore_mem>>) src(%dma_wait3A_685 : memref<128x16xf32, #tpu.memory_space<vmem>>) dst(%dma_wait3A_689 : memref<10240x16xf32, #tpu.memory_space<vmem_shared>>)
    }
    %scan3A_25 = arith.constant 6 : i32
    %dma_start3A = arith.constant 0 : i32
    %dma_start3A_26 = arith.constant 0 : i32
    %dma_start3A_27 = arith.constant 0 : i32
    %dma_start3A_28 = tpu.memref_slice %arg12[%dma_start3A, %dma_start3A_26, %dma_start3A_27] : memref<13x128x16xf32, #tpu.memory_space<vmem>> -> memref<1x16x16xf32, #tpu.memory_space<vmem>>
    %dma_start3A_29 = tpu.memref_squeeze %dma_start3A_28 : memref<1x16x16xf32, #tpu.memory_space<vmem>> -> memref<16x16xf32, #tpu.memory_space<vmem>>
    %dma_start3A_30 = arith.constant 9984 : i32
    %dma_start3A_31 = tpu.memref_slice %arg10[%dma_start3A_30] : memref<10000xi32, #tpu.memory_space<vmem>> -> memref<16xi32, #tpu.memory_space<vmem>>
    %dma_start3A_32 = arith.constant 0 : i32
    %dma_start3A_33 = arith.constant 0 : i32
    %dma_start3A_34 = tpu.memref_slice %arg18[%dma_start3A_32, %dma_start3A_33] : memref<10240x16xf32, #tpu.memory_space<vmem_shared>> -> memref<10240x16xf32, #tpu.memory_space<vmem_shared>>
    tpu.enqueue_indirect_dma source(%dma_start3A_34 : memref<10240x16xf32, #tpu.memory_space<vmem_shared>>) target(%dma_start3A_29 : memref<16x16xf32, #tpu.memory_space<vmem>>) offsets(%dma_start3A_31 : memref<16xi32, #tpu.memory_space<vmem>>) semaphore(%arg20 : memref<!tpu.dma_semaphore, #tpu.memory_space<semaphore_mem>>)
    %dma_wait3A = arith.constant 0 : i32
    %dma_wait3A_35 = arith.constant 0 : i32
    %dma_wait3A_36 = arith.constant 0 : i32
    %dma_wait3A_37 = tpu.memref_slice %arg12[%dma_wait3A, %dma_wait3A_35, %dma_wait3A_36] : memref<13x128x16xf32, #tpu.memory_space<vmem>> -> memref<1x16x16xf32, #tpu.memory_space<vmem>>
    %dma_wait3A_38 = tpu.memref_squeeze %dma_wait3A_37 : memref<1x16x16xf32, #tpu.memory_space<vmem>> -> memref<16x16xf32, #tpu.memory_space<vmem>>
    %dma_wait3A_39 = arith.constant 9984 : i32
    %dma_wait3A_40 = tpu.memref_slice %arg10[%dma_wait3A_39] : memref<10000xi32, #tpu.memory_space<vmem>> -> memref<16xi32, #tpu.memory_space<vmem>>
    %dma_wait3A_41 = arith.constant 0 : i32
    %dma_wait3A_42 = arith.constant 0 : i32
    %dma_wait3A_43 = tpu.memref_slice %arg18[%dma_wait3A_41, %dma_wait3A_42] : memref<10240x16xf32, #tpu.memory_space<vmem_shared>> -> memref<10240x16xf32, #tpu.memory_space<vmem_shared>>
    tpu.wait_indirect_dma semaphore(%arg20 : memref<!tpu.dma_semaphore, #tpu.memory_space<semaphore_mem>>) src(%dma_wait3A_43 : memref<10240x16xf32, #tpu.memory_space<vmem_shared>>) dst(%dma_wait3A_38 : memref<16x16xf32, #tpu.memory_space<vmem>>)
    %dma_start3A_44 = arith.constant 0 : i32
    %dma_start3A_45 = arith.constant 0 : i32
    %dma_start3A_46 = arith.constant 0 : i32
    %dma_start3A_47 = tpu.memref_slice %arg12[%dma_start3A_44, %dma_start3A_45, %dma_start3A_46] : memref<13x128x16xf32, #tpu.memory_space<vmem>> -> memref<1x16x16xf32, #tpu.memory_space<vmem>>
    %dma_start3A_48 = tpu.memref_squeeze %dma_start3A_47 : memref<1x16x16xf32, #tpu.memory_space<vmem>> -> memref<16x16xf32, #tpu.memory_space<vmem>>
    %dma_start3A_49 = arith.constant 9984 : i32
    %dma_start3A_50 = tpu.memref_slice %arg11[%dma_start3A_49] : memref<10000xi32, #tpu.memory_space<vmem>> -> memref<16xi32, #tpu.memory_space<vmem>>
    %dma_start3A_51 = arith.constant 0 : i32
    %dma_start3A_52 = arith.constant 0 : i32
    %dma_start3A_53 = tpu.memref_slice %arg19[%dma_start3A_51, %dma_start3A_52] : memref<10240x16xf32, #tpu.memory_space<vmem_shared>> -> memref<10240x16xf32, #tpu.memory_space<vmem_shared>>
    tpu.enqueue_indirect_dma source(%dma_start3A_48 : memref<16x16xf32, #tpu.memory_space<vmem>>) target(%dma_start3A_53 : memref<10240x16xf32, #tpu.memory_space<vmem_shared>>) offsets(%dma_start3A_50 : memref<16xi32, #tpu.memory_space<vmem>>) semaphore(%arg21 : memref<!tpu.dma_semaphore, #tpu.memory_space<semaphore_mem>>) {add = true}
    %dma_wait3A_54 = arith.constant 0 : i32
    %dma_wait3A_55 = arith.constant 0 : i32
    %dma_wait3A_56 = arith.constant 0 : i32
    %dma_wait3A_57 = tpu.memref_slice %arg12[%dma_wait3A_54, %dma_wait3A_55, %dma_wait3A_56] : memref<13x128x16xf32, #tpu.memory_space<vmem>> -> memref<1x16x16xf32, #tpu.memory_space<vmem>>
    %dma_wait3A_58 = tpu.memref_squeeze %dma_wait3A_57 : memref<1x16x16xf32, #tpu.memory_space<vmem>> -> memref<16x16xf32, #tpu.memory_space<vmem>>
    %dma_wait3A_59 = arith.constant 9984 : i32
    %dma_wait3A_60 = tpu.memref_slice %arg11[%dma_wait3A_59] : memref<10000xi32, #tpu.memory_space<vmem>> -> memref<16xi32, #tpu.memory_space<vmem>>
    %dma_wait3A_61 = arith.constant 0 : i32
    %dma_wait3A_62 = arith.constant 0 : i32
    %dma_wait3A_63 = tpu.memref_slice %arg19[%dma_wait3A_61, %dma_wait3A_62] : memref<10240x16xf32, #tpu.memory_space<vmem_shared>> -> memref<10240x16xf32, #tpu.memory_space<vmem_shared>>
    tpu.wait_indirect_dma semaphore(%arg21 : memref<!tpu.dma_semaphore, #tpu.memory_space<semaphore_mem>>) src(%dma_wait3A_58 : memref<16x16xf32, #tpu.memory_space<vmem>>) dst(%dma_wait3A_63 : memref<10240x16xf32, #tpu.memory_space<vmem_shared>>)
    %barrier3A_64 = arith.constant 0 : index
    tpu.barrier barrier_id(%barrier3A_64)
    "tpu.region"() ({
      %run_scoped3A_65 = tpu.sem_alloc : memref<!tpu.dma_semaphore, #tpu.memory_space<semaphore_mem>>
      %dma_start3A_66 = arith.constant 0 : i32
      %dma_start3A_67 = tpu.memref_slice %arg8[%arg0, %mul3A_2, %dma_start3A_66] : memref<2x10000x16xf32, #tpu.memory_space<hbm>> -> memref<1x625x16xf32, #tpu.memory_space<hbm>>
      %dma_start3A_68 = tpu.memref_squeeze %dma_start3A_67 : memref<1x625x16xf32, #tpu.memory_space<hbm>> -> memref<625x16xf32, #tpu.memory_space<hbm>>
      %dma_start3A_69 = arith.constant 0 : i32
      %dma_start3A_70 = tpu.memref_slice %arg19[%mul3A_2, %dma_start3A_69] : memref<10240x16xf32, #tpu.memory_space<vmem_shared>> -> memref<625x16xf32, #tpu.memory_space<vmem_shared>>
      tpu.enqueue_dma source(%dma_start3A_70 : memref<625x16xf32, #tpu.memory_space<vmem_shared>>) target(%dma_start3A_68 : memref<625x16xf32, #tpu.memory_space<hbm>>) target_semaphore(%run_scoped3A_65 : memref<!tpu.dma_semaphore, #tpu.memory_space<semaphore_mem>>)
      %dma_wait3A_71 = arith.constant 0 : i32
      %dma_wait3A_72 = tpu.memref_slice %arg8[%arg0, %mul3A_2, %dma_wait3A_71] : memref<2x10000x16xf32, #tpu.memory_space<hbm>> -> memref<1x625x16xf32, #tpu.memory_space<hbm>>
      %dma_wait3A_73 = tpu.memref_squeeze %dma_wait3A_72 : memref<1x625x16xf32, #tpu.memory_space<hbm>> -> memref<625x16xf32, #tpu.memory_space<hbm>>
      %dma_wait3A_74 = arith.constant 0 : i32
      %dma_wait3A_75 = tpu.memref_slice %arg19[%mul3A_2, %dma_wait3A_74] : memref<10240x16xf32, #tpu.memory_space<vmem_shared>> -> memref<625x16xf32, #tpu.memory_space<vmem_shared>>
      tpu.wait_dma2 semaphore(%run_scoped3A_65 : memref<!tpu.dma_semaphore, #tpu.memory_space<semaphore_mem>>) src(%dma_wait3A_75 : memref<625x16xf32, #tpu.memory_space<vmem_shared>>) dst(%dma_wait3A_73 : memref<625x16xf32, #tpu.memory_space<hbm>>)
      tpu.yield
    }) : () -> ()
    return
  }
}

module attributes {stable_mosaic.version = 14 : i64} {
  func.func @_tc_mm_body(%arg0: memref<10000x128xf32, #tpu.memory_space<vmem>>, %arg1: memref<128x16xf32, #tpu.memory_space<vmem>>, %arg2: memref<10000x16xf32, #tpu.memory_space<vmem>>) attributes {dimension_semantics = [], scalar_prefetch = 0 : i64, scratch_operands = 0 : i64, tpu.core_type = #tpu.core_type<tc>} {
    %get3A = arith.constant 0 : index
    %get3A_0 = arith.constant 0 : index
    %get3A_1 = vector.load %arg0[%get3A, %get3A_0] : memref<10000x128xf32, #tpu.memory_space<vmem>>, vector<10000x128xf32>
    %get3A_2 = arith.constant 0 : index
    %get3A_3 = arith.constant 0 : index
    %get3A_4 = vector.load %arg1[%get3A_2, %get3A_3] : memref<128x16xf32, #tpu.memory_space<vmem>>, vector<128x16xf32>
    %dot_general3A = arith.constant dense<0.000000e+00> : vector<10000x16xf32>
    %dot_general3A_5 = tpu.matmul %get3A_1, %get3A_4, %dot_general3A {dimension_numbers = #tpu.dot_dimension_numbers<[1], [0], [0], [1], [0, 0, 1, 1], [], []>, transpose_lhs_hint = false} : vector<10000x128xf32>, vector<128x16xf32>, vector<10000x16xf32> -> vector<10000x16xf32>
    %swap3A = arith.constant 0 : index
    %swap3A_6 = arith.constant 0 : index
    %swap3A_7 = vector.load %arg2[%swap3A, %swap3A_6] : memref<10000x16xf32, #tpu.memory_space<vmem>>, vector<10000x16xf32>
    tpu.vector_store %arg2[%swap3A, %swap3A_6], %dot_general3A_5 {strides = array<i32>} : memref<10000x16xf32, #tpu.memory_space<vmem>>, vector<10000x16xf32>,
    return
  }
}

module attributes {stable_mosaic.version = 14 : i64} {
  func.func @_tc_c_body(%arg0: i32, %arg1: memref<2x2000x16xf32, #tpu.memory_space<vmem>>, %arg2: memref<2000x16xf32, #tpu.memory_space<vmem>>, %arg3: memref<2000x16xf32, #tpu.memory_space<vmem>>, %arg4: memref<16x40xf32, #tpu.memory_space<vmem>>, %arg5: memref<1x40xf32, #tpu.memory_space<vmem>>, %arg6: memref<2000x40xf32, #tpu.memory_space<vmem>>) attributes {dimension_semantics = [#tpu.dimension_semantics<arbitrary>], iteration_bounds = array<i64: 5>, scalar_prefetch = 0 : i64, scratch_operands = 0 : i64, tpu.core_type = #tpu.core_type<tc>, window_params = [{transform_indices = @transform_0, window_bounds = array<i64: 2, 2000, 16>}, {transform_indices = @transform_1, window_bounds = array<i64: 2000, 16>}, {transform_indices = @transform_2, window_bounds = array<i64: 2000, 16>}, {pipeline_mode = #tpu.pipeline_mode<synchronous>, transform_indices = @transform_3, window_bounds = array<i64: 16, 40>}, {pipeline_mode = #tpu.pipeline_mode<synchronous>, transform_indices = @transform_4, window_bounds = array<i64: 1, 40>}, {transform_indices = @transform_5, window_bounds = array<i64: 2000, 40>}]} {
    %get3A = arith.constant 0 : index
    %get3A_0 = arith.constant 0 : index
    %get3A_1 = vector.load %arg3[%get3A, %get3A_0] : memref<2000x16xf32, #tpu.memory_space<vmem>>, vector<2000x16xf32>
    %get3A_2 = arith.constant 0 : index
    %get3A_3 = arith.constant 0 : index
    %get3A_4 = arith.constant 0 : index
    %get3A_5 = vector.load %arg1[%get3A_2, %get3A_3, %get3A_4] : memref<2x2000x16xf32, #tpu.memory_space<vmem>>, vector<1x2000x16xf32>
    %get3A_6 = vector.shape_cast %get3A_5 : vector<1x2000x16xf32> to vector<2000x16xf32>
    %get3A_7 = arith.constant 1 : index
    %get3A_8 = arith.constant 0 : index
    %get3A_9 = arith.constant 0 : index
    %get3A_10 = vector.load %arg1[%get3A_7, %get3A_8, %get3A_9] : memref<2x2000x16xf32, #tpu.memory_space<vmem>>, vector<1x2000x16xf32>
    %get3A_11 = vector.shape_cast %get3A_10 : vector<1x2000x16xf32> to vector<2000x16xf32>
    %add3A = arith.addf %get3A_6, %get3A_11 : vector<2000x16xf32>
    %get3A_12 = arith.constant 0 : index
    %get3A_13 = arith.constant 0 : index
    %get3A_14 = vector.load %arg2[%get3A_12, %get3A_13] : memref<2000x16xf32, #tpu.memory_space<vmem>>, vector<2000x16xf32>
    %add3A_15 = arith.addf %add3A, %get3A_14 : vector<2000x16xf32>
    %mul3A = arith.mulf %get3A_1, %add3A_15 : vector<2000x16xf32>
    %get3A_16 = arith.constant 0 : index
    %get3A_17 = arith.constant 0 : index
    %get3A_18 = vector.load %arg4[%get3A_16, %get3A_17] : memref<16x40xf32, #tpu.memory_space<vmem>>, vector<16x40xf32>
    %dot_general3A = arith.constant dense<0.000000e+00> : vector<2000x40xf32>
    %dot_general3A_19 = tpu.matmul %mul3A, %get3A_18, %dot_general3A {dimension_numbers = #tpu.dot_dimension_numbers<[1], [0], [0], [1], [0, 0, 1, 1], [], []>, transpose_lhs_hint = false} : vector<2000x16xf32>, vector<16x40xf32>, vector<2000x40xf32> -> vector<2000x40xf32>
    %get3A_20 = arith.constant 0 : index
    %get3A_21 = arith.constant 0 : index
    %get3A_22 = vector.load %arg5[%get3A_20, %get3A_21] : memref<1x40xf32, #tpu.memory_space<vmem>>, vector<1x40xf32>
    %add3A_23 = vector.broadcast %get3A_22 : vector<1x40xf32> to vector<2000x40xf32>
    %add3A_24 = arith.addf %dot_general3A_19, %add3A_23 : vector<2000x40xf32>
    %reduce_max3A = arith.constant dense<0xFF800000> : vector<2000xf32>
    %reduce_max3A_25 = vector.multi_reduction <maximumf>, %add3A_24, %reduce_max3A [1] : vector<2000x40xf32> to vector<2000xf32>
    %broadcast_in_dim3A = vector.shape_cast %reduce_max3A_25 : vector<2000xf32> to vector<2000x1xf32>
    %sub3A = vector.broadcast %broadcast_in_dim3A : vector<2000x1xf32> to vector<2000x40xf32>
    %sub3A_26 = arith.subf %add3A_24, %sub3A : vector<2000x40xf32>
    %exp3A = math.exp %sub3A_26 : vector<2000x40xf32>
    %reduce_sum3A = arith.constant dense<0.000000e+00> : vector<2000xf32>
    %reduce_sum3A_27 = vector.multi_reduction <add>, %exp3A, %reduce_sum3A [1] : vector<2000x40xf32> to vector<2000xf32>
    %broadcast_in_dim3A_28 = vector.shape_cast %reduce_sum3A_27 : vector<2000xf32> to vector<2000x1xf32>
    %log3A = math.log %broadcast_in_dim3A_28 : vector<2000x1xf32>
    %sub3A_29 = vector.broadcast %log3A : vector<2000x1xf32> to vector<2000x40xf32>
    %sub3A_30 = arith.subf %sub3A_26, %sub3A_29 : vector<2000x40xf32>
    %swap3A = arith.constant 0 : index
    %swap3A_31 = arith.constant 0 : index
    %swap3A_32 = vector.load %arg6[%swap3A, %swap3A_31] : memref<2000x40xf32, #tpu.memory_space<vmem>>, vector<2000x40xf32>
    tpu.vector_store %arg6[%swap3A, %swap3A_31], %sub3A_30 {strides = array<i32>} : memref<2000x40xf32, #tpu.memory_space<vmem>>, vector<2000x40xf32>,
    return
  }
  func.func @transform_0(%arg0: i32) -> (i32, i32, i32) {
    %c0_i32 = arith.constant 0 : i32
    %c0_i32_0 = arith.constant 0 : i32
    %c0_i32_1 = arith.constant 0 : i32
    return %c0_i32, %arg0, %c0_i32_0 : i32, i32, i32
  }
  func.func @transform_1(%arg0: i32) -> (i32, i32) {
    %c0_i32 = arith.constant 0 : i32
    %c0_i32_0 = arith.constant 0 : i32
    return %arg0, %c0_i32 : i32, i32
  }
  func.func @transform_2(%arg0: i32) -> (i32, i32) {
    %c0_i32 = arith.constant 0 : i32
    %c0_i32_0 = arith.constant 0 : i32
    return %arg0, %c0_i32 : i32, i32
  }
  func.func @transform_3(%arg0: i32) -> (i32, i32) {
    %c0_i32 = arith.constant 0 : i32
    %c0_i32_0 = arith.constant 0 : i32
    %c0_i32_1 = arith.constant 0 : i32
    return %c0_i32, %c0_i32_0 : i32, i32
  }
  func.func @transform_4(%arg0: i32) -> (i32, i32) {
    %c0_i32 = arith.constant 0 : i32
    %c0_i32_0 = arith.constant 0 : i32
    %c0_i32_1 = arith.constant 0 : i32
    return %c0_i32, %c0_i32_0 : i32, i32
  }
  func.func @transform_5(%arg0: i32) -> (i32, i32) {
    %c0_i32 = arith.constant 0 : i32
    %c0_i32_0 = arith.constant 0 : i32
    return %arg0, %c0_i32 : i32, i32
  }
}

</mosaic_0001>

<sc_bundles>
// kernel: kernel.10.cloned.1.call-start
scs
__scs_entry_jumppad:
0x0: {  	(pc) =	sbr.rel $0x88, $3  }
0x1: {  	(tag) =	ssettag $0x0;
	lr =	simm.s32 $0x1  }
0x2: {  	[smem:$0x3F9B] =	sst lr;
	_ =	strace $0xD0000000  }
0x3: {  	_ = 	snop  }
0x4: {  	_ = 	snop  }
0x5: {  	_ = 	snop  }
0x6: {  	_ = 	snop  }
0x7: {  	_ = 	snop  }
__scs_overlays_trampoline_lowered:
0x8: {  	[smem:$0x3FAA] =	sst s0  }
0x9: {  	[smem:$0x3FAB] =	sst s1  }
0xa: {  	[smem:$0x3FAC] =	sst s2  }
0xb: {  	[smem:$0x3FAD] =	sst s3  }
0xc: {  	[smem:$0x3FAE] =	sst s4  }
0xd: {  	[smem:$0x3FAF] =	sst s5  }
0xe: {  	[smem:$0x3FB0] =	sst s6  }
0xf: {  	[smem:$0x3FB1] =	sst s7  }
0x10: {  	[smem:$0x3FB2] =	sst s8  }
0x11: {  	[smem:$0x3FB3] =	sst s9;
	s0 =	simm.s32 @!p0 $0x0  }
0x12: {  	s1 =	sld [smem:$0x3F99];
	s0 =	simm.s32 @p0 $0x1  }
0x13: {  	[smem:$0x3FB4] =	sst s0;
	s0 =	simm.s32 @!p1 $0x0  }
0x14: {  	s2 =	sld [smem:$0x3F98];
	s0 =	simm.s32 @p1 $0x1  }
0x15: {  	[smem:$0x3FB5] =	sst s0;
	s0 =	simm.s32 @!p2 $0x0  }
0x16: {  	s3 =	sld [smem:$0x3FDB];
	s0 =	simm.s32 @p2 $0x1  }
0x17: {  	s4 =	simm.s32 $0x1BF5;
	[smem:$0x3FB7] =	sst s0  }
0x18: {  	s0 =	sld [smem:$0x3F9A];
	_ =	swait.ge [sflag:s4], $0x0  }
0x19: {  	s7 =	sld [smem:$0x3F9B]  }
0x1a: {  	s8 =	sadd.s32 $0xFFFFE003, lr  }
0x1b: {  	s9 =	sadd.s32 $0xFFFFFEF7, lr;
	s5 =	simm.s32 $0xFFFFFFFF;
	p2 =	slt.u32 s8, $0xFFFFF086  }
0x1c: {  	p1 =	slt.u32 s9, $0xF7A;
	s5 =	simm.s32 @!p2 $0x0  }
0x1d: {  	s5 =	simm.s32 @p1 $0x1;
	p0 =	seq.s32 s7, s2  }
0x1e: {  	s7 =	smul.u32 @!p0 $0xF7A, s2;
	p2 =	seq.s32 @!p0 s5, $0x0  }
0x1f: {  	s9 =	smul.u32 $0xF7A, s1;
	s8 =	simm.s32 @!p0 $0x1BF5;
	p2 =	por !p2, p0  }
0x20: {  	[sflag:s8] =	ssyncset.s32 @!p0 $0xFFFFF086;
	s6 =	sadd.s32 @!p0 s3, s7;
	s7 =	simm.s32 @!p0 $0x108  }
0x21: {  	s3 =	sadd.s32 s3, s9;
	s6 =	sadd.s32 @!p0 $0x88, s6;
	s7 =	simm.s32 @p2 $0x1082  }
0x22: {  	[simem:s7], [sflag:s8] =	dma.local @!p0 [hbm:s6], $0xF7A  }
0x23: {  	s9 =	sor.u32 $0xD0000000, s2;
	s6 =	simm.s32 $0x108;
	_ =	swait.ge @!p0 [sflag:s8], $0x0  }
0x24: {  	s3 =	sadd.s32 $0x88, s3;
	s6 =	simm.s32 @!p1 $0x1082;
	[sflag:s4] =	ssyncset.s32 $0xFFFFF086  }
0x25: {  	[simem:s6], [sflag:s4] =	dma.local [hbm:s3], $0xF7A  }
0x26: {  	[smem:$0x3F9B] =	sst s1;
	(tag) =	ssettag s2;
	_ =	strace s9  }
0x27: {  	s1 =	sld [smem:$0x3FAB]  }
0x28: {  	s2 =	sld [smem:$0x3FAC]  }
0x29: {  	s4 =	sld [smem:$0x3FAE]  }
0x2a: {  	p0 =	seq.s32 s5, $0x0;
	s5 =	sld [smem:$0x3FAF]  }
0x2b: {  	s6 =	sld [smem:$0x3FB0]  }
0x2c: {  	s7 =	sld [smem:$0x3FB1]  }
0x2d: {  	s3 =	simm.s32 $0x108;
	s8 =	sld [smem:$0x3FB2]  }
0x2e: {  	s3 =	simm.s32 @!p0 $0x1082;
	s9 =	sld [smem:$0x3FB3]  }
0x2f: {  	lr =	sadd.s32 s0, s3;
	s0 =	sld [smem:$0x3FAA]  }
0x30: {  	s3 =	sld [smem:$0x3FAD]  }
0x31: {  	[smem:$0x3FB6] =	sst s10  }
0x32: {  	s10 =	sld [smem:$0x3FB4];
	_ =	sdelay $0x3  }
0x33: {  	p0 =	seq.s32 s10, $0x1;
	s10 =	sld [smem:$0x3FB6];
	_ =	sdelay $0x3  }
0x34: {  	[smem:$0x3FB6] =	sst s10  }
0x35: {  	s10 =	sld [smem:$0x3FB5];
	_ =	sdelay $0x3  }
0x36: {  	p1 =	seq.s32 s10, $0x1;
	s10 =	sld [smem:$0x3FB6];
	_ =	sdelay $0x3  }
0x37: {  	[smem:$0x3FB6] =	sst s10  }
0x38: {  	s10 =	sld [smem:$0x3FB7]  }
0x39: {  	_ = 	snop;
	(pc) =	sbr.ind lr, $3  }
0x3a: {  	_ = 	snop  }
0x3b: {  	_ = 	snop  }
0x3c: {  	p2 =	seq.s32 s10, $0x1;
	s10 =	sld [smem:$0x3FB6]  }
0x3d: {  	_ =	shalt  }
0x3e: {  	_ =	shalt  }
0x3f: {  	_ =	shalt  }
0x40: {  	_ =	shalt  }
0x41: {  	_ =	shalt  }
0x42: {  	_ =	shalt  }
0x43: {  	_ =	shalt  }
0x44: {  	_ =	shalt  }
0x45: {  	_ =	shalt  }
0x46: {  	_ =	shalt  }
0x47: {  	_ =	shalt  }
0x48: {  	_ =	shalt  }
0x49: {  	_ =	shalt  }
0x4a: {  	_ =	shalt  }
0x4b: {  	_ =	shalt  }
0x4c: {  	_ =	shalt  }
0x4d: {  	_ =	shalt  }
0x4e: {  	_ =	shalt  }
0x4f: {  	_ =	shalt  }
0x50: {  	_ =	shalt  }
0x51: {  	_ =	shalt  }
0x52: {  	_ =	shalt  }
0x53: {  	_ =	shalt  }
0x54: {  	_ =	shalt  }
0x55: {  	_ =	shalt  }
0x56: {  	_ =	shalt  }
0x57: {  	_ =	shalt  }
0x58: {  	_ =	shalt  }
0x59: {  	_ =	shalt  }
0x5a: {  	_ =	shalt  }
0x5b: {  	_ =	shalt  }
0x5c: {  	_ =	shalt  }
0x5d: {  	_ =	shalt  }
0x5e: {  	_ =	shalt  }
0x5f: {  	_ =	shalt  }
0x60: {  	_ =	shalt  }
0x61: {  	_ =	shalt  }
0x62: {  	_ =	shalt  }
0x63: {  	_ =	shalt  }
0x64: {  	_ =	shalt  }
0x65: {  	_ =	shalt  }
0x66: {  	_ =	shalt  }
0x67: {  	_ =	shalt  }
0x68: {  	_ =	shalt  }
0x69: {  	_ =	shalt  }
0x6a: {  	_ =	shalt  }
0x6b: {  	_ =	shalt  }
0x6c: {  	_ =	shalt  }
0x6d: {  	_ =	shalt  }
0x6e: {  	_ =	shalt  }
0x6f: {  	_ =	shalt  }
0x70: {  	_ =	shalt  }
0x71: {  	_ =	shalt  }
0x72: {  	_ =	shalt  }
0x73: {  	_ =	shalt  }
0x74: {  	_ =	shalt  }
0x75: {  	_ =	shalt  }
0x76: {  	_ =	shalt  }
0x77: {  	_ =	shalt  }
0x78: {  	_ =	shalt  }
0x79: {  	_ =	shalt  }
0x7a: {  	_ =	shalt  }
0x7b: {  	_ =	shalt  }
0x7c: {  	_ =	shalt  }
0x7d: {  	_ =	shalt  }
0x7e: {  	_ =	shalt  }
0x7f: {  	_ =	shalt  }
0x80: {  	_ =	shalt  }
0x81: {  	_ =	shalt  }
0x82: {  	_ =	shalt  }
0x83: {  	_ =	shalt  }
0x84: {  	_ =	shalt  }
0x85: {  	_ =	shalt  }
0x86: {  	_ =	shalt  }
0x87: {  	_ =	shalt  }
.Lfunc_end0:
.L_simem_size_0:
called_computation.1_lowered:
.L_overlay_start_0:
0x88: {  	s2 =	sld [smem:$0x3FD9]  }
0x89: {  	s3 =	sld [smem:$0x3FFE];
	_ =	sdelay $0x1  }
0x8a: {  	s1 =	srdreg.scid  }
0x8b: {  	s0 =	sand.u32 $0x1, s1  }
0x8c: {  	s17 =	sshll.u32 s0, $0xA;
	s2 =	sadd.s32 s3, s2  }
0x8d: {  	s2 =	sadd.s32 s2, s17  }
0x8e: {  	[smem:$0x3FC2] =	sst s2  }
0x8f: {  	_ = 	snop  }
0x90: {  	s2 =	sld [smem:$0x3FD0];
	(tm) =	ssettm $0x1  }
0x91: {  	s18 =	sld [smem:$0x3FFB];
	_ =	sdelay $0x3  }
0x92: {  	_ =	strace s18  }
0x93: {  	s3 =	sld [smem:$0x3FFC];
	_ =	sdelay $0x3  }
0x94: {  	_ =	strace s3  }
0x95: {  	s3 =	sld [smem:$0x3FFD];
	_ =	sdelay $0x3  }
0x96: {  	_ =	strace s3  }
0x97: {  	_ =	strace $0x8FFFFFFF  }
0x98: {  	s19 =	sld [smem:$0x3FDB];
	_ =	sdelay $0x1  }
0x99: {  	s4 =	simm.s32 $_scs_section_size  }
0x9a: {  	s5 =	simm.s32 $_size__tile_overlayer_lowered;
	s6 =	simm.s32 $_tile_overlayer_lowered  }
0x9b: {  	s22 =	simm.s32 $0x1BFF;
	s21 =	sshll.u32 s6, $0x1;
	s3 =	sadd.s32 s4, s19  }
0x9c: {  	s7 =	simm.s32 $0x0;
	s20 =	sshll.u32 s5, $0x1;
	s5 =	sadd.s32 s21, s3  }
0x9d: {  	[timem:s7], [sflag:s22] =	dma.local [hbm:s5], s20  }
0x9e: {  	_ =	swait.ge [sflag:s22], s20  }
0x9f: {  	s4 =	ssub.s32 $0x0, s20;
	[sflag:s22] =	ssyncset.done $0x0  }
0xa0: {  	[sflag:s22] =	ssyncadd.s32 s4;
	_ =	sdelay $0x1  }
0xa1: {  	s23 =	simm.s32 $0x1B8B  }
0xa2: {  	_ =	swait.ge [sflag:s23], $0x1  }
0xa3: {  	[sflag:s23] =	ssyncset.done $0x0  }
0xa4: {  	s25 =	simm.s32 $0x1B8E;
	s24 =	sld [smem:$0x3FFE];
	[sflag:s23] =	ssyncadd.s32 $0xFFFFFFFF  }
0xa5: {  	s26 =	simm.s32 $execute0_lowered;
	[smem:$0x3FD2] =	sst s25  }
0xa6: {  	s5 =	sshll.u32 s26, $0x1;
	_ =	strace $0x80000049;
	[dreg:$0x1] =	wrdreg $0xFFFFFFFF  }
0xa7: {  	s28 =	simm.s32 $_size_execute0_lowered;
	s3 =	sadd.s32 s3, s5;
	[dreg:$0x0] =	wrdreg $0x0  }
0xa8: {  	s5 =	sshll.u32 s28, $0x1;
	[dreg:$0x2] =	wrdreg s3  }
0xa9: {  	[dreg:$0x3] =	wrdreg s5  }
0xaa: {  	[dreg:$0x4] =	wrdreg $0xC0  }
0xab: {  	_ =	task [dreg:s7], $0x5FFFF  }
0xac: {  	[dreg:$0x1] =	wrdreg $0xFFFFFFFF  }
0xad: {  	[dreg:$0x0] =	wrdreg $0x60  }
0xae: {  	[dreg:$0x2] =	wrdreg s2  }
0xaf: {  	[dreg:$0x3] =	wrdreg s24  }
0xb0: {  	[dreg:$0x4] =	wrdreg $0x132300  }
0xb1: {  	[dreg:$0x5] =	wrdreg $0x15A300  }
0xb2: {  	[dreg:$0x6] =	wrdreg $0x10A300  }
0xb3: {  	[dreg:$0x7] =	wrdreg $0x9  }
0xb4: {  	_ =	task.clear_ibuf [dreg:s7], $0x8FFFF;
	_ =	strace $0x90000049  }
0xb5: {  	s29 =	simm.s32 $0x9;
	_ =	strace $0x8000004B  }
0xb6: {  	_ =	swait.ge [sflag:s29], $0x1  }
0xb7: {  	[sflag:s29] =	ssyncadd.s32 $0xFFFFFFFF  }
0xb8: {  	_ =	strace $0x9000004B  }
0xb9: {  	_ =	sfence  }
0xba: {  	s30 =	sld [smem:$0x0];
	_ =	sdelay $0x2  }
0xbb: {  	s31 =	sshll.u32 s1, $0xD;
	s1 =	sshrl.u32 s1, $0x2  }
0xbc: {  	s3 =	sand.u32 $0x4000, s31;
	s1 =	sadd.s32 s1, s30  }
0xbd: {  	s0 =	sor.u32 s3, s0;
	s1 =	sshll.u32 s1, $0x11  }
0xbe: {  	s0 =	sor.u32 s1, s0  }
0xbf: {  	s0 =	sadd.s32 $0x8F2B, s0  }
0xc0: {  	[sflag:s0] =	ssyncadd.remote.s32 $0x1  }
0xc1: {  	_ =	sfence.sel $0xFFFF  }
0xc2: {  	[dreg:$0x0] =	wrdreg $0xFFFFFFFF;
	(pc) =	sbr.abs _section_cstart, $3  }
0xc3: {  	[dreg:$0x1] =	wrdreg $0xFFFFFFFF  }
0xc4: {  	_ =	task.clear_ibuf [dreg:s7], $0x2FFFF;
	_ =	strace $0x9FFFFFFF  }
0xc5: {  	(tm) =	ssettm $0x7FFFFFFF  }
tec
execute0_lowered:
.L_overlay_start_1:
0x0: {  	(tag) =	ssettag $0x1  }
0x1: {  	s1 =	rddreg [dreg:$0x0]  }
0x2: {  	s5 =	rddreg [dreg:$0x1]  }
0x3: {  	s0 =	srdreg.scid;
	s2 =	rddreg [dreg:$0x2]  }
0x4: {  	s14 =	stileid.u32;
	s6 =	rddreg [dreg:$0x3]  }
0x5: {  	s4 =	simm.s32 $0x0;
	s28 =	simm.s32 $0x4E20;
	s29 =	simm.s32 $0x5620  }
0x6: {  	s30 =	simm.s32 $0x5E20;
	s31 =	simm.s32 $0x6620;
	s8 =	smul.u32 $0x280, s14  }
0x7: {  	s0 =	sand.u32 $0x1, s0;
	s9 =	smul.u32 $0x2710, s14;
	[smem:$0x7FF] =	sst s4  }
0x8: {  	s11 =	sadd.s32 $0x16E00, s5;
	s3 =	sshll.u32 s0, $0x4;
	s10 =	smul.u32 $0x27100, s0  }
0x9: {  	s17 =	ssub.s32 $0x2, s0;
	p0 =	sne.s32 s0, $0x0;
	s0 =	simm.s32 $0x8E20  }
0xa: {  	s3 =	sor.u32 s14, s3;
	s8 =	sshrl.u32 s8, $0x3;
	s12 =	sshrl.u32 s9, $0x3  }
0xb: {  	s13 =	sshrl.u32 s17, $0x1;
	s14 =	smul.u32 $0x2800, s14;
	s22 =	sadd.s32 s9, s6  }
0xc: {  	s26 =	sadd.s32 s9, s2;
	s7 =	smul.u32 $0x2710, s3;
	s3 =	rddreg [dreg:$0x4]  }
0xd: {  	_ =	strace $0x8000004A;
	s10 =	sadd.s32 s9, s10;
	s8 =	sadd.s32 s8, s5  }
0xe: {  	[dreg:$0x6] =	wrdreg s11;
	s11 =	ssub.s32 s17, s13;
	s1 =	sadd.s32 s1, s12  }
0xf: {  	[dreg:$0xd] =	wrdreg s22;
	s22 =	simm.s32 $0x8620;
	s10 =	sshrl.u32 s10, $0x3  }
0x10: {  	s19 =	sadd.s32 s14, s2;
	s20 =	sadd.s32 $0x16400, s8;
	s8 =	sadd.s32 $0x16900, s8  }
0x11: {  	[dreg:$0xb] =	wrdreg s1;
	s21 =	sadd.s32 s14, s6;
	s23 =	sadd.s32 s9, s3  }
0x12: {  	s17 =	smax.u32 s11, $0x1;
	s1 =	simm.s32 $0x6E20;
	[dreg:$0x9] =	wrdreg s20  }
0x13: {  	s6 =	simm.s32 $0x9E20;
	s9 =	simm.s32 $0x1;
	[dreg:$0xa] =	wrdreg s8  }
0x14: {  	s11 =	simm.s32 $0x0;
	s7 =	sshrl.u32 s7, $0x3;
	[dreg:$0xc] =	wrdreg s21  }
0x15: {  	s10 =	sadd.s32 s10, s5;
	[dreg:$0xe] =	wrdreg s23;
	s20 =	sshrl.u32 s19, $0x3  }
0x16: {  	s19 =	simm.s32 $0x7620;
	s21 =	simm.s32 $0x7E20;
	s7 =	sadd.s32 s7, s5  }
0x17: {  	s8 =	simm.s32 $0xAE20;
	s23 =	simm.s32 $0x10;
	s18 =	sadd.s32 $0x2600, s7  }
0x18: {  	s5 =	sadd.s32 s12, s5;
	s7 =	sadd.s32 $0xC240, s7;
	[dreg:$0x7] =	wrdreg s18  }
0x19: {  	s16 =	sadd.s32 $0x17400, s10;
	s24 =	sadd.s32 $0x21200, s5;
	[dreg:$0x8] =	wrdreg s7  }
0x1a: {  	s10 =	simm.s32 $0x2;
	s25 =	sadd.s32 $0x26200, s5;
	[dreg:$0xf] =	wrdreg s24  }
0x1b: {  	s5 =	simm.s32 $0x9620;
	[dreg:$0x10] =	wrdreg s25;
	s18 =	simm.s32 $0x3  }
0x1c: {  	s25 =	sshrl.u32 s26, $0x3;
	s26 =	simm.s32 $0x80;
	s7 =	simm.s32 $0xA620  }
.LBB2_1:
0x1d: {  	s12 =	rddreg [dreg:$0x7]  }
0x1e: {  	[tilespmem:s4], [sflag:$0x3] =	stream.linear.gather [hbm4b:s12+s4], $0x2710, $0x38;
	[tilespmem:$0x18230] =	vst v63  }
0x1f: {  	_ =	swait.ge [sflag:s18], $0x2710  }
0x20: {  	[sflag:s18] =	ssyncset.done $0x0  }
0x21: {  	s13 =	simm.s32 $0x2710;
	s24 =	rddreg [dreg:$0x8];
	[sflag:s18] =	ssyncadd.s32 $0xFFFFD8F0  }
0x22: {  	[tilespmem:s13], [sflag:$0x3] =	stream.linear.gather [hbm4b:s24+s4], $0x2710, $0x38;
	[tilespmem:$0x18230] =	vst v63  }
0x23: {  	s14 =	stileid.u32;
	_ =	swait.ge [sflag:s18], $0x2710  }
0x24: {  	s12 =	sshll.u32 s14, $0x6;
	[sflag:s18] =	ssyncset.done $0x0  }
0x25: {  	s12 =	sor.u32 $0x1C03, s12;
	s15 =	rddreg [dreg:$0x6];
	[sflag:s18] =	ssyncadd.s32 $0xFFFFD8F0  }
0x26: {  	[spmem:s20], [sflag:s12] =	dma.local [hbm:s15], $0x500  }
0x27: {  	_ =	swait.ge [sflag:s18], $0x500  }
0x28: {  	[sflag:s18] =	ssyncset.done $0x0  }
0x29: {  	s14 =	simm.s32 $0xB620;
	s24 =	rddreg [dreg:$0x9];
	[sflag:s18] =	ssyncadd.s32 $0xFFFFFB00  }
0x2a: {  	[tilespmem:s14], [sflag:$0x3] =	stream.linear.gather [hbm4b:s24+s4], $0x280, $0x38;
	[tilespmem:$0x18230] =	vst v63  }
0x2b: {  	_ =	swait.ge [sflag:s18], $0x280  }
0x2c: {  	[sflag:s18] =	ssyncset.done $0x0  }
0x2d: {  	s24 =	simm.s32 $0xB8A0;
	s15 =	rddreg [dreg:$0xa];
	[sflag:s18] =	ssyncadd.s32 $0xFFFFFD80  }
0x2e: {  	[tilespmem:s24], [sflag:$0x3] =	stream.linear.gather [hbm4b:s15+s4], $0x280, $0x38;
	[tilespmem:$0x18230] =	vst v63  }
0x2f: {  	_ =	swait.ge [sflag:s18], $0x280  }
0x30: {  	[sflag:s18] =	ssyncset.done $0x0  }
0x31: {  	s15 =	simm.s32 $0xE320;
	s14 =	rddreg [dreg:$0xb];
	[sflag:s18] =	ssyncadd.s32 $0xFFFFFD80  }
0x32: {  	[tilespmem:s15], [sflag:$0x3] =	stream.linear.gather [hbm4b:s14+s4], $0x2710, $0x38;
	[tilespmem:$0x18230] =	vst v63  }
0x33: {  	_ =	swait.ge [sflag:s18], $0x2710  }
0x34: {  	[sflag:s18] =	ssyncset.done $0x0  }
0x35: {  	s24 =	simm.s32 $0x0;
	[sflag:s18] =	ssyncadd.s32 $0xFFFFD8F0  }
0x36: {  	v0 =	vld [tilespmem:s24+$0xB8A0]  }
0x37: {  	v1 =	vld [tilespmem:s24+$0xB620];
	_ =	sdelay $0x4  }
0x38: {  	v0 =	vadd.f32 v0, v1;
	_ =	sdelay $0x1  }
0x39: {  	v0 =	vadd.f32 $1.000000000e+00, v0;
	_ =	sdelay $0x1  }
0x3a: {  	v1 =	vshrl.u32 v0, $0x1;
	v0 =	vmul.f32 $5.000000000e-01, v0  }
0x3b: {  	v1 =	vsub.s32 $0x5F3759DF, v1  }
0x3c: {  	v2 =	vmul.f32 v1, v0;
	_ =	sdelay $0x1  }
0x3d: {  	v2 =	vmul.f32 v1, v2;
	_ =	sdelay $0x1  }
0x3e: {  	v2 =	vsub.f32 $1.500000000e+00, v2;
	_ =	sdelay $0x1  }
0x3f: {  	v1 =	vmul.f32 v1, v2;
	_ =	sdelay $0x1  }
0x40: {  	v0 =	vmul.f32 v1, v0;
	_ =	sdelay $0x1  }
0x41: {  	v0 =	vmul.f32 v0, v1;
	_ =	sdelay $0x1  }
0x42: {  	v0 =	vsub.f32 $1.500000000e+00, v0;
	_ =	sdelay $0x1  }
0x43: {  	v0 =	vmul.f32 v0, v1;
	_ =	sdelay $0x1  }
0x44: {  	v1 =	vbroadcast v0, $0xF  }
0x45: {  	s13 =	simm.s32 $0xBBA0;
	v2 =	vbroadcast v0, $0xE  }
0x46: {  	v3 =	vbroadcast v0, $0xD;
	[tilespmem:s13+$0x70] =	vst v1  }
0x47: {  	v1 =	vbroadcast v0, $0xC;
	[tilespmem:s13+$0x60] =	vst v2  }
0x48: {  	v2 =	vbroadcast v0, $0xB;
	[tilespmem:s13+$0x50] =	vst v3  }
0x49: {  	v3 =	vbroadcast v0, $0xA;
	[tilespmem:s13+$0x40] =	vst v1  }
0x4a: {  	v1 =	vbroadcast v0, $0x9;
	[tilespmem:s13+$0x30] =	vst v2  }
0x4b: {  	v2 =	vbroadcast v0, $0x8;
	[tilespmem:s13+$0x20] =	vst v3  }
0x4c: {  	v3 =	vbroadcast v0, $0x7;
	[tilespmem:s13+$0x10] =	vst v1  }
0x4d: {  	v1 =	vbroadcast v0, $0x6;
	[tilespmem:s13+$0x0] =	vst v2  }
0x4e: {  	v2 =	vbroadcast v0, $0x5;
	[tilespmem:s13+$0xFFFFFFF0] =	vst v3  }
0x4f: {  	v3 =	vbroadcast v0, $0x4;
	[tilespmem:s13+$0xFFFFFFE0] =	vst v1  }
0x50: {  	v1 =	vbroadcast v0, $0x3;
	[tilespmem:s13+$0xFFFFFFD0] =	vst v2  }
0x51: {  	v2 =	vbroadcast v0, $0x2;
	[tilespmem:s13+$0xFFFFFFC0] =	vst v3  }
0x52: {  	v3 =	vbroadcast v0, $0x1;
	[tilespmem:s13+$0xFFFFFFB0] =	vst v1  }
0x53: {  	v0 =	vbroadcast v0, $0x0;
	[tilespmem:s13+$0xFFFFFFA0] =	vst v2  }
0x54: {  	[tilespmem:s13+$0xFFFFFF90] =	vst v3  }
0x55: {  	s24 =	simm.s32 $0x10;
	[tilespmem:s13+$0xFFFFFF80] =	vst v0  }
0x56: {  	s14 =	simm.s32 $0x80;
	v0 =	vld [tilespmem:s24+$0xB8A0]  }
.LBB2_2:
0x57: {  	p1 =	sne.s32 s14, $0x9C0;
	v1 =	vld [tilespmem:s24+$0xB620];
	_ =	sdelay $0x4  }
0x58: {  	v0 =	vadd.f32 v0, v1;
	_ =	sdelay $0x1  }
0x59: {  	v0 =	vadd.f32 $1.000000000e+00, v0;
	_ =	sdelay $0x1  }
0x5a: {  	v1 =	vshrl.u32 v0, $0x1;
	v0 =	vmul.f32 $5.000000000e-01, v0  }
0x5b: {  	v1 =	vsub.s32 $0x5F3759DF, v1  }
0x5c: {  	v2 =	vmul.f32 v1, v0;
	_ =	sdelay $0x1  }
0x5d: {  	v2 =	vmul.f32 v1, v2;
	_ =	sdelay $0x1  }
0x5e: {  	v2 =	vsub.f32 $1.500000000e+00, v2;
	_ =	sdelay $0x1  }
0x5f: {  	v1 =	vmul.f32 v1, v2;
	_ =	sdelay $0x1  }
0x60: {  	v0 =	vmul.f32 v1, v0;
	_ =	sdelay $0x1  }
0x61: {  	v0 =	vmul.f32 v0, v1;
	_ =	sdelay $0x1  }
0x62: {  	v0 =	vsub.f32 $1.500000000e+00, v0;
	_ =	sdelay $0x1  }
0x63: {  	v0 =	vmul.f32 v0, v1;
	_ =	sdelay $0x1  }
0x64: {  	v1 =	vbroadcast v0, $0xE;
	v2 =	vbroadcast v0, $0xF  }
0x65: {  	s13 =	sadd.s32 $0x100, s13;
	v3 =	vbroadcast v0, $0xC;
	v4 =	vbroadcast v0, $0xD  }
0x66: {  	v5 =	vbroadcast v0, $0xA;
	v6 =	vbroadcast v0, $0xB;
	[tilespmem:s13+$0x70] =	vst v2  }
0x67: {  	v7 =	vbroadcast v0, $0x9;
	v2 =	vbroadcast v0, $0x8;
	[tilespmem:s13+$0x60] =	vst v1  }
0x68: {  	v8 =	vbroadcast v0, $0x7;
	v1 =	vbroadcast v0, $0x6;
	[tilespmem:s13+$0x50] =	vst v4  }
0x69: {  	v9 =	vbroadcast v0, $0x5;
	v4 =	vbroadcast v0, $0x4;
	[tilespmem:s13+$0x40] =	vst v3  }
0x6a: {  	v10 =	vbroadcast v0, $0x3;
	v3 =	vbroadcast v0, $0x2;
	[tilespmem:s13+$0x30] =	vst v6  }
0x6b: {  	v6 =	vbroadcast v0, $0x0;
	v0 =	vbroadcast v0, $0x1;
	[tilespmem:s13+$0x20] =	vst v5  }
0x6c: {  	[tilespmem:s13+$0x10] =	vst v7  }
0x6d: {  	[tilespmem:s13+$0x0] =	vst v2  }
0x6e: {  	[tilespmem:s13+$0xFFFFFFF0] =	vst v8  }
0x6f: {  	[tilespmem:s13+$0xFFFFFFE0] =	vst v1  }
0x70: {  	[tilespmem:s13+$0xFFFFFFD0] =	vst v9  }
0x71: {  	[tilespmem:s13+$0xFFFFFFC0] =	vst v4  }
.Ltmp0:
0x72: {  	[tilespmem:s13+$0xFFFFFFB0] =	vst v10;
	(pc) =	sbr.rel @p1 .LBB2_2-.Ltmp0, $4  }
0x73: {  	[tilespmem:s13+$0xFFFFFFA0] =	vst v3  }
0x74: {  	[tilespmem:s13+$0xFFFFFF90] =	vst v0  }
0x75: {  	s24 =	sshra.s32 s14, $0x2;
	[tilespmem:s13+$0xFFFFFF80] =	vst v6  }
0x76: {  	s14 =	sadd.s32 $0x40, s14;
	v0 =	vld [tilespmem:s24+$0xB8A0]  }
0x77: {  	v1 =	vld [tilespmem:s24+$0xB620];
	_ =	sdelay $0x4  }
0x78: {  	v0 =	vadd.f32 v0, v1;
	_ =	sdelay $0x1  }
0x79: {  	v0 =	vadd.f32 $1.000000000e+00, v0;
	_ =	sdelay $0x1  }
0x7a: {  	v1 =	vshrl.u32 v0, $0x1;
	v0 =	vmul.f32 $5.000000000e-01, v0  }
0x7b: {  	v1 =	vsub.s32 $0x5F3759DF, v1  }
0x7c: {  	v2 =	vmul.f32 v1, v0;
	_ =	sdelay $0x1  }
0x7d: {  	v2 =	vmul.f32 v1, v2;
	_ =	sdelay $0x1  }
0x7e: {  	v2 =	vsub.f32 $1.500000000e+00, v2;
	_ =	sdelay $0x1  }
0x7f: {  	v1 =	vmul.f32 v1, v2;
	_ =	sdelay $0x1  }
0x80: {  	v0 =	vmul.f32 v1, v0;
	_ =	sdelay $0x1  }
0x81: {  	v0 =	vmul.f32 v0, v1;
	_ =	sdelay $0x1  }
0x82: {  	v0 =	vsub.f32 $1.500000000e+00, v0;
	_ =	sdelay $0x1  }
0x83: {  	v0 =	vmul.f32 v0, v1;
	_ =	sdelay $0x1  }
0x84: {  	v1 =	vbroadcast v0, $0xF  }
0x85: {  	s13 =	sadd.s32 $0x100, s13;
	v2 =	vbroadcast v0, $0xE  }
0x86: {  	v3 =	vbroadcast v0, $0xD;
	[tilespmem:s13+$0x70] =	vst v1  }
0x87: {  	v1 =	vbroadcast v0, $0xC;
	[tilespmem:s13+$0x60] =	vst v2  }
0x88: {  	v2 =	vbroadcast v0, $0xB;
	[tilespmem:s13+$0x50] =	vst v3  }
0x89: {  	v3 =	vbroadcast v0, $0xA;
	[tilespmem:s13+$0x40] =	vst v1  }
0x8a: {  	v1 =	vbroadcast v0, $0x9;
	[tilespmem:s13+$0x30] =	vst v2  }
0x8b: {  	v2 =	vbroadcast v0, $0x8;
	[tilespmem:s13+$0x20] =	vst v3  }
0x8c: {  	v3 =	vbroadcast v0, $0x7;
	[tilespmem:s13+$0x10] =	vst v1  }
0x8d: {  	v1 =	vbroadcast v0, $0x6;
	[tilespmem:s13+$0x0] =	vst v2  }
0x8e: {  	v2 =	vbroadcast v0, $0x5;
	[tilespmem:s13+$0xFFFFFFF0] =	vst v3  }
0x8f: {  	v3 =	vbroadcast v0, $0x4;
	[tilespmem:s13+$0xFFFFFFE0] =	vst v1  }
0x90: {  	v1 =	vbroadcast v0, $0x3;
	[tilespmem:s13+$0xFFFFFFD0] =	vst v2  }
0x91: {  	v2 =	vbroadcast v0, $0x2;
	[tilespmem:s13+$0xFFFFFFC0] =	vst v3  }
0x92: {  	v3 =	vbroadcast v0, $0x1;
	[tilespmem:s13+$0xFFFFFFB0] =	vst v1  }
0x93: {  	v0 =	vbroadcast v0, $0x0;
	[tilespmem:s13+$0xFFFFFFA0] =	vst v2  }
0x94: {  	[tilespmem:s13+$0xFFFFFF90] =	vst v3  }
0x95: {  	s15 =	rddreg [dreg:$0xc];
	s14 =	simm.s32 $0xBB20;
	[tilespmem:s13+$0xFFFFFF80] =	vst v0  }
0x96: {  	[spmem:s15] =	stream.linear.scatter [tilespmem:s14], [sflag:$0x3], $0x2800, $0x38;
	[tilespmem:$0x18230] =	vst v63  }
0x97: {  	_ =	swait.ge [sflag:s18], $0x2800  }
0x98: {  	[sflag:s18] =	ssyncset.done $0x0  }
0x99: {  	[sflag:s18] =	ssyncadd.s32 $0xFFFFD800  }
0x9a: {  	[bflag:$0x0] =	sbarrier.arrive $0xFFFF  }
0x9b: {  	s24 =	rddreg [dreg:$0xd]  }
0x9c: {  	[tilespmem:s14], [sflag:$0x3] =	stream.linear.gather [spmem:s24], $0x2710, $0x38;
	[tilespmem:$0x18230] =	vst v63  }
0x9d: {  	_ =	swait.ge [sflag:s18], $0x2710  }
0x9e: {  	[sflag:s18] =	ssyncset.done $0x0  }
0x9f: {  	s13 =	simm.s32 $0x0;
	[sflag:s18] =	ssyncadd.s32 $0xFFFFD8F0  }
0xa0: {  	v3 =	vld [tilespmem:s13+$0xBB20]  }
0xa1: {  	v4 =	vld [tilespmem:s13+$0xBB30]  }
0xa2: {  	v2 =	vld [tilespmem:s13+$0xBB40]  }
0xa3: {  	v1 =	vld [tilespmem:s13+$0xBB50]  }
0xa4: {  	v0 =	vld [tilespmem:s13+$0xBB60]  }
0xa5: {  	v7 =	vld [tilespmem:s13+$0xE320]  }
0xa6: {  	v8 =	vld [tilespmem:s13+$0xE330]  }
0xa7: {  	v6 =	vld [tilespmem:s13+$0xE340]  }
0xa8: {  	s14 =	simm.s32 $0x140;
	v5 =	vld [tilespmem:s13+$0xE350]  }
.LBB2_4:
0xa9: {  	s15 =	sshra.s32 s14, $0x2;
	p1 =	sne.s32 s14, $0x9B00;
	v9 =	vld [tilespmem:s13+$0xE360]  }
0xaa: {  	v7 =	vmul.f32 v3, v7;
	v3 =	vld [tilespmem:s15+$0xBB20]  }
0xab: {  	v8 =	vmul.f32 v4, v8;
	v4 =	vld [tilespmem:s15+$0xBB30]  }
0xac: {  	[tilespmem:s13+$0xE320] =	vst v7;
	v6 =	vmul.f32 v2, v6;
	v2 =	vld [tilespmem:s15+$0xBB40]  }
0xad: {  	[tilespmem:s13+$0xE330] =	vst v8;
	v5 =	vmul.f32 v1, v5;
	v1 =	vld [tilespmem:s15+$0xBB50]  }
.Ltmp1:
0xae: {  	[tilespmem:s13+$0xE340] =	vst v6;
	v6 =	vmul.f32 v0, v9;
	v0 =	vld [tilespmem:s15+$0xBB60];
	(pc) =	sbr.rel @p1 .LBB2_4-.Ltmp1, $4  }
0xaf: {  	v7 =	vld [tilespmem:s15+$0xE320];
	[tilespmem:s13+$0xE350] =	vst v5  }
0xb0: {  	v8 =	vld [tilespmem:s15+$0xE330];
	[tilespmem:s13+$0xE360] =	vst v6;
	s13 =	smov.u32 s15  }
0xb1: {  	v6 =	vld [tilespmem:s13+$0xE340]  }
0xb2: {  	s14 =	sadd.s32 $0x140, s14;
	v5 =	vld [tilespmem:s13+$0xE350]  }
0xb3: {  	v9 =	vld [tilespmem:s13+$0xE360]  }
0xb4: {  	v3 =	vmul.f32 v3, v7  }
0xb5: {  	v4 =	vmul.f32 v4, v8  }
0xb6: {  	[tilespmem:s13+$0xE320] =	vst v3;
	v2 =	vmul.f32 v2, v6  }
0xb7: {  	[tilespmem:s13+$0xE330] =	vst v4;
	v1 =	vmul.f32 v1, v5  }
0xb8: {  	[tilespmem:s13+$0xE340] =	vst v2;
	v0 =	vmul.f32 v0, v9  }
0xb9: {  	[tilespmem:s13+$0xE350] =	vst v1  }
0xba: {  	s24 =	rddreg [dreg:$0xe];
	s14 =	simm.s32 $0xE320;
	[tilespmem:s13+$0xE360] =	vst v0  }
0xbb: {  	[spmem:s24] =	stream.linear.scatter [tilespmem:s14], [sflag:$0x3], $0x2710, $0x38;
	[tilespmem:$0x18230] =	vst v63  }
0xbc: {  	_ =	swait.ge [sflag:s18], $0x2710  }
0xbd: {  	s13 =	simm.s32 @!p0 $0x0;
	[sflag:s18] =	ssyncset.done $0x0  }
0xbe: {  	s14 =	simm.s32 @!p0 $0xE320;
	s15 =	rddreg [dreg:$0xf];
	[sflag:s18] =	ssyncadd.s32 $0xFFFFD8F0  }
0xbf: {  	[hbm4b:s15+s13] =	stream.linear.scatter @!p0 [tilespmem:s14], [sflag:$0x3], $0x2710, $0x38;
	[tilespmem:$0x18230] =	vst v63  }
0xc0: {  	s14 =	simm.s32 @!p0 $0x3  }
0xc1: {  	_ =	swait.ge @!p0 [sflag:s14], $0x2710  }
0xc2: {  	[sflag:s14] =	ssyncset.done @!p0 $0x0  }
0xc3: {  	s15 =	simm.s32 @!p0 $0xBB20;
	s24 =	rddreg [dreg:$0x10];
	[sflag:s14] =	ssyncadd.s32 @!p0 $0xFFFFD8F0  }
0xc4: {  	[hbm4b:s24+s13] =	stream.linear.scatter @!p0 [tilespmem:s15], [sflag:$0x3], $0x2710, $0x38;
	[tilespmem:$0x18230] =	vst v63  }
0xc5: {  	_ =	swait.ge @!p0 [sflag:s14], $0x2710  }
0xc6: {  	[sflag:s14] =	ssyncset.done @!p0 $0x0  }
0xc7: {  	[sflag:s14] =	ssyncadd.s32 @!p0 $0xFFFFD8F0  }
0xc8: {  	s15 =	simm.s32 $0x0;
	[bflag:$0x0] =	sbarrier.arrive $0xFFFF  }
0xc9: {  	[tilespmem:s28], [sflag:$0x1] =	stream.indirect.gather [spmem:s3], $0x10, s15, s26, $0xb8;
	[tilespmem:$0x18230] =	vst v63  }
0xca: {  	s24 =	simm.s32 $0x80  }
0xcb: {  	[tilespmem:s29], [sflag:$0x1] =	stream.indirect.gather [spmem:s3], $0x10, s24, s26, $0xb8;
	[tilespmem:$0x18230] =	vst v63  }
0xcc: {  	s14 =	simm.s32 $0x100  }
0xcd: {  	[tilespmem:s30], [sflag:$0x1] =	stream.indirect.gather [spmem:s3], $0x10, s14, s26, $0xb8;
	[tilespmem:$0x18230] =	vst v63  }
0xce: {  	s15 =	simm.s32 $0x180  }
0xcf: {  	[tilespmem:s31], [sflag:$0x1] =	stream.indirect.gather [spmem:s3], $0x10, s15, s26, $0xb8;
	[tilespmem:$0x18230] =	vst v63  }
0xd0: {  	s24 =	simm.s32 $0x200  }
0xd1: {  	[tilespmem:s1], [sflag:$0x1] =	stream.indirect.gather [spmem:s3], $0x10, s24, s26, $0xb8;
	[tilespmem:$0x18230] =	vst v63  }
0xd2: {  	s14 =	simm.s32 $0x280  }
0xd3: {  	[tilespmem:s19], [sflag:$0x1] =	stream.indirect.gather [spmem:s3], $0x10, s14, s26, $0xb8;
	[tilespmem:$0x18230] =	vst v63  }
0xd4: {  	s15 =	simm.s32 $0x300  }
0xd5: {  	[tilespmem:s21], [sflag:$0x1] =	stream.indirect.gather [spmem:s3], $0x10, s15, s26, $0xb8;
	[tilespmem:$0x18230] =	vst v63  }
0xd6: {  	s24 =	simm.s32 $0x380  }
0xd7: {  	[tilespmem:s22], [sflag:$0x1] =	stream.indirect.gather [spmem:s3], $0x10, s24, s26, $0xb8;
	[tilespmem:$0x18230] =	vst v63  }
0xd8: {  	s14 =	simm.s32 $0x400  }
0xd9: {  	[tilespmem:s0], [sflag:$0x1] =	stream.indirect.gather [spmem:s3], $0x10, s14, s26, $0xb8;
	[tilespmem:$0x18230] =	vst v63  }
0xda: {  	s15 =	simm.s32 $0x480  }
0xdb: {  	[tilespmem:s5], [sflag:$0x1] =	stream.indirect.gather [spmem:s3], $0x10, s15, s26, $0xb8;
	[tilespmem:$0x18230] =	vst v63  }
0xdc: {  	s24 =	simm.s32 $0x500  }
0xdd: {  	[tilespmem:s6], [sflag:$0x1] =	stream.indirect.gather [spmem:s3], $0x10, s24, s26, $0xb8;
	[tilespmem:$0x18230] =	vst v63  }
0xde: {  	s14 =	simm.s32 $0x580  }
0xdf: {  	[tilespmem:s7], [sflag:$0x1] =	stream.indirect.gather [spmem:s3], $0x10, s14, s26, $0xb8;
	[tilespmem:$0x18230] =	vst v63  }
0xe0: {  	s15 =	simm.s32 $0x600  }
0xe1: {  	[tilespmem:s8], [sflag:$0x1] =	stream.indirect.gather [spmem:s3], $0x10, s15, s26, $0xb8;
	[tilespmem:$0x18230] =	vst v63  }
0xe2: {  	_ =	swait.ge [sflag:s9], $0x800  }
0xe3: {  	[sflag:s9] =	ssyncset.done $0x0  }
0xe4: {  	s24 =	simm.s32 $0x2710;
	[sflag:s9] =	ssyncadd.s32 $0xFFFFF800  }
0xe5: {  	[spmem:s2] =	stream.indirect.scatter.add.f32 [tilespmem:s28], [sflag:$0x2], $0x10, s24, s26, $0xb8;
	[tilespmem:$0x18230] =	vst v63  }
0xe6: {  	_ =	swait.ge [sflag:s9], $0x800  }
0xe7: {  	[sflag:s9] =	ssyncset.done $0x0  }
0xe8: {  	s14 =	simm.s32 $0x2790;
	[sflag:s9] =	ssyncadd.s32 $0xFFFFF800  }
0xe9: {  	[spmem:s2] =	stream.indirect.scatter.add.f32 [tilespmem:s29], [sflag:$0x2], $0x10, s14, s26, $0xb8;
	[tilespmem:$0x18230] =	vst v63  }
0xea: {  	_ =	swait.ge [sflag:s9], $0x800  }
0xeb: {  	[sflag:s9] =	ssyncset.done $0x0  }
0xec: {  	s15 =	simm.s32 $0x2810;
	[sflag:s9] =	ssyncadd.s32 $0xFFFFF800  }
0xed: {  	[spmem:s2] =	stream.indirect.scatter.add.f32 [tilespmem:s30], [sflag:$0x2], $0x10, s15, s26, $0xb8;
	[tilespmem:$0x18230] =	vst v63  }
0xee: {  	_ =	swait.ge [sflag:s9], $0x800  }
0xef: {  	[sflag:s9] =	ssyncset.done $0x0  }
0xf0: {  	s24 =	simm.s32 $0x2890;
	[sflag:s9] =	ssyncadd.s32 $0xFFFFF800  }
0xf1: {  	[spmem:s2] =	stream.indirect.scatter.add.f32 [tilespmem:s31], [sflag:$0x2], $0x10, s24, s26, $0xb8;
	[tilespmem:$0x18230] =	vst v63  }
0xf2: {  	_ =	swait.ge [sflag:s9], $0x800  }
0xf3: {  	[sflag:s9] =	ssyncset.done $0x0  }
0xf4: {  	s14 =	simm.s32 $0x2910;
	[sflag:s9] =	ssyncadd.s32 $0xFFFFF800  }
0xf5: {  	[spmem:s2] =	stream.indirect.scatter.add.f32 [tilespmem:s1], [sflag:$0x2], $0x10, s14, s26, $0xb8;
	[tilespmem:$0x18230] =	vst v63  }
0xf6: {  	_ =	swait.ge [sflag:s9], $0x800  }
0xf7: {  	[sflag:s9] =	ssyncset.done $0x0  }
0xf8: {  	s15 =	simm.s32 $0x2990;
	[sflag:s9] =	ssyncadd.s32 $0xFFFFF800  }
0xf9: {  	[spmem:s2] =	stream.indirect.scatter.add.f32 [tilespmem:s19], [sflag:$0x2], $0x10, s15, s26, $0xb8;
	[tilespmem:$0x18230] =	vst v63  }
0xfa: {  	_ =	swait.ge [sflag:s9], $0x800  }
0xfb: {  	[sflag:s9] =	ssyncset.done $0x0  }
0xfc: {  	s24 =	simm.s32 $0x2A10;
	[sflag:s9] =	ssyncadd.s32 $0xFFFFF800  }
0xfd: {  	[spmem:s2] =	stream.indirect.scatter.add.f32 [tilespmem:s21], [sflag:$0x2], $0x10, s24, s26, $0xb8;
	[tilespmem:$0x18230] =	vst v63  }
0xfe: {  	_ =	swait.ge [sflag:s9], $0x800  }
0xff: {  	[sflag:s9] =	ssyncset.done $0x0  }
0x100: {  	s14 =	simm.s32 $0x2A90;
	[sflag:s9] =	ssyncadd.s32 $0xFFFFF800  }
0x101: {  	[spmem:s2] =	stream.indirect.scatter.add.f32 [tilespmem:s22], [sflag:$0x2], $0x10, s14, s26, $0xb8;
	[tilespmem:$0x18230] =	vst v63  }
0x102: {  	_ =	swait.ge [sflag:s9], $0x800  }
0x103: {  	[sflag:s9] =	ssyncset.done $0x0  }
0x104: {  	s15 =	simm.s32 $0x2B10;
	[sflag:s9] =	ssyncadd.s32 $0xFFFFF800  }
0x105: {  	[spmem:s2] =	stream.indirect.scatter.add.f32 [tilespmem:s0], [sflag:$0x2], $0x10, s15, s26, $0xb8;
	[tilespmem:$0x18230] =	vst v63  }
0x106: {  	_ =	swait.ge [sflag:s9], $0x800  }
0x107: {  	[sflag:s9] =	ssyncset.done $0x0  }
0x108: {  	s24 =	simm.s32 $0x2B90;
	[sflag:s9] =	ssyncadd.s32 $0xFFFFF800  }
0x109: {  	[spmem:s2] =	stream.indirect.scatter.add.f32 [tilespmem:s5], [sflag:$0x2], $0x10, s24, s26, $0xb8;
	[tilespmem:$0x18230] =	vst v63  }
0x10a: {  	_ =	swait.ge [sflag:s9], $0x800  }
0x10b: {  	[sflag:s9] =	ssyncset.done $0x0  }
0x10c: {  	s14 =	simm.s32 $0x2C10;
	[sflag:s9] =	ssyncadd.s32 $0xFFFFF800  }
0x10d: {  	[spmem:s2] =	stream.indirect.scatter.add.f32 [tilespmem:s6], [sflag:$0x2], $0x10, s14, s26, $0xb8;
	[tilespmem:$0x18230] =	vst v63  }
0x10e: {  	_ =	swait.ge [sflag:s9], $0x800  }
0x10f: {  	[sflag:s9] =	ssyncset.done $0x0  }
0x110: {  	s15 =	simm.s32 $0x2C90;
	[sflag:s9] =	ssyncadd.s32 $0xFFFFF800  }
0x111: {  	[spmem:s2] =	stream.indirect.scatter.add.f32 [tilespmem:s7], [sflag:$0x2], $0x10, s15, s26, $0xb8;
	[tilespmem:$0x18230] =	vst v63  }
0x112: {  	_ =	swait.ge [sflag:s9], $0x800  }
0x113: {  	[sflag:s9] =	ssyncset.done $0x0  }
0x114: {  	s24 =	simm.s32 $0x2D10;
	[sflag:s9] =	ssyncadd.s32 $0xFFFFF800  }
0x115: {  	[spmem:s2] =	stream.indirect.scatter.add.f32 [tilespmem:s8], [sflag:$0x2], $0x10, s24, s26, $0xb8;
	[tilespmem:$0x18230] =	vst v63  }
0x116: {  	_ =	swait.ge [sflag:s10], $0x800  }
0x117: {  	[sflag:s10] =	ssyncset.done $0x0  }
0x118: {  	[sflag:s10] =	ssyncadd.s32 $0xFFFFF800  }
0x119: {  	_ =	swait.ge [sflag:s10], $0x800  }
0x11a: {  	[sflag:s10] =	ssyncset.done $0x0  }
0x11b: {  	[sflag:s10] =	ssyncadd.s32 $0xFFFFF800  }
0x11c: {  	_ =	swait.ge [sflag:s10], $0x800  }
0x11d: {  	[sflag:s10] =	ssyncset.done $0x0  }
0x11e: {  	[sflag:s10] =	ssyncadd.s32 $0xFFFFF800  }
0x11f: {  	_ =	swait.ge [sflag:s10], $0x800  }
0x120: {  	[sflag:s10] =	ssyncset.done $0x0  }
0x121: {  	[sflag:s10] =	ssyncadd.s32 $0xFFFFF800  }
0x122: {  	_ =	swait.ge [sflag:s10], $0x800  }
0x123: {  	[sflag:s10] =	ssyncset.done $0x0  }
0x124: {  	[sflag:s10] =	ssyncadd.s32 $0xFFFFF800  }
0x125: {  	_ =	swait.ge [sflag:s10], $0x800  }
0x126: {  	[sflag:s10] =	ssyncset.done $0x0  }
0x127: {  	[sflag:s10] =	ssyncadd.s32 $0xFFFFF800  }
0x128: {  	_ =	swait.ge [sflag:s10], $0x800  }
0x129: {  	[sflag:s10] =	ssyncset.done $0x0  }
0x12a: {  	[sflag:s10] =	ssyncadd.s32 $0xFFFFF800  }
0x12b: {  	_ =	swait.ge [sflag:s10], $0x800  }
0x12c: {  	[sflag:s10] =	ssyncset.done $0x0  }
0x12d: {  	[sflag:s10] =	ssyncadd.s32 $0xFFFFF800  }
0x12e: {  	_ =	swait.ge [sflag:s10], $0x800  }
0x12f: {  	[sflag:s10] =	ssyncset.done $0x0  }
0x130: {  	[sflag:s10] =	ssyncadd.s32 $0xFFFFF800  }
0x131: {  	_ =	swait.ge [sflag:s10], $0x800  }
0x132: {  	[sflag:s10] =	ssyncset.done $0x0  }
0x133: {  	[sflag:s10] =	ssyncadd.s32 $0xFFFFF800  }
0x134: {  	_ =	swait.ge [sflag:s10], $0x800  }
0x135: {  	[sflag:s10] =	ssyncset.done $0x0  }
0x136: {  	[sflag:s10] =	ssyncadd.s32 $0xFFFFF800  }
0x137: {  	_ =	swait.ge [sflag:s10], $0x800  }
0x138: {  	[sflag:s10] =	ssyncset.done $0x0  }
0x139: {  	[sflag:s10] =	ssyncadd.s32 $0xFFFFF800  }
0x13a: {  	_ =	swait.ge [sflag:s10], $0x800  }
0x13b: {  	s13 =	simm.s32 $0x3400;
	s24 =	simm.s32 $0x1A00;
	[sflag:s10] =	ssyncset.done $0x0  }
.LBB2_6:
0x13c: {  	s14 =	sshra.s32 s24, $0x2  }
0x13d: {  	[sflag:s10] =	ssyncadd.s32 $0xFFFFF800;
	s24 =	smov.u32 s13;
	s15 =	sadd.s32 $0x1A00, s13  }
0x13e: {  	[tilespmem:s28], [sflag:$0x1] =	stream.indirect.gather [spmem:s3], $0x10, s14, s26, $0xb8;
	[tilespmem:$0x18230] =	vst v63  }
0x13f: {  	p1 =	sne.s32 s13, $0x8200;
	s13 =	sadd.s32 $0x80, s14  }
0x140: {  	[tilespmem:s29], [sflag:$0x1] =	stream.indirect.gather [spmem:s3], $0x10, s13, s26, $0xb8;
	[tilespmem:$0x18230] =	vst v63  }
0x141: {  	s13 =	sadd.s32 $0x100, s14  }
0x142: {  	[tilespmem:s30], [sflag:$0x1] =	stream.indirect.gather [spmem:s3], $0x10, s13, s26, $0xb8;
	[tilespmem:$0x18230] =	vst v63  }
0x143: {  	s13 =	sadd.s32 $0x180, s14  }
0x144: {  	[tilespmem:s31], [sflag:$0x1] =	stream.indirect.gather [spmem:s3], $0x10, s13, s26, $0xb8;
	[tilespmem:$0x18230] =	vst v63  }
0x145: {  	s13 =	sadd.s32 $0x200, s14  }
0x146: {  	[tilespmem:s1], [sflag:$0x1] =	stream.indirect.gather [spmem:s3], $0x10, s13, s26, $0xb8;
	[tilespmem:$0x18230] =	vst v63  }
0x147: {  	s13 =	sadd.s32 $0x280, s14  }
0x148: {  	[tilespmem:s19], [sflag:$0x1] =	stream.indirect.gather [spmem:s3], $0x10, s13, s26, $0xb8;
	[tilespmem:$0x18230] =	vst v63  }
0x149: {  	s13 =	sadd.s32 $0x300, s14  }
0x14a: {  	[tilespmem:s21], [sflag:$0x1] =	stream.indirect.gather [spmem:s3], $0x10, s13, s26, $0xb8;
	[tilespmem:$0x18230] =	vst v63  }
0x14b: {  	s13 =	sadd.s32 $0x380, s14  }
0x14c: {  	[tilespmem:s22], [sflag:$0x1] =	stream.indirect.gather [spmem:s3], $0x10, s13, s26, $0xb8;
	[tilespmem:$0x18230] =	vst v63  }
0x14d: {  	s13 =	sadd.s32 $0x400, s14  }
0x14e: {  	[tilespmem:s0], [sflag:$0x1] =	stream.indirect.gather [spmem:s3], $0x10, s13, s26, $0xb8;
	[tilespmem:$0x18230] =	vst v63  }
0x14f: {  	s13 =	sadd.s32 $0x480, s14  }
0x150: {  	[tilespmem:s5], [sflag:$0x1] =	stream.indirect.gather [spmem:s3], $0x10, s13, s26, $0xb8;
	[tilespmem:$0x18230] =	vst v63  }
0x151: {  	s13 =	sadd.s32 $0x500, s14  }
0x152: {  	[tilespmem:s6], [sflag:$0x1] =	stream.indirect.gather [spmem:s3], $0x10, s13, s26, $0xb8;
	[tilespmem:$0x18230] =	vst v63  }
0x153: {  	s13 =	sadd.s32 $0x580, s14  }
0x154: {  	[tilespmem:s7], [sflag:$0x1] =	stream.indirect.gather [spmem:s3], $0x10, s13, s26, $0xb8;
	[tilespmem:$0x18230] =	vst v63  }
0x155: {  	s13 =	sadd.s32 $0x600, s14  }
0x156: {  	[tilespmem:s8], [sflag:$0x1] =	stream.indirect.gather [spmem:s3], $0x10, s13, s26, $0xb8;
	[tilespmem:$0x18230] =	vst v63  }
0x157: {  	_ =	swait.ge [sflag:s9], $0x800  }
0x158: {  	[sflag:s9] =	ssyncset.done $0x0  }
0x159: {  	s13 =	sadd.s32 $0x2710, s14;
	[sflag:s9] =	ssyncadd.s32 $0xFFFFF800  }
0x15a: {  	[spmem:s2] =	stream.indirect.scatter.add.f32 [tilespmem:s28], [sflag:$0x2], $0x10, s13, s26, $0xb8;
	[tilespmem:$0x18230] =	vst v63  }
0x15b: {  	_ =	swait.ge [sflag:s9], $0x800  }
0x15c: {  	[sflag:s9] =	ssyncset.done $0x0  }
0x15d: {  	s13 =	sadd.s32 $0x2790, s14;
	[sflag:s9] =	ssyncadd.s32 $0xFFFFF800  }
0x15e: {  	[spmem:s2] =	stream.indirect.scatter.add.f32 [tilespmem:s29], [sflag:$0x2], $0x10, s13, s26, $0xb8;
	[tilespmem:$0x18230] =	vst v63  }
0x15f: {  	_ =	swait.ge [sflag:s9], $0x800  }
0x160: {  	[sflag:s9] =	ssyncset.done $0x0  }
0x161: {  	s13 =	sadd.s32 $0x2810, s14;
	[sflag:s9] =	ssyncadd.s32 $0xFFFFF800  }
0x162: {  	[spmem:s2] =	stream.indirect.scatter.add.f32 [tilespmem:s30], [sflag:$0x2], $0x10, s13, s26, $0xb8;
	[tilespmem:$0x18230] =	vst v63  }
0x163: {  	_ =	swait.ge [sflag:s9], $0x800  }
0x164: {  	[sflag:s9] =	ssyncset.done $0x0  }
0x165: {  	s13 =	sadd.s32 $0x2890, s14;
	[sflag:s9] =	ssyncadd.s32 $0xFFFFF800  }
0x166: {  	[spmem:s2] =	stream.indirect.scatter.add.f32 [tilespmem:s31], [sflag:$0x2], $0x10, s13, s26, $0xb8;
	[tilespmem:$0x18230] =	vst v63  }
0x167: {  	_ =	swait.ge [sflag:s9], $0x800  }
0x168: {  	[sflag:s9] =	ssyncset.done $0x0  }
0x169: {  	s13 =	sadd.s32 $0x2910, s14;
	[sflag:s9] =	ssyncadd.s32 $0xFFFFF800  }
0x16a: {  	[spmem:s2] =	stream.indirect.scatter.add.f32 [tilespmem:s1], [sflag:$0x2], $0x10, s13, s26, $0xb8;
	[tilespmem:$0x18230] =	vst v63  }
0x16b: {  	_ =	swait.ge [sflag:s9], $0x800  }
0x16c: {  	[sflag:s9] =	ssyncset.done $0x0  }
0x16d: {  	s13 =	sadd.s32 $0x2990, s14;
	[sflag:s9] =	ssyncadd.s32 $0xFFFFF800  }
0x16e: {  	[spmem:s2] =	stream.indirect.scatter.add.f32 [tilespmem:s19], [sflag:$0x2], $0x10, s13, s26, $0xb8;
	[tilespmem:$0x18230] =	vst v63  }
0x16f: {  	_ =	swait.ge [sflag:s9], $0x800  }
0x170: {  	[sflag:s9] =	ssyncset.done $0x0  }
0x171: {  	s13 =	sadd.s32 $0x2A10, s14;
	[sflag:s9] =	ssyncadd.s32 $0xFFFFF800  }
0x172: {  	[spmem:s2] =	stream.indirect.scatter.add.f32 [tilespmem:s21], [sflag:$0x2], $0x10, s13, s26, $0xb8;
	[tilespmem:$0x18230] =	vst v63  }
0x173: {  	_ =	swait.ge [sflag:s9], $0x800  }
0x174: {  	[sflag:s9] =	ssyncset.done $0x0  }
0x175: {  	s13 =	sadd.s32 $0x2A90, s14;
	[sflag:s9] =	ssyncadd.s32 $0xFFFFF800  }
0x176: {  	[spmem:s2] =	stream.indirect.scatter.add.f32 [tilespmem:s22], [sflag:$0x2], $0x10, s13, s26, $0xb8;
	[tilespmem:$0x18230] =	vst v63  }
0x177: {  	_ =	swait.ge [sflag:s9], $0x800  }
0x178: {  	[sflag:s9] =	ssyncset.done $0x0  }
0x179: {  	s13 =	sadd.s32 $0x2B10, s14;
	[sflag:s9] =	ssyncadd.s32 $0xFFFFF800  }
0x17a: {  	[spmem:s2] =	stream.indirect.scatter.add.f32 [tilespmem:s0], [sflag:$0x2], $0x10, s13, s26, $0xb8;
	[tilespmem:$0x18230] =	vst v63  }
0x17b: {  	_ =	swait.ge [sflag:s9], $0x800  }
0x17c: {  	[sflag:s9] =	ssyncset.done $0x0  }
0x17d: {  	s13 =	sadd.s32 $0x2B90, s14;
	[sflag:s9] =	ssyncadd.s32 $0xFFFFF800  }
0x17e: {  	[spmem:s2] =	stream.indirect.scatter.add.f32 [tilespmem:s5], [sflag:$0x2], $0x10, s13, s26, $0xb8;
	[tilespmem:$0x18230] =	vst v63  }
0x17f: {  	_ =	swait.ge [sflag:s9], $0x800  }
0x180: {  	[sflag:s9] =	ssyncset.done $0x0  }
0x181: {  	s13 =	sadd.s32 $0x2C10, s14;
	[sflag:s9] =	ssyncadd.s32 $0xFFFFF800  }
0x182: {  	[spmem:s2] =	stream.indirect.scatter.add.f32 [tilespmem:s6], [sflag:$0x2], $0x10, s13, s26, $0xb8;
	[tilespmem:$0x18230] =	vst v63  }
0x183: {  	_ =	swait.ge [sflag:s9], $0x800  }
0x184: {  	[sflag:s9] =	ssyncset.done $0x0  }
0x185: {  	s13 =	sadd.s32 $0x2C90, s14;
	[sflag:s9] =	ssyncadd.s32 $0xFFFFF800  }
0x186: {  	[spmem:s2] =	stream.indirect.scatter.add.f32 [tilespmem:s7], [sflag:$0x2], $0x10, s13, s26, $0xb8;
	[tilespmem:$0x18230] =	vst v63  }
0x187: {  	_ =	swait.ge [sflag:s9], $0x800  }
0x188: {  	[sflag:s9] =	ssyncset.done $0x0  }
0x189: {  	s13 =	sadd.s32 $0x2D10, s14;
	[sflag:s9] =	ssyncadd.s32 $0xFFFFF800  }
0x18a: {  	[spmem:s2] =	stream.indirect.scatter.add.f32 [tilespmem:s8], [sflag:$0x2], $0x10, s13, s26, $0xb8;
	[tilespmem:$0x18230] =	vst v63  }
0x18b: {  	_ =	swait.ge [sflag:s10], $0x800  }
0x18c: {  	[sflag:s10] =	ssyncset.done $0x0  }
0x18d: {  	[sflag:s10] =	ssyncadd.s32 $0xFFFFF800  }
0x18e: {  	_ =	swait.ge [sflag:s10], $0x800  }
0x18f: {  	[sflag:s10] =	ssyncset.done $0x0  }
0x190: {  	[sflag:s10] =	ssyncadd.s32 $0xFFFFF800  }
0x191: {  	_ =	swait.ge [sflag:s10], $0x800  }
0x192: {  	[sflag:s10] =	ssyncset.done $0x0  }
0x193: {  	[sflag:s10] =	ssyncadd.s32 $0xFFFFF800  }
0x194: {  	_ =	swait.ge [sflag:s10], $0x800  }
0x195: {  	[sflag:s10] =	ssyncset.done $0x0  }
0x196: {  	[sflag:s10] =	ssyncadd.s32 $0xFFFFF800  }
0x197: {  	_ =	swait.ge [sflag:s10], $0x800  }
0x198: {  	[sflag:s10] =	ssyncset.done $0x0  }
0x199: {  	[sflag:s10] =	ssyncadd.s32 $0xFFFFF800  }
0x19a: {  	_ =	swait.ge [sflag:s10], $0x800  }
0x19b: {  	[sflag:s10] =	ssyncset.done $0x0  }
0x19c: {  	[sflag:s10] =	ssyncadd.s32 $0xFFFFF800  }
0x19d: {  	_ =	swait.ge [sflag:s10], $0x800  }
0x19e: {  	[sflag:s10] =	ssyncset.done $0x0  }
0x19f: {  	[sflag:s10] =	ssyncadd.s32 $0xFFFFF800  }
0x1a0: {  	_ =	swait.ge [sflag:s10], $0x800  }
0x1a1: {  	[sflag:s10] =	ssyncset.done $0x0  }
0x1a2: {  	[sflag:s10] =	ssyncadd.s32 $0xFFFFF800  }
0x1a3: {  	_ =	swait.ge [sflag:s10], $0x800  }
0x1a4: {  	[sflag:s10] =	ssyncset.done $0x0  }
0x1a5: {  	[sflag:s10] =	ssyncadd.s32 $0xFFFFF800  }
0x1a6: {  	_ =	swait.ge [sflag:s10], $0x800  }
0x1a7: {  	[sflag:s10] =	ssyncset.done $0x0  }
0x1a8: {  	[sflag:s10] =	ssyncadd.s32 $0xFFFFF800  }
0x1a9: {  	_ =	swait.ge [sflag:s10], $0x800  }
0x1aa: {  	[sflag:s10] =	ssyncset.done $0x0  }
0x1ab: {  	[sflag:s10] =	ssyncadd.s32 $0xFFFFF800  }
.Ltmp2:
0x1ac: {  	_ =	swait.ge [sflag:s10], $0x800;
	(pc) =	sbr.rel @p1 .LBB2_6-.Ltmp2, $4  }
0x1ad: {  	[sflag:s10] =	ssyncset.done $0x0  }
0x1ae: {  	[sflag:s10] =	ssyncadd.s32 $0xFFFFF800  }
0x1af: {  	_ =	swait.ge [sflag:s10], $0x800  }
0x1b0: {  	s13 =	smov.u32 s15;
	[sflag:s10] =	ssyncset.done $0x0  }
0x1b1: {  	s13 =	sshra.s32 s24, $0x2;
	[sflag:s10] =	ssyncadd.s32 $0xFFFFF800  }
0x1b2: {  	[tilespmem:s28], [sflag:$0x1] =	stream.indirect.gather [spmem:s3], $0x10, s13, s26, $0xb8;
	[tilespmem:$0x18230] =	vst v63  }
0x1b3: {  	s14 =	sadd.s32 $0x80, s13  }
0x1b4: {  	[tilespmem:s29], [sflag:$0x1] =	stream.indirect.gather [spmem:s3], $0x10, s14, s26, $0xb8;
	[tilespmem:$0x18230] =	vst v63  }
0x1b5: {  	s24 =	sadd.s32 $0x100, s13  }
0x1b6: {  	[tilespmem:s30], [sflag:$0x1] =	stream.indirect.gather [spmem:s3], $0x10, s24, s26, $0xb8;
	[tilespmem:$0x18230] =	vst v63  }
0x1b7: {  	s15 =	sadd.s32 $0x180, s13  }
0x1b8: {  	[tilespmem:s31], [sflag:$0x1] =	stream.indirect.gather [spmem:s3], $0x10, s15, s26, $0xb8;
	[tilespmem:$0x18230] =	vst v63  }
0x1b9: {  	s24 =	sadd.s32 $0x200, s13  }
0x1ba: {  	[tilespmem:s1], [sflag:$0x1] =	stream.indirect.gather [spmem:s3], $0x10, s24, s26, $0xb8;
	[tilespmem:$0x18230] =	vst v63  }
0x1bb: {  	s15 =	sadd.s32 $0x280, s13  }
0x1bc: {  	[tilespmem:s19], [sflag:$0x1] =	stream.indirect.gather [spmem:s3], $0x10, s15, s26, $0xb8;
	[tilespmem:$0x18230] =	vst v63  }
0x1bd: {  	s24 =	sadd.s32 $0x300, s13  }
0x1be: {  	[tilespmem:s21], [sflag:$0x1] =	stream.indirect.gather [spmem:s3], $0x10, s24, s26, $0xb8;
	[tilespmem:$0x18230] =	vst v63  }
0x1bf: {  	s15 =	sadd.s32 $0x380, s13  }
0x1c0: {  	[tilespmem:s22], [sflag:$0x1] =	stream.indirect.gather [spmem:s3], $0x10, s15, s26, $0xb8;
	[tilespmem:$0x18230] =	vst v63  }
0x1c1: {  	s24 =	sadd.s32 $0x400, s13  }
0x1c2: {  	[tilespmem:s0], [sflag:$0x1] =	stream.indirect.gather [spmem:s3], $0x10, s24, s26, $0xb8;
	[tilespmem:$0x18230] =	vst v63  }
0x1c3: {  	s15 =	sadd.s32 $0x480, s13  }
0x1c4: {  	[tilespmem:s5], [sflag:$0x1] =	stream.indirect.gather [spmem:s3], $0x10, s15, s26, $0xb8;
	[tilespmem:$0x18230] =	vst v63  }
0x1c5: {  	s24 =	sadd.s32 $0x500, s13  }
0x1c6: {  	[tilespmem:s6], [sflag:$0x1] =	stream.indirect.gather [spmem:s3], $0x10, s24, s26, $0xb8;
	[tilespmem:$0x18230] =	vst v63  }
0x1c7: {  	s15 =	sadd.s32 $0x580, s13  }
0x1c8: {  	[tilespmem:s7], [sflag:$0x1] =	stream.indirect.gather [spmem:s3], $0x10, s15, s26, $0xb8;
	[tilespmem:$0x18230] =	vst v63  }
0x1c9: {  	s24 =	sadd.s32 $0x600, s13  }
0x1ca: {  	[tilespmem:s8], [sflag:$0x1] =	stream.indirect.gather [spmem:s3], $0x10, s24, s26, $0xb8;
	[tilespmem:$0x18230] =	vst v63  }
0x1cb: {  	_ =	swait.ge [sflag:s9], $0x800  }
0x1cc: {  	[sflag:s9] =	ssyncset.done $0x0  }
0x1cd: {  	s15 =	sadd.s32 $0x2710, s13;
	[sflag:s9] =	ssyncadd.s32 $0xFFFFF800  }
0x1ce: {  	[spmem:s2] =	stream.indirect.scatter.add.f32 [tilespmem:s28], [sflag:$0x2], $0x10, s15, s26, $0xb8;
	[tilespmem:$0x18230] =	vst v63  }
0x1cf: {  	_ =	swait.ge [sflag:s9], $0x800  }
0x1d0: {  	[sflag:s9] =	ssyncset.done $0x0  }
0x1d1: {  	s24 =	sadd.s32 $0x2790, s13;
	[sflag:s9] =	ssyncadd.s32 $0xFFFFF800  }
0x1d2: {  	[spmem:s2] =	stream.indirect.scatter.add.f32 [tilespmem:s29], [sflag:$0x2], $0x10, s24, s26, $0xb8;
	[tilespmem:$0x18230] =	vst v63  }
0x1d3: {  	_ =	swait.ge [sflag:s9], $0x800  }
0x1d4: {  	[sflag:s9] =	ssyncset.done $0x0  }
0x1d5: {  	s15 =	sadd.s32 $0x2810, s13;
	[sflag:s9] =	ssyncadd.s32 $0xFFFFF800  }
0x1d6: {  	[spmem:s2] =	stream.indirect.scatter.add.f32 [tilespmem:s30], [sflag:$0x2], $0x10, s15, s26, $0xb8;
	[tilespmem:$0x18230] =	vst v63  }
0x1d7: {  	_ =	swait.ge [sflag:s9], $0x800  }
0x1d8: {  	[sflag:s9] =	ssyncset.done $0x0  }
0x1d9: {  	s24 =	sadd.s32 $0x2890, s13;
	[sflag:s9] =	ssyncadd.s32 $0xFFFFF800  }
0x1da: {  	[spmem:s2] =	stream.indirect.scatter.add.f32 [tilespmem:s31], [sflag:$0x2], $0x10, s24, s26, $0xb8;
	[tilespmem:$0x18230] =	vst v63  }
0x1db: {  	_ =	swait.ge [sflag:s9], $0x800  }
0x1dc: {  	[sflag:s9] =	ssyncset.done $0x0  }
0x1dd: {  	s15 =	sadd.s32 $0x2910, s13;
	[sflag:s9] =	ssyncadd.s32 $0xFFFFF800  }
0x1de: {  	[spmem:s2] =	stream.indirect.scatter.add.f32 [tilespmem:s1], [sflag:$0x2], $0x10, s15, s26, $0xb8;
	[tilespmem:$0x18230] =	vst v63  }
0x1df: {  	_ =	swait.ge [sflag:s9], $0x800  }
0x1e0: {  	[sflag:s9] =	ssyncset.done $0x0  }
0x1e1: {  	s24 =	sadd.s32 $0x2990, s13;
	[sflag:s9] =	ssyncadd.s32 $0xFFFFF800  }
0x1e2: {  	[spmem:s2] =	stream.indirect.scatter.add.f32 [tilespmem:s19], [sflag:$0x2], $0x10, s24, s26, $0xb8;
	[tilespmem:$0x18230] =	vst v63  }
0x1e3: {  	_ =	swait.ge [sflag:s9], $0x800  }
0x1e4: {  	[sflag:s9] =	ssyncset.done $0x0  }
0x1e5: {  	s15 =	sadd.s32 $0x2A10, s13;
	[sflag:s9] =	ssyncadd.s32 $0xFFFFF800  }
0x1e6: {  	[spmem:s2] =	stream.indirect.scatter.add.f32 [tilespmem:s21], [sflag:$0x2], $0x10, s15, s26, $0xb8;
	[tilespmem:$0x18230] =	vst v63  }
0x1e7: {  	_ =	swait.ge [sflag:s9], $0x800  }
0x1e8: {  	[sflag:s9] =	ssyncset.done $0x0  }
0x1e9: {  	s24 =	sadd.s32 $0x2A90, s13;
	[sflag:s9] =	ssyncadd.s32 $0xFFFFF800  }
0x1ea: {  	[spmem:s2] =	stream.indirect.scatter.add.f32 [tilespmem:s22], [sflag:$0x2], $0x10, s24, s26, $0xb8;
	[tilespmem:$0x18230] =	vst v63  }
0x1eb: {  	_ =	swait.ge [sflag:s9], $0x800  }
0x1ec: {  	[sflag:s9] =	ssyncset.done $0x0  }
0x1ed: {  	s15 =	sadd.s32 $0x2B10, s13;
	[sflag:s9] =	ssyncadd.s32 $0xFFFFF800  }
0x1ee: {  	[spmem:s2] =	stream.indirect.scatter.add.f32 [tilespmem:s0], [sflag:$0x2], $0x10, s15, s26, $0xb8;
	[tilespmem:$0x18230] =	vst v63  }
0x1ef: {  	_ =	swait.ge [sflag:s9], $0x800  }
0x1f0: {  	[sflag:s9] =	ssyncset.done $0x0  }
0x1f1: {  	s24 =	sadd.s32 $0x2B90, s13;
	[sflag:s9] =	ssyncadd.s32 $0xFFFFF800  }
0x1f2: {  	[spmem:s2] =	stream.indirect.scatter.add.f32 [tilespmem:s5], [sflag:$0x2], $0x10, s24, s26, $0xb8;
	[tilespmem:$0x18230] =	vst v63  }
0x1f3: {  	_ =	swait.ge [sflag:s9], $0x800  }
0x1f4: {  	[sflag:s9] =	ssyncset.done $0x0  }
0x1f5: {  	s15 =	sadd.s32 $0x2C10, s13;
	[sflag:s9] =	ssyncadd.s32 $0xFFFFF800  }
0x1f6: {  	[spmem:s2] =	stream.indirect.scatter.add.f32 [tilespmem:s6], [sflag:$0x2], $0x10, s15, s26, $0xb8;
	[tilespmem:$0x18230] =	vst v63  }
0x1f7: {  	_ =	swait.ge [sflag:s9], $0x800  }
0x1f8: {  	[sflag:s9] =	ssyncset.done $0x0  }
0x1f9: {  	s24 =	sadd.s32 $0x2C90, s13;
	[sflag:s9] =	ssyncadd.s32 $0xFFFFF800  }
0x1fa: {  	[spmem:s2] =	stream.indirect.scatter.add.f32 [tilespmem:s7], [sflag:$0x2], $0x10, s24, s26, $0xb8;
	[tilespmem:$0x18230] =	vst v63  }
0x1fb: {  	_ =	swait.ge [sflag:s9], $0x800  }
0x1fc: {  	[sflag:s9] =	ssyncset.done $0x0  }
0x1fd: {  	s13 =	sadd.s32 $0x2D10, s13;
	[sflag:s9] =	ssyncadd.s32 $0xFFFFF800  }
0x1fe: {  	[spmem:s2] =	stream.indirect.scatter.add.f32 [tilespmem:s8], [sflag:$0x2], $0x10, s13, s26, $0xb8;
	[tilespmem:$0x18230] =	vst v63  }
0x1ff: {  	_ =	swait.ge [sflag:s10], $0x800  }
0x200: {  	[sflag:s10] =	ssyncset.done $0x0  }
0x201: {  	[sflag:s10] =	ssyncadd.s32 $0xFFFFF800  }
0x202: {  	_ =	swait.ge [sflag:s10], $0x800  }
0x203: {  	[sflag:s10] =	ssyncset.done $0x0  }
0x204: {  	[sflag:s10] =	ssyncadd.s32 $0xFFFFF800  }
0x205: {  	_ =	swait.ge [sflag:s10], $0x800  }
0x206: {  	[sflag:s10] =	ssyncset.done $0x0  }
0x207: {  	[sflag:s10] =	ssyncadd.s32 $0xFFFFF800  }
0x208: {  	_ =	swait.ge [sflag:s10], $0x800  }
0x209: {  	[sflag:s10] =	ssyncset.done $0x0  }
0x20a: {  	[sflag:s10] =	ssyncadd.s32 $0xFFFFF800  }
0x20b: {  	_ =	swait.ge [sflag:s10], $0x800  }
0x20c: {  	[sflag:s10] =	ssyncset.done $0x0  }
0x20d: {  	[sflag:s10] =	ssyncadd.s32 $0xFFFFF800  }
0x20e: {  	_ =	swait.ge [sflag:s10], $0x800  }
0x20f: {  	[sflag:s10] =	ssyncset.done $0x0  }
0x210: {  	[sflag:s10] =	ssyncadd.s32 $0xFFFFF800  }
0x211: {  	_ =	swait.ge [sflag:s10], $0x800  }
0x212: {  	[sflag:s10] =	ssyncset.done $0x0  }
0x213: {  	[sflag:s10] =	ssyncadd.s32 $0xFFFFF800  }
0x214: {  	_ =	swait.ge [sflag:s10], $0x800  }
0x215: {  	[sflag:s10] =	ssyncset.done $0x0  }
0x216: {  	[sflag:s10] =	ssyncadd.s32 $0xFFFFF800  }
0x217: {  	_ =	swait.ge [sflag:s10], $0x800  }
0x218: {  	[sflag:s10] =	ssyncset.done $0x0  }
0x219: {  	[sflag:s10] =	ssyncadd.s32 $0xFFFFF800  }
0x21a: {  	_ =	swait.ge [sflag:s10], $0x800  }
0x21b: {  	[sflag:s10] =	ssyncset.done $0x0  }
0x21c: {  	[sflag:s10] =	ssyncadd.s32 $0xFFFFF800  }
0x21d: {  	_ =	swait.ge [sflag:s10], $0x800  }
0x21e: {  	[sflag:s10] =	ssyncset.done $0x0  }
0x21f: {  	[sflag:s10] =	ssyncadd.s32 $0xFFFFF800  }
0x220: {  	_ =	swait.ge [sflag:s10], $0x800  }
0x221: {  	[sflag:s10] =	ssyncset.done $0x0  }
0x222: {  	[sflag:s10] =	ssyncadd.s32 $0xFFFFF800  }
0x223: {  	_ =	swait.ge [sflag:s10], $0x800  }
0x224: {  	[sflag:s10] =	ssyncset.done $0x0  }
0x225: {  	s15 =	simm.s32 $0x2700;
	[sflag:s10] =	ssyncadd.s32 $0xFFFFF800  }
0x226: {  	[tilespmem:s28], [sflag:$0x1] =	stream.indirect.gather [spmem:s3], $0x10, s15, s23, $0xb8;
	[tilespmem:$0x18230] =	vst v63  }
0x227: {  	_ =	swait.ge [sflag:s9], $0x100  }
0x228: {  	[sflag:s9] =	ssyncset.done $0x0  }
0x229: {  	s24 =	simm.s32 $0x4E10;
	[sflag:s9] =	ssyncadd.s32 $0xFFFFFF00  }
0x22a: {  	[spmem:s2] =	stream.indirect.scatter.add.f32 [tilespmem:s28], [sflag:$0x2], $0x10, s24, s23, $0xb8;
	[tilespmem:$0x18230] =	vst v63  }
0x22b: {  	_ =	swait.ge [sflag:s10], $0x100  }
0x22c: {  	s11 =	sadd.s32 $0x1, s11;
	[sflag:s10] =	ssyncset.done $0x0  }
0x22d: {  	p1 =	sne.s32 s11, s17;
	[sflag:s10] =	ssyncadd.s32 $0xFFFFFF00  }
.Ltmp3:
0x22e: {  	[bflag:$0x0] =	sbarrier.arrive $0xFFFF;
	(pc) =	sbr.rel @p1 .LBB2_1-.Ltmp3, $4  }
0x22f: {  	[hbm:s16], [sflag:s12] =	dma.local [spmem:s25], $0x4E2  }
0x230: {  	_ =	swait.ge [sflag:s18], $0x4E2  }
0x231: {  	[sflag:s18] =	ssyncset.done $0x0  }
0x232: {  	[sflag:s18] =	ssyncadd.s32 $0xFFFFFB1E  }
0x233: {  	_ =	sfence.sel $0x180000  }
0x234: {  	[bflag:$0x0] =	sbarrier.arrive $0xFFFF  }
0x235: {  	_ =	strace $0x9000004A  }
0x236: {  	s0 =	stileid.u32;
	[bflag:$0x2] =	sbarrier.arrive $0xFFFF  }
0x237: {  	p0 =	sne.s32 s0, $0x0;
	s0 =	rddreg [dreg:$0x5]  }
0x238: {  	s0 =	sadd.s32 @!p0 $0x100000, s0  }
0x239: {  	[sflag:s0] =	ssyncadd.tile.s32 @!p0 $0x1;
	_ =	shalt  }
.Lfunc_end2:
_tile_overlayer_lowered:
.L_overlay_start_2:
0x23a: {  	(tag) =	ssettag $0x2  }
0x23b: {  	s0 =	rddreg [dreg:$0x0];
	s2 =	stileid.u32  }
0x23c: {  	s1 =	rddreg [dreg:$0x1];
	p0 =	sne.s32 s2, $0x0  }
0x23d: {  	s3 =	rddreg [dreg:$0x2];
	[bflag:$0x3] =	sbarrier.arrive $0xFFFF;
	s2 =	simm.s32 @!p0 $0x1C03  }
0x23e: {  	[timem:s3], [sflag:s2] =	dma.local @!p0 [hbm:s0], s1  }
0x23f: {  	s0 =	simm.s32 @!p0 $0x3  }
0x240: {  	_ =	swait.ge @!p0 [sflag:s0], s1  }
0x241: {  	s1 =	ssub.s32 @!p0 $0x0, s1;
	[sflag:s0] =	ssyncset.done @!p0 $0x0  }
0x242: {  	[sflag:s0] =	ssyncadd.s32 @!p0 s1  }
0x243: {  	[bflag:$0x3] =	sbarrier.arrive $0xFFFF  }
0x244: {  	_ =	shalt  }

// kernel: kernel.13.cloned.1.call-start
scs
__scs_entry_jumppad:
0x0: {  	(pc) =	sbr.rel $0x88, $3  }
0x1: {  	(tag) =	ssettag $0x0;
	lr =	simm.s32 $0x1  }
0x2: {  	[smem:$0x3F9B] =	sst lr;
	_ =	strace $0xD0000000  }
0x3: {  	_ = 	snop  }
0x4: {  	_ = 	snop  }
0x5: {  	_ = 	snop  }
0x6: {  	_ = 	snop  }
0x7: {  	_ = 	snop  }
__scs_overlays_trampoline_lowered:
0x8: {  	[smem:$0x3FAA] =	sst s0  }
0x9: {  	[smem:$0x3FAB] =	sst s1  }
0xa: {  	[smem:$0x3FAC] =	sst s2  }
0xb: {  	[smem:$0x3FAD] =	sst s3  }
0xc: {  	[smem:$0x3FAE] =	sst s4  }
0xd: {  	[smem:$0x3FAF] =	sst s5  }
0xe: {  	[smem:$0x3FB0] =	sst s6  }
0xf: {  	[smem:$0x3FB1] =	sst s7  }
0x10: {  	[smem:$0x3FB2] =	sst s8  }
0x11: {  	[smem:$0x3FB3] =	sst s9;
	s0 =	simm.s32 @!p0 $0x0  }
0x12: {  	s1 =	sld [smem:$0x3F99];
	s0 =	simm.s32 @p0 $0x1  }
0x13: {  	[smem:$0x3FB4] =	sst s0;
	s0 =	simm.s32 @!p1 $0x0  }
0x14: {  	s2 =	sld [smem:$0x3F98];
	s0 =	simm.s32 @p1 $0x1  }
0x15: {  	[smem:$0x3FB5] =	sst s0;
	s0 =	simm.s32 @!p2 $0x0  }
0x16: {  	s3 =	sld [smem:$0x3FDB];
	s0 =	simm.s32 @p2 $0x1  }
0x17: {  	s4 =	simm.s32 $0x1BF5;
	[smem:$0x3FB7] =	sst s0  }
0x18: {  	s0 =	sld [smem:$0x3F9A];
	_ =	swait.ge [sflag:s4], $0x0  }
0x19: {  	s7 =	sld [smem:$0x3F9B]  }
0x1a: {  	s8 =	sadd.s32 $0xFFFFE003, lr  }
0x1b: {  	s9 =	sadd.s32 $0xFFFFFEF7, lr;
	s5 =	simm.s32 $0xFFFFFFFF;
	p2 =	slt.u32 s8, $0xFFFFF086  }
0x1c: {  	p1 =	slt.u32 s9, $0xF7A;
	s5 =	simm.s32 @!p2 $0x0  }
0x1d: {  	s5 =	simm.s32 @p1 $0x1;
	p0 =	seq.s32 s7, s2  }
0x1e: {  	s7 =	smul.u32 @!p0 $0xF7A, s2;
	p2 =	seq.s32 @!p0 s5, $0x0  }
0x1f: {  	s9 =	smul.u32 $0xF7A, s1;
	s8 =	simm.s32 @!p0 $0x1BF5;
	p2 =	por !p2, p0  }
0x20: {  	[sflag:s8] =	ssyncset.s32 @!p0 $0xFFFFF086;
	s6 =	sadd.s32 @!p0 s3, s7;
	s7 =	simm.s32 @!p0 $0x108  }
0x21: {  	s3 =	sadd.s32 s3, s9;
	s6 =	sadd.s32 @!p0 $0x88, s6;
	s7 =	simm.s32 @p2 $0x1082  }
0x22: {  	[simem:s7], [sflag:s8] =	dma.local @!p0 [hbm:s6], $0xF7A  }
0x23: {  	s9 =	sor.u32 $0xD0000000, s2;
	s6 =	simm.s32 $0x108;
	_ =	swait.ge @!p0 [sflag:s8], $0x0  }
0x24: {  	s3 =	sadd.s32 $0x88, s3;
	s6 =	simm.s32 @!p1 $0x1082;
	[sflag:s4] =	ssyncset.s32 $0xFFFFF086  }
0x25: {  	[simem:s6], [sflag:s4] =	dma.local [hbm:s3], $0xF7A  }
0x26: {  	[smem:$0x3F9B] =	sst s1;
	(tag) =	ssettag s2;
	_ =	strace s9  }
0x27: {  	s1 =	sld [smem:$0x3FAB]  }
0x28: {  	s2 =	sld [smem:$0x3FAC]  }
0x29: {  	s4 =	sld [smem:$0x3FAE]  }
0x2a: {  	p0 =	seq.s32 s5, $0x0;
	s5 =	sld [smem:$0x3FAF]  }
0x2b: {  	s6 =	sld [smem:$0x3FB0]  }
0x2c: {  	s7 =	sld [smem:$0x3FB1]  }
0x2d: {  	s3 =	simm.s32 $0x108;
	s8 =	sld [smem:$0x3FB2]  }
0x2e: {  	s3 =	simm.s32 @!p0 $0x1082;
	s9 =	sld [smem:$0x3FB3]  }
0x2f: {  	lr =	sadd.s32 s0, s3;
	s0 =	sld [smem:$0x3FAA]  }
0x30: {  	s3 =	sld [smem:$0x3FAD]  }
0x31: {  	[smem:$0x3FB6] =	sst s10  }
0x32: {  	s10 =	sld [smem:$0x3FB4];
	_ =	sdelay $0x3  }
0x33: {  	p0 =	seq.s32 s10, $0x1;
	s10 =	sld [smem:$0x3FB6];
	_ =	sdelay $0x3  }
0x34: {  	[smem:$0x3FB6] =	sst s10  }
0x35: {  	s10 =	sld [smem:$0x3FB5];
	_ =	sdelay $0x3  }
0x36: {  	p1 =	seq.s32 s10, $0x1;
	s10 =	sld [smem:$0x3FB6];
	_ =	sdelay $0x3  }
0x37: {  	[smem:$0x3FB6] =	sst s10  }
0x38: {  	s10 =	sld [smem:$0x3FB7]  }
0x39: {  	_ = 	snop;
	(pc) =	sbr.ind lr, $3  }
0x3a: {  	_ = 	snop  }
0x3b: {  	_ = 	snop  }
0x3c: {  	p2 =	seq.s32 s10, $0x1;
	s10 =	sld [smem:$0x3FB6]  }
0x3d: {  	_ =	shalt  }
0x3e: {  	_ =	shalt  }
0x3f: {  	_ =	shalt  }
0x40: {  	_ =	shalt  }
0x41: {  	_ =	shalt  }
0x42: {  	_ =	shalt  }
0x43: {  	_ =	shalt  }
0x44: {  	_ =	shalt  }
0x45: {  	_ =	shalt  }
0x46: {  	_ =	shalt  }
0x47: {  	_ =	shalt  }
0x48: {  	_ =	shalt  }
0x49: {  	_ =	shalt  }
0x4a: {  	_ =	shalt  }
0x4b: {  	_ =	shalt  }
0x4c: {  	_ =	shalt  }
0x4d: {  	_ =	shalt  }
0x4e: {  	_ =	shalt  }
0x4f: {  	_ =	shalt  }
0x50: {  	_ =	shalt  }
0x51: {  	_ =	shalt  }
0x52: {  	_ =	shalt  }
0x53: {  	_ =	shalt  }
0x54: {  	_ =	shalt  }
0x55: {  	_ =	shalt  }
0x56: {  	_ =	shalt  }
0x57: {  	_ =	shalt  }
0x58: {  	_ =	shalt  }
0x59: {  	_ =	shalt  }
0x5a: {  	_ =	shalt  }
0x5b: {  	_ =	shalt  }
0x5c: {  	_ =	shalt  }
0x5d: {  	_ =	shalt  }
0x5e: {  	_ =	shalt  }
0x5f: {  	_ =	shalt  }
0x60: {  	_ =	shalt  }
0x61: {  	_ =	shalt  }
0x62: {  	_ =	shalt  }
0x63: {  	_ =	shalt  }
0x64: {  	_ =	shalt  }
0x65: {  	_ =	shalt  }
0x66: {  	_ =	shalt  }
0x67: {  	_ =	shalt  }
0x68: {  	_ =	shalt  }
0x69: {  	_ =	shalt  }
0x6a: {  	_ =	shalt  }
0x6b: {  	_ =	shalt  }
0x6c: {  	_ =	shalt  }
0x6d: {  	_ =	shalt  }
0x6e: {  	_ =	shalt  }
0x6f: {  	_ =	shalt  }
0x70: {  	_ =	shalt  }
0x71: {  	_ =	shalt  }
0x72: {  	_ =	shalt  }
0x73: {  	_ =	shalt  }
0x74: {  	_ =	shalt  }
0x75: {  	_ =	shalt  }
0x76: {  	_ =	shalt  }
0x77: {  	_ =	shalt  }
0x78: {  	_ =	shalt  }
0x79: {  	_ =	shalt  }
0x7a: {  	_ =	shalt  }
0x7b: {  	_ =	shalt  }
0x7c: {  	_ =	shalt  }
0x7d: {  	_ =	shalt  }
0x7e: {  	_ =	shalt  }
0x7f: {  	_ =	shalt  }
0x80: {  	_ =	shalt  }
0x81: {  	_ =	shalt  }
0x82: {  	_ =	shalt  }
0x83: {  	_ =	shalt  }
0x84: {  	_ =	shalt  }
0x85: {  	_ =	shalt  }
0x86: {  	_ =	shalt  }
0x87: {  	_ =	shalt  }
.Lfunc_end0:
.L_simem_size_0:
called_computation.2_lowered:
.L_overlay_start_0:
0x88: {  	s2 =	sld [smem:$0x3FD9]  }
0x89: {  	s3 =	sld [smem:$0x3FFE];
	_ =	sdelay $0x1  }
0x8a: {  	s1 =	srdreg.scid  }
0x8b: {  	s0 =	sand.u32 $0x1, s1  }
0x8c: {  	s17 =	sshll.u32 s0, $0xA;
	s2 =	sadd.s32 s3, s2  }
0x8d: {  	s2 =	sadd.s32 s2, s17  }
0x8e: {  	[smem:$0x3FC2] =	sst s2  }
0x8f: {  	_ = 	snop  }
0x90: {  	s2 =	sld [smem:$0x3FC6]  }
0x91: {  	s18 =	sld [smem:$0x3FD0];
	(tm) =	ssettm $0x1  }
0x92: {  	s4 =	sld [smem:$0x3FFB];
	_ =	sdelay $0x3  }
0x93: {  	_ =	strace s4  }
0x94: {  	s4 =	sld [smem:$0x3FFC];
	_ =	sdelay $0x3  }
0x95: {  	_ =	strace s4  }
0x96: {  	s4 =	sld [smem:$0x3FFD];
	_ =	sdelay $0x3  }
0x97: {  	_ =	strace s4  }
0x98: {  	_ =	strace $0x8FFFFFFF  }
0x99: {  	s19 =	sld [smem:$0x3FDB];
	_ =	sdelay $0x1  }
0x9a: {  	s5 =	simm.s32 $_scs_section_size  }
0x9b: {  	s6 =	simm.s32 $_size__tile_overlayer_lowered;
	s7 =	simm.s32 $_tile_overlayer_lowered  }
0x9c: {  	s22 =	simm.s32 $0x1BFF;
	s21 =	sshll.u32 s7, $0x1;
	s4 =	sadd.s32 s5, s19  }
0x9d: {  	s8 =	simm.s32 $0x0;
	s20 =	sshll.u32 s6, $0x1;
	s6 =	sadd.s32 s21, s4  }
0x9e: {  	[timem:s8], [sflag:s22] =	dma.local [hbm:s6], s20  }
0x9f: {  	_ =	swait.ge [sflag:s22], s20  }
0xa0: {  	s5 =	ssub.s32 $0x0, s20;
	[sflag:s22] =	ssyncset.done $0x0  }
0xa1: {  	[sflag:s22] =	ssyncadd.s32 s5;
	_ =	sdelay $0x1  }
0xa2: {  	s23 =	simm.s32 $0x1B8B  }
0xa3: {  	_ =	swait.ge [sflag:s23], $0x1  }
0xa4: {  	[sflag:s23] =	ssyncset.done $0x0  }
0xa5: {  	s25 =	simm.s32 $0x1B8E;
	s24 =	sld [smem:$0x3FFE];
	[sflag:s23] =	ssyncadd.s32 $0xFFFFFFFF  }
0xa6: {  	s26 =	simm.s32 $execute0_lowered;
	[smem:$0x3FD2] =	sst s25  }
0xa7: {  	s6 =	sshll.u32 s26, $0x1;
	_ =	strace $0x8000004C;
	[dreg:$0x1] =	wrdreg $0xFFFFFFFF  }
0xa8: {  	s28 =	simm.s32 $_size_execute0_lowered;
	s4 =	sadd.s32 s4, s6;
	[dreg:$0x0] =	wrdreg $0x0  }
0xa9: {  	s6 =	sshll.u32 s28, $0x1;
	[dreg:$0x2] =	wrdreg s4  }
0xaa: {  	[dreg:$0x3] =	wrdreg s6  }
0xab: {  	[dreg:$0x4] =	wrdreg $0xC0  }
0xac: {  	_ =	task [dreg:s8], $0x5FFFF  }
0xad: {  	[dreg:$0x1] =	wrdreg $0xFFFFFFFF  }
0xae: {  	[dreg:$0x0] =	wrdreg $0x60  }
0xaf: {  	[dreg:$0x2] =	wrdreg s24  }
0xb0: {  	[dreg:$0x3] =	wrdreg s2  }
0xb1: {  	[dreg:$0x4] =	wrdreg s18  }
0xb2: {  	[dreg:$0x5] =	wrdreg $0x17A700  }
0xb3: {  	[dreg:$0x6] =	wrdreg $0x152700  }
0xb4: {  	[dreg:$0x7] =	wrdreg $0x9  }
0xb5: {  	_ =	task.clear_ibuf [dreg:s8], $0x8FFFF;
	_ =	strace $0x9000004C  }
0xb6: {  	s29 =	simm.s32 $0x9;
	_ =	strace $0x8000004E  }
0xb7: {  	_ =	swait.ge [sflag:s29], $0x1  }
0xb8: {  	[sflag:s29] =	ssyncadd.s32 $0xFFFFFFFF  }
0xb9: {  	_ =	strace $0x9000004E  }
0xba: {  	_ =	sfence  }
0xbb: {  	s30 =	sld [smem:$0x0];
	_ =	sdelay $0x2  }
0xbc: {  	s31 =	sshll.u32 s1, $0xD;
	s1 =	sshrl.u32 s1, $0x2  }
0xbd: {  	s3 =	sand.u32 $0x4000, s31;
	s1 =	sadd.s32 s1, s30  }
0xbe: {  	s0 =	sor.u32 s3, s0;
	s1 =	sshll.u32 s1, $0x11  }
0xbf: {  	s0 =	sor.u32 s1, s0  }
0xc0: {  	s0 =	sadd.s32 $0x8F2B, s0  }
0xc1: {  	[sflag:s0] =	ssyncadd.remote.s32 $0x1  }
0xc2: {  	_ =	sfence.sel $0xFFFF  }
0xc3: {  	[dreg:$0x0] =	wrdreg $0xFFFFFFFF;
	(pc) =	sbr.abs _section_cstart, $3  }
0xc4: {  	[dreg:$0x1] =	wrdreg $0xFFFFFFFF  }
0xc5: {  	_ =	task.clear_ibuf [dreg:s8], $0x2FFFF;
	_ =	strace $0x9FFFFFFF  }
0xc6: {  	(tm) =	ssettm $0x7FFFFFFF  }
0xc7: {  	_ =	shalt  }
tec
execute0_lowered:
.L_overlay_start_1:
0x0: {  	(tag) =	ssettag $0x1  }
0x1: {  	s0 =	rddreg [dreg:$0x0];
	s1 =	srdreg.scid  }
0x2: {  	s2 =	rddreg [dreg:$0x2];
	s12 =	stileid.u32  }
0x3: {  	s3 =	rddreg [dreg:$0x3];
	s28 =	simm.s32 $0x80;
	s29 =	simm.s32 $0x4E20  }
0x4: {  	s30 =	simm.s32 $0x5620;
	s31 =	simm.s32 $0x5E20;
	s7 =	smul.u32 $0x2710, s12  }
0x5: {  	s1 =	sand.u32 $0x1, s1;
	s11 =	smul.u32 $0xA000, s12;
	s13 =	sadd.s32 $0x16E00, s0  }
0x6: {  	s26 =	sshll.u32 s12, $0x6;
	s4 =	sshll.u32 s1, $0x4;
	s8 =	ssub.s32 $0x2, s1  }
0x7: {  	s17 =	smul.u32 $0x27100, s1;
	p0 =	sne.s32 s1, $0x0;
	s1 =	simm.s32 $0x7620  }
0x8: {  	s5 =	sor.u32 s12, s4;
	s4 =	rddreg [dreg:$0x4];
	s9 =	sshrl.u32 s7, $0x3  }
0x9: {  	s10 =	sshrl.u32 s8, $0x1;
	s16 =	sshrl.u32 s11, $0x2;
	s25 =	sadd.s32 s7, s3  }
0xa: {  	s11 =	simm.s32 $0x0;
	s6 =	smul.u32 $0x2710, s5;
	s5 =	simm.s32 $0x0  }
0xb: {  	s8 =	ssub.s32 s8, s10;
	s18 =	sadd.s32 s16, s3;
	s22 =	sadd.s32 s7, s17  }
0xc: {  	s24 =	sadd.s32 s7, s4;
	s17 =	simm.s32 $0x3;
	s25 =	sshrl.u32 s25, $0x3  }
0xd: {  	s7 =	simm.s32 $0xAE20;
	[smem:$0x7FF] =	sst s5;
	s6 =	sshrl.u32 s6, $0x3  }
0xe: {  	_ =	strace $0x8000004D;
	[dreg:$0x6] =	wrdreg s13;
	s6 =	sadd.s32 s6, s0  }
0xf: {  	s10 =	simm.s32 $0x10;
	[dreg:$0xd] =	wrdreg s24;
	s15 =	sadd.s32 $0x2600, s6  }
0x10: {  	s0 =	sadd.s32 s9, s0;
	s6 =	sadd.s32 $0xC240, s6;
	[dreg:$0x7] =	wrdreg s15  }
0x11: {  	s16 =	smax.u32 s8, $0x1;
	s19 =	sadd.s32 $0x26200, s0;
	[dreg:$0x8] =	wrdreg s6  }
0x12: {  	s8 =	simm.s32 $0x1;
	s20 =	sadd.s32 $0x17400, s0;
	[dreg:$0x9] =	wrdreg s19  }
0x13: {  	s24 =	simm.s32 $0x9620;
	s21 =	sadd.s32 $0x1C220, s0;
	[dreg:$0xa] =	wrdreg s20  }
0x14: {  	s9 =	sshrl.u32 s22, $0x3;
	s23 =	sadd.s32 $0x21200, s0;
	[dreg:$0xb] =	wrdreg s21  }
0x15: {  	s22 =	simm.s32 $0x8E20;
	s0 =	sadd.s32 $0x2B200, s0;
	[dreg:$0xc] =	wrdreg s23  }
0x16: {  	[dreg:$0xe] =	wrdreg s0;
	s15 =	sadd.s32 s2, s9;
	s20 =	sor.u32 $0x1C03, s26  }
0x17: {  	s21 =	sshrl.u32 s18, $0x3;
	s23 =	simm.s32 $0xDD40;
	s2 =	simm.s32 $0x6620  }
0x18: {  	s0 =	simm.s32 $0x6E20;
	s18 =	simm.s32 $0x7E20;
	s19 =	simm.s32 $0x8620  }
0x19: {  	s26 =	simm.s32 $0x9E20;
	s6 =	simm.s32 $0xA620;
	s9 =	simm.s32 $0x2  }
.LBB2_1:
0x1a: {  	s12 =	rddreg [dreg:$0x7]  }
0x1b: {  	[tilespmem:s5], [sflag:$0x3] =	stream.linear.gather [hbm4b:s12+s5], $0x2710, $0x38;
	[tilespmem:$0x1A270] =	vst v63  }
0x1c: {  	_ =	swait.ge [sflag:s17], $0x2710  }
0x1d: {  	[sflag:s17] =	ssyncset.done $0x0  }
0x1e: {  	s13 =	simm.s32 $0x2710;
	s14 =	rddreg [dreg:$0x8];
	[sflag:s17] =	ssyncadd.s32 $0xFFFFD8F0  }
0x1f: {  	[tilespmem:s13], [sflag:$0x3] =	stream.linear.gather [hbm4b:s14+s5], $0x2710, $0x38;
	[tilespmem:$0x1A270] =	vst v63  }
0x20: {  	_ =	swait.ge [sflag:s17], $0x2710  }
0x21: {  	[sflag:s17] =	ssyncset.done $0x0  }
0x22: {  	[sflag:s17] =	ssyncadd.s32 $0xFFFFD8F0  }
0x23: {  	s14 =	simm.s32 $0xB620;
	s13 =	rddreg [dreg:$0x1]  }
0x24: {  	[tilespmem:s14], [sflag:$0x3] =	stream.linear.gather [hbm4b:s13+s5], $0x10, $0x38;
	[tilespmem:$0x1A270] =	vst v63  }
0x25: {  	_ =	swait.ge [sflag:s17], $0x10  }
0x26: {  	[sflag:s17] =	ssyncset.done $0x0  }
0x27: {  	s14 =	rddreg [dreg:$0x6];
	[sflag:s17] =	ssyncadd.s32 $0xFFFFFFF0  }
0x28: {  	[spmem:s21], [sflag:s20] =	dma.local [hbm:s14], $0x500  }
0x29: {  	_ =	swait.ge [sflag:s17], $0x500  }
0x2a: {  	[sflag:s17] =	ssyncset.done $0x0  }
0x2b: {  	s14 =	simm.s32 $0xB630;
	s13 =	rddreg [dreg:$0x9];
	[sflag:s17] =	ssyncadd.s32 $0xFFFFFB00  }
0x2c: {  	[tilespmem:s14], [sflag:$0x3] =	stream.linear.gather [hbm4b:s13+s5], $0x2710, $0x38;
	[tilespmem:$0x1A270] =	vst v63  }
0x2d: {  	_ =	swait.ge [sflag:s17], $0x2710  }
0x2e: {  	[sflag:s17] =	ssyncset.done $0x0  }
0x2f: {  	s14 =	rddreg [dreg:$0xa];
	[sflag:s17] =	ssyncadd.s32 $0xFFFFD8F0  }
0x30: {  	[tilespmem:s23], [sflag:$0x3] =	stream.linear.gather [hbm4b:s14+s5], $0x2710, $0x38;
	[tilespmem:$0x1A270] =	vst v63  }
0x31: {  	_ =	swait.ge [sflag:s17], $0x2710  }
0x32: {  	[sflag:s17] =	ssyncset.done $0x0  }
0x33: {  	s14 =	simm.s32 $0x10450;
	s13 =	rddreg [dreg:$0xb];
	[sflag:s17] =	ssyncadd.s32 $0xFFFFD8F0  }
0x34: {  	[tilespmem:s14], [sflag:$0x3] =	stream.linear.gather [hbm4b:s13+s5], $0x2710, $0x38;
	[tilespmem:$0x1A270] =	vst v63  }
0x35: {  	_ =	swait.ge [sflag:s17], $0x2710  }
0x36: {  	[sflag:s17] =	ssyncset.done $0x0  }
0x37: {  	s14 =	simm.s32 $0x12B60;
	s13 =	rddreg [dreg:$0xc];
	[sflag:s17] =	ssyncadd.s32 $0xFFFFD8F0  }
0x38: {  	[tilespmem:s14], [sflag:$0x3] =	stream.linear.gather [hbm4b:s13+s5], $0x2710, $0x38;
	[tilespmem:$0x1A270] =	vst v63  }
0x39: {  	_ =	swait.ge [sflag:s17], $0x2710  }
0x3a: {  	[sflag:s17] =	ssyncset.done $0x0  }
0x3b: {  	[sflag:s17] =	ssyncadd.s32 $0xFFFFD8F0  }
0x3c: {  	s12 =	simm.s32 $0x0;
	v0 =	vld [tilespmem:$0xB620]  }
0x3d: {  	v3 =	vld [tilespmem:s12+$0xB630]  }
0x3e: {  	v2 =	vld [tilespmem:s12+$0xB640]  }
0x3f: {  	v1 =	vld [tilespmem:s12+$0xB650]  }
0x40: {  	v6 =	vld [tilespmem:s12+$0x12B60]  }
0x41: {  	v5 =	vld [tilespmem:s12+$0x12B70]  }
0x42: {  	v4 =	vld [tilespmem:s12+$0x12B80]  }
0x43: {  	v8 =	vld [tilespmem:s12+$0x10450]  }
0x44: {  	v10 =	vld [tilespmem:s12+$0x10460]  }
0x45: {  	v11 =	vld [tilespmem:s12+$0x10470]  }
0x46: {  	v9 =	vld [tilespmem:s12+$0x10480]  }
0x47: {  	v7 =	vld [tilespmem:s12+$0x10490]  }
0x48: {  	v14 =	vld [tilespmem:s12+$0xDD40]  }
0x49: {  	v15 =	vld [tilespmem:s12+$0xDD50]  }
0x4a: {  	v13 =	vld [tilespmem:s12+$0xDD60]  }
0x4b: {  	s13 =	simm.s32 $0x140;
	v12 =	vld [tilespmem:s12+$0xDD70]  }
.LBB2_2:
0x4c: {  	p1 =	sne.s32 s13, $0x9B00;
	v16 =	vld [tilespmem:s12+$0xDD80]  }
0x4d: {  	v8 =	vadd.f32 v8, v14;
	v14 =	vld [tilespmem:s12+$0x12B90]  }
0x4e: {  	v10 =	vadd.f32 v10, v15;
	v15 =	vld [tilespmem:s12+$0x12BA0]  }
0x4f: {  	v6 =	vadd.f32 v6, v8;
	v8 =	vadd.f32 v11, v13;
	v13 =	vld [tilespmem:s12+$0xB660]  }
0x50: {  	s14 =	sshra.s32 s13, $0x2;
	v5 =	vadd.f32 v5, v10;
	v9 =	vadd.f32 v9, v12;
	v12 =	vld [tilespmem:s12+$0xB670]  }
0x51: {  	v10 =	vld [tilespmem:s14+$0xB630];
	v6 =	vmul.f32 v6, v3;
	v4 =	vadd.f32 v4, v8;
	v7 =	vadd.f32 v7, v16  }
0x52: {  	v11 =	vld [tilespmem:s14+$0xB640];
	v5 =	vmul.f32 v5, v2;
	v8 =	vadd.f32 v14, v9  }
0x53: {  	v9 =	vld [tilespmem:s14+$0xB650];
	v14 =	vadd.f32 v6, v0;
	v4 =	vmul.f32 v4, v1;
	v7 =	vadd.f32 v15, v7  }
0x54: {  	v6 =	vld [tilespmem:s14+$0x12B60];
	v15 =	vadd.f32 v5, v0;
	v8 =	vmul.f32 v8, v13  }
0x55: {  	v5 =	vld [tilespmem:s14+$0x12B70];
	v14 =	vmax.f32 v14, $0.0e+00;
	v16 =	vadd.f32 v4, v0;
	v7 =	vmul.f32 v7, v12  }
0x56: {  	v4 =	vld [tilespmem:s14+$0x12B80];
	v14 =	vmul.f32 v14, v3;
	v15 =	vmax.f32 v15, $0.0e+00;
	v17 =	vadd.f32 v8, v0;
	v3 =	vmovc v10  }
0x57: {  	v8 =	vld [tilespmem:s14+$0x10450];
	v15 =	vmul.f32 v15, v2;
	v16 =	vmax.f32 v16, $0.0e+00;
	v7 =	vadd.f32 v7, v0;
	v2 =	vmovc v11  }
0x58: {  	v10 =	vld [tilespmem:s14+$0x10460];
	[tilespmem:s12+$0xDD40] =	vst v14;
	v14 =	vmul.f32 v16, v1;
	v16 =	vmax.f32 v17, $0.0e+00;
	v1 =	vmov v9  }
0x59: {  	v11 =	vld [tilespmem:s14+$0x10470];
	[tilespmem:s12+$0xDD50] =	vst v15;
	v13 =	vmul.f32 v16, v13;
	v7 =	vmax.f32 v7, $0.0e+00  }
0x5a: {  	v9 =	vld [tilespmem:s14+$0x10480];
	[tilespmem:s12+$0xDD60] =	vst v14;
	v12 =	vmul.f32 v7, v12  }
.Ltmp0:
0x5b: {  	v7 =	vld [tilespmem:s14+$0x10490];
	[tilespmem:s12+$0xDD70] =	vst v13;
	(pc) =	sbr.rel @p1 .LBB2_2-.Ltmp0, $4  }
0x5c: {  	v14 =	vld [tilespmem:s14+$0xDD40];
	[tilespmem:s12+$0xDD80] =	vst v12;
	s12 =	smov.u32 s14  }
0x5d: {  	v15 =	vld [tilespmem:s12+$0xDD50]  }
0x5e: {  	v13 =	vld [tilespmem:s12+$0xDD60]  }
0x5f: {  	s13 =	sadd.s32 $0x140, s13;
	v12 =	vld [tilespmem:s12+$0xDD70]  }
0x60: {  	v16 =	vld [tilespmem:s12+$0xDD80]  }
0x61: {  	v51 =	vld [tilespmem:s12+$0x12B90];
	v8 =	vadd.f32 v8, v14  }
0x62: {  	v52 =	vld [tilespmem:s12+$0x12BA0];
	v10 =	vadd.f32 v10, v15  }
0x63: {  	v54 =	vld [tilespmem:s12+$0xB660];
	v6 =	vadd.f32 v6, v8;
	v53 =	vadd.f32 v11, v13  }
0x64: {  	v55 =	vld [tilespmem:s12+$0xB670];
	v5 =	vadd.f32 v5, v10;
	v9 =	vadd.f32 v9, v12  }
0x65: {  	v6 =	vmul.f32 v6, v3;
	v4 =	vadd.f32 v4, v53;
	v7 =	vadd.f32 v7, v16  }
0x66: {  	v5 =	vmul.f32 v5, v2;
	v56 =	vadd.f32 v51, v9  }
0x67: {  	v6 =	vadd.f32 v6, v0;
	v4 =	vmul.f32 v4, v1;
	v7 =	vadd.f32 v52, v7  }
0x68: {  	v5 =	vadd.f32 v5, v0;
	v8 =	vmul.f32 v56, v54  }
0x69: {  	v6 =	vmax.f32 v6, $0.0e+00;
	v4 =	vadd.f32 v4, v0;
	v7 =	vmul.f32 v7, v55  }
0x6a: {  	v57 =	vmul.f32 v6, v3;
	v5 =	vmax.f32 v5, $0.0e+00;
	v58 =	vadd.f32 v8, v0  }
0x6b: {  	v59 =	vmul.f32 v5, v2;
	v4 =	vmax.f32 v4, $0.0e+00;
	v60 =	vadd.f32 v7, v0  }
0x6c: {  	[tilespmem:s12+$0xDD40] =	vst v57;
	v61 =	vmul.f32 v4, v1;
	v62 =	vmax.f32 v58, $0.0e+00  }
0x6d: {  	[tilespmem:s12+$0xDD50] =	vst v59;
	v63 =	vmul.f32 v62, v54;
	v0 =	vmax.f32 v60, $0.0e+00  }
0x6e: {  	[tilespmem:s12+$0xDD60] =	vst v61;
	v0 =	vmul.f32 v0, v55  }
0x6f: {  	[tilespmem:s12+$0xDD70] =	vst v63  }
0x70: {  	s13 =	rddreg [dreg:$0xd];
	[tilespmem:s12+$0xDD80] =	vst v0  }
0x71: {  	[spmem:s13] =	stream.linear.scatter [tilespmem:s23], [sflag:$0x3], $0x2710, $0x38;
	[tilespmem:$0x1A270] =	vst v63  }
0x72: {  	_ =	swait.ge [sflag:s17], $0x2710  }
0x73: {  	s12 =	simm.s32 @!p0 $0x0;
	[sflag:s17] =	ssyncset.done $0x0  }
0x74: {  	s13 =	simm.s32 @!p0 $0xDD40;
	s14 =	rddreg [dreg:$0xe];
	[sflag:s17] =	ssyncadd.s32 $0xFFFFD8F0  }
0x75: {  	[hbm4b:s14+s12] =	stream.linear.scatter @!p0 [tilespmem:s13], [sflag:$0x3], $0x2710, $0x38;
	[tilespmem:$0x1A270] =	vst v63  }
0x76: {  	s12 =	simm.s32 @!p0 $0x3  }
0x77: {  	_ =	swait.ge @!p0 [sflag:s12], $0x2710  }
0x78: {  	[sflag:s12] =	ssyncset.done @!p0 $0x0  }
0x79: {  	[sflag:s12] =	ssyncadd.s32 @!p0 $0xFFFFD8F0  }
0x7a: {  	s14 =	simm.s32 $0x0;
	[bflag:$0x0] =	sbarrier.arrive $0xFFFF  }
0x7b: {  	[tilespmem:s29], [sflag:$0x1] =	stream.indirect.gather [spmem:s4], $0x10, s14, s28, $0xb8;
	[tilespmem:$0x1A270] =	vst v63  }
0x7c: {  	s23 =	simm.s32 $0x80  }
0x7d: {  	[tilespmem:s30], [sflag:$0x1] =	stream.indirect.gather [spmem:s4], $0x10, s23, s28, $0xb8;
	[tilespmem:$0x1A270] =	vst v63  }
0x7e: {  	s13 =	simm.s32 $0x100  }
0x7f: {  	[tilespmem:s31], [sflag:$0x1] =	stream.indirect.gather [spmem:s4], $0x10, s13, s28, $0xb8;
	[tilespmem:$0x1A270] =	vst v63  }
0x80: {  	s14 =	simm.s32 $0x180  }
0x81: {  	[tilespmem:s2], [sflag:$0x1] =	stream.indirect.gather [spmem:s4], $0x10, s14, s28, $0xb8;
	[tilespmem:$0x1A270] =	vst v63  }
0x82: {  	s23 =	simm.s32 $0x200  }
0x83: {  	[tilespmem:s0], [sflag:$0x1] =	stream.indirect.gather [spmem:s4], $0x10, s23, s28, $0xb8;
	[tilespmem:$0x1A270] =	vst v63  }
0x84: {  	s13 =	simm.s32 $0x280  }
0x85: {  	[tilespmem:s1], [sflag:$0x1] =	stream.indirect.gather [spmem:s4], $0x10, s13, s28, $0xb8;
	[tilespmem:$0x1A270] =	vst v63  }
0x86: {  	s14 =	simm.s32 $0x300  }
0x87: {  	[tilespmem:s18], [sflag:$0x1] =	stream.indirect.gather [spmem:s4], $0x10, s14, s28, $0xb8;
	[tilespmem:$0x1A270] =	vst v63  }
0x88: {  	s23 =	simm.s32 $0x380  }
0x89: {  	[tilespmem:s19], [sflag:$0x1] =	stream.indirect.gather [spmem:s4], $0x10, s23, s28, $0xb8;
	[tilespmem:$0x1A270] =	vst v63  }
0x8a: {  	s13 =	simm.s32 $0x400  }
0x8b: {  	[tilespmem:s22], [sflag:$0x1] =	stream.indirect.gather [spmem:s4], $0x10, s13, s28, $0xb8;
	[tilespmem:$0x1A270] =	vst v63  }
0x8c: {  	s14 =	simm.s32 $0x480  }
0x8d: {  	[tilespmem:s24], [sflag:$0x1] =	stream.indirect.gather [spmem:s4], $0x10, s14, s28, $0xb8;
	[tilespmem:$0x1A270] =	vst v63  }
0x8e: {  	s23 =	simm.s32 $0x500  }
0x8f: {  	[tilespmem:s26], [sflag:$0x1] =	stream.indirect.gather [spmem:s4], $0x10, s23, s28, $0xb8;
	[tilespmem:$0x1A270] =	vst v63  }
0x90: {  	s13 =	simm.s32 $0x580  }
0x91: {  	[tilespmem:s6], [sflag:$0x1] =	stream.indirect.gather [spmem:s4], $0x10, s13, s28, $0xb8;
	[tilespmem:$0x1A270] =	vst v63  }
0x92: {  	s14 =	simm.s32 $0x600  }
0x93: {  	[tilespmem:s7], [sflag:$0x1] =	stream.indirect.gather [spmem:s4], $0x10, s14, s28, $0xb8;
	[tilespmem:$0x1A270] =	vst v63  }
0x94: {  	_ =	swait.ge [sflag:s8], $0x800  }
0x95: {  	[sflag:s8] =	ssyncset.done $0x0  }
0x96: {  	s23 =	simm.s32 $0x2710;
	[sflag:s8] =	ssyncadd.s32 $0xFFFFF800  }
0x97: {  	[spmem:s3] =	stream.indirect.scatter.add.f32 [tilespmem:s29], [sflag:$0x2], $0x10, s23, s28, $0xb8;
	[tilespmem:$0x1A270] =	vst v63  }
0x98: {  	_ =	swait.ge [sflag:s8], $0x800  }
0x99: {  	[sflag:s8] =	ssyncset.done $0x0  }
0x9a: {  	s13 =	simm.s32 $0x2790;
	[sflag:s8] =	ssyncadd.s32 $0xFFFFF800  }
0x9b: {  	[spmem:s3] =	stream.indirect.scatter.add.f32 [tilespmem:s30], [sflag:$0x2], $0x10, s13, s28, $0xb8;
	[tilespmem:$0x1A270] =	vst v63  }
0x9c: {  	_ =	swait.ge [sflag:s8], $0x800  }
0x9d: {  	[sflag:s8] =	ssyncset.done $0x0  }
0x9e: {  	s14 =	simm.s32 $0x2810;
	[sflag:s8] =	ssyncadd.s32 $0xFFFFF800  }
0x9f: {  	[spmem:s3] =	stream.indirect.scatter.add.f32 [tilespmem:s31], [sflag:$0x2], $0x10, s14, s28, $0xb8;
	[tilespmem:$0x1A270] =	vst v63  }
0xa0: {  	_ =	swait.ge [sflag:s8], $0x800  }
0xa1: {  	[sflag:s8] =	ssyncset.done $0x0  }
0xa2: {  	s23 =	simm.s32 $0x2890;
	[sflag:s8] =	ssyncadd.s32 $0xFFFFF800  }
0xa3: {  	[spmem:s3] =	stream.indirect.scatter.add.f32 [tilespmem:s2], [sflag:$0x2], $0x10, s23, s28, $0xb8;
	[tilespmem:$0x1A270] =	vst v63  }
0xa4: {  	_ =	swait.ge [sflag:s8], $0x800  }
0xa5: {  	[sflag:s8] =	ssyncset.done $0x0  }
0xa6: {  	s13 =	simm.s32 $0x2910;
	[sflag:s8] =	ssyncadd.s32 $0xFFFFF800  }
0xa7: {  	[spmem:s3] =	stream.indirect.scatter.add.f32 [tilespmem:s0], [sflag:$0x2], $0x10, s13, s28, $0xb8;
	[tilespmem:$0x1A270] =	vst v63  }
0xa8: {  	_ =	swait.ge [sflag:s8], $0x800  }
0xa9: {  	[sflag:s8] =	ssyncset.done $0x0  }
0xaa: {  	s14 =	simm.s32 $0x2990;
	[sflag:s8] =	ssyncadd.s32 $0xFFFFF800  }
0xab: {  	[spmem:s3] =	stream.indirect.scatter.add.f32 [tilespmem:s1], [sflag:$0x2], $0x10, s14, s28, $0xb8;
	[tilespmem:$0x1A270] =	vst v63  }
0xac: {  	_ =	swait.ge [sflag:s8], $0x800  }
0xad: {  	[sflag:s8] =	ssyncset.done $0x0  }
0xae: {  	s23 =	simm.s32 $0x2A10;
	[sflag:s8] =	ssyncadd.s32 $0xFFFFF800  }
0xaf: {  	[spmem:s3] =	stream.indirect.scatter.add.f32 [tilespmem:s18], [sflag:$0x2], $0x10, s23, s28, $0xb8;
	[tilespmem:$0x1A270] =	vst v63  }
0xb0: {  	_ =	swait.ge [sflag:s8], $0x800  }
0xb1: {  	[sflag:s8] =	ssyncset.done $0x0  }
0xb2: {  	s13 =	simm.s32 $0x2A90;
	[sflag:s8] =	ssyncadd.s32 $0xFFFFF800  }
0xb3: {  	[spmem:s3] =	stream.indirect.scatter.add.f32 [tilespmem:s19], [sflag:$0x2], $0x10, s13, s28, $0xb8;
	[tilespmem:$0x1A270] =	vst v63  }
0xb4: {  	_ =	swait.ge [sflag:s8], $0x800  }
0xb5: {  	[sflag:s8] =	ssyncset.done $0x0  }
0xb6: {  	s14 =	simm.s32 $0x2B10;
	[sflag:s8] =	ssyncadd.s32 $0xFFFFF800  }
0xb7: {  	[spmem:s3] =	stream.indirect.scatter.add.f32 [tilespmem:s22], [sflag:$0x2], $0x10, s14, s28, $0xb8;
	[tilespmem:$0x1A270] =	vst v63  }
0xb8: {  	_ =	swait.ge [sflag:s8], $0x800  }
0xb9: {  	[sflag:s8] =	ssyncset.done $0x0  }
0xba: {  	s23 =	simm.s32 $0x2B90;
	[sflag:s8] =	ssyncadd.s32 $0xFFFFF800  }
0xbb: {  	[spmem:s3] =	stream.indirect.scatter.add.f32 [tilespmem:s24], [sflag:$0x2], $0x10, s23, s28, $0xb8;
	[tilespmem:$0x1A270] =	vst v63  }
0xbc: {  	_ =	swait.ge [sflag:s8], $0x800  }
0xbd: {  	[sflag:s8] =	ssyncset.done $0x0  }
0xbe: {  	s13 =	simm.s32 $0x2C10;
	[sflag:s8] =	ssyncadd.s32 $0xFFFFF800  }
0xbf: {  	[spmem:s3] =	stream.indirect.scatter.add.f32 [tilespmem:s26], [sflag:$0x2], $0x10, s13, s28, $0xb8;
	[tilespmem:$0x1A270] =	vst v63  }
0xc0: {  	_ =	swait.ge [sflag:s8], $0x800  }
0xc1: {  	[sflag:s8] =	ssyncset.done $0x0  }
0xc2: {  	s14 =	simm.s32 $0x2C90;
	[sflag:s8] =	ssyncadd.s32 $0xFFFFF800  }
0xc3: {  	[spmem:s3] =	stream.indirect.scatter.add.f32 [tilespmem:s6], [sflag:$0x2], $0x10, s14, s28, $0xb8;
	[tilespmem:$0x1A270] =	vst v63  }
0xc4: {  	_ =	swait.ge [sflag:s8], $0x800  }
0xc5: {  	[sflag:s8] =	ssyncset.done $0x0  }
0xc6: {  	s23 =	simm.s32 $0x2D10;
	[sflag:s8] =	ssyncadd.s32 $0xFFFFF800  }
0xc7: {  	[spmem:s3] =	stream.indirect.scatter.add.f32 [tilespmem:s7], [sflag:$0x2], $0x10, s23, s28, $0xb8;
	[tilespmem:$0x1A270] =	vst v63  }
0xc8: {  	_ =	swait.ge [sflag:s9], $0x800  }
0xc9: {  	[sflag:s9] =	ssyncset.done $0x0  }
0xca: {  	[sflag:s9] =	ssyncadd.s32 $0xFFFFF800  }
0xcb: {  	_ =	swait.ge [sflag:s9], $0x800  }
0xcc: {  	[sflag:s9] =	ssyncset.done $0x0  }
0xcd: {  	[sflag:s9] =	ssyncadd.s32 $0xFFFFF800  }
0xce: {  	_ =	swait.ge [sflag:s9], $0x800  }
0xcf: {  	[sflag:s9] =	ssyncset.done $0x0  }
0xd0: {  	[sflag:s9] =	ssyncadd.s32 $0xFFFFF800  }
0xd1: {  	_ =	swait.ge [sflag:s9], $0x800  }
0xd2: {  	[sflag:s9] =	ssyncset.done $0x0  }
0xd3: {  	[sflag:s9] =	ssyncadd.s32 $0xFFFFF800  }
0xd4: {  	_ =	swait.ge [sflag:s9], $0x800  }
0xd5: {  	[sflag:s9] =	ssyncset.done $0x0  }
0xd6: {  	[sflag:s9] =	ssyncadd.s32 $0xFFFFF800  }
0xd7: {  	_ =	swait.ge [sflag:s9], $0x800  }
0xd8: {  	[sflag:s9] =	ssyncset.done $0x0  }
0xd9: {  	[sflag:s9] =	ssyncadd.s32 $0xFFFFF800  }
0xda: {  	_ =	swait.ge [sflag:s9], $0x800  }
0xdb: {  	[sflag:s9] =	ssyncset.done $0x0  }
0xdc: {  	[sflag:s9] =	ssyncadd.s32 $0xFFFFF800  }
0xdd: {  	_ =	swait.ge [sflag:s9], $0x800  }
0xde: {  	[sflag:s9] =	ssyncset.done $0x0  }
0xdf: {  	[sflag:s9] =	ssyncadd.s32 $0xFFFFF800  }
0xe0: {  	_ =	swait.ge [sflag:s9], $0x800  }
0xe1: {  	[sflag:s9] =	ssyncset.done $0x0  }
0xe2: {  	[sflag:s9] =	ssyncadd.s32 $0xFFFFF800  }
0xe3: {  	_ =	swait.ge [sflag:s9], $0x800  }
0xe4: {  	[sflag:s9] =	ssyncset.done $0x0  }
0xe5: {  	[sflag:s9] =	ssyncadd.s32 $0xFFFFF800  }
0xe6: {  	_ =	swait.ge [sflag:s9], $0x800  }
0xe7: {  	[sflag:s9] =	ssyncset.done $0x0  }
0xe8: {  	[sflag:s9] =	ssyncadd.s32 $0xFFFFF800  }
0xe9: {  	_ =	swait.ge [sflag:s9], $0x800  }
0xea: {  	[sflag:s9] =	ssyncset.done $0x0  }
0xeb: {  	[sflag:s9] =	ssyncadd.s32 $0xFFFFF800  }
0xec: {  	_ =	swait.ge [sflag:s9], $0x800  }
0xed: {  	s12 =	simm.s32 $0x1A00;
	s13 =	simm.s32 $0x3400;
	[sflag:s9] =	ssyncset.done $0x0  }
.LBB2_4:
0xee: {  	s23 =	sshra.s32 s12, $0x2  }
0xef: {  	[sflag:s9] =	ssyncadd.s32 $0xFFFFF800;
	s12 =	smov.u32 s13;
	s14 =	sadd.s32 $0x1A00, s13  }
0xf0: {  	[tilespmem:s29], [sflag:$0x1] =	stream.indirect.gather [spmem:s4], $0x10, s23, s28, $0xb8;
	[tilespmem:$0x1A270] =	vst v63  }
0xf1: {  	p1 =	sne.s32 s13, $0x8200;
	s13 =	sadd.s32 $0x80, s23  }
0xf2: {  	[tilespmem:s30], [sflag:$0x1] =	stream.indirect.gather [spmem:s4], $0x10, s13, s28, $0xb8;
	[tilespmem:$0x1A270] =	vst v63  }
0xf3: {  	s13 =	sadd.s32 $0x100, s23  }
0xf4: {  	[tilespmem:s31], [sflag:$0x1] =	stream.indirect.gather [spmem:s4], $0x10, s13, s28, $0xb8;
	[tilespmem:$0x1A270] =	vst v63  }
0xf5: {  	s13 =	sadd.s32 $0x180, s23  }
0xf6: {  	[tilespmem:s2], [sflag:$0x1] =	stream.indirect.gather [spmem:s4], $0x10, s13, s28, $0xb8;
	[tilespmem:$0x1A270] =	vst v63  }
0xf7: {  	s13 =	sadd.s32 $0x200, s23  }
0xf8: {  	[tilespmem:s0], [sflag:$0x1] =	stream.indirect.gather [spmem:s4], $0x10, s13, s28, $0xb8;
	[tilespmem:$0x1A270] =	vst v63  }
0xf9: {  	s13 =	sadd.s32 $0x280, s23  }
0xfa: {  	[tilespmem:s1], [sflag:$0x1] =	stream.indirect.gather [spmem:s4], $0x10, s13, s28, $0xb8;
	[tilespmem:$0x1A270] =	vst v63  }
0xfb: {  	s13 =	sadd.s32 $0x300, s23  }
0xfc: {  	[tilespmem:s18], [sflag:$0x1] =	stream.indirect.gather [spmem:s4], $0x10, s13, s28, $0xb8;
	[tilespmem:$0x1A270] =	vst v63  }
0xfd: {  	s13 =	sadd.s32 $0x380, s23  }
0xfe: {  	[tilespmem:s19], [sflag:$0x1] =	stream.indirect.gather [spmem:s4], $0x10, s13, s28, $0xb8;
	[tilespmem:$0x1A270] =	vst v63  }
0xff: {  	s13 =	sadd.s32 $0x400, s23  }
0x100: {  	[tilespmem:s22], [sflag:$0x1] =	stream.indirect.gather [spmem:s4], $0x10, s13, s28, $0xb8;
	[tilespmem:$0x1A270] =	vst v63  }
0x101: {  	s13 =	sadd.s32 $0x480, s23  }
0x102: {  	[tilespmem:s24], [sflag:$0x1] =	stream.indirect.gather [spmem:s4], $0x10, s13, s28, $0xb8;
	[tilespmem:$0x1A270] =	vst v63  }
0x103: {  	s13 =	sadd.s32 $0x500, s23  }
0x104: {  	[tilespmem:s26], [sflag:$0x1] =	stream.indirect.gather [spmem:s4], $0x10, s13, s28, $0xb8;
	[tilespmem:$0x1A270] =	vst v63  }
0x105: {  	s13 =	sadd.s32 $0x580, s23  }
0x106: {  	[tilespmem:s6], [sflag:$0x1] =	stream.indirect.gather [spmem:s4], $0x10, s13, s28, $0xb8;
	[tilespmem:$0x1A270] =	vst v63  }
0x107: {  	s13 =	sadd.s32 $0x600, s23  }
0x108: {  	[tilespmem:s7], [sflag:$0x1] =	stream.indirect.gather [spmem:s4], $0x10, s13, s28, $0xb8;
	[tilespmem:$0x1A270] =	vst v63  }
0x109: {  	_ =	swait.ge [sflag:s8], $0x800  }
0x10a: {  	[sflag:s8] =	ssyncset.done $0x0  }
0x10b: {  	s13 =	sadd.s32 $0x2710, s23;
	[sflag:s8] =	ssyncadd.s32 $0xFFFFF800  }
0x10c: {  	[spmem:s3] =	stream.indirect.scatter.add.f32 [tilespmem:s29], [sflag:$0x2], $0x10, s13, s28, $0xb8;
	[tilespmem:$0x1A270] =	vst v63  }
0x10d: {  	_ =	swait.ge [sflag:s8], $0x800  }
0x10e: {  	[sflag:s8] =	ssyncset.done $0x0  }
0x10f: {  	s13 =	sadd.s32 $0x2790, s23;
	[sflag:s8] =	ssyncadd.s32 $0xFFFFF800  }
0x110: {  	[spmem:s3] =	stream.indirect.scatter.add.f32 [tilespmem:s30], [sflag:$0x2], $0x10, s13, s28, $0xb8;
	[tilespmem:$0x1A270] =	vst v63  }
0x111: {  	_ =	swait.ge [sflag:s8], $0x800  }
0x112: {  	[sflag:s8] =	ssyncset.done $0x0  }
0x113: {  	s13 =	sadd.s32 $0x2810, s23;
	[sflag:s8] =	ssyncadd.s32 $0xFFFFF800  }
0x114: {  	[spmem:s3] =	stream.indirect.scatter.add.f32 [tilespmem:s31], [sflag:$0x2], $0x10, s13, s28, $0xb8;
	[tilespmem:$0x1A270] =	vst v63  }
0x115: {  	_ =	swait.ge [sflag:s8], $0x800  }
0x116: {  	[sflag:s8] =	ssyncset.done $0x0  }
0x117: {  	s13 =	sadd.s32 $0x2890, s23;
	[sflag:s8] =	ssyncadd.s32 $0xFFFFF800  }
0x118: {  	[spmem:s3] =	stream.indirect.scatter.add.f32 [tilespmem:s2], [sflag:$0x2], $0x10, s13, s28, $0xb8;
	[tilespmem:$0x1A270] =	vst v63  }
0x119: {  	_ =	swait.ge [sflag:s8], $0x800  }
0x11a: {  	[sflag:s8] =	ssyncset.done $0x0  }
0x11b: {  	s13 =	sadd.s32 $0x2910, s23;
	[sflag:s8] =	ssyncadd.s32 $0xFFFFF800  }
0x11c: {  	[spmem:s3] =	stream.indirect.scatter.add.f32 [tilespmem:s0], [sflag:$0x2], $0x10, s13, s28, $0xb8;
	[tilespmem:$0x1A270] =	vst v63  }
0x11d: {  	_ =	swait.ge [sflag:s8], $0x800  }
0x11e: {  	[sflag:s8] =	ssyncset.done $0x0  }
0x11f: {  	s13 =	sadd.s32 $0x2990, s23;
	[sflag:s8] =	ssyncadd.s32 $0xFFFFF800  }
0x120: {  	[spmem:s3] =	stream.indirect.scatter.add.f32 [tilespmem:s1], [sflag:$0x2], $0x10, s13, s28, $0xb8;
	[tilespmem:$0x1A270] =	vst v63  }
0x121: {  	_ =	swait.ge [sflag:s8], $0x800  }
0x122: {  	[sflag:s8] =	ssyncset.done $0x0  }
0x123: {  	s13 =	sadd.s32 $0x2A10, s23;
	[sflag:s8] =	ssyncadd.s32 $0xFFFFF800  }
0x124: {  	[spmem:s3] =	stream.indirect.scatter.add.f32 [tilespmem:s18], [sflag:$0x2], $0x10, s13, s28, $0xb8;
	[tilespmem:$0x1A270] =	vst v63  }
0x125: {  	_ =	swait.ge [sflag:s8], $0x800  }
0x126: {  	[sflag:s8] =	ssyncset.done $0x0  }
0x127: {  	s13 =	sadd.s32 $0x2A90, s23;
	[sflag:s8] =	ssyncadd.s32 $0xFFFFF800  }
0x128: {  	[spmem:s3] =	stream.indirect.scatter.add.f32 [tilespmem:s19], [sflag:$0x2], $0x10, s13, s28, $0xb8;
	[tilespmem:$0x1A270] =	vst v63  }
0x129: {  	_ =	swait.ge [sflag:s8], $0x800  }
0x12a: {  	[sflag:s8] =	ssyncset.done $0x0  }
0x12b: {  	s13 =	sadd.s32 $0x2B10, s23;
	[sflag:s8] =	ssyncadd.s32 $0xFFFFF800  }
0x12c: {  	[spmem:s3] =	stream.indirect.scatter.add.f32 [tilespmem:s22], [sflag:$0x2], $0x10, s13, s28, $0xb8;
	[tilespmem:$0x1A270] =	vst v63  }
0x12d: {  	_ =	swait.ge [sflag:s8], $0x800  }
0x12e: {  	[sflag:s8] =	ssyncset.done $0x0  }
0x12f: {  	s13 =	sadd.s32 $0x2B90, s23;
	[sflag:s8] =	ssyncadd.s32 $0xFFFFF800  }
0x130: {  	[spmem:s3] =	stream.indirect.scatter.add.f32 [tilespmem:s24], [sflag:$0x2], $0x10, s13, s28, $0xb8;
	[tilespmem:$0x1A270] =	vst v63  }
0x131: {  	_ =	swait.ge [sflag:s8], $0x800  }
0x132: {  	[sflag:s8] =	ssyncset.done $0x0  }
0x133: {  	s13 =	sadd.s32 $0x2C10, s23;
	[sflag:s8] =	ssyncadd.s32 $0xFFFFF800  }
0x134: {  	[spmem:s3] =	stream.indirect.scatter.add.f32 [tilespmem:s26], [sflag:$0x2], $0x10, s13, s28, $0xb8;
	[tilespmem:$0x1A270] =	vst v63  }
0x135: {  	_ =	swait.ge [sflag:s8], $0x800  }
0x136: {  	[sflag:s8] =	ssyncset.done $0x0  }
0x137: {  	s13 =	sadd.s32 $0x2C90, s23;
	[sflag:s8] =	ssyncadd.s32 $0xFFFFF800  }
0x138: {  	[spmem:s3] =	stream.indirect.scatter.add.f32 [tilespmem:s6], [sflag:$0x2], $0x10, s13, s28, $0xb8;
	[tilespmem:$0x1A270] =	vst v63  }
0x139: {  	_ =	swait.ge [sflag:s8], $0x800  }
0x13a: {  	[sflag:s8] =	ssyncset.done $0x0  }
0x13b: {  	s13 =	sadd.s32 $0x2D10, s23;
	[sflag:s8] =	ssyncadd.s32 $0xFFFFF800  }
0x13c: {  	[spmem:s3] =	stream.indirect.scatter.add.f32 [tilespmem:s7], [sflag:$0x2], $0x10, s13, s28, $0xb8;
	[tilespmem:$0x1A270] =	vst v63  }
0x13d: {  	_ =	swait.ge [sflag:s9], $0x800  }
0x13e: {  	[sflag:s9] =	ssyncset.done $0x0  }
0x13f: {  	[sflag:s9] =	ssyncadd.s32 $0xFFFFF800  }
0x140: {  	_ =	swait.ge [sflag:s9], $0x800  }
0x141: {  	[sflag:s9] =	ssyncset.done $0x0  }
0x142: {  	[sflag:s9] =	ssyncadd.s32 $0xFFFFF800  }
0x143: {  	_ =	swait.ge [sflag:s9], $0x800  }
0x144: {  	[sflag:s9] =	ssyncset.done $0x0  }
0x145: {  	[sflag:s9] =	ssyncadd.s32 $0xFFFFF800  }
0x146: {  	_ =	swait.ge [sflag:s9], $0x800  }
0x147: {  	[sflag:s9] =	ssyncset.done $0x0  }
0x148: {  	[sflag:s9] =	ssyncadd.s32 $0xFFFFF800  }
0x149: {  	_ =	swait.ge [sflag:s9], $0x800  }
0x14a: {  	[sflag:s9] =	ssyncset.done $0x0  }
0x14b: {  	[sflag:s9] =	ssyncadd.s32 $0xFFFFF800  }
0x14c: {  	_ =	swait.ge [sflag:s9], $0x800  }
0x14d: {  	[sflag:s9] =	ssyncset.done $0x0  }
0x14e: {  	[sflag:s9] =	ssyncadd.s32 $0xFFFFF800  }
0x14f: {  	_ =	swait.ge [sflag:s9], $0x800  }
0x150: {  	[sflag:s9] =	ssyncset.done $0x0  }
0x151: {  	[sflag:s9] =	ssyncadd.s32 $0xFFFFF800  }
0x152: {  	_ =	swait.ge [sflag:s9], $0x800  }
0x153: {  	[sflag:s9] =	ssyncset.done $0x0  }
0x154: {  	[sflag:s9] =	ssyncadd.s32 $0xFFFFF800  }
0x155: {  	_ =	swait.ge [sflag:s9], $0x800  }
0x156: {  	[sflag:s9] =	ssyncset.done $0x0  }
0x157: {  	[sflag:s9] =	ssyncadd.s32 $0xFFFFF800  }
0x158: {  	_ =	swait.ge [sflag:s9], $0x800  }
0x159: {  	[sflag:s9] =	ssyncset.done $0x0  }
0x15a: {  	[sflag:s9] =	ssyncadd.s32 $0xFFFFF800  }
0x15b: {  	_ =	swait.ge [sflag:s9], $0x800  }
0x15c: {  	[sflag:s9] =	ssyncset.done $0x0  }
0x15d: {  	[sflag:s9] =	ssyncadd.s32 $0xFFFFF800  }
.Ltmp1:
0x15e: {  	_ =	swait.ge [sflag:s9], $0x800;
	(pc) =	sbr.rel @p1 .LBB2_4-.Ltmp1, $4  }
0x15f: {  	[sflag:s9] =	ssyncset.done $0x0  }
0x160: {  	[sflag:s9] =	ssyncadd.s32 $0xFFFFF800  }
0x161: {  	_ =	swait.ge [sflag:s9], $0x800  }
0x162: {  	s13 =	smov.u32 s14;
	[sflag:s9] =	ssyncset.done $0x0  }
0x163: {  	s12 =	sshra.s32 s12, $0x2;
	[sflag:s9] =	ssyncadd.s32 $0xFFFFF800  }
0x164: {  	[tilespmem:s29], [sflag:$0x1] =	stream.indirect.gather [spmem:s4], $0x10, s12, s28, $0xb8;
	[tilespmem:$0x1A270] =	vst v63  }
0x165: {  	s13 =	sadd.s32 $0x80, s12  }
0x166: {  	[tilespmem:s30], [sflag:$0x1] =	stream.indirect.gather [spmem:s4], $0x10, s13, s28, $0xb8;
	[tilespmem:$0x1A270] =	vst v63  }
0x167: {  	s23 =	sadd.s32 $0x100, s12  }
0x168: {  	[tilespmem:s31], [sflag:$0x1] =	stream.indirect.gather [spmem:s4], $0x10, s23, s28, $0xb8;
	[tilespmem:$0x1A270] =	vst v63  }
0x169: {  	s14 =	sadd.s32 $0x180, s12  }
0x16a: {  	[tilespmem:s2], [sflag:$0x1] =	stream.indirect.gather [spmem:s4], $0x10, s14, s28, $0xb8;
	[tilespmem:$0x1A270] =	vst v63  }
0x16b: {  	s23 =	sadd.s32 $0x200, s12  }
0x16c: {  	[tilespmem:s0], [sflag:$0x1] =	stream.indirect.gather [spmem:s4], $0x10, s23, s28, $0xb8;
	[tilespmem:$0x1A270] =	vst v63  }
0x16d: {  	s14 =	sadd.s32 $0x280, s12  }
0x16e: {  	[tilespmem:s1], [sflag:$0x1] =	stream.indirect.gather [spmem:s4], $0x10, s14, s28, $0xb8;
	[tilespmem:$0x1A270] =	vst v63  }
0x16f: {  	s23 =	sadd.s32 $0x300, s12  }
0x170: {  	[tilespmem:s18], [sflag:$0x1] =	stream.indirect.gather [spmem:s4], $0x10, s23, s28, $0xb8;
	[tilespmem:$0x1A270] =	vst v63  }
0x171: {  	s14 =	sadd.s32 $0x380, s12  }
0x172: {  	[tilespmem:s19], [sflag:$0x1] =	stream.indirect.gather [spmem:s4], $0x10, s14, s28, $0xb8;
	[tilespmem:$0x1A270] =	vst v63  }
0x173: {  	s23 =	sadd.s32 $0x400, s12  }
0x174: {  	[tilespmem:s22], [sflag:$0x1] =	stream.indirect.gather [spmem:s4], $0x10, s23, s28, $0xb8;
	[tilespmem:$0x1A270] =	vst v63  }
0x175: {  	s14 =	sadd.s32 $0x480, s12  }
0x176: {  	[tilespmem:s24], [sflag:$0x1] =	stream.indirect.gather [spmem:s4], $0x10, s14, s28, $0xb8;
	[tilespmem:$0x1A270] =	vst v63  }
0x177: {  	s23 =	sadd.s32 $0x500, s12  }
0x178: {  	[tilespmem:s26], [sflag:$0x1] =	stream.indirect.gather [spmem:s4], $0x10, s23, s28, $0xb8;
	[tilespmem:$0x1A270] =	vst v63  }
0x179: {  	s14 =	sadd.s32 $0x580, s12  }
0x17a: {  	[tilespmem:s6], [sflag:$0x1] =	stream.indirect.gather [spmem:s4], $0x10, s14, s28, $0xb8;
	[tilespmem:$0x1A270] =	vst v63  }
0x17b: {  	s23 =	sadd.s32 $0x600, s12  }
0x17c: {  	[tilespmem:s7], [sflag:$0x1] =	stream.indirect.gather [spmem:s4], $0x10, s23, s28, $0xb8;
	[tilespmem:$0x1A270] =	vst v63  }
0x17d: {  	_ =	swait.ge [sflag:s8], $0x800  }
0x17e: {  	[sflag:s8] =	ssyncset.done $0x0  }
0x17f: {  	s14 =	sadd.s32 $0x2710, s12;
	[sflag:s8] =	ssyncadd.s32 $0xFFFFF800  }
0x180: {  	[spmem:s3] =	stream.indirect.scatter.add.f32 [tilespmem:s29], [sflag:$0x2], $0x10, s14, s28, $0xb8;
	[tilespmem:$0x1A270] =	vst v63  }
0x181: {  	_ =	swait.ge [sflag:s8], $0x800  }
0x182: {  	[sflag:s8] =	ssyncset.done $0x0  }
0x183: {  	s23 =	sadd.s32 $0x2790, s12;
	[sflag:s8] =	ssyncadd.s32 $0xFFFFF800  }
0x184: {  	[spmem:s3] =	stream.indirect.scatter.add.f32 [tilespmem:s30], [sflag:$0x2], $0x10, s23, s28, $0xb8;
	[tilespmem:$0x1A270] =	vst v63  }
0x185: {  	_ =	swait.ge [sflag:s8], $0x800  }
0x186: {  	[sflag:s8] =	ssyncset.done $0x0  }
0x187: {  	s14 =	sadd.s32 $0x2810, s12;
	[sflag:s8] =	ssyncadd.s32 $0xFFFFF800  }
0x188: {  	[spmem:s3] =	stream.indirect.scatter.add.f32 [tilespmem:s31], [sflag:$0x2], $0x10, s14, s28, $0xb8;
	[tilespmem:$0x1A270] =	vst v63  }
0x189: {  	_ =	swait.ge [sflag:s8], $0x800  }
0x18a: {  	[sflag:s8] =	ssyncset.done $0x0  }
0x18b: {  	s23 =	sadd.s32 $0x2890, s12;
	[sflag:s8] =	ssyncadd.s32 $0xFFFFF800  }
0x18c: {  	[spmem:s3] =	stream.indirect.scatter.add.f32 [tilespmem:s2], [sflag:$0x2], $0x10, s23, s28, $0xb8;
	[tilespmem:$0x1A270] =	vst v63  }
0x18d: {  	_ =	swait.ge [sflag:s8], $0x800  }
0x18e: {  	[sflag:s8] =	ssyncset.done $0x0  }
0x18f: {  	s14 =	sadd.s32 $0x2910, s12;
	[sflag:s8] =	ssyncadd.s32 $0xFFFFF800  }
0x190: {  	[spmem:s3] =	stream.indirect.scatter.add.f32 [tilespmem:s0], [sflag:$0x2], $0x10, s14, s28, $0xb8;
	[tilespmem:$0x1A270] =	vst v63  }
0x191: {  	_ =	swait.ge [sflag:s8], $0x800  }
0x192: {  	[sflag:s8] =	ssyncset.done $0x0  }
0x193: {  	s23 =	sadd.s32 $0x2990, s12;
	[sflag:s8] =	ssyncadd.s32 $0xFFFFF800  }
0x194: {  	[spmem:s3] =	stream.indirect.scatter.add.f32 [tilespmem:s1], [sflag:$0x2], $0x10, s23, s28, $0xb8;
	[tilespmem:$0x1A270] =	vst v63  }
0x195: {  	_ =	swait.ge [sflag:s8], $0x800  }
0x196: {  	[sflag:s8] =	ssyncset.done $0x0  }
0x197: {  	s14 =	sadd.s32 $0x2A10, s12;
	[sflag:s8] =	ssyncadd.s32 $0xFFFFF800  }
0x198: {  	[spmem:s3] =	stream.indirect.scatter.add.f32 [tilespmem:s18], [sflag:$0x2], $0x10, s14, s28, $0xb8;
	[tilespmem:$0x1A270] =	vst v63  }
0x199: {  	_ =	swait.ge [sflag:s8], $0x800  }
0x19a: {  	[sflag:s8] =	ssyncset.done $0x0  }
0x19b: {  	s23 =	sadd.s32 $0x2A90, s12;
	[sflag:s8] =	ssyncadd.s32 $0xFFFFF800  }
0x19c: {  	[spmem:s3] =	stream.indirect.scatter.add.f32 [tilespmem:s19], [sflag:$0x2], $0x10, s23, s28, $0xb8;
	[tilespmem:$0x1A270] =	vst v63  }
0x19d: {  	_ =	swait.ge [sflag:s8], $0x800  }
0x19e: {  	[sflag:s8] =	ssyncset.done $0x0  }
0x19f: {  	s14 =	sadd.s32 $0x2B10, s12;
	[sflag:s8] =	ssyncadd.s32 $0xFFFFF800  }
0x1a0: {  	[spmem:s3] =	stream.indirect.scatter.add.f32 [tilespmem:s22], [sflag:$0x2], $0x10, s14, s28, $0xb8;
	[tilespmem:$0x1A270] =	vst v63  }
0x1a1: {  	_ =	swait.ge [sflag:s8], $0x800  }
0x1a2: {  	[sflag:s8] =	ssyncset.done $0x0  }
0x1a3: {  	s23 =	sadd.s32 $0x2B90, s12;
	[sflag:s8] =	ssyncadd.s32 $0xFFFFF800  }
0x1a4: {  	[spmem:s3] =	stream.indirect.scatter.add.f32 [tilespmem:s24], [sflag:$0x2], $0x10, s23, s28, $0xb8;
	[tilespmem:$0x1A270] =	vst v63  }
0x1a5: {  	_ =	swait.ge [sflag:s8], $0x800  }
0x1a6: {  	[sflag:s8] =	ssyncset.done $0x0  }
0x1a7: {  	s14 =	sadd.s32 $0x2C10, s12;
	[sflag:s8] =	ssyncadd.s32 $0xFFFFF800  }
0x1a8: {  	[spmem:s3] =	stream.indirect.scatter.add.f32 [tilespmem:s26], [sflag:$0x2], $0x10, s14, s28, $0xb8;
	[tilespmem:$0x1A270] =	vst v63  }
0x1a9: {  	_ =	swait.ge [sflag:s8], $0x800  }
0x1aa: {  	[sflag:s8] =	ssyncset.done $0x0  }
0x1ab: {  	s23 =	sadd.s32 $0x2C90, s12;
	[sflag:s8] =	ssyncadd.s32 $0xFFFFF800  }
0x1ac: {  	[spmem:s3] =	stream.indirect.scatter.add.f32 [tilespmem:s6], [sflag:$0x2], $0x10, s23, s28, $0xb8;
	[tilespmem:$0x1A270] =	vst v63  }
0x1ad: {  	_ =	swait.ge [sflag:s8], $0x800  }
0x1ae: {  	[sflag:s8] =	ssyncset.done $0x0  }
0x1af: {  	s12 =	sadd.s32 $0x2D10, s12;
	[sflag:s8] =	ssyncadd.s32 $0xFFFFF800  }
0x1b0: {  	[spmem:s3] =	stream.indirect.scatter.add.f32 [tilespmem:s7], [sflag:$0x2], $0x10, s12, s28, $0xb8;
	[tilespmem:$0x1A270] =	vst v63  }
0x1b1: {  	_ =	swait.ge [sflag:s9], $0x800  }
0x1b2: {  	[sflag:s9] =	ssyncset.done $0x0  }
0x1b3: {  	[sflag:s9] =	ssyncadd.s32 $0xFFFFF800  }
0x1b4: {  	_ =	swait.ge [sflag:s9], $0x800  }
0x1b5: {  	[sflag:s9] =	ssyncset.done $0x0  }
0x1b6: {  	[sflag:s9] =	ssyncadd.s32 $0xFFFFF800  }
0x1b7: {  	_ =	swait.ge [sflag:s9], $0x800  }
0x1b8: {  	[sflag:s9] =	ssyncset.done $0x0  }
0x1b9: {  	[sflag:s9] =	ssyncadd.s32 $0xFFFFF800  }
0x1ba: {  	_ =	swait.ge [sflag:s9], $0x800  }
0x1bb: {  	[sflag:s9] =	ssyncset.done $0x0  }
0x1bc: {  	[sflag:s9] =	ssyncadd.s32 $0xFFFFF800  }
0x1bd: {  	_ =	swait.ge [sflag:s9], $0x800  }
0x1be: {  	[sflag:s9] =	ssyncset.done $0x0  }
0x1bf: {  	[sflag:s9] =	ssyncadd.s32 $0xFFFFF800  }
0x1c0: {  	_ =	swait.ge [sflag:s9], $0x800  }
0x1c1: {  	[sflag:s9] =	ssyncset.done $0x0  }
0x1c2: {  	[sflag:s9] =	ssyncadd.s32 $0xFFFFF800  }
0x1c3: {  	_ =	swait.ge [sflag:s9], $0x800  }
0x1c4: {  	[sflag:s9] =	ssyncset.done $0x0  }
0x1c5: {  	[sflag:s9] =	ssyncadd.s32 $0xFFFFF800  }
0x1c6: {  	_ =	swait.ge [sflag:s9], $0x800  }
0x1c7: {  	[sflag:s9] =	ssyncset.done $0x0  }
0x1c8: {  	[sflag:s9] =	ssyncadd.s32 $0xFFFFF800  }
0x1c9: {  	_ =	swait.ge [sflag:s9], $0x800  }
0x1ca: {  	[sflag:s9] =	ssyncset.done $0x0  }
0x1cb: {  	[sflag:s9] =	ssyncadd.s32 $0xFFFFF800  }
0x1cc: {  	_ =	swait.ge [sflag:s9], $0x800  }
0x1cd: {  	[sflag:s9] =	ssyncset.done $0x0  }
0x1ce: {  	[sflag:s9] =	ssyncadd.s32 $0xFFFFF800  }
0x1cf: {  	_ =	swait.ge [sflag:s9], $0x800  }
0x1d0: {  	[sflag:s9] =	ssyncset.done $0x0  }
0x1d1: {  	[sflag:s9] =	ssyncadd.s32 $0xFFFFF800  }
0x1d2: {  	_ =	swait.ge [sflag:s9], $0x800  }
0x1d3: {  	[sflag:s9] =	ssyncset.done $0x0  }
0x1d4: {  	[sflag:s9] =	ssyncadd.s32 $0xFFFFF800  }
0x1d5: {  	_ =	swait.ge [sflag:s9], $0x800  }
0x1d6: {  	[sflag:s9] =	ssyncset.done $0x0  }
0x1d7: {  	s14 =	simm.s32 $0x2700;
	[sflag:s9] =	ssyncadd.s32 $0xFFFFF800  }
0x1d8: {  	[tilespmem:s29], [sflag:$0x1] =	stream.indirect.gather [spmem:s4], $0x10, s14, s10, $0xb8;
	[tilespmem:$0x1A270] =	vst v63  }
0x1d9: {  	_ =	swait.ge [sflag:s8], $0x100  }
0x1da: {  	[sflag:s8] =	ssyncset.done $0x0  }
0x1db: {  	s23 =	simm.s32 $0x4E10;
	[sflag:s8] =	ssyncadd.s32 $0xFFFFFF00  }
0x1dc: {  	[spmem:s3] =	stream.indirect.scatter.add.f32 [tilespmem:s29], [sflag:$0x2], $0x10, s23, s10, $0xb8;
	[tilespmem:$0x1A270] =	vst v63  }
0x1dd: {  	_ =	swait.ge [sflag:s9], $0x100  }
0x1de: {  	s11 =	sadd.s32 $0x1, s11;
	[sflag:s9] =	ssyncset.done $0x0  }
0x1df: {  	p1 =	sne.s32 s11, s16;
	[sflag:s9] =	ssyncadd.s32 $0xFFFFFF00  }
.Ltmp2:
0x1e0: {  	[bflag:$0x0] =	sbarrier.arrive $0xFFFF;
	(pc) =	sbr.rel @p1 .LBB2_1-.Ltmp2, $4  }
0x1e1: {  	[hbm:s15], [sflag:s20] =	dma.local [spmem:s25], $0x4E2  }
0x1e2: {  	_ =	swait.ge [sflag:s17], $0x4E2  }
0x1e3: {  	[sflag:s17] =	ssyncset.done $0x0  }
0x1e4: {  	s23 =	simm.s32 $0xDD40;
	[sflag:s17] =	ssyncadd.s32 $0xFFFFFB1E  }
0x1e5: {  	_ =	sfence.sel $0x180000  }
0x1e6: {  	[bflag:$0x0] =	sbarrier.arrive $0xFFFF  }
0x1e7: {  	_ =	strace $0x9000004D  }
0x1e8: {  	s0 =	stileid.u32;
	[bflag:$0x2] =	sbarrier.arrive $0xFFFF  }
0x1e9: {  	p0 =	sne.s32 s0, $0x0;
	s0 =	rddreg [dreg:$0x5]  }
0x1ea: {  	s0 =	sadd.s32 @!p0 $0x100000, s0  }
0x1eb: {  	[sflag:s0] =	ssyncadd.tile.s32 @!p0 $0x1;
	_ =	shalt  }
.Lfunc_end2:
_tile_overlayer_lowered:
.L_overlay_start_2:
0x1ec: {  	(tag) =	ssettag $0x2  }
0x1ed: {  	s0 =	rddreg [dreg:$0x0];
	s2 =	stileid.u32  }
0x1ee: {  	s1 =	rddreg [dreg:$0x1];
	p0 =	sne.s32 s2, $0x0  }
0x1ef: {  	s3 =	rddreg [dreg:$0x2];
	[bflag:$0x3] =	sbarrier.arrive $0xFFFF;
	s2 =	simm.s32 @!p0 $0x1C03  }
0x1f0: {  	[timem:s3], [sflag:s2] =	dma.local @!p0 [hbm:s0], s1  }
0x1f1: {  	s0 =	simm.s32 @!p0 $0x3  }
0x1f2: {  	_ =	swait.ge @!p0 [sflag:s0], s1  }
0x1f3: {  	s1 =	ssub.s32 @!p0 $0x0, s1;
	[sflag:s0] =	ssyncset.done @!p0 $0x0  }
0x1f4: {  	[sflag:s0] =	ssyncadd.s32 @!p0 s1  }
0x1f5: {  	[bflag:$0x3] =	sbarrier.arrive $0xFFFF  }
0x1f6: {  	_ =	shalt  }

// kernel: kernel.7.cloned.1.call-start
scs
__scs_entry_jumppad:
0x0: {  	(pc) =	sbr.rel $0x88, $3  }
0x1: {  	(tag) =	ssettag $0x0;
	lr =	simm.s32 $0x1  }
0x2: {  	[smem:$0x3F9B] =	sst lr;
	_ =	strace $0xD0000000  }
0x3: {  	_ = 	snop  }
0x4: {  	_ = 	snop  }
0x5: {  	_ = 	snop  }
0x6: {  	_ = 	snop  }
0x7: {  	_ = 	snop  }
__scs_overlays_trampoline_lowered:
0x8: {  	[smem:$0x3FAA] =	sst s0  }
0x9: {  	[smem:$0x3FAB] =	sst s1  }
0xa: {  	[smem:$0x3FAC] =	sst s2  }
0xb: {  	[smem:$0x3FAD] =	sst s3  }
0xc: {  	[smem:$0x3FAE] =	sst s4  }
0xd: {  	[smem:$0x3FAF] =	sst s5  }
0xe: {  	[smem:$0x3FB0] =	sst s6  }
0xf: {  	[smem:$0x3FB1] =	sst s7  }
0x10: {  	[smem:$0x3FB2] =	sst s8  }
0x11: {  	[smem:$0x3FB3] =	sst s9;
	s0 =	simm.s32 @!p0 $0x0  }
0x12: {  	s1 =	sld [smem:$0x3F99];
	s0 =	simm.s32 @p0 $0x1  }
0x13: {  	[smem:$0x3FB4] =	sst s0;
	s0 =	simm.s32 @!p1 $0x0  }
0x14: {  	s2 =	sld [smem:$0x3F98];
	s0 =	simm.s32 @p1 $0x1  }
0x15: {  	[smem:$0x3FB5] =	sst s0;
	s0 =	simm.s32 @!p2 $0x0  }
0x16: {  	s3 =	sld [smem:$0x3FDB];
	s0 =	simm.s32 @p2 $0x1  }
0x17: {  	s4 =	simm.s32 $0x1BF5;
	[smem:$0x3FB7] =	sst s0  }
0x18: {  	s0 =	sld [smem:$0x3F9A];
	_ =	swait.ge [sflag:s4], $0x0  }
0x19: {  	s7 =	sld [smem:$0x3F9B]  }
0x1a: {  	s8 =	sadd.s32 $0xFFFFE003, lr  }
0x1b: {  	s9 =	sadd.s32 $0xFFFFFEF7, lr;
	s5 =	simm.s32 $0xFFFFFFFF;
	p2 =	slt.u32 s8, $0xFFFFF086  }
0x1c: {  	p1 =	slt.u32 s9, $0xF7A;
	s5 =	simm.s32 @!p2 $0x0  }
0x1d: {  	s5 =	simm.s32 @p1 $0x1;
	p0 =	seq.s32 s7, s2  }
0x1e: {  	s7 =	smul.u32 @!p0 $0xF7A, s2;
	p2 =	seq.s32 @!p0 s5, $0x0  }
0x1f: {  	s9 =	smul.u32 $0xF7A, s1;
	s8 =	simm.s32 @!p0 $0x1BF5;
	p2 =	por !p2, p0  }
0x20: {  	[sflag:s8] =	ssyncset.s32 @!p0 $0xFFFFF086;
	s6 =	sadd.s32 @!p0 s3, s7;
	s7 =	simm.s32 @!p0 $0x108  }
0x21: {  	s3 =	sadd.s32 s3, s9;
	s6 =	sadd.s32 @!p0 $0x88, s6;
	s7 =	simm.s32 @p2 $0x1082  }
0x22: {  	[simem:s7], [sflag:s8] =	dma.local @!p0 [hbm:s6], $0xF7A  }
0x23: {  	s9 =	sor.u32 $0xD0000000, s2;
	s6 =	simm.s32 $0x108;
	_ =	swait.ge @!p0 [sflag:s8], $0x0  }
0x24: {  	s3 =	sadd.s32 $0x88, s3;
	s6 =	simm.s32 @!p1 $0x1082;
	[sflag:s4] =	ssyncset.s32 $0xFFFFF086  }
0x25: {  	[simem:s6], [sflag:s4] =	dma.local [hbm:s3], $0xF7A  }
0x26: {  	[smem:$0x3F9B] =	sst s1;
	(tag) =	ssettag s2;
	_ =	strace s9  }
0x27: {  	s1 =	sld [smem:$0x3FAB]  }
0x28: {  	s2 =	sld [smem:$0x3FAC]  }
0x29: {  	s4 =	sld [smem:$0x3FAE]  }
0x2a: {  	p0 =	seq.s32 s5, $0x0;
	s5 =	sld [smem:$0x3FAF]  }
0x2b: {  	s6 =	sld [smem:$0x3FB0]  }
0x2c: {  	s7 =	sld [smem:$0x3FB1]  }
0x2d: {  	s3 =	simm.s32 $0x108;
	s8 =	sld [smem:$0x3FB2]  }
0x2e: {  	s3 =	simm.s32 @!p0 $0x1082;
	s9 =	sld [smem:$0x3FB3]  }
0x2f: {  	lr =	sadd.s32 s0, s3;
	s0 =	sld [smem:$0x3FAA]  }
0x30: {  	s3 =	sld [smem:$0x3FAD]  }
0x31: {  	[smem:$0x3FB6] =	sst s10  }
0x32: {  	s10 =	sld [smem:$0x3FB4];
	_ =	sdelay $0x3  }
0x33: {  	p0 =	seq.s32 s10, $0x1;
	s10 =	sld [smem:$0x3FB6];
	_ =	sdelay $0x3  }
0x34: {  	[smem:$0x3FB6] =	sst s10  }
0x35: {  	s10 =	sld [smem:$0x3FB5];
	_ =	sdelay $0x3  }
0x36: {  	p1 =	seq.s32 s10, $0x1;
	s10 =	sld [smem:$0x3FB6];
	_ =	sdelay $0x3  }
0x37: {  	[smem:$0x3FB6] =	sst s10  }
0x38: {  	s10 =	sld [smem:$0x3FB7]  }
0x39: {  	_ = 	snop;
	(pc) =	sbr.ind lr, $3  }
0x3a: {  	_ = 	snop  }
0x3b: {  	_ = 	snop  }
0x3c: {  	p2 =	seq.s32 s10, $0x1;
	s10 =	sld [smem:$0x3FB6]  }
0x3d: {  	_ =	shalt  }
0x3e: {  	_ =	shalt  }
0x3f: {  	_ =	shalt  }
0x40: {  	_ =	shalt  }
0x41: {  	_ =	shalt  }
0x42: {  	_ =	shalt  }
0x43: {  	_ =	shalt  }
0x44: {  	_ =	shalt  }
0x45: {  	_ =	shalt  }
0x46: {  	_ =	shalt  }
0x47: {  	_ =	shalt  }
0x48: {  	_ =	shalt  }
0x49: {  	_ =	shalt  }
0x4a: {  	_ =	shalt  }
0x4b: {  	_ =	shalt  }
0x4c: {  	_ =	shalt  }
0x4d: {  	_ =	shalt  }
0x4e: {  	_ =	shalt  }
0x4f: {  	_ =	shalt  }
0x50: {  	_ =	shalt  }
0x51: {  	_ =	shalt  }
0x52: {  	_ =	shalt  }
0x53: {  	_ =	shalt  }
0x54: {  	_ =	shalt  }
0x55: {  	_ =	shalt  }
0x56: {  	_ =	shalt  }
0x57: {  	_ =	shalt  }
0x58: {  	_ =	shalt  }
0x59: {  	_ =	shalt  }
0x5a: {  	_ =	shalt  }
0x5b: {  	_ =	shalt  }
0x5c: {  	_ =	shalt  }
0x5d: {  	_ =	shalt  }
0x5e: {  	_ =	shalt  }
0x5f: {  	_ =	shalt  }
0x60: {  	_ =	shalt  }
0x61: {  	_ =	shalt  }
0x62: {  	_ =	shalt  }
0x63: {  	_ =	shalt  }
0x64: {  	_ =	shalt  }
0x65: {  	_ =	shalt  }
0x66: {  	_ =	shalt  }
0x67: {  	_ =	shalt  }
0x68: {  	_ =	shalt  }
0x69: {  	_ =	shalt  }
0x6a: {  	_ =	shalt  }
0x6b: {  	_ =	shalt  }
0x6c: {  	_ =	shalt  }
0x6d: {  	_ =	shalt  }
0x6e: {  	_ =	shalt  }
0x6f: {  	_ =	shalt  }
0x70: {  	_ =	shalt  }
0x71: {  	_ =	shalt  }
0x72: {  	_ =	shalt  }
0x73: {  	_ =	shalt  }
0x74: {  	_ =	shalt  }
0x75: {  	_ =	shalt  }
0x76: {  	_ =	shalt  }
0x77: {  	_ =	shalt  }
0x78: {  	_ =	shalt  }
0x79: {  	_ =	shalt  }
0x7a: {  	_ =	shalt  }
0x7b: {  	_ =	shalt  }
0x7c: {  	_ =	shalt  }
0x7d: {  	_ =	shalt  }
0x7e: {  	_ =	shalt  }
0x7f: {  	_ =	shalt  }
0x80: {  	_ =	shalt  }
0x81: {  	_ =	shalt  }
0x82: {  	_ =	shalt  }
0x83: {  	_ =	shalt  }
0x84: {  	_ =	shalt  }
0x85: {  	_ =	shalt  }
0x86: {  	_ =	shalt  }
0x87: {  	_ =	shalt  }
.Lfunc_end0:
.L_simem_size_0:
called_computation_lowered:
.L_overlay_start_0:
0x88: {  	s2 =	sld [smem:$0x3FD9]  }
0x89: {  	s3 =	sld [smem:$0x3FFE];
	_ =	sdelay $0x1  }
0x8a: {  	s1 =	srdreg.scid  }
0x8b: {  	s0 =	sand.u32 $0x1, s1  }
0x8c: {  	s16 =	sshll.u32 s0, $0xA;
	s2 =	sadd.s32 s3, s2  }
0x8d: {  	s2 =	sadd.s32 s2, s16  }
0x8e: {  	[smem:$0x3FC2] =	sst s2  }
0x8f: {  	_ = 	snop  }
0x90: {  	(tm) =	ssettm $0x1  }
0x91: {  	s17 =	sld [smem:$0x3FFB];
	_ =	sdelay $0x3  }
0x92: {  	_ =	strace s17  }
0x93: {  	s2 =	sld [smem:$0x3FFC];
	_ =	sdelay $0x3  }
0x94: {  	_ =	strace s2  }
0x95: {  	s2 =	sld [smem:$0x3FFD];
	_ =	sdelay $0x3  }
0x96: {  	_ =	strace s2  }
0x97: {  	_ =	strace $0x8FFFFFFF  }
0x98: {  	s18 =	sld [smem:$0x3FDB];
	_ =	sdelay $0x1  }
0x99: {  	s19 =	simm.s32 $_scs_section_size  }
0x9a: {  	s4 =	simm.s32 $_size__tile_overlayer_lowered;
	s5 =	simm.s32 $_tile_overlayer_lowered  }
0x9b: {  	s22 =	simm.s32 $0x1BFF;
	s21 =	sshll.u32 s5, $0x1;
	s2 =	sadd.s32 s19, s18  }
0x9c: {  	s6 =	simm.s32 $0x0;
	s20 =	sshll.u32 s4, $0x1;
	s4 =	sadd.s32 s21, s2  }
0x9d: {  	[timem:s6], [sflag:s22] =	dma.local [hbm:s4], s20  }
0x9e: {  	_ =	swait.ge [sflag:s22], s20  }
0x9f: {  	s3 =	ssub.s32 $0x0, s20;
	[sflag:s22] =	ssyncset.done $0x0  }
0xa0: {  	[sflag:s22] =	ssyncadd.s32 s3;
	_ =	sdelay $0x1  }
0xa1: {  	s23 =	simm.s32 $0x1B8B  }
0xa2: {  	_ =	swait.ge [sflag:s23], $0x1  }
0xa3: {  	[sflag:s23] =	ssyncset.done $0x0  }
0xa4: {  	s25 =	simm.s32 $0x1B8E;
	s24 =	sld [smem:$0x3FFE];
	[sflag:s23] =	ssyncadd.s32 $0xFFFFFFFF  }
0xa5: {  	s26 =	simm.s32 $execute0_lowered;
	[smem:$0x3FD2] =	sst s25  }
0xa6: {  	s4 =	sshll.u32 s26, $0x1;
	_ =	strace $0x80000046;
	[dreg:$0x1] =	wrdreg $0xFFFFFFFF  }
0xa7: {  	s28 =	simm.s32 $_size_execute0_lowered;
	s2 =	sadd.s32 s2, s4;
	[dreg:$0x0] =	wrdreg $0x0  }
0xa8: {  	s4 =	sshll.u32 s28, $0x1;
	[dreg:$0x2] =	wrdreg s2  }
0xa9: {  	[dreg:$0x3] =	wrdreg s4  }
0xaa: {  	[dreg:$0x4] =	wrdreg $0xC0  }
0xab: {  	_ =	task [dreg:s6], $0x5FFFF  }
0xac: {  	[dreg:$0x1] =	wrdreg $0xFFFFFFFF  }
0xad: {  	[dreg:$0x0] =	wrdreg $0x60  }
0xae: {  	[dreg:$0x2] =	wrdreg s24  }
0xaf: {  	[dreg:$0x3] =	wrdreg $0x27900  }
0xb0: {  	[dreg:$0x4] =	wrdreg $0x9  }
0xb1: {  	_ =	task.clear_ibuf [dreg:s6], $0x5FFFF;
	_ =	strace $0x90000046  }
0xb2: {  	s29 =	simm.s32 $0x9;
	_ =	strace $0x80000048  }
0xb3: {  	_ =	swait.ge [sflag:s29], $0x1  }
0xb4: {  	[sflag:s29] =	ssyncadd.s32 $0xFFFFFFFF  }
0xb5: {  	_ =	strace $0x90000048  }
0xb6: {  	_ =	sfence  }
0xb7: {  	s30 =	sld [smem:$0x0];
	_ =	sdelay $0x2  }
0xb8: {  	s31 =	sshll.u32 s1, $0xD;
	s1 =	sshrl.u32 s1, $0x2  }
0xb9: {  	s3 =	sand.u32 $0x4000, s31;
	s1 =	sadd.s32 s1, s30  }
0xba: {  	s0 =	sor.u32 s3, s0;
	s1 =	sshll.u32 s1, $0x11  }
0xbb: {  	s0 =	sor.u32 s1, s0  }
0xbc: {  	s0 =	sadd.s32 $0x8F2B, s0  }
0xbd: {  	[sflag:s0] =	ssyncadd.remote.s32 $0x1  }
0xbe: {  	_ =	sfence.sel $0xFFFF  }
0xbf: {  	[dreg:$0x0] =	wrdreg $0xFFFFFFFF;
	(pc) =	sbr.abs _section_cstart, $3  }
0xc0: {  	[dreg:$0x1] =	wrdreg $0xFFFFFFFF  }
0xc1: {  	_ =	task.clear_ibuf [dreg:s6], $0x2FFFF;
	_ =	strace $0x9FFFFFFF  }
0xc2: {  	(tm) =	ssettm $0x7FFFFFFF  }
0xc3: {  	_ =	shalt  }
tec
execute0_lowered:
.L_overlay_start_1:
0x0: {  	(tag) =	ssettag $0x1  }
0x1: {  	s6 =	rddreg [dreg:$0x0]  }
0x2: {  	s2 =	rddreg [dreg:$0x1];
	s3 =	srdreg.scid  }
0x3: {  	s0 =	rddreg [dreg:$0x2];
	s1 =	stileid.u32  }
0x4: {  	s13 =	simm.s32 $0x80;
	s14 =	simm.s32 $0x1;
	s15 =	simm.s32 $0x10  }
0x5: {  	s16 =	simm.s32 $0x2700;
	s17 =	simm.s32 $0x0;
	s7 =	sand.u32 $0x1, s3  }
0x6: {  	s3 =	simm.s32 $0x0;
	s8 =	smul.u32 $0x280, s1;
	s5 =	sadd.s32 $0x16200, s6  }
0x7: {  	s31 =	sshll.u32 s1, $0x6;
	s4 =	sshll.u32 s7, $0x4;
	[smem:$0x7FF] =	sst s3  }
0x8: {  	s9 =	smul.u32 $0x2800, s7;
	s7 =	ssub.s32 $0x2, s7;
	s4 =	sor.u32 s1, s4  }
0x9: {  	_ =	strace $0x80000047;
	s11 =	sshrl.u32 s7, $0x1;
	s12 =	sadd.s32 s8, s2  }
0xa: {  	s10 =	smul.u32 $0x2710, s4;
	s4 =	sadd.s32 $0x16000, s6;
	s9 =	sadd.s32 s8, s9  }
0xb: {  	s30 =	ssub.s32 s7, s11;
	s11 =	sor.u32 $0x1C02, s31;
	s9 =	sshrl.u32 s9, $0x3  }
0xc: {  	s12 =	sshrl.u32 s12, $0x3;
	s10 =	sshrl.u32 s10, $0x3;
	s9 =	sadd.s32 s9, s6  }
0xd: {  	s8 =	smax.u32 s30, $0x1;
	s6 =	sadd.s32 s6, s10;
	s7 =	sadd.s32 $0x16400, s9  }
0xe: {  	s9 =	simm.s32 $0x2;
	s10 =	simm.s32 $0x2710;
	s6 =	sadd.s32 $0xC240, s6  }
.LBB2_1:
0xf: {  	[tilespmem:s3], [sflag:$0x2] =	stream.linear.gather [hbm4b:s6+s3], $0x2710, $0x38;
	[tilespmem:$0x2A10] =	vst v63  }
0x10: {  	_ =	swait.ge [sflag:s9], $0x2710  }
0x11: {  	[sflag:s9] =	ssyncset.done $0x0  }
0x12: {  	[sflag:s9] =	ssyncadd.s32 $0xFFFFD8F0  }
0x13: {  	[tilespmem:s10], [sflag:$0x2] =	stream.linear.gather [hbm4b:s4+s3], $0x80, $0x38;
	[tilespmem:$0x2A10] =	vst v63  }
0x14: {  	_ =	swait.ge [sflag:s9], $0x80  }
0x15: {  	[sflag:s9] =	ssyncset.done $0x0  }
0x16: {  	[sflag:s9] =	ssyncadd.s32 $0xFFFFFF80  }
0x17: {  	[spmem:s12], [sflag:s11] =	dma.local [hbm:s5], $0x50  }
0x18: {  	_ =	swait.ge [sflag:s9], $0x50  }
0x19: {  	[sflag:s9] =	ssyncset.done $0x0  }
0x1a: {  	[sflag:s9] =	ssyncadd.s32 $0xFFFFFFB0  }
0x1b: {  	s18 =	simm.s32 $0x0;
	[bflag:$0x0] =	sbarrier.arrive $0xFFFF  }
0x1c: {  	[spmem:s2] =	stream.indirect.scatter.add.f32 [tilespmem:s10], [sflag:$0x1], $0x1, s18, s13, $0xb8;
	[tilespmem:$0x2A10] =	vst v63  }
0x1d: {  	s19 =	simm.s32 $0x80  }
0x1e: {  	[spmem:s2] =	stream.indirect.scatter.add.f32 [tilespmem:s10], [sflag:$0x1], $0x1, s19, s13, $0xb8;
	[tilespmem:$0x2A10] =	vst v63  }
0x1f: {  	s20 =	simm.s32 $0x100  }
0x20: {  	[spmem:s2] =	stream.indirect.scatter.add.f32 [tilespmem:s10], [sflag:$0x1], $0x1, s20, s13, $0xb8;
	[tilespmem:$0x2A10] =	vst v63  }
0x21: {  	s21 =	simm.s32 $0x180  }
0x22: {  	[spmem:s2] =	stream.indirect.scatter.add.f32 [tilespmem:s10], [sflag:$0x1], $0x1, s21, s13, $0xb8;
	[tilespmem:$0x2A10] =	vst v63  }
0x23: {  	s22 =	simm.s32 $0x200  }
0x24: {  	[spmem:s2] =	stream.indirect.scatter.add.f32 [tilespmem:s10], [sflag:$0x1], $0x1, s22, s13, $0xb8;
	[tilespmem:$0x2A10] =	vst v63  }
0x25: {  	s23 =	simm.s32 $0x280  }
0x26: {  	[spmem:s2] =	stream.indirect.scatter.add.f32 [tilespmem:s10], [sflag:$0x1], $0x1, s23, s13, $0xb8;
	[tilespmem:$0x2A10] =	vst v63  }
0x27: {  	s24 =	simm.s32 $0x300  }
0x28: {  	[spmem:s2] =	stream.indirect.scatter.add.f32 [tilespmem:s10], [sflag:$0x1], $0x1, s24, s13, $0xb8;
	[tilespmem:$0x2A10] =	vst v63  }
0x29: {  	s25 =	simm.s32 $0x380  }
0x2a: {  	[spmem:s2] =	stream.indirect.scatter.add.f32 [tilespmem:s10], [sflag:$0x1], $0x1, s25, s13, $0xb8;
	[tilespmem:$0x2A10] =	vst v63  }
0x2b: {  	s26 =	simm.s32 $0x400  }
0x2c: {  	[spmem:s2] =	stream.indirect.scatter.add.f32 [tilespmem:s10], [sflag:$0x1], $0x1, s26, s13, $0xb8;
	[tilespmem:$0x2A10] =	vst v63  }
0x2d: {  	s28 =	simm.s32 $0x480  }
0x2e: {  	[spmem:s2] =	stream.indirect.scatter.add.f32 [tilespmem:s10], [sflag:$0x1], $0x1, s28, s13, $0xb8;
	[tilespmem:$0x2A10] =	vst v63  }
0x2f: {  	s29 =	simm.s32 $0x500  }
0x30: {  	[spmem:s2] =	stream.indirect.scatter.add.f32 [tilespmem:s10], [sflag:$0x1], $0x1, s29, s13, $0xb8;
	[tilespmem:$0x2A10] =	vst v63  }
0x31: {  	s30 =	simm.s32 $0x580  }
0x32: {  	[spmem:s2] =	stream.indirect.scatter.add.f32 [tilespmem:s10], [sflag:$0x1], $0x1, s30, s13, $0xb8;
	[tilespmem:$0x2A10] =	vst v63  }
0x33: {  	s31 =	simm.s32 $0x600  }
0x34: {  	[spmem:s2] =	stream.indirect.scatter.add.f32 [tilespmem:s10], [sflag:$0x1], $0x1, s31, s13, $0xb8;
	[tilespmem:$0x2A10] =	vst v63  }
0x35: {  	_ =	swait.ge [sflag:s14], $0x80  }
0x36: {  	[sflag:s14] =	ssyncset.done $0x0  }
0x37: {  	[sflag:s14] =	ssyncadd.s32 $0xFFFFFF80  }
0x38: {  	_ =	swait.ge [sflag:s14], $0x80  }
0x39: {  	[sflag:s14] =	ssyncset.done $0x0  }
0x3a: {  	[sflag:s14] =	ssyncadd.s32 $0xFFFFFF80  }
0x3b: {  	_ =	swait.ge [sflag:s14], $0x80  }
0x3c: {  	[sflag:s14] =	ssyncset.done $0x0  }
0x3d: {  	[sflag:s14] =	ssyncadd.s32 $0xFFFFFF80  }
0x3e: {  	_ =	swait.ge [sflag:s14], $0x80  }
0x3f: {  	[sflag:s14] =	ssyncset.done $0x0  }
0x40: {  	[sflag:s14] =	ssyncadd.s32 $0xFFFFFF80  }
0x41: {  	_ =	swait.ge [sflag:s14], $0x80  }
0x42: {  	[sflag:s14] =	ssyncset.done $0x0  }
0x43: {  	[sflag:s14] =	ssyncadd.s32 $0xFFFFFF80  }
0x44: {  	_ =	swait.ge [sflag:s14], $0x80  }
0x45: {  	[sflag:s14] =	ssyncset.done $0x0  }
0x46: {  	[sflag:s14] =	ssyncadd.s32 $0xFFFFFF80  }
0x47: {  	_ =	swait.ge [sflag:s14], $0x80  }
0x48: {  	[sflag:s14] =	ssyncset.done $0x0  }
0x49: {  	[sflag:s14] =	ssyncadd.s32 $0xFFFFFF80  }
0x4a: {  	_ =	swait.ge [sflag:s14], $0x80  }
0x4b: {  	[sflag:s14] =	ssyncset.done $0x0  }
0x4c: {  	[sflag:s14] =	ssyncadd.s32 $0xFFFFFF80  }
0x4d: {  	_ =	swait.ge [sflag:s14], $0x80  }
0x4e: {  	[sflag:s14] =	ssyncset.done $0x0  }
0x4f: {  	[sflag:s14] =	ssyncadd.s32 $0xFFFFFF80  }
0x50: {  	_ =	swait.ge [sflag:s14], $0x80  }
0x51: {  	[sflag:s14] =	ssyncset.done $0x0  }
0x52: {  	[sflag:s14] =	ssyncadd.s32 $0xFFFFFF80  }
0x53: {  	_ =	swait.ge [sflag:s14], $0x80  }
0x54: {  	[sflag:s14] =	ssyncset.done $0x0  }
0x55: {  	[sflag:s14] =	ssyncadd.s32 $0xFFFFFF80  }
0x56: {  	_ =	swait.ge [sflag:s14], $0x80  }
0x57: {  	[sflag:s14] =	ssyncset.done $0x0  }
0x58: {  	[sflag:s14] =	ssyncadd.s32 $0xFFFFFF80  }
0x59: {  	_ =	swait.ge [sflag:s14], $0x80  }
0x5a: {  	s18 =	simm.s32 $0x1A00;
	s20 =	simm.s32 $0x3400;
	[sflag:s14] =	ssyncset.done $0x0  }
.LBB2_2:
0x5b: {  	s21 =	sshra.s32 s18, $0x2  }
0x5c: {  	[sflag:s14] =	ssyncadd.s32 $0xFFFFFF80;
	s18 =	smov.u32 s20;
	s19 =	sadd.s32 $0x1A00, s20  }
0x5d: {  	[spmem:s2] =	stream.indirect.scatter.add.f32 [tilespmem:s10], [sflag:$0x1], $0x1, s21, s13, $0xb8;
	[tilespmem:$0x2A10] =	vst v63  }
0x5e: {  	p0 =	sne.s32 s20, $0x8200;
	s20 =	sadd.s32 $0x80, s21  }
0x5f: {  	[spmem:s2] =	stream.indirect.scatter.add.f32 [tilespmem:s10], [sflag:$0x1], $0x1, s20, s13, $0xb8;
	[tilespmem:$0x2A10] =	vst v63  }
0x60: {  	s20 =	sadd.s32 $0x100, s21  }
0x61: {  	[spmem:s2] =	stream.indirect.scatter.add.f32 [tilespmem:s10], [sflag:$0x1], $0x1, s20, s13, $0xb8;
	[tilespmem:$0x2A10] =	vst v63  }
0x62: {  	s20 =	sadd.s32 $0x180, s21  }
0x63: {  	[spmem:s2] =	stream.indirect.scatter.add.f32 [tilespmem:s10], [sflag:$0x1], $0x1, s20, s13, $0xb8;
	[tilespmem:$0x2A10] =	vst v63  }
0x64: {  	s20 =	sadd.s32 $0x200, s21  }
0x65: {  	[spmem:s2] =	stream.indirect.scatter.add.f32 [tilespmem:s10], [sflag:$0x1], $0x1, s20, s13, $0xb8;
	[tilespmem:$0x2A10] =	vst v63  }
0x66: {  	s20 =	sadd.s32 $0x280, s21  }
0x67: {  	[spmem:s2] =	stream.indirect.scatter.add.f32 [tilespmem:s10], [sflag:$0x1], $0x1, s20, s13, $0xb8;
	[tilespmem:$0x2A10] =	vst v63  }
0x68: {  	s20 =	sadd.s32 $0x300, s21  }
0x69: {  	[spmem:s2] =	stream.indirect.scatter.add.f32 [tilespmem:s10], [sflag:$0x1], $0x1, s20, s13, $0xb8;
	[tilespmem:$0x2A10] =	vst v63  }
0x6a: {  	s20 =	sadd.s32 $0x380, s21  }
0x6b: {  	[spmem:s2] =	stream.indirect.scatter.add.f32 [tilespmem:s10], [sflag:$0x1], $0x1, s20, s13, $0xb8;
	[tilespmem:$0x2A10] =	vst v63  }
0x6c: {  	s20 =	sadd.s32 $0x400, s21  }
0x6d: {  	[spmem:s2] =	stream.indirect.scatter.add.f32 [tilespmem:s10], [sflag:$0x1], $0x1, s20, s13, $0xb8;
	[tilespmem:$0x2A10] =	vst v63  }
0x6e: {  	s20 =	sadd.s32 $0x480, s21  }
0x6f: {  	[spmem:s2] =	stream.indirect.scatter.add.f32 [tilespmem:s10], [sflag:$0x1], $0x1, s20, s13, $0xb8;
	[tilespmem:$0x2A10] =	vst v63  }
0x70: {  	s20 =	sadd.s32 $0x500, s21  }
0x71: {  	[spmem:s2] =	stream.indirect.scatter.add.f32 [tilespmem:s10], [sflag:$0x1], $0x1, s20, s13, $0xb8;
	[tilespmem:$0x2A10] =	vst v63  }
0x72: {  	s20 =	sadd.s32 $0x580, s21  }
0x73: {  	[spmem:s2] =	stream.indirect.scatter.add.f32 [tilespmem:s10], [sflag:$0x1], $0x1, s20, s13, $0xb8;
	[tilespmem:$0x2A10] =	vst v63  }
0x74: {  	s20 =	sadd.s32 $0x600, s21  }
0x75: {  	[spmem:s2] =	stream.indirect.scatter.add.f32 [tilespmem:s10], [sflag:$0x1], $0x1, s20, s13, $0xb8;
	[tilespmem:$0x2A10] =	vst v63  }
0x76: {  	_ =	swait.ge [sflag:s14], $0x80  }
0x77: {  	[sflag:s14] =	ssyncset.done $0x0  }
0x78: {  	[sflag:s14] =	ssyncadd.s32 $0xFFFFFF80  }
0x79: {  	_ =	swait.ge [sflag:s14], $0x80  }
0x7a: {  	[sflag:s14] =	ssyncset.done $0x0  }
0x7b: {  	[sflag:s14] =	ssyncadd.s32 $0xFFFFFF80  }
0x7c: {  	_ =	swait.ge [sflag:s14], $0x80  }
0x7d: {  	[sflag:s14] =	ssyncset.done $0x0  }
0x7e: {  	[sflag:s14] =	ssyncadd.s32 $0xFFFFFF80  }
0x7f: {  	_ =	swait.ge [sflag:s14], $0x80  }
0x80: {  	[sflag:s14] =	ssyncset.done $0x0  }
0x81: {  	[sflag:s14] =	ssyncadd.s32 $0xFFFFFF80  }
0x82: {  	_ =	swait.ge [sflag:s14], $0x80  }
0x83: {  	[sflag:s14] =	ssyncset.done $0x0  }
0x84: {  	[sflag:s14] =	ssyncadd.s32 $0xFFFFFF80  }
0x85: {  	_ =	swait.ge [sflag:s14], $0x80  }
0x86: {  	[sflag:s14] =	ssyncset.done $0x0  }
0x87: {  	[sflag:s14] =	ssyncadd.s32 $0xFFFFFF80  }
0x88: {  	_ =	swait.ge [sflag:s14], $0x80  }
0x89: {  	[sflag:s14] =	ssyncset.done $0x0  }
0x8a: {  	[sflag:s14] =	ssyncadd.s32 $0xFFFFFF80  }
0x8b: {  	_ =	swait.ge [sflag:s14], $0x80  }
0x8c: {  	[sflag:s14] =	ssyncset.done $0x0  }
0x8d: {  	[sflag:s14] =	ssyncadd.s32 $0xFFFFFF80  }
0x8e: {  	_ =	swait.ge [sflag:s14], $0x80  }
0x8f: {  	[sflag:s14] =	ssyncset.done $0x0  }
0x90: {  	[sflag:s14] =	ssyncadd.s32 $0xFFFFFF80  }
0x91: {  	_ =	swait.ge [sflag:s14], $0x80  }
0x92: {  	[sflag:s14] =	ssyncset.done $0x0  }
0x93: {  	[sflag:s14] =	ssyncadd.s32 $0xFFFFFF80  }
0x94: {  	_ =	swait.ge [sflag:s14], $0x80  }
0x95: {  	[sflag:s14] =	ssyncset.done $0x0  }
0x96: {  	[sflag:s14] =	ssyncadd.s32 $0xFFFFFF80  }
.Ltmp0:
0x97: {  	_ =	swait.ge [sflag:s14], $0x80;
	(pc) =	sbr.rel @p0 .LBB2_2-.Ltmp0, $4  }
0x98: {  	[sflag:s14] =	ssyncset.done $0x0  }
0x99: {  	[sflag:s14] =	ssyncadd.s32 $0xFFFFFF80  }
0x9a: {  	_ =	swait.ge [sflag:s14], $0x80  }
0x9b: {  	s20 =	smov.u32 s19;
	[sflag:s14] =	ssyncset.done $0x0  }
0x9c: {  	s18 =	sshra.s32 s18, $0x2;
	[sflag:s14] =	ssyncadd.s32 $0xFFFFFF80  }
0x9d: {  	[spmem:s2] =	stream.indirect.scatter.add.f32 [tilespmem:s10], [sflag:$0x1], $0x1, s18, s13, $0xb8;
	[tilespmem:$0x2A10] =	vst v63  }
0x9e: {  	s19 =	sadd.s32 $0x80, s18  }
0x9f: {  	[spmem:s2] =	stream.indirect.scatter.add.f32 [tilespmem:s10], [sflag:$0x1], $0x1, s19, s13, $0xb8;
	[tilespmem:$0x2A10] =	vst v63  }
0xa0: {  	s21 =	sadd.s32 $0x100, s18  }
0xa1: {  	[spmem:s2] =	stream.indirect.scatter.add.f32 [tilespmem:s10], [sflag:$0x1], $0x1, s21, s13, $0xb8;
	[tilespmem:$0x2A10] =	vst v63  }
0xa2: {  	s22 =	sadd.s32 $0x180, s18  }
0xa3: {  	[spmem:s2] =	stream.indirect.scatter.add.f32 [tilespmem:s10], [sflag:$0x1], $0x1, s22, s13, $0xb8;
	[tilespmem:$0x2A10] =	vst v63  }
0xa4: {  	s23 =	sadd.s32 $0x200, s18  }
0xa5: {  	[spmem:s2] =	stream.indirect.scatter.add.f32 [tilespmem:s10], [sflag:$0x1], $0x1, s23, s13, $0xb8;
	[tilespmem:$0x2A10] =	vst v63  }
0xa6: {  	s24 =	sadd.s32 $0x280, s18  }
0xa7: {  	[spmem:s2] =	stream.indirect.scatter.add.f32 [tilespmem:s10], [sflag:$0x1], $0x1, s24, s13, $0xb8;
	[tilespmem:$0x2A10] =	vst v63  }
0xa8: {  	s25 =	sadd.s32 $0x300, s18  }
0xa9: {  	[spmem:s2] =	stream.indirect.scatter.add.f32 [tilespmem:s10], [sflag:$0x1], $0x1, s25, s13, $0xb8;
	[tilespmem:$0x2A10] =	vst v63  }
0xaa: {  	s26 =	sadd.s32 $0x380, s18  }
0xab: {  	[spmem:s2] =	stream.indirect.scatter.add.f32 [tilespmem:s10], [sflag:$0x1], $0x1, s26, s13, $0xb8;
	[tilespmem:$0x2A10] =	vst v63  }
0xac: {  	s28 =	sadd.s32 $0x400, s18  }
0xad: {  	[spmem:s2] =	stream.indirect.scatter.add.f32 [tilespmem:s10], [sflag:$0x1], $0x1, s28, s13, $0xb8;
	[tilespmem:$0x2A10] =	vst v63  }
0xae: {  	s29 =	sadd.s32 $0x480, s18  }
0xaf: {  	[spmem:s2] =	stream.indirect.scatter.add.f32 [tilespmem:s10], [sflag:$0x1], $0x1, s29, s13, $0xb8;
	[tilespmem:$0x2A10] =	vst v63  }
0xb0: {  	s30 =	sadd.s32 $0x500, s18  }
0xb1: {  	[spmem:s2] =	stream.indirect.scatter.add.f32 [tilespmem:s10], [sflag:$0x1], $0x1, s30, s13, $0xb8;
	[tilespmem:$0x2A10] =	vst v63  }
0xb2: {  	s31 =	sadd.s32 $0x580, s18  }
0xb3: {  	[spmem:s2] =	stream.indirect.scatter.add.f32 [tilespmem:s10], [sflag:$0x1], $0x1, s31, s13, $0xb8;
	[tilespmem:$0x2A10] =	vst v63  }
0xb4: {  	s18 =	sadd.s32 $0x600, s18  }
0xb5: {  	[spmem:s2] =	stream.indirect.scatter.add.f32 [tilespmem:s10], [sflag:$0x1], $0x1, s18, s13, $0xb8;
	[tilespmem:$0x2A10] =	vst v63  }
0xb6: {  	_ =	swait.ge [sflag:s14], $0x80  }
0xb7: {  	[sflag:s14] =	ssyncset.done $0x0  }
0xb8: {  	[sflag:s14] =	ssyncadd.s32 $0xFFFFFF80  }
0xb9: {  	_ =	swait.ge [sflag:s14], $0x80  }
0xba: {  	[sflag:s14] =	ssyncset.done $0x0  }
0xbb: {  	[sflag:s14] =	ssyncadd.s32 $0xFFFFFF80  }
0xbc: {  	_ =	swait.ge [sflag:s14], $0x80  }
0xbd: {  	[sflag:s14] =	ssyncset.done $0x0  }
0xbe: {  	[sflag:s14] =	ssyncadd.s32 $0xFFFFFF80  }
0xbf: {  	_ =	swait.ge [sflag:s14], $0x80  }
0xc0: {  	[sflag:s14] =	ssyncset.done $0x0  }
0xc1: {  	[sflag:s14] =	ssyncadd.s32 $0xFFFFFF80  }
0xc2: {  	_ =	swait.ge [sflag:s14], $0x80  }
0xc3: {  	[sflag:s14] =	ssyncset.done $0x0  }
0xc4: {  	[sflag:s14] =	ssyncadd.s32 $0xFFFFFF80  }
0xc5: {  	_ =	swait.ge [sflag:s14], $0x80  }
0xc6: {  	[sflag:s14] =	ssyncset.done $0x0  }
0xc7: {  	[sflag:s14] =	ssyncadd.s32 $0xFFFFFF80  }
0xc8: {  	_ =	swait.ge [sflag:s14], $0x80  }
0xc9: {  	[sflag:s14] =	ssyncset.done $0x0  }
0xca: {  	[sflag:s14] =	ssyncadd.s32 $0xFFFFFF80  }
0xcb: {  	_ =	swait.ge [sflag:s14], $0x80  }
0xcc: {  	[sflag:s14] =	ssyncset.done $0x0  }
0xcd: {  	[sflag:s14] =	ssyncadd.s32 $0xFFFFFF80  }
0xce: {  	_ =	swait.ge [sflag:s14], $0x80  }
0xcf: {  	[sflag:s14] =	ssyncset.done $0x0  }
0xd0: {  	[sflag:s14] =	ssyncadd.s32 $0xFFFFFF80  }
0xd1: {  	_ =	swait.ge [sflag:s14], $0x80  }
0xd2: {  	[sflag:s14] =	ssyncset.done $0x0  }
0xd3: {  	[sflag:s14] =	ssyncadd.s32 $0xFFFFFF80  }
0xd4: {  	_ =	swait.ge [sflag:s14], $0x80  }
0xd5: {  	[sflag:s14] =	ssyncset.done $0x0  }
0xd6: {  	[sflag:s14] =	ssyncadd.s32 $0xFFFFFF80  }
0xd7: {  	_ =	swait.ge [sflag:s14], $0x80  }
0xd8: {  	[sflag:s14] =	ssyncset.done $0x0  }
0xd9: {  	[sflag:s14] =	ssyncadd.s32 $0xFFFFFF80  }
0xda: {  	_ =	swait.ge [sflag:s14], $0x80  }
0xdb: {  	[sflag:s14] =	ssyncset.done $0x0  }
0xdc: {  	[sflag:s14] =	ssyncadd.s32 $0xFFFFFF80  }
0xdd: {  	[spmem:s2] =	stream.indirect.scatter.add.f32 [tilespmem:s10], [sflag:$0x1], $0x1, s16, s15, $0xb8;
	[tilespmem:$0x2A10] =	vst v63  }
0xde: {  	_ =	swait.ge [sflag:s14], $0x10  }
0xdf: {  	s17 =	sadd.s32 $0x1, s17;
	[sflag:s14] =	ssyncset.done $0x0  }
0xe0: {  	p0 =	sne.s32 s17, s8;
	[sflag:s14] =	ssyncadd.s32 $0xFFFFFFF0  }
.Ltmp1:
0xe1: {  	[bflag:$0x0] =	sbarrier.arrive $0xFFFF;
	(pc) =	sbr.rel @p0 .LBB2_1-.Ltmp1, $4  }
0xe2: {  	[hbm:s7], [sflag:s11] =	dma.local [spmem:s12], $0x50  }
0xe3: {  	_ =	swait.ge [sflag:s9], $0x50  }
0xe4: {  	[sflag:s9] =	ssyncset.done $0x0  }
0xe5: {  	[sflag:s9] =	ssyncadd.s32 $0xFFFFFFB0  }
0xe6: {  	_ =	sfence.sel $0x180000  }
0xe7: {  	[bflag:$0x0] =	sbarrier.arrive $0xFFFF  }
0xe8: {  	p0 =	sne.s32 s1, $0x0;
	_ =	strace $0x90000047  }
0xe9: {  	s0 =	sadd.s32 @!p0 $0x100000, s0;
	[bflag:$0x2] =	sbarrier.arrive $0xFFFF  }
0xea: {  	[sflag:s0] =	ssyncadd.tile.s32 @!p0 $0x1;
	_ =	shalt  }
.Lfunc_end2:
_tile_overlayer_lowered:
.L_overlay_start_2:
0xeb: {  	(tag) =	ssettag $0x2  }
0xec: {  	s0 =	rddreg [dreg:$0x0];
	s2 =	stileid.u32  }
0xed: {  	s1 =	rddreg [dreg:$0x1];
	p0 =	sne.s32 s2, $0x0  }
0xee: {  	s3 =	rddreg [dreg:$0x2];
	[bflag:$0x3] =	sbarrier.arrive $0xFFFF;
	s2 =	simm.s32 @!p0 $0x1C02  }
0xef: {  	[timem:s3], [sflag:s2] =	dma.local @!p0 [hbm:s0], s1  }
0xf0: {  	s0 =	simm.s32 @!p0 $0x2  }
0xf1: {  	_ =	swait.ge @!p0 [sflag:s0], s1  }
0xf2: {  	s1 =	ssub.s32 @!p0 $0x0, s1;
	[sflag:s0] =	ssyncset.done @!p0 $0x0  }
0xf3: {  	[sflag:s0] =	ssyncadd.s32 @!p0 s1  }
0xf4: {  	[bflag:$0x3] =	sbarrier.arrive $0xFFFF  }
0xf5: {  	_ =	shalt  }

</sc_bundles>
